<compile_context>
chip_gen: v7x
topology: tpu7x:2x2x1
jax: 0.10.2.dev20260603
libtpu: 0.0.44.dev20260713+nightly
codegen_flags: <defaults>
</compile_context>

<pallas_src>
import functools

import jax
import jax.numpy as jnp
from jax import lax
from jax.experimental import pallas as pl
from jax.experimental.pallas import tpu as pltpu
from jax.experimental.pallas import tpu_sc as plsc

NU = 100000
NI = 100000
D = 32
E = 1600000

NC = 2
NS = 16
L = 16
NW = NC * NS
EG = E // 128

CA = 256
ANIDX = CA // 128
ANCHUNK = E // CA
ANITER = (ANCHUNK - 1) // NW + 1

CB = 512
BNIDX = CB // 128
BNCHUNK = E // CB
BNITER = (BNCHUNK - 1) // NW + 1

HREGB = 100000
ZSTRIPE = HREGB // NS
ZROWS = 50
CBLK = 4000
WB = 40

_mesh = plsc.VectorSubcoreMesh(
    core_axis_name="c", subcore_axis_name="s", num_cores=NC, num_subcores=NS
)
_params = pltpu.CompilerParams(
    needs_layout_passes=False, use_tc_tiling_on_sc=False
)


def _iota16():
    return lax.iota(jnp.int32, L)


@functools.partial(
    pl.kernel,
    out_type=jax.ShapeDtypeStruct((NC * HREGB, D), jnp.bfloat16),
    mesh=_mesh,
    compiler_params=_params,
    scratch_types=[
        pltpu.VMEM_SHARED((HREGB, D), jnp.bfloat16),
        pltpu.VMEM((CA, D), jnp.bfloat16),
        pltpu.VMEM((CA, D), jnp.bfloat16),
        pltpu.VMEM((CA, D), jnp.bfloat16),
        pltpu.VMEM((CA, D), jnp.bfloat16),
        pltpu.VMEM((3 * CA,), jnp.int32),
        pltpu.VMEM((3 * CA,), jnp.int32),
        pltpu.VMEM((ANIDX, 128), jnp.int32),
        pltpu.VMEM((ANIDX, 128), jnp.int32),
        pltpu.VMEM((ZROWS, D), jnp.bfloat16),
        pltpu.SemaphoreType.DMA,
        pltpu.SemaphoreType.DMA,
        pltpu.SemaphoreType.DMA,
        pltpu.SemaphoreType.DMA,
        pltpu.SemaphoreType.DMA,
        pltpu.SemaphoreType.DMA,
    ],
)
def _phase_a(pk3, v_hbm, part_out,
             shared, rows0, rows1, br0, br1, pk0, pkb1,
             si0, si1, zbuf, sg0, sg1, ss0, ss1, sp0, sp1):
    c = lax.axis_index("c")
    s = lax.axis_index("s")
    rowsv = (rows0, rows1)
    brows = (br0, br1)
    pkv = (pk0, pkb1)
    sidxv = (si0, si1)
    semg = (sg0, sg1)
    sems = (ss0, ss1)
    sempk = (sp0, sp1)

    def cid_of(k):
        return c + 2 * s + NW * k

    def front_pk(k, b):
        cid = cid_of(k)

        @pl.when(cid < ANCHUNK)
        def _():
            b768 = pl.multiple_of(cid * 3 * CA, 8)
            pltpu.async_copy(pk3.at[pl.ds(b768, 3 * CA)], pkv[b], sempk[b])

    def front(k, b):
        cid = cid_of(k)

        @pl.when(cid < ANCHUNK)
        def _():
            b768 = pl.multiple_of(cid * 3 * CA, 8)
            pltpu.make_async_copy(
                pk3.at[pl.ds(b768, 3 * CA)], pkv[b], sempk[b]
            ).wait()
            for j in range(ANIDX):
                pltpu.async_copy(
                    v_hbm.at[pkv[b].at[pl.ds(j * 384, 128)]],
                    rowsv[b].at[pl.ds(j * 128, 128)],
                    semg[b],
                )

    def wait_gathers(b):
        for j in range(ANIDX):
            pltpu.make_async_copy(
                v_hbm.at[pkv[b].at[pl.ds(j * 384, 128)]],
                rowsv[b].at[pl.ds(j * 128, 128)],
                semg[b],
            ).wait()

    def wait_scatters(b):
        for j in range(ANIDX):
            pltpu.make_async_copy(
                brows[b].at[pl.ds(j * 128, 128)],
                shared.at[sidxv[b].at[j]],
                sems[b],
            ).wait()

    front_pk(0, 0)
    front_pk(1, 1)

    def zfill(i, _):
        zbuf[i, :] = jnp.zeros((2 * L,), jnp.bfloat16)
        return 0

    lax.fori_loop(0, ZROWS, zfill, 0)
    z0 = s * ZSTRIPE

    def zcopy(i, _):
        pltpu.async_copy(
            zbuf, shared.at[pl.ds(z0 + i * ZROWS, ZROWS)], ss0
        )
        return 0

    lax.fori_loop(0, ZSTRIPE // ZROWS, zcopy, 0)

    def zwait(i, _):
        pltpu.make_async_copy(
            zbuf, shared.at[pl.ds(z0, ZROWS)], ss0
        ).wait()
        return 0

    lax.fori_loop(0, ZSTRIPE // ZROWS, zwait, 0)
    front(0, 0)
    plsc.subcore_barrier()

    def round_body(m, _):
        for b in (0, 1):
            k = 2 * m + b
            cid = cid_of(k)

            @pl.when(cid < ANCHUNK)
            def _():
                wait_gathers(b)
                front(k + 1, 1 - b)

                @pl.when(k >= 2)
                def _():
                    wait_scatters(b)

                for t in range(CA // L):
                    j, tt = t // 8, t % 8
                    sidxv[b][j, pl.ds(tt * L, L)] = (
                        pkv[b][pl.ds(j * 384 + 128 + tt * L, L)]
                    )

                def fuse_body(eo, _):
                    for ei in range(4):
                        e = eo * 4 + ei
                        roff = (e >> 7) * 384 + 256 + (e & 127)
                        sr = roff + jnp.zeros((L,), jnp.int32)
                        rf = plsc.bitcast(
                            plsc.load_gather(pkv[b], [sr]), jnp.float32
                        )
                        rp = plsc.pack(
                            rf, rf, format=plsc.PackFormat.INTERLEAVED
                        )
                        brows[b][e, :] = rowsv[b][e, :] * rp
                    return 0

                lax.fori_loop(0, CA // 4, fuse_body, 0)

                for j in range(ANIDX):
                    pltpu.async_copy(
                        brows[b].at[pl.ds(j * 128, 128)],
                        shared.at[sidxv[b].at[j]],
                        sems[b],
                        add=True,
                    )
                front_pk(k + 2, b)
        return 0

    lax.fori_loop(0, ANITER // 2, round_body, 0)
    for b in (0, 1):
        wait_scatters(b)

    plsc.subcore_barrier()

    pltpu.sync_copy(
        shared.at[pl.ds(z0, ZSTRIPE)],
        part_out.at[pl.ds(c * HREGB + z0, ZSTRIPE)],
    )


@functools.partial(
    pl.pallas_call,
    out_shape=jax.ShapeDtypeStruct((NI, D), jnp.float32),
    grid=(NI // CBLK,),
    in_specs=[
        pl.BlockSpec((CBLK, D), lambda i: (i, 0)),
        pl.BlockSpec((CBLK, D), lambda i: (i + HREGB // CBLK, 0)),
        pl.BlockSpec((1, D), lambda i: (0, 0)),
    ],
    out_specs=pl.BlockSpec((CBLK, D), lambda i: (i, 0)),
)
def _combine(p0, p1, mu, h_out):
    x = p0[...].astype(jnp.float32) + p1[...].astype(jnp.float32) + mu[...]
    h_out[...] = 1.0 / (1.0 + jnp.exp(-x))


@functools.partial(
    pl.kernel,
    out_type=jax.ShapeDtypeStruct((E,), jnp.float32),
    mesh=_mesh,
    compiler_params=_params,
    scratch_types=[
        pltpu.VMEM((CB, D), jnp.float32),
        pltpu.VMEM((CB, D), jnp.float32),
        pltpu.VMEM((CB, WB), jnp.float32),
        pltpu.VMEM((CB, WB), jnp.float32),
        pltpu.VMEM((3 * CB,), jnp.int32),
        pltpu.VMEM((3 * CB,), jnp.int32),
        pltpu.VMEM((CB,), jnp.float32),
        pltpu.SemaphoreType.DMA,
        pltpu.SemaphoreType.DMA,
    ],
)
def _phase_b(pk3, h_hbm, wb_hbm, out1,
             h0, h1, w0, w1, pk0, pkb1, outv, sg0, sg1):
    c = lax.axis_index("c")
    s = lax.axis_index("s")
    wid = s * NC + c
    hrows = (h0, h1)
    wrows = (w0, w1)
    pkv = (pk0, pkb1)
    semg = (sg0, sg1)

    def cid_of(k):
        return wid + NW * k

    def front(k, b):
        cid = cid_of(k)

        @pl.when(cid < BNCHUNK)
        def _():
            bo = pl.multiple_of(cid * 3 * CB, 8)
            pltpu.sync_copy(pk3.at[pl.ds(bo, 3 * CB)], pkv[b])
            for j in range(BNIDX):
                pltpu.async_copy(
                    h_hbm.at[pkv[b].at[pl.ds(j * 384 + 128, 128)]],
                    hrows[b].at[pl.ds(j * 128, 128)],
                    semg[b],
                )
                pltpu.async_copy(
                    wb_hbm.at[pkv[b].at[pl.ds(j * 384, 128)]],
                    wrows[b].at[pl.ds(j * 128, 128)],
                    semg[b],
                )

    def wait_gathers(b):
        pltpu.make_async_copy(
            h_hbm.at[pl.ds(0, CB)], hrows[b], semg[b]
        ).wait()
        pltpu.make_async_copy(
            wb_hbm.at[pl.ds(0, CB)], wrows[b], semg[b]
        ).wait()

    front(0, 0)

    def round_body(m, _):
        for b in (0, 1):
            k = 2 * m + b
            cid = cid_of(k)

            @pl.when(cid < BNCHUNK)
            def _():
                wait_gathers(b)
                front(k + 1, 1 - b)

                def dot_body(g, _):
                    idx_e = g * L + _iota16()
                    fb = jnp.full((L,), D, jnp.int32)
                    acc = plsc.load_gather(wrows[b], [idx_e, fb])
                    for d in range(D):
                        fd = jnp.full((L,), d, jnp.int32)
                        hc = plsc.load_gather(hrows[b], [idx_e, fd])
                        wc = plsc.load_gather(wrows[b], [idx_e, fd])
                        acc = acc + hc * wc
                    outv[pl.ds(g * L, L)] = acc
                    return 0

                lax.fori_loop(0, CB // L, dot_body, 0)
                base = pl.multiple_of(cid * CB, 8)
                pltpu.sync_copy(outv, out1.at[pl.ds(base, CB)])
        return 0

    lax.fori_loop(0, BNITER // 2, round_body, 0)


def kernel(uid_in, iid_in, r_in, v, mu, w, b):
    uid1 = uid_in.astype(jnp.int32)
    iid1 = iid_in.astype(jnp.int32)
    pk3 = jnp.stack(
        [
            uid1.reshape(EG, 128),
            iid1.reshape(EG, 128),
            lax.bitcast_convert_type(r_in, jnp.int32).reshape(EG, 128),
        ],
        axis=1,
    ).reshape(3 * E)
    parts = _phase_a(pk3, v.astype(jnp.bfloat16))
    h = _combine(parts, parts, mu)
    wb = jnp.concatenate(
        [
            w,
            b[:, None],
            jnp.zeros((NU, WB - D - 1), jnp.float32),
        ],
        axis=1,
    )
    return _phase_b(pk3, h, wb)

# --- scband reference (transcript-rebuilt; emitter-appended) ---
"""Pipeline reference for scband-iauto-rec-43130061586863 (READ-ONLY COPY).

The authoritative reference and input builder live on the scoring server;
editing this copy changes nothing except your own understanding.
"""

import jax, jax.numpy as jnp
import numpy as np

N_USERS = 100000
N_ITEMS = 100000
D = 32
E = 1600000


def setup_inputs(seed: int = 0) -> dict:
    key = jax.random.key(seed)
    ks = jax.random.split(key, 6)
    uid_in = jax.random.randint(ks[0], (E,), 0, N_USERS)
    iid_in = jax.random.randint(ks[1], (E,), 0, N_ITEMS)
    r_in = jax.random.uniform(ks[2], (E,), dtype=jnp.float32)
    # learned parameters (AutoRec with n = n_users, d = D)
    v = 0.001 * jax.random.normal(ks[3], (N_USERS, D), dtype=jnp.float32)
    mu = jnp.zeros((1, D), dtype=jnp.float32)
    w = 0.001 * jax.random.normal(ks[4], (N_USERS, D), dtype=jnp.float32)
    b = jnp.zeros((N_USERS,), dtype=jnp.float32)
    return {"uid_in": uid_in, "iid_in": iid_in, "r_in": r_in, "v": v, "mu": mu, "w": w, "b": b}


def reference(uid_in, iid_in, r_in, v, mu, w, b):
    # spmm([iid_in, uid_in], r_in, n_items, v):
    #   h_pre[item] = sum_{k: iid_in[k]==item} r_in[k] * v[uid_in[k]]
    msgs = r_in[:, None] * jnp.take(v, uid_in, axis=0)
    h_pre = jax.ops.segment_sum(msgs, iid_in, num_segments=N_ITEMS)
    # g = sigmoid
    h = jax.nn.sigmoid(h_pre + mu)
    # uid_out = uid_in, iid_out = iid_in (defaults), s = None, f = identity
    out = jnp.sum(jnp.take(h, iid_in, axis=0) * jnp.take(w, uid_in, axis=0), axis=1) + jnp.take(b, uid_in)
    return out

if __name__ == "__main__":
    import jax
    _d = setup_inputs()
    print(jax.jit(kernel)(*tuple(_d.values())))

</pallas_src>

<mosaic_0001>
#map = affine_map<(d0, d1) -> (0)>
#map1 = affine_map<(d0, d1) -> (0, 0)>
module attributes {stable_mosaic.version = 14 : i64} {
  func.func @_phase_a(%arg0: i32, %arg1: i32, %arg2: memref<4800000xi32, #tpu.memory_space<hbm>>, %arg3: memref<100000x32xbf16, #tpu.memory_space<hbm>>, %arg4: memref<200000x32xbf16, #tpu.memory_space<hbm>>, %arg5: memref<100000x32xbf16, #tpu.memory_space<vmem_shared>>, %arg6: memref<256x32xbf16, #tpu.memory_space<vmem>>, %arg7: memref<256x32xbf16, #tpu.memory_space<vmem>>, %arg8: memref<256x32xbf16, #tpu.memory_space<vmem>>, %arg9: memref<256x32xbf16, #tpu.memory_space<vmem>>, %arg10: memref<768xi32, #tpu.memory_space<vmem>>, %arg11: memref<768xi32, #tpu.memory_space<vmem>>, %arg12: memref<2x128xi32, #tpu.memory_space<vmem>>, %arg13: memref<2x128xi32, #tpu.memory_space<vmem>>, %arg14: memref<50x32xbf16, #tpu.memory_space<vmem>>, %arg15: memref<!tpu.dma_semaphore, #tpu.memory_space<semaphore_mem>>, %arg16: memref<!tpu.dma_semaphore, #tpu.memory_space<semaphore_mem>>, %arg17: memref<!tpu.dma_semaphore, #tpu.memory_space<semaphore_mem>>, %arg18: memref<!tpu.dma_semaphore, #tpu.memory_space<semaphore_mem>>, %arg19: memref<!tpu.dma_semaphore, #tpu.memory_space<semaphore_mem>>, %arg20: memref<!tpu.dma_semaphore, #tpu.memory_space<semaphore_mem>>) attributes {dimension_semantics = [#tpu.dimension_semantics<core_parallel>, #tpu.dimension_semantics<subcore_parallel>], iteration_bounds = array<i64: 2, 16>, scalar_prefetch = 0 : i64, scratch_operands = 16 : i64, tpu.core_type = #tpu.core_type<sc_vector_subcore>, window_params = [{transform_indices = #map}, {transform_indices = #map1}, {transform_indices = #map1}]} {
    %mul3A = arith.constant 2 : i32
    %mul3A_0 = arith.muli %mul3A, %arg1 : i32
    %add3A = arith.addi %arg0, %mul3A_0 : i32
    %add3A_1 = arith.constant 0 : i32
    %add3A_2 = arith.addi %add3A, %add3A_1 : i32
    %lt3A = arith.constant 6250 : i32
    %lt3A_3 = arith.cmpi slt, %add3A_2, %lt3A : i32
    %convert_element_type3A = arith.extui %lt3A_3 : i1 to i32
    %cond3A = arith.constant 0 : i32
    %cond3A_4 = arith.cmpi ne, %convert_element_type3A, %cond3A : i32
    scf.if %cond3A_4 {
      %mul3A_97 = arith.constant 3 : i32
      %mul3A_98 = arith.muli %add3A_2, %mul3A_97 : i32
      %mul3A_99 = arith.constant 256 : i32
      %mul3A_100 = arith.muli %mul3A_98, %mul3A_99 : i32
      %multiple_of3A = tpu.assume_multiple %mul3A_100, 8 : i32
      %dma_start3A = tpu.memref_slice %arg2[%multiple_of3A] : memref<4800000xi32, #tpu.memory_space<hbm>> -> memref<768xi32, #tpu.memory_space<hbm>>
      %dma_start3A_101 = tpu.memref_slice %arg2[%multiple_of3A] : memref<4800000xi32, #tpu.memory_space<hbm>> -> memref<768xi32, #tpu.memory_space<hbm>>
      tpu.enqueue_dma source(%dma_start3A_101 : memref<768xi32, #tpu.memory_space<hbm>>) target(%arg10 : memref<768xi32, #tpu.memory_space<vmem>>) target_semaphore(%arg19 : memref<!tpu.dma_semaphore, #tpu.memory_space<semaphore_mem>>)
    } else {
    }
    %mul3A_5 = arith.constant 2 : i32
    %mul3A_6 = arith.muli %mul3A_5, %arg1 : i32
    %add3A_7 = arith.addi %arg0, %mul3A_6 : i32
    %add3A_8 = arith.constant 32 : i32
    %add3A_9 = arith.addi %add3A_7, %add3A_8 : i32
    %lt3A_10 = arith.constant 6250 : i32
    %lt3A_11 = arith.cmpi slt, %add3A_9, %lt3A_10 : i32
    %convert_element_type3A_12 = arith.extui %lt3A_11 : i1 to i32
    %cond3A_13 = arith.constant 0 : i32
    %cond3A_14 = arith.cmpi ne, %convert_element_type3A_12, %cond3A_13 : i32
    scf.if %cond3A_14 {
      %mul3A_97 = arith.constant 3 : i32
      %mul3A_98 = arith.muli %add3A_9, %mul3A_97 : i32
      %mul3A_99 = arith.constant 256 : i32
      %mul3A_100 = arith.muli %mul3A_98, %mul3A_99 : i32
      %multiple_of3A = tpu.assume_multiple %mul3A_100, 8 : i32
      %dma_start3A = tpu.memref_slice %arg2[%multiple_of3A] : memref<4800000xi32, #tpu.memory_space<hbm>> -> memref<768xi32, #tpu.memory_space<hbm>>
      %dma_start3A_101 = tpu.memref_slice %arg2[%multiple_of3A] : memref<4800000xi32, #tpu.memory_space<hbm>> -> memref<768xi32, #tpu.memory_space<hbm>>
      tpu.enqueue_dma source(%dma_start3A_101 : memref<768xi32, #tpu.memory_space<hbm>>) target(%arg11 : memref<768xi32, #tpu.memory_space<vmem>>) target_semaphore(%arg20 : memref<!tpu.dma_semaphore, #tpu.memory_space<semaphore_mem>>)
    } else {
    }
    %scan3A = arith.constant 0 : i32
    %scan3A_15 = arith.constant 0 : i32
    %scan3A_16 = arith.constant 50 : i32
    %scan3A_17 = arith.addi %scan3A_15, %scan3A_16 : i32
    %scan3A_18 = arith.constant 1 : i32
    %scan3A_19 = scf.for %scan3A_97 = %scan3A_15 to %scan3A_17 step %scan3A_18 iter_args(%scan3A_98 = %scan3A) -> (i32)  : i32 {
      %broadcast_in_dim3A = arith.constant 0.000000e+00 : bf16
      %broadcast_in_dim3A_99 = vector.broadcast %broadcast_in_dim3A : bf16 to vector<32xbf16>
      %swap3A = arith.index_cast %scan3A_97 : i32 to index
      %swap3A_100 = arith.constant 0 : index
      %swap3A_101 = tpu.vector_load %arg14[%swap3A, %swap3A_100] {strides = array<i32>} : memref<50x32xbf16, #tpu.memory_space<vmem>>, vector<32xbf16>,
      tpu.vector_store %arg14[%swap3A, %swap3A_100], %broadcast_in_dim3A_99 {strides = array<i32>} : memref<50x32xbf16, #tpu.memory_space<vmem>>, vector<32xbf16>,
      %scan3A_102 = arith.constant 0 : i32
      scf.yield %scan3A_102 : i32
    }
    %scan3A_20 = arith.constant 50 : i32
    %mul3A_21 = arith.constant 6250 : i32
    %mul3A_22 = arith.muli %arg1, %mul3A_21 : i32
    %scan3A_23 = arith.constant 0 : i32
    %scan3A_24 = arith.constant 0 : i32
    %scan3A_25 = arith.constant 125 : i32
    %scan3A_26 = arith.addi %scan3A_24, %scan3A_25 : i32
    %scan3A_27 = arith.constant 1 : i32
    %scan3A_28 = scf.for %scan3A_97 = %scan3A_24 to %scan3A_26 step %scan3A_27 iter_args(%scan3A_98 = %scan3A_23) -> (i32)  : i32 {
      %mul3A_99 = arith.constant 50 : i32
      %mul3A_100 = arith.muli %scan3A_97, %mul3A_99 : i32
      %add3A_101 = arith.addi %mul3A_22, %mul3A_100 : i32
      %dma_start3A = arith.constant 0 : i32
      %dma_start3A_102 = tpu.memref_slice %arg5[%add3A_101, %dma_start3A] : memref<100000x32xbf16, #tpu.memory_space<vmem_shared>> -> memref<50x32xbf16, #tpu.memory_space<vmem_shared>>
      %dma_start3A_103 = arith.constant 0 : i32
      %dma_start3A_104 = tpu.memref_slice %arg5[%add3A_101, %dma_start3A_103] : memref<100000x32xbf16, #tpu.memory_space<vmem_shared>> -> memref<50x32xbf16, #tpu.memory_space<vmem_shared>>
      tpu.enqueue_dma source(%arg14 : memref<50x32xbf16, #tpu.memory_space<vmem>>) target(%dma_start3A_104 : memref<50x32xbf16, #tpu.memory_space<vmem_shared>>) target_semaphore(%arg17 : memref<!tpu.dma_semaphore, #tpu.memory_space<semaphore_mem>>)
      %scan3A_105 = arith.constant 0 : i32
      scf.yield %scan3A_105 : i32
    }
    %scan3A_29 = arith.constant 125 : i32
    %scan3A_30 = arith.constant 0 : i32
    %scan3A_31 = arith.constant 0 : i32
    %scan3A_32 = arith.constant 125 : i32
    %scan3A_33 = arith.addi %scan3A_31, %scan3A_32 : i32
    %scan3A_34 = arith.constant 1 : i32
    %scan3A_35 = scf.for %scan3A_97 = %scan3A_31 to %scan3A_33 step %scan3A_34 iter_args(%scan3A_98 = %scan3A_30) -> (i32)  : i32 {
      %dma_wait3A_99 = arith.constant 0 : i32
      %dma_wait3A_100 = tpu.memref_slice %arg5[%mul3A_22, %dma_wait3A_99] : memref<100000x32xbf16, #tpu.memory_space<vmem_shared>> -> memref<50x32xbf16, #tpu.memory_space<vmem_shared>>
      %dma_wait3A_101 = arith.constant 0 : i32
      %dma_wait3A_102 = tpu.memref_slice %arg5[%mul3A_22, %dma_wait3A_101] : memref<100000x32xbf16, #tpu.memory_space<vmem_shared>> -> memref<50x32xbf16, #tpu.memory_space<vmem_shared>>
      tpu.wait_dma2 semaphore(%arg17 : memref<!tpu.dma_semaphore, #tpu.memory_space<semaphore_mem>>) src(%arg14 : memref<50x32xbf16, #tpu.memory_space<vmem>>) dst(%dma_wait3A_102 : memref<50x32xbf16, #tpu.memory_space<vmem_shared>>)
      %scan3A_103 = arith.constant 0 : i32
      scf.yield %scan3A_103 : i32
    }
    %scan3A_36 = arith.constant 125 : i32
    %mul3A_37 = arith.constant 2 : i32
    %mul3A_38 = arith.muli %mul3A_37, %arg1 : i32
    %add3A_39 = arith.addi %arg0, %mul3A_38 : i32
    %add3A_40 = arith.constant 0 : i32
    %add3A_41 = arith.addi %add3A_39, %add3A_40 : i32
    %lt3A_42 = arith.constant 6250 : i32
    %lt3A_43 = arith.cmpi slt, %add3A_41, %lt3A_42 : i32
    %convert_element_type3A_44 = arith.extui %lt3A_43 : i1 to i32
    %cond3A_45 = arith.constant 0 : i32
    %cond3A_46 = arith.cmpi ne, %convert_element_type3A_44, %cond3A_45 : i32
    scf.if %cond3A_46 {
      %mul3A_97 = arith.constant 3 : i32
      %mul3A_98 = arith.muli %add3A_41, %mul3A_97 : i32
      %mul3A_99 = arith.constant 256 : i32
      %mul3A_100 = arith.muli %mul3A_98, %mul3A_99 : i32
      %multiple_of3A = tpu.assume_multiple %mul3A_100, 8 : i32
      %dma_wait3A_101 = tpu.memref_slice %arg2[%multiple_of3A] : memref<4800000xi32, #tpu.memory_space<hbm>> -> memref<768xi32, #tpu.memory_space<hbm>>
      %dma_wait3A_102 = tpu.memref_slice %arg2[%multiple_of3A] : memref<4800000xi32, #tpu.memory_space<hbm>> -> memref<768xi32, #tpu.memory_space<hbm>>
      tpu.wait_dma2 semaphore(%arg19 : memref<!tpu.dma_semaphore, #tpu.memory_space<semaphore_mem>>) src(%dma_wait3A_102 : memref<768xi32, #tpu.memory_space<hbm>>) dst(%arg10 : memref<768xi32, #tpu.memory_space<vmem>>)
      %dma_start3A = arith.constant 0 : i32
      %dma_start3A_103 = arith.constant 0 : i32
      %dma_start3A_104 = tpu.memref_slice %arg6[%dma_start3A, %dma_start3A_103] : memref<256x32xbf16, #tpu.memory_space<vmem>> -> memref<128x32xbf16, #tpu.memory_space<vmem>>
      %dma_start3A_105 = arith.constant 0 : i32
      %dma_start3A_106 = tpu.memref_slice %arg10[%dma_start3A_105] : memref<768xi32, #tpu.memory_space<vmem>> -> memref<128xi32, #tpu.memory_space<vmem>>
      %dma_start3A_107 = arith.constant 0 : i32
      %dma_start3A_108 = arith.constant 0 : i32
      %dma_start3A_109 = tpu.memref_slice %arg3[%dma_start3A_107, %dma_start3A_108] : memref<100000x32xbf16, #tpu.memory_space<hbm>> -> memref<100000x32xbf16, #tpu.memory_space<hbm>>
      tpu.enqueue_indirect_dma source(%dma_start3A_109 : memref<100000x32xbf16, #tpu.memory_space<hbm>>) target(%dma_start3A_104 : memref<128x32xbf16, #tpu.memory_space<vmem>>) offsets(%dma_start3A_106 : memref<128xi32, #tpu.memory_space<vmem>>) semaphore(%arg15 : memref<!tpu.dma_semaphore, #tpu.memory_space<semaphore_mem>>)
      %dma_start3A_110 = arith.constant 128 : i32
      %dma_start3A_111 = arith.constant 0 : i32
      %dma_start3A_112 = tpu.memref_slice %arg6[%dma_start3A_110, %dma_start3A_111] : memref<256x32xbf16, #tpu.memory_space<vmem>> -> memref<128x32xbf16, #tpu.memory_space<vmem>>
      %dma_start3A_113 = arith.constant 384 : i32
      %dma_start3A_114 = tpu.memref_slice %arg10[%dma_start3A_113] : memref<768xi32, #tpu.memory_space<vmem>> -> memref<128xi32, #tpu.memory_space<vmem>>
      %dma_start3A_115 = arith.constant 0 : i32
      %dma_start3A_116 = arith.constant 0 : i32
      %dma_start3A_117 = tpu.memref_slice %arg3[%dma_start3A_115, %dma_start3A_116] : memref<100000x32xbf16, #tpu.memory_space<hbm>> -> memref<100000x32xbf16, #tpu.memory_space<hbm>>
      tpu.enqueue_indirect_dma source(%dma_start3A_117 : memref<100000x32xbf16, #tpu.memory_space<hbm>>) target(%dma_start3A_112 : memref<128x32xbf16, #tpu.memory_space<vmem>>) offsets(%dma_start3A_114 : memref<128xi32, #tpu.memory_space<vmem>>) semaphore(%arg15 : memref<!tpu.dma_semaphore, #tpu.memory_space<semaphore_mem>>)
    } else {
    }
    %barrier3A = arith.constant 0 : index
    tpu.barrier barrier_id(%barrier3A)
    %scan3A_47 = arith.constant 0 : i32
    %scan3A_48 = arith.constant 0 : i32
    %scan3A_49 = arith.constant 98 : i32
    %scan3A_50 = arith.addi %scan3A_48, %scan3A_49 : i32
    %scan3A_51 = arith.constant 1 : i32
    %scan3A_52 = scf.for %scan3A_97 = %scan3A_48 to %scan3A_50 step %scan3A_51 iter_args(%scan3A_98 = %scan3A_47) -> (i32)  : i32 {
      %mul3A_99 = arith.constant 2 : i32
      %mul3A_100 = arith.muli %mul3A_99, %scan3A_97 : i32
      %add3A_101 = arith.constant 0 : i32
      %add3A_102 = arith.addi %mul3A_100, %add3A_101 : i32
      %mul3A_103 = arith.constant 2 : i32
      %mul3A_104 = arith.muli %mul3A_103, %arg1 : i32
      %add3A_105 = arith.addi %arg0, %mul3A_104 : i32
      %mul3A_106 = arith.constant 32 : i32
      %mul3A_107 = arith.muli %mul3A_106, %add3A_102 : i32
      %add3A_108 = arith.addi %add3A_105, %mul3A_107 : i32
      %lt3A_109 = arith.constant 6250 : i32
      %lt3A_110 = arith.cmpi slt, %add3A_108, %lt3A_109 : i32
      %convert_element_type3A_111 = arith.extui %lt3A_110 : i1 to i32
      %cond3A_112 = arith.constant 0 : i32
      %cond3A_113 = arith.cmpi ne, %convert_element_type3A_111, %cond3A_112 : i32
      scf.if %cond3A_113 {
        %dma_wait3A_130 = arith.constant 0 : i32
        %dma_wait3A_131 = arith.constant 0 : i32
        %dma_wait3A_132 = tpu.memref_slice %arg6[%dma_wait3A_130, %dma_wait3A_131] : memref<256x32xbf16, #tpu.memory_space<vmem>> -> memref<128x32xbf16, #tpu.memory_space<vmem>>
        %dma_wait3A_133 = arith.constant 0 : i32
        %dma_wait3A_134 = tpu.memref_slice %arg10[%dma_wait3A_133] : memref<768xi32, #tpu.memory_space<vmem>> -> memref<128xi32, #tpu.memory_space<vmem>>
        %dma_wait3A_135 = arith.constant 0 : i32
        %dma_wait3A_136 = arith.constant 0 : i32
        %dma_wait3A_137 = tpu.memref_slice %arg3[%dma_wait3A_135, %dma_wait3A_136] : memref<100000x32xbf16, #tpu.memory_space<hbm>> -> memref<100000x32xbf16, #tpu.memory_space<hbm>>
        tpu.wait_indirect_dma semaphore(%arg15 : memref<!tpu.dma_semaphore, #tpu.memory_space<semaphore_mem>>) src(%dma_wait3A_137 : memref<100000x32xbf16, #tpu.memory_space<hbm>>) dst(%dma_wait3A_132 : memref<128x32xbf16, #tpu.memory_space<vmem>>)
        %dma_wait3A_138 = arith.constant 128 : i32
        %dma_wait3A_139 = arith.constant 0 : i32
        %dma_wait3A_140 = tpu.memref_slice %arg6[%dma_wait3A_138, %dma_wait3A_139] : memref<256x32xbf16, #tpu.memory_space<vmem>> -> memref<128x32xbf16, #tpu.memory_space<vmem>>
        %dma_wait3A_141 = arith.constant 384 : i32
        %dma_wait3A_142 = tpu.memref_slice %arg10[%dma_wait3A_141] : memref<768xi32, #tpu.memory_space<vmem>> -> memref<128xi32, #tpu.memory_space<vmem>>
        %dma_wait3A_143 = arith.constant 0 : i32
        %dma_wait3A_144 = arith.constant 0 : i32
        %dma_wait3A_145 = tpu.memref_slice %arg3[%dma_wait3A_143, %dma_wait3A_144] : memref<100000x32xbf16, #tpu.memory_space<hbm>> -> memref<100000x32xbf16, #tpu.memory_space<hbm>>
        tpu.wait_indirect_dma semaphore(%arg15 : memref<!tpu.dma_semaphore, #tpu.memory_space<semaphore_mem>>) src(%dma_wait3A_145 : memref<100000x32xbf16, #tpu.memory_space<hbm>>) dst(%dma_wait3A_140 : memref<128x32xbf16, #tpu.memory_space<vmem>>)
        %add3A_146 = arith.constant 1 : i32
        %add3A_147 = arith.addi %add3A_102, %add3A_146 : i32
        %mul3A_148 = arith.constant 2 : i32
        %mul3A_149 = arith.muli %mul3A_148, %arg1 : i32
        %add3A_150 = arith.addi %arg0, %mul3A_149 : i32
        %mul3A_151 = arith.constant 32 : i32
        %mul3A_152 = arith.muli %mul3A_151, %add3A_147 : i32
        %add3A_153 = arith.addi %add3A_150, %mul3A_152 : i32
        %lt3A_154 = arith.constant 6250 : i32
        %lt3A_155 = arith.cmpi slt, %add3A_153, %lt3A_154 : i32
        %convert_element_type3A_156 = arith.extui %lt3A_155 : i1 to i32
        %cond3A_157 = arith.constant 0 : i32
        %cond3A_158 = arith.cmpi ne, %convert_element_type3A_156, %cond3A_157 : i32
        scf.if %cond3A_158 {
          %mul3A_296 = arith.constant 3 : i32
          %mul3A_297 = arith.muli %add3A_153, %mul3A_296 : i32
          %mul3A_298 = arith.constant 256 : i32
          %mul3A_299 = arith.muli %mul3A_297, %mul3A_298 : i32
          %multiple_of3A = tpu.assume_multiple %mul3A_299, 8 : i32
          %dma_wait3A_300 = tpu.memref_slice %arg2[%multiple_of3A] : memref<4800000xi32, #tpu.memory_space<hbm>> -> memref<768xi32, #tpu.memory_space<hbm>>
          %dma_wait3A_301 = tpu.memref_slice %arg2[%multiple_of3A] : memref<4800000xi32, #tpu.memory_space<hbm>> -> memref<768xi32, #tpu.memory_space<hbm>>
          tpu.wait_dma2 semaphore(%arg20 : memref<!tpu.dma_semaphore, #tpu.memory_space<semaphore_mem>>) src(%dma_wait3A_301 : memref<768xi32, #tpu.memory_space<hbm>>) dst(%arg11 : memref<768xi32, #tpu.memory_space<vmem>>)
          %dma_start3A_302 = arith.constant 0 : i32
          %dma_start3A_303 = arith.constant 0 : i32
          %dma_start3A_304 = tpu.memref_slice %arg7[%dma_start3A_302, %dma_start3A_303] : memref<256x32xbf16, #tpu.memory_space<vmem>> -> memref<128x32xbf16, #tpu.memory_space<vmem>>
          %dma_start3A_305 = arith.constant 0 : i32
          %dma_start3A_306 = tpu.memref_slice %arg11[%dma_start3A_305] : memref<768xi32, #tpu.memory_space<vmem>> -> memref<128xi32, #tpu.memory_space<vmem>>
          %dma_start3A_307 = arith.constant 0 : i32
          %dma_start3A_308 = arith.constant 0 : i32
          %dma_start3A_309 = tpu.memref_slice %arg3[%dma_start3A_307, %dma_start3A_308] : memref<100000x32xbf16, #tpu.memory_space<hbm>> -> memref<100000x32xbf16, #tpu.memory_space<hbm>>
          tpu.enqueue_indirect_dma source(%dma_start3A_309 : memref<100000x32xbf16, #tpu.memory_space<hbm>>) target(%dma_start3A_304 : memref<128x32xbf16, #tpu.memory_space<vmem>>) offsets(%dma_start3A_306 : memref<128xi32, #tpu.memory_space<vmem>>) semaphore(%arg16 : memref<!tpu.dma_semaphore, #tpu.memory_space<semaphore_mem>>)
          %dma_start3A_310 = arith.constant 128 : i32
          %dma_start3A_311 = arith.constant 0 : i32
          %dma_start3A_312 = tpu.memref_slice %arg7[%dma_start3A_310, %dma_start3A_311] : memref<256x32xbf16, #tpu.memory_space<vmem>> -> memref<128x32xbf16, #tpu.memory_space<vmem>>
          %dma_start3A_313 = arith.constant 384 : i32
          %dma_start3A_314 = tpu.memref_slice %arg11[%dma_start3A_313] : memref<768xi32, #tpu.memory_space<vmem>> -> memref<128xi32, #tpu.memory_space<vmem>>
          %dma_start3A_315 = arith.constant 0 : i32
          %dma_start3A_316 = arith.constant 0 : i32
          %dma_start3A_317 = tpu.memref_slice %arg3[%dma_start3A_315, %dma_start3A_316] : memref<100000x32xbf16, #tpu.memory_space<hbm>> -> memref<100000x32xbf16, #tpu.memory_space<hbm>>
          tpu.enqueue_indirect_dma source(%dma_start3A_317 : memref<100000x32xbf16, #tpu.memory_space<hbm>>) target(%dma_start3A_312 : memref<128x32xbf16, #tpu.memory_space<vmem>>) offsets(%dma_start3A_314 : memref<128xi32, #tpu.memory_space<vmem>>) semaphore(%arg16 : memref<!tpu.dma_semaphore, #tpu.memory_space<semaphore_mem>>)
        } else {
        }
        %ge3A = arith.constant 2 : i32
        %ge3A_159 = arith.cmpi sge, %add3A_102, %ge3A : i32
        %convert_element_type3A_160 = arith.extui %ge3A_159 : i1 to i32
        %cond3A_161 = arith.constant 0 : i32
        %cond3A_162 = arith.cmpi ne, %convert_element_type3A_160, %cond3A_161 : i32
        scf.if %cond3A_162 {
          %dma_wait3A_296 = arith.constant 0 : i32
          %dma_wait3A_297 = arith.constant 0 : i32
          %dma_wait3A_298 = arith.constant 0 : i32
          %dma_wait3A_299 = tpu.memref_slice %arg8[%dma_wait3A_297, %dma_wait3A_298] : memref<256x32xbf16, #tpu.memory_space<vmem>> -> memref<128x32xbf16, #tpu.memory_space<vmem>>
          %dma_wait3A_300 = arith.constant 0 : i32
          %dma_wait3A_301 = tpu.memref_slice %arg12[%dma_wait3A_296, %dma_wait3A_300] : memref<2x128xi32, #tpu.memory_space<vmem>> -> memref<1x128xi32, #tpu.memory_space<vmem>>
          %dma_wait3A_302 = tpu.memref_squeeze %dma_wait3A_301 : memref<1x128xi32, #tpu.memory_space<vmem>> -> memref<128xi32, #tpu.memory_space<vmem>>
          %dma_wait3A_303 = arith.constant 0 : i32
          %dma_wait3A_304 = arith.constant 0 : i32
          %dma_wait3A_305 = tpu.memref_slice %arg5[%dma_wait3A_303, %dma_wait3A_304] : memref<100000x32xbf16, #tpu.memory_space<vmem_shared>> -> memref<100000x32xbf16, #tpu.memory_space<vmem_shared>>
          tpu.wait_indirect_dma semaphore(%arg17 : memref<!tpu.dma_semaphore, #tpu.memory_space<semaphore_mem>>) src(%dma_wait3A_299 : memref<128x32xbf16, #tpu.memory_space<vmem>>) dst(%dma_wait3A_305 : memref<100000x32xbf16, #tpu.memory_space<vmem_shared>>)
          %dma_wait3A_306 = arith.constant 1 : i32
          %dma_wait3A_307 = arith.constant 128 : i32
          %dma_wait3A_308 = arith.constant 0 : i32
          %dma_wait3A_309 = tpu.memref_slice %arg8[%dma_wait3A_307, %dma_wait3A_308] : memref<256x32xbf16, #tpu.memory_space<vmem>> -> memref<128x32xbf16, #tpu.memory_space<vmem>>
          %dma_wait3A_310 = arith.constant 0 : i32
          %dma_wait3A_311 = tpu.memref_slice %arg12[%dma_wait3A_306, %dma_wait3A_310] : memref<2x128xi32, #tpu.memory_space<vmem>> -> memref<1x128xi32, #tpu.memory_space<vmem>>
          %dma_wait3A_312 = tpu.memref_squeeze %dma_wait3A_311 : memref<1x128xi32, #tpu.memory_space<vmem>> -> memref<128xi32, #tpu.memory_space<vmem>>
          %dma_wait3A_313 = arith.constant 0 : i32
          %dma_wait3A_314 = arith.constant 0 : i32
          %dma_wait3A_315 = tpu.memref_slice %arg5[%dma_wait3A_313, %dma_wait3A_314] : memref<100000x32xbf16, #tpu.memory_space<vmem_shared>> -> memref<100000x32xbf16, #tpu.memory_space<vmem_shared>>
          tpu.wait_indirect_dma semaphore(%arg17 : memref<!tpu.dma_semaphore, #tpu.memory_space<semaphore_mem>>) src(%dma_wait3A_309 : memref<128x32xbf16, #tpu.memory_space<vmem>>) dst(%dma_wait3A_315 : memref<100000x32xbf16, #tpu.memory_space<vmem_shared>>)
        } else {
        }
        %get3A = arith.constant 128 : index
        %get3A_163 = tpu.vector_load %arg10[%get3A] {strides = array<i32>} : memref<768xi32, #tpu.memory_space<vmem>>, vector<16xi32>,
        %swap3A = arith.constant 0 : i32
        %swap3A_164 = arith.index_cast %swap3A : i32 to index
        %swap3A_165 = arith.constant 0 : index
        %swap3A_166 = tpu.vector_load %arg12[%swap3A_164, %swap3A_165] {strides = array<i32>} : memref<2x128xi32, #tpu.memory_space<vmem>>, vector<16xi32>,
        tpu.vector_store %arg12[%swap3A_164, %swap3A_165], %get3A_163 {strides = array<i32>} : memref<2x128xi32, #tpu.memory_space<vmem>>, vector<16xi32>,
        %get3A_167 = arith.constant 144 : index
        %get3A_168 = tpu.vector_load %arg10[%get3A_167] {strides = array<i32>} : memref<768xi32, #tpu.memory_space<vmem>>, vector<16xi32>,
        %swap3A_169 = arith.constant 0 : i32
        %swap3A_170 = arith.index_cast %swap3A_169 : i32 to index
        %swap3A_171 = arith.constant 16 : index
        %swap3A_172 = tpu.vector_load %arg12[%swap3A_170, %swap3A_171] {strides = array<i32>} : memref<2x128xi32, #tpu.memory_space<vmem>>, vector<16xi32>,
        tpu.vector_store %arg12[%swap3A_170, %swap3A_171], %get3A_168 {strides = array<i32>} : memref<2x128xi32, #tpu.memory_space<vmem>>, vector<16xi32>,
        %get3A_173 = arith.constant 160 : index
        %get3A_174 = tpu.vector_load %arg10[%get3A_173] {strides = array<i32>} : memref<768xi32, #tpu.memory_space<vmem>>, vector<16xi32>,
        %swap3A_175 = arith.constant 0 : i32
        %swap3A_176 = arith.index_cast %swap3A_175 : i32 to index
        %swap3A_177 = arith.constant 32 : index
        %swap3A_178 = tpu.vector_load %arg12[%swap3A_176, %swap3A_177] {strides = array<i32>} : memref<2x128xi32, #tpu.memory_space<vmem>>, vector<16xi32>,
        tpu.vector_store %arg12[%swap3A_176, %swap3A_177], %get3A_174 {strides = array<i32>} : memref<2x128xi32, #tpu.memory_space<vmem>>, vector<16xi32>,
        %get3A_179 = arith.constant 176 : index
        %get3A_180 = tpu.vector_load %arg10[%get3A_179] {strides = array<i32>} : memref<768xi32, #tpu.memory_space<vmem>>, vector<16xi32>,
        %swap3A_181 = arith.constant 0 : i32
        %swap3A_182 = arith.index_cast %swap3A_181 : i32 to index
        %swap3A_183 = arith.constant 48 : index
        %swap3A_184 = tpu.vector_load %arg12[%swap3A_182, %swap3A_183] {strides = array<i32>} : memref<2x128xi32, #tpu.memory_space<vmem>>, vector<16xi32>,
        tpu.vector_store %arg12[%swap3A_182, %swap3A_183], %get3A_180 {strides = array<i32>} : memref<2x128xi32, #tpu.memory_space<vmem>>, vector<16xi32>,
        %get3A_185 = arith.constant 192 : index
        %get3A_186 = tpu.vector_load %arg10[%get3A_185] {strides = array<i32>} : memref<768xi32, #tpu.memory_space<vmem>>, vector<16xi32>,
        %swap3A_187 = arith.constant 0 : i32
        %swap3A_188 = arith.index_cast %swap3A_187 : i32 to index
        %swap3A_189 = arith.constant 64 : index
        %swap3A_190 = tpu.vector_load %arg12[%swap3A_188, %swap3A_189] {strides = array<i32>} : memref<2x128xi32, #tpu.memory_space<vmem>>, vector<16xi32>,
        tpu.vector_store %arg12[%swap3A_188, %swap3A_189], %get3A_186 {strides = array<i32>} : memref<2x128xi32, #tpu.memory_space<vmem>>, vector<16xi32>,
        %get3A_191 = arith.constant 208 : index
        %get3A_192 = tpu.vector_load %arg10[%get3A_191] {strides = array<i32>} : memref<768xi32, #tpu.memory_space<vmem>>, vector<16xi32>,
        %swap3A_193 = arith.constant 0 : i32
        %swap3A_194 = arith.index_cast %swap3A_193 : i32 to index
        %swap3A_195 = arith.constant 80 : index
        %swap3A_196 = tpu.vector_load %arg12[%swap3A_194, %swap3A_195] {strides = array<i32>} : memref<2x128xi32, #tpu.memory_space<vmem>>, vector<16xi32>,
        tpu.vector_store %arg12[%swap3A_194, %swap3A_195], %get3A_192 {strides = array<i32>} : memref<2x128xi32, #tpu.memory_space<vmem>>, vector<16xi32>,
        %get3A_197 = arith.constant 224 : index
        %get3A_198 = tpu.vector_load %arg10[%get3A_197] {strides = array<i32>} : memref<768xi32, #tpu.memory_space<vmem>>, vector<16xi32>,
        %swap3A_199 = arith.constant 0 : i32
        %swap3A_200 = arith.index_cast %swap3A_199 : i32 to index
        %swap3A_201 = arith.constant 96 : index
        %swap3A_202 = tpu.vector_load %arg12[%swap3A_200, %swap3A_201] {strides = array<i32>} : memref<2x128xi32, #tpu.memory_space<vmem>>, vector<16xi32>,
        tpu.vector_store %arg12[%swap3A_200, %swap3A_201], %get3A_198 {strides = array<i32>} : memref<2x128xi32, #tpu.memory_space<vmem>>, vector<16xi32>,
        %get3A_203 = arith.constant 240 : index
        %get3A_204 = tpu.vector_load %arg10[%get3A_203] {strides = array<i32>} : memref<768xi32, #tpu.memory_space<vmem>>, vector<16xi32>,
        %swap3A_205 = arith.constant 0 : i32
        %swap3A_206 = arith.index_cast %swap3A_205 : i32 to index
        %swap3A_207 = arith.constant 112 : index
        %swap3A_208 = tpu.vector_load %arg12[%swap3A_206, %swap3A_207] {strides = array<i32>} : memref<2x128xi32, #tpu.memory_space<vmem>>, vector<16xi32>,
        tpu.vector_store %arg12[%swap3A_206, %swap3A_207], %get3A_204 {strides = array<i32>} : memref<2x128xi32, #tpu.memory_space<vmem>>, vector<16xi32>,
        %get3A_209 = arith.constant 512 : index
        %get3A_210 = tpu.vector_load %arg10[%get3A_209] {strides = array<i32>} : memref<768xi32, #tpu.memory_space<vmem>>, vector<16xi32>,
        %swap3A_211 = arith.constant 1 : i32
        %swap3A_212 = arith.index_cast %swap3A_211 : i32 to index
        %swap3A_213 = arith.constant 0 : index
        %swap3A_214 = tpu.vector_load %arg12[%swap3A_212, %swap3A_213] {strides = array<i32>} : memref<2x128xi32, #tpu.memory_space<vmem>>, vector<16xi32>,
        tpu.vector_store %arg12[%swap3A_212, %swap3A_213], %get3A_210 {strides = array<i32>} : memref<2x128xi32, #tpu.memory_space<vmem>>, vector<16xi32>,
        %get3A_215 = arith.constant 528 : index
        %get3A_216 = tpu.vector_load %arg10[%get3A_215] {strides = array<i32>} : memref<768xi32, #tpu.memory_space<vmem>>, vector<16xi32>,
        %swap3A_217 = arith.constant 1 : i32
        %swap3A_218 = arith.index_cast %swap3A_217 : i32 to index
        %swap3A_219 = arith.constant 16 : index
        %swap3A_220 = tpu.vector_load %arg12[%swap3A_218, %swap3A_219] {strides = array<i32>} : memref<2x128xi32, #tpu.memory_space<vmem>>, vector<16xi32>,
        tpu.vector_store %arg12[%swap3A_218, %swap3A_219], %get3A_216 {strides = array<i32>} : memref<2x128xi32, #tpu.memory_space<vmem>>, vector<16xi32>,
        %get3A_221 = arith.constant 544 : index
        %get3A_222 = tpu.vector_load %arg10[%get3A_221] {strides = array<i32>} : memref<768xi32, #tpu.memory_space<vmem>>, vector<16xi32>,
        %swap3A_223 = arith.constant 1 : i32
        %swap3A_224 = arith.index_cast %swap3A_223 : i32 to index
        %swap3A_225 = arith.constant 32 : index
        %swap3A_226 = tpu.vector_load %arg12[%swap3A_224, %swap3A_225] {strides = array<i32>} : memref<2x128xi32, #tpu.memory_space<vmem>>, vector<16xi32>,
        tpu.vector_store %arg12[%swap3A_224, %swap3A_225], %get3A_222 {strides = array<i32>} : memref<2x128xi32, #tpu.memory_space<vmem>>, vector<16xi32>,
        %get3A_227 = arith.constant 560 : index
        %get3A_228 = tpu.vector_load %arg10[%get3A_227] {strides = array<i32>} : memref<768xi32, #tpu.memory_space<vmem>>, vector<16xi32>,
        %swap3A_229 = arith.constant 1 : i32
        %swap3A_230 = arith.index_cast %swap3A_229 : i32 to index
        %swap3A_231 = arith.constant 48 : index
        %swap3A_232 = tpu.vector_load %arg12[%swap3A_230, %swap3A_231] {strides = array<i32>} : memref<2x128xi32, #tpu.memory_space<vmem>>, vector<16xi32>,
        tpu.vector_store %arg12[%swap3A_230, %swap3A_231], %get3A_228 {strides = array<i32>} : memref<2x128xi32, #tpu.memory_space<vmem>>, vector<16xi32>,
        %get3A_233 = arith.constant 576 : index
        %get3A_234 = tpu.vector_load %arg10[%get3A_233] {strides = array<i32>} : memref<768xi32, #tpu.memory_space<vmem>>, vector<16xi32>,
        %swap3A_235 = arith.constant 1 : i32
        %swap3A_236 = arith.index_cast %swap3A_235 : i32 to index
        %swap3A_237 = arith.constant 64 : index
        %swap3A_238 = tpu.vector_load %arg12[%swap3A_236, %swap3A_237] {strides = array<i32>} : memref<2x128xi32, #tpu.memory_space<vmem>>, vector<16xi32>,
        tpu.vector_store %arg12[%swap3A_236, %swap3A_237], %get3A_234 {strides = array<i32>} : memref<2x128xi32, #tpu.memory_space<vmem>>, vector<16xi32>,
        %get3A_239 = arith.constant 592 : index
        %get3A_240 = tpu.vector_load %arg10[%get3A_239] {strides = array<i32>} : memref<768xi32, #tpu.memory_space<vmem>>, vector<16xi32>,
        %swap3A_241 = arith.constant 1 : i32
        %swap3A_242 = arith.index_cast %swap3A_241 : i32 to index
        %swap3A_243 = arith.constant 80 : index
        %swap3A_244 = tpu.vector_load %arg12[%swap3A_242, %swap3A_243] {strides = array<i32>} : memref<2x128xi32, #tpu.memory_space<vmem>>, vector<16xi32>,
        tpu.vector_store %arg12[%swap3A_242, %swap3A_243], %get3A_240 {strides = array<i32>} : memref<2x128xi32, #tpu.memory_space<vmem>>, vector<16xi32>,
        %get3A_245 = arith.constant 608 : index
        %get3A_246 = tpu.vector_load %arg10[%get3A_245] {strides = array<i32>} : memref<768xi32, #tpu.memory_space<vmem>>, vector<16xi32>,
        %swap3A_247 = arith.constant 1 : i32
        %swap3A_248 = arith.index_cast %swap3A_247 : i32 to index
        %swap3A_249 = arith.constant 96 : index
        %swap3A_250 = tpu.vector_load %arg12[%swap3A_248, %swap3A_249] {strides = array<i32>} : memref<2x128xi32, #tpu.memory_space<vmem>>, vector<16xi32>,
        tpu.vector_store %arg12[%swap3A_248, %swap3A_249], %get3A_246 {strides = array<i32>} : memref<2x128xi32, #tpu.memory_space<vmem>>, vector<16xi32>,
        %get3A_251 = arith.constant 624 : index
        %get3A_252 = tpu.vector_load %arg10[%get3A_251] {strides = array<i32>} : memref<768xi32, #tpu.memory_space<vmem>>, vector<16xi32>,
        %swap3A_253 = arith.constant 1 : i32
        %swap3A_254 = arith.index_cast %swap3A_253 : i32 to index
        %swap3A_255 = arith.constant 112 : index
        %swap3A_256 = tpu.vector_load %arg12[%swap3A_254, %swap3A_255] {strides = array<i32>} : memref<2x128xi32, #tpu.memory_space<vmem>>, vector<16xi32>,
        tpu.vector_store %arg12[%swap3A_254, %swap3A_255], %get3A_252 {strides = array<i32>} : memref<2x128xi32, #tpu.memory_space<vmem>>, vector<16xi32>,
        %scan3A_257 = arith.constant 0 : i32
        %scan3A_258 = arith.constant 0 : i32
        %scan3A_259 = arith.constant 64 : i32
        %scan3A_260 = arith.addi %scan3A_258, %scan3A_259 : i32
        %scan3A_261 = arith.constant 1 : i32
        %scan3A_262 = scf.for %scan3A_296 = %scan3A_258 to %scan3A_260 step %scan3A_261 iter_args(%scan3A_297 = %scan3A_257) -> (i32)  : i32 {
          %mul3A_298 = arith.constant 4 : i32
          %mul3A_299 = arith.muli %scan3A_296, %mul3A_298 : i32
          %add3A_300 = arith.constant 0 : i32
          %add3A_301 = arith.addi %mul3A_299, %add3A_300 : i32
          %shift_right_arithmetic3A = arith.constant 7 : i32
          %shift_right_arithmetic3A_302 = arith.shrsi %add3A_301, %shift_right_arithmetic3A : i32
          %mul3A_303 = arith.constant 384 : i32
          %mul3A_304 = arith.muli %shift_right_arithmetic3A_302, %mul3A_303 : i32
          %add3A_305 = arith.constant 256 : i32
          %add3A_306 = arith.addi %mul3A_304, %add3A_305 : i32
          %and3A = arith.constant 127 : i32
          %and3A_307 = arith.andi %add3A_301, %and3A : i32
          %add3A_308 = arith.addi %add3A_306, %and3A_307 : i32
          %broadcast_in_dim3A = arith.constant 0 : i32
          %broadcast_in_dim3A_309 = vector.broadcast %broadcast_in_dim3A : i32 to vector<16xi32>
          %add3A_310 = vector.broadcast %add3A_308 : i32 to vector<16xi32>
          %add3A_311 = arith.addi %add3A_310, %broadcast_in_dim3A_309 : vector<16xi32>
          %gather3A = tpu.vector_load_idx %arg10[%add3A_311] : memref<768xi32, #tpu.memory_space<vmem>>[vector<16xi32>], vector<16xi32>,
          %bitcast3A = vector.bitcast %gather3A : vector<16xi32> to vector<16xf32>
          %pack3A = tpu.pack_subelements %bitcast3A, %bitcast3A {pack_format = #tpu.pack_format<interleaved>, positions = array<i32: 0, 1>} : vector<16xf32>, vector<16xf32> -> vector<32xbf16>
          %get3A_312 = arith.index_cast %add3A_301 : i32 to index
          %get3A_313 = arith.constant 0 : index
          %get3A_314 = tpu.vector_load %arg6[%get3A_312, %get3A_313] {strides = array<i32>} : memref<256x32xbf16, #tpu.memory_space<vmem>>, vector<32xbf16>,
          %mul3A_315 = arith.mulf %get3A_314, %pack3A : vector<32xbf16>
          %swap3A_316 = arith.index_cast %add3A_301 : i32 to index
          %swap3A_317 = arith.constant 0 : index
          %swap3A_318 = tpu.vector_load %arg8[%swap3A_316, %swap3A_317] {strides = array<i32>} : memref<256x32xbf16, #tpu.memory_space<vmem>>, vector<32xbf16>,
          tpu.vector_store %arg8[%swap3A_316, %swap3A_317], %mul3A_315 {strides = array<i32>} : memref<256x32xbf16, #tpu.memory_space<vmem>>, vector<32xbf16>,
          %mul3A_319 = arith.constant 4 : i32
          %mul3A_320 = arith.muli %scan3A_296, %mul3A_319 : i32
          %add3A_321 = arith.constant 1 : i32
          %add3A_322 = arith.addi %mul3A_320, %add3A_321 : i32
          %shift_right_arithmetic3A_323 = arith.constant 7 : i32
          %shift_right_arithmetic3A_324 = arith.shrsi %add3A_322, %shift_right_arithmetic3A_323 : i32
          %mul3A_325 = arith.constant 384 : i32
          %mul3A_326 = arith.muli %shift_right_arithmetic3A_324, %mul3A_325 : i32
          %add3A_327 = arith.constant 256 : i32
          %add3A_328 = arith.addi %mul3A_326, %add3A_327 : i32
          %and3A_329 = arith.constant 127 : i32
          %and3A_330 = arith.andi %add3A_322, %and3A_329 : i32
          %add3A_331 = arith.addi %add3A_328, %and3A_330 : i32
          %broadcast_in_dim3A_332 = arith.constant 0 : i32
          %broadcast_in_dim3A_333 = vector.broadcast %broadcast_in_dim3A_332 : i32 to vector<16xi32>
          %add3A_334 = vector.broadcast %add3A_331 : i32 to vector<16xi32>
          %add3A_335 = arith.addi %add3A_334, %broadcast_in_dim3A_333 : vector<16xi32>
          %gather3A_336 = tpu.vector_load_idx %arg10[%add3A_335] : memref<768xi32, #tpu.memory_space<vmem>>[vector<16xi32>], vector<16xi32>,
          %bitcast3A_337 = vector.bitcast %gather3A_336 : vector<16xi32> to vector<16xf32>
          %pack3A_338 = tpu.pack_subelements %bitcast3A_337, %bitcast3A_337 {pack_format = #tpu.pack_format<interleaved>, positions = array<i32: 0, 1>} : vector<16xf32>, vector<16xf32> -> vector<32xbf16>
          %get3A_339 = arith.index_cast %add3A_322 : i32 to index
          %get3A_340 = arith.constant 0 : index
          %get3A_341 = tpu.vector_load %arg6[%get3A_339, %get3A_340] {strides = array<i32>} : memref<256x32xbf16, #tpu.memory_space<vmem>>, vector<32xbf16>,
          %mul3A_342 = arith.mulf %get3A_341, %pack3A_338 : vector<32xbf16>
          %swap3A_343 = arith.index_cast %add3A_322 : i32 to index
          %swap3A_344 = arith.constant 0 : index
          %swap3A_345 = tpu.vector_load %arg8[%swap3A_343, %swap3A_344] {strides = array<i32>} : memref<256x32xbf16, #tpu.memory_space<vmem>>, vector<32xbf16>,
          tpu.vector_store %arg8[%swap3A_343, %swap3A_344], %mul3A_342 {strides = array<i32>} : memref<256x32xbf16, #tpu.memory_space<vmem>>, vector<32xbf16>,
          %mul3A_346 = arith.constant 4 : i32
          %mul3A_347 = arith.muli %scan3A_296, %mul3A_346 : i32
          %add3A_348 = arith.constant 2 : i32
          %add3A_349 = arith.addi %mul3A_347, %add3A_348 : i32
          %shift_right_arithmetic3A_350 = arith.constant 7 : i32
          %shift_right_arithmetic3A_351 = arith.shrsi %add3A_349, %shift_right_arithmetic3A_350 : i32
          %mul3A_352 = arith.constant 384 : i32
          %mul3A_353 = arith.muli %shift_right_arithmetic3A_351, %mul3A_352 : i32
          %add3A_354 = arith.constant 256 : i32
          %add3A_355 = arith.addi %mul3A_353, %add3A_354 : i32
          %and3A_356 = arith.constant 127 : i32
          %and3A_357 = arith.andi %add3A_349, %and3A_356 : i32
          %add3A_358 = arith.addi %add3A_355, %and3A_357 : i32
          %broadcast_in_dim3A_359 = arith.constant 0 : i32
          %broadcast_in_dim3A_360 = vector.broadcast %broadcast_in_dim3A_359 : i32 to vector<16xi32>
          %add3A_361 = vector.broadcast %add3A_358 : i32 to vector<16xi32>
          %add3A_362 = arith.addi %add3A_361, %broadcast_in_dim3A_360 : vector<16xi32>
          %gather3A_363 = tpu.vector_load_idx %arg10[%add3A_362] : memref<768xi32, #tpu.memory_space<vmem>>[vector<16xi32>], vector<16xi32>,
          %bitcast3A_364 = vector.bitcast %gather3A_363 : vector<16xi32> to vector<16xf32>
          %pack3A_365 = tpu.pack_subelements %bitcast3A_364, %bitcast3A_364 {pack_format = #tpu.pack_format<interleaved>, positions = array<i32: 0, 1>} : vector<16xf32>, vector<16xf32> -> vector<32xbf16>
          %get3A_366 = arith.index_cast %add3A_349 : i32 to index
          %get3A_367 = arith.constant 0 : index
          %get3A_368 = tpu.vector_load %arg6[%get3A_366, %get3A_367] {strides = array<i32>} : memref<256x32xbf16, #tpu.memory_space<vmem>>, vector<32xbf16>,
          %mul3A_369 = arith.mulf %get3A_368, %pack3A_365 : vector<32xbf16>
          %swap3A_370 = arith.index_cast %add3A_349 : i32 to index
          %swap3A_371 = arith.constant 0 : index
          %swap3A_372 = tpu.vector_load %arg8[%swap3A_370, %swap3A_371] {strides = array<i32>} : memref<256x32xbf16, #tpu.memory_space<vmem>>, vector<32xbf16>,
          tpu.vector_store %arg8[%swap3A_370, %swap3A_371], %mul3A_369 {strides = array<i32>} : memref<256x32xbf16, #tpu.memory_space<vmem>>, vector<32xbf16>,
          %mul3A_373 = arith.constant 4 : i32
          %mul3A_374 = arith.muli %scan3A_296, %mul3A_373 : i32
          %add3A_375 = arith.constant 3 : i32
          %add3A_376 = arith.addi %mul3A_374, %add3A_375 : i32
          %shift_right_arithmetic3A_377 = arith.constant 7 : i32
          %shift_right_arithmetic3A_378 = arith.shrsi %add3A_376, %shift_right_arithmetic3A_377 : i32
          %mul3A_379 = arith.constant 384 : i32
          %mul3A_380 = arith.muli %shift_right_arithmetic3A_378, %mul3A_379 : i32
          %add3A_381 = arith.constant 256 : i32
          %add3A_382 = arith.addi %mul3A_380, %add3A_381 : i32
          %and3A_383 = arith.constant 127 : i32
          %and3A_384 = arith.andi %add3A_376, %and3A_383 : i32
          %add3A_385 = arith.addi %add3A_382, %and3A_384 : i32
          %broadcast_in_dim3A_386 = arith.constant 0 : i32
          %broadcast_in_dim3A_387 = vector.broadcast %broadcast_in_dim3A_386 : i32 to vector<16xi32>
          %add3A_388 = vector.broadcast %add3A_385 : i32 to vector<16xi32>
          %add3A_389 = arith.addi %add3A_388, %broadcast_in_dim3A_387 : vector<16xi32>
          %gather3A_390 = tpu.vector_load_idx %arg10[%add3A_389] : memref<768xi32, #tpu.memory_space<vmem>>[vector<16xi32>], vector<16xi32>,
          %bitcast3A_391 = vector.bitcast %gather3A_390 : vector<16xi32> to vector<16xf32>
          %pack3A_392 = tpu.pack_subelements %bitcast3A_391, %bitcast3A_391 {pack_format = #tpu.pack_format<interleaved>, positions = array<i32: 0, 1>} : vector<16xf32>, vector<16xf32> -> vector<32xbf16>
          %get3A_393 = arith.index_cast %add3A_376 : i32 to index
          %get3A_394 = arith.constant 0 : index
          %get3A_395 = tpu.vector_load %arg6[%get3A_393, %get3A_394] {strides = array<i32>} : memref<256x32xbf16, #tpu.memory_space<vmem>>, vector<32xbf16>,
          %mul3A_396 = arith.mulf %get3A_395, %pack3A_392 : vector<32xbf16>
          %swap3A_397 = arith.index_cast %add3A_376 : i32 to index
          %swap3A_398 = arith.constant 0 : index
          %swap3A_399 = tpu.vector_load %arg8[%swap3A_397, %swap3A_398] {strides = array<i32>} : memref<256x32xbf16, #tpu.memory_space<vmem>>, vector<32xbf16>,
          tpu.vector_store %arg8[%swap3A_397, %swap3A_398], %mul3A_396 {strides = array<i32>} : memref<256x32xbf16, #tpu.memory_space<vmem>>, vector<32xbf16>,
          %scan3A_400 = arith.constant 0 : i32
          scf.yield %scan3A_400 : i32
        }
        %scan3A_263 = arith.constant 64 : i32
        %dma_start3A = arith.constant 0 : i32
        %dma_start3A_264 = arith.constant 0 : i32
        %dma_start3A_265 = arith.constant 0 : i32
        %dma_start3A_266 = tpu.memref_slice %arg8[%dma_start3A_264, %dma_start3A_265] : memref<256x32xbf16, #tpu.memory_space<vmem>> -> memref<128x32xbf16, #tpu.memory_space<vmem>>
        %dma_start3A_267 = arith.constant 0 : i32
        %dma_start3A_268 = tpu.memref_slice %arg12[%dma_start3A, %dma_start3A_267] : memref<2x128xi32, #tpu.memory_space<vmem>> -> memref<1x128xi32, #tpu.memory_space<vmem>>
        %dma_start3A_269 = tpu.memref_squeeze %dma_start3A_268 : memref<1x128xi32, #tpu.memory_space<vmem>> -> memref<128xi32, #tpu.memory_space<vmem>>
        %dma_start3A_270 = arith.constant 0 : i32
        %dma_start3A_271 = arith.constant 0 : i32
        %dma_start3A_272 = tpu.memref_slice %arg5[%dma_start3A_270, %dma_start3A_271] : memref<100000x32xbf16, #tpu.memory_space<vmem_shared>> -> memref<100000x32xbf16, #tpu.memory_space<vmem_shared>>
        tpu.enqueue_indirect_dma source(%dma_start3A_266 : memref<128x32xbf16, #tpu.memory_space<vmem>>) target(%dma_start3A_272 : memref<100000x32xbf16, #tpu.memory_space<vmem_shared>>) offsets(%dma_start3A_269 : memref<128xi32, #tpu.memory_space<vmem>>) semaphore(%arg17 : memref<!tpu.dma_semaphore, #tpu.memory_space<semaphore_mem>>) {add = true}
        %dma_start3A_273 = arith.constant 1 : i32
        %dma_start3A_274 = arith.constant 128 : i32
        %dma_start3A_275 = arith.constant 0 : i32
        %dma_start3A_276 = tpu.memref_slice %arg8[%dma_start3A_274, %dma_start3A_275] : memref<256x32xbf16, #tpu.memory_space<vmem>> -> memref<128x32xbf16, #tpu.memory_space<vmem>>
        %dma_start3A_277 = arith.constant 0 : i32
        %dma_start3A_278 = tpu.memref_slice %arg12[%dma_start3A_273, %dma_start3A_277] : memref<2x128xi32, #tpu.memory_space<vmem>> -> memref<1x128xi32, #tpu.memory_space<vmem>>
        %dma_start3A_279 = tpu.memref_squeeze %dma_start3A_278 : memref<1x128xi32, #tpu.memory_space<vmem>> -> memref<128xi32, #tpu.memory_space<vmem>>
        %dma_start3A_280 = arith.constant 0 : i32
        %dma_start3A_281 = arith.constant 0 : i32
        %dma_start3A_282 = tpu.memref_slice %arg5[%dma_start3A_280, %dma_start3A_281] : memref<100000x32xbf16, #tpu.memory_space<vmem_shared>> -> memref<100000x32xbf16, #tpu.memory_space<vmem_shared>>
        tpu.enqueue_indirect_dma source(%dma_start3A_276 : memref<128x32xbf16, #tpu.memory_space<vmem>>) target(%dma_start3A_282 : memref<100000x32xbf16, #tpu.memory_space<vmem_shared>>) offsets(%dma_start3A_279 : memref<128xi32, #tpu.memory_space<vmem>>) semaphore(%arg17 : memref<!tpu.dma_semaphore, #tpu.memory_space<semaphore_mem>>) {add = true}
        %add3A_283 = arith.constant 2 : i32
        %add3A_284 = arith.addi %add3A_102, %add3A_283 : i32
        %mul3A_285 = arith.constant 2 : i32
        %mul3A_286 = arith.muli %mul3A_285, %arg1 : i32
        %add3A_287 = arith.addi %arg0, %mul3A_286 : i32
        %mul3A_288 = arith.constant 32 : i32
        %mul3A_289 = arith.muli %mul3A_288, %add3A_284 : i32
        %add3A_290 = arith.addi %add3A_287, %mul3A_289 : i32
        %lt3A_291 = arith.constant 6250 : i32
        %lt3A_292 = arith.cmpi slt, %add3A_290, %lt3A_291 : i32
        %convert_element_type3A_293 = arith.extui %lt3A_292 : i1 to i32
        %cond3A_294 = arith.constant 0 : i32
        %cond3A_295 = arith.cmpi ne, %convert_element_type3A_293, %cond3A_294 : i32
        scf.if %cond3A_295 {
          %mul3A_296 = arith.constant 3 : i32
          %mul3A_297 = arith.muli %add3A_290, %mul3A_296 : i32
          %mul3A_298 = arith.constant 256 : i32
          %mul3A_299 = arith.muli %mul3A_297, %mul3A_298 : i32
          %multiple_of3A = tpu.assume_multiple %mul3A_299, 8 : i32
          %dma_start3A_300 = tpu.memref_slice %arg2[%multiple_of3A] : memref<4800000xi32, #tpu.memory_space<hbm>> -> memref<768xi32, #tpu.memory_space<hbm>>
          %dma_start3A_301 = tpu.memref_slice %arg2[%multiple_of3A] : memref<4800000xi32, #tpu.memory_space<hbm>> -> memref<768xi32, #tpu.memory_space<hbm>>
          tpu.enqueue_dma source(%dma_start3A_301 : memref<768xi32, #tpu.memory_space<hbm>>) target(%arg10 : memref<768xi32, #tpu.memory_space<vmem>>) target_semaphore(%arg19 : memref<!tpu.dma_semaphore, #tpu.memory_space<semaphore_mem>>)
        } else {
        }
      } else {
      }
      %mul3A_114 = arith.constant 2 : i32
      %mul3A_115 = arith.muli %mul3A_114, %scan3A_97 : i32
      %add3A_116 = arith.constant 1 : i32
      %add3A_117 = arith.addi %mul3A_115, %add3A_116 : i32
      %mul3A_118 = arith.constant 2 : i32
      %mul3A_119 = arith.muli %mul3A_118, %arg1 : i32
      %add3A_120 = arith.addi %arg0, %mul3A_119 : i32
      %mul3A_121 = arith.constant 32 : i32
      %mul3A_122 = arith.muli %mul3A_121, %add3A_117 : i32
      %add3A_123 = arith.addi %add3A_120, %mul3A_122 : i32
      %lt3A_124 = arith.constant 6250 : i32
      %lt3A_125 = arith.cmpi slt, %add3A_123, %lt3A_124 : i32
      %convert_element_type3A_126 = arith.extui %lt3A_125 : i1 to i32
      %cond3A_127 = arith.constant 0 : i32
      %cond3A_128 = arith.cmpi ne, %convert_element_type3A_126, %cond3A_127 : i32
      scf.if %cond3A_128 {
        %dma_wait3A_130 = arith.constant 0 : i32
        %dma_wait3A_131 = arith.constant 0 : i32
        %dma_wait3A_132 = tpu.memref_slice %arg7[%dma_wait3A_130, %dma_wait3A_131] : memref<256x32xbf16, #tpu.memory_space<vmem>> -> memref<128x32xbf16, #tpu.memory_space<vmem>>
        %dma_wait3A_133 = arith.constant 0 : i32
        %dma_wait3A_134 = tpu.memref_slice %arg11[%dma_wait3A_133] : memref<768xi32, #tpu.memory_space<vmem>> -> memref<128xi32, #tpu.memory_space<vmem>>
        %dma_wait3A_135 = arith.constant 0 : i32
        %dma_wait3A_136 = arith.constant 0 : i32
        %dma_wait3A_137 = tpu.memref_slice %arg3[%dma_wait3A_135, %dma_wait3A_136] : memref<100000x32xbf16, #tpu.memory_space<hbm>> -> memref<100000x32xbf16, #tpu.memory_space<hbm>>
        tpu.wait_indirect_dma semaphore(%arg16 : memref<!tpu.dma_semaphore, #tpu.memory_space<semaphore_mem>>) src(%dma_wait3A_137 : memref<100000x32xbf16, #tpu.memory_space<hbm>>) dst(%dma_wait3A_132 : memref<128x32xbf16, #tpu.memory_space<vmem>>)
        %dma_wait3A_138 = arith.constant 128 : i32
        %dma_wait3A_139 = arith.constant 0 : i32
        %dma_wait3A_140 = tpu.memref_slice %arg7[%dma_wait3A_138, %dma_wait3A_139] : memref<256x32xbf16, #tpu.memory_space<vmem>> -> memref<128x32xbf16, #tpu.memory_space<vmem>>
        %dma_wait3A_141 = arith.constant 384 : i32
        %dma_wait3A_142 = tpu.memref_slice %arg11[%dma_wait3A_141] : memref<768xi32, #tpu.memory_space<vmem>> -> memref<128xi32, #tpu.memory_space<vmem>>
        %dma_wait3A_143 = arith.constant 0 : i32
        %dma_wait3A_144 = arith.constant 0 : i32
        %dma_wait3A_145 = tpu.memref_slice %arg3[%dma_wait3A_143, %dma_wait3A_144] : memref<100000x32xbf16, #tpu.memory_space<hbm>> -> memref<100000x32xbf16, #tpu.memory_space<hbm>>
        tpu.wait_indirect_dma semaphore(%arg16 : memref<!tpu.dma_semaphore, #tpu.memory_space<semaphore_mem>>) src(%dma_wait3A_145 : memref<100000x32xbf16, #tpu.memory_space<hbm>>) dst(%dma_wait3A_140 : memref<128x32xbf16, #tpu.memory_space<vmem>>)
        %add3A_146 = arith.constant 1 : i32
        %add3A_147 = arith.addi %add3A_117, %add3A_146 : i32
        %mul3A_148 = arith.constant 2 : i32
        %mul3A_149 = arith.muli %mul3A_148, %arg1 : i32
        %add3A_150 = arith.addi %arg0, %mul3A_149 : i32
        %mul3A_151 = arith.constant 32 : i32
        %mul3A_152 = arith.muli %mul3A_151, %add3A_147 : i32
        %add3A_153 = arith.addi %add3A_150, %mul3A_152 : i32
        %lt3A_154 = arith.constant 6250 : i32
        %lt3A_155 = arith.cmpi slt, %add3A_153, %lt3A_154 : i32
        %convert_element_type3A_156 = arith.extui %lt3A_155 : i1 to i32
        %cond3A_157 = arith.constant 0 : i32
        %cond3A_158 = arith.cmpi ne, %convert_element_type3A_156, %cond3A_157 : i32
        scf.if %cond3A_158 {
          %mul3A_296 = arith.constant 3 : i32
          %mul3A_297 = arith.muli %add3A_153, %mul3A_296 : i32
          %mul3A_298 = arith.constant 256 : i32
          %mul3A_299 = arith.muli %mul3A_297, %mul3A_298 : i32
          %multiple_of3A = tpu.assume_multiple %mul3A_299, 8 : i32
          %dma_wait3A_300 = tpu.memref_slice %arg2[%multiple_of3A] : memref<4800000xi32, #tpu.memory_space<hbm>> -> memref<768xi32, #tpu.memory_space<hbm>>
          %dma_wait3A_301 = tpu.memref_slice %arg2[%multiple_of3A] : memref<4800000xi32, #tpu.memory_space<hbm>> -> memref<768xi32, #tpu.memory_space<hbm>>
          tpu.wait_dma2 semaphore(%arg19 : memref<!tpu.dma_semaphore, #tpu.memory_space<semaphore_mem>>) src(%dma_wait3A_301 : memref<768xi32, #tpu.memory_space<hbm>>) dst(%arg10 : memref<768xi32, #tpu.memory_space<vmem>>)
          %dma_start3A_302 = arith.constant 0 : i32
          %dma_start3A_303 = arith.constant 0 : i32
          %dma_start3A_304 = tpu.memref_slice %arg6[%dma_start3A_302, %dma_start3A_303] : memref<256x32xbf16, #tpu.memory_space<vmem>> -> memref<128x32xbf16, #tpu.memory_space<vmem>>
          %dma_start3A_305 = arith.constant 0 : i32
          %dma_start3A_306 = tpu.memref_slice %arg10[%dma_start3A_305] : memref<768xi32, #tpu.memory_space<vmem>> -> memref<128xi32, #tpu.memory_space<vmem>>
          %dma_start3A_307 = arith.constant 0 : i32
          %dma_start3A_308 = arith.constant 0 : i32
          %dma_start3A_309 = tpu.memref_slice %arg3[%dma_start3A_307, %dma_start3A_308] : memref<100000x32xbf16, #tpu.memory_space<hbm>> -> memref<100000x32xbf16, #tpu.memory_space<hbm>>
          tpu.enqueue_indirect_dma source(%dma_start3A_309 : memref<100000x32xbf16, #tpu.memory_space<hbm>>) target(%dma_start3A_304 : memref<128x32xbf16, #tpu.memory_space<vmem>>) offsets(%dma_start3A_306 : memref<128xi32, #tpu.memory_space<vmem>>) semaphore(%arg15 : memref<!tpu.dma_semaphore, #tpu.memory_space<semaphore_mem>>)
          %dma_start3A_310 = arith.constant 128 : i32
          %dma_start3A_311 = arith.constant 0 : i32
          %dma_start3A_312 = tpu.memref_slice %arg6[%dma_start3A_310, %dma_start3A_311] : memref<256x32xbf16, #tpu.memory_space<vmem>> -> memref<128x32xbf16, #tpu.memory_space<vmem>>
          %dma_start3A_313 = arith.constant 384 : i32
          %dma_start3A_314 = tpu.memref_slice %arg10[%dma_start3A_313] : memref<768xi32, #tpu.memory_space<vmem>> -> memref<128xi32, #tpu.memory_space<vmem>>
          %dma_start3A_315 = arith.constant 0 : i32
          %dma_start3A_316 = arith.constant 0 : i32
          %dma_start3A_317 = tpu.memref_slice %arg3[%dma_start3A_315, %dma_start3A_316] : memref<100000x32xbf16, #tpu.memory_space<hbm>> -> memref<100000x32xbf16, #tpu.memory_space<hbm>>
          tpu.enqueue_indirect_dma source(%dma_start3A_317 : memref<100000x32xbf16, #tpu.memory_space<hbm>>) target(%dma_start3A_312 : memref<128x32xbf16, #tpu.memory_space<vmem>>) offsets(%dma_start3A_314 : memref<128xi32, #tpu.memory_space<vmem>>) semaphore(%arg15 : memref<!tpu.dma_semaphore, #tpu.memory_space<semaphore_mem>>)
        } else {
        }
        %ge3A = arith.constant 2 : i32
        %ge3A_159 = arith.cmpi sge, %add3A_117, %ge3A : i32
        %convert_element_type3A_160 = arith.extui %ge3A_159 : i1 to i32
        %cond3A_161 = arith.constant 0 : i32
        %cond3A_162 = arith.cmpi ne, %convert_element_type3A_160, %cond3A_161 : i32
        scf.if %cond3A_162 {
          %dma_wait3A_296 = arith.constant 0 : i32
          %dma_wait3A_297 = arith.constant 0 : i32
          %dma_wait3A_298 = arith.constant 0 : i32
          %dma_wait3A_299 = tpu.memref_slice %arg9[%dma_wait3A_297, %dma_wait3A_298] : memref<256x32xbf16, #tpu.memory_space<vmem>> -> memref<128x32xbf16, #tpu.memory_space<vmem>>
          %dma_wait3A_300 = arith.constant 0 : i32
          %dma_wait3A_301 = tpu.memref_slice %arg13[%dma_wait3A_296, %dma_wait3A_300] : memref<2x128xi32, #tpu.memory_space<vmem>> -> memref<1x128xi32, #tpu.memory_space<vmem>>
          %dma_wait3A_302 = tpu.memref_squeeze %dma_wait3A_301 : memref<1x128xi32, #tpu.memory_space<vmem>> -> memref<128xi32, #tpu.memory_space<vmem>>
          %dma_wait3A_303 = arith.constant 0 : i32
          %dma_wait3A_304 = arith.constant 0 : i32
          %dma_wait3A_305 = tpu.memref_slice %arg5[%dma_wait3A_303, %dma_wait3A_304] : memref<100000x32xbf16, #tpu.memory_space<vmem_shared>> -> memref<100000x32xbf16, #tpu.memory_space<vmem_shared>>
          tpu.wait_indirect_dma semaphore(%arg18 : memref<!tpu.dma_semaphore, #tpu.memory_space<semaphore_mem>>) src(%dma_wait3A_299 : memref<128x32xbf16, #tpu.memory_space<vmem>>) dst(%dma_wait3A_305 : memref<100000x32xbf16, #tpu.memory_space<vmem_shared>>)
          %dma_wait3A_306 = arith.constant 1 : i32
          %dma_wait3A_307 = arith.constant 128 : i32
          %dma_wait3A_308 = arith.constant 0 : i32
          %dma_wait3A_309 = tpu.memref_slice %arg9[%dma_wait3A_307, %dma_wait3A_308] : memref<256x32xbf16, #tpu.memory_space<vmem>> -> memref<128x32xbf16, #tpu.memory_space<vmem>>
          %dma_wait3A_310 = arith.constant 0 : i32
          %dma_wait3A_311 = tpu.memref_slice %arg13[%dma_wait3A_306, %dma_wait3A_310] : memref<2x128xi32, #tpu.memory_space<vmem>> -> memref<1x128xi32, #tpu.memory_space<vmem>>
          %dma_wait3A_312 = tpu.memref_squeeze %dma_wait3A_311 : memref<1x128xi32, #tpu.memory_space<vmem>> -> memref<128xi32, #tpu.memory_space<vmem>>
          %dma_wait3A_313 = arith.constant 0 : i32
          %dma_wait3A_314 = arith.constant 0 : i32
          %dma_wait3A_315 = tpu.memref_slice %arg5[%dma_wait3A_313, %dma_wait3A_314] : memref<100000x32xbf16, #tpu.memory_space<vmem_shared>> -> memref<100000x32xbf16, #tpu.memory_space<vmem_shared>>
          tpu.wait_indirect_dma semaphore(%arg18 : memref<!tpu.dma_semaphore, #tpu.memory_space<semaphore_mem>>) src(%dma_wait3A_309 : memref<128x32xbf16, #tpu.memory_space<vmem>>) dst(%dma_wait3A_315 : memref<100000x32xbf16, #tpu.memory_space<vmem_shared>>)
        } else {
        }
        %get3A = arith.constant 128 : index
        %get3A_163 = tpu.vector_load %arg11[%get3A] {strides = array<i32>} : memref<768xi32, #tpu.memory_space<vmem>>, vector<16xi32>,
        %swap3A = arith.constant 0 : i32
        %swap3A_164 = arith.index_cast %swap3A : i32 to index
        %swap3A_165 = arith.constant 0 : index
        %swap3A_166 = tpu.vector_load %arg13[%swap3A_164, %swap3A_165] {strides = array<i32>} : memref<2x128xi32, #tpu.memory_space<vmem>>, vector<16xi32>,
        tpu.vector_store %arg13[%swap3A_164, %swap3A_165], %get3A_163 {strides = array<i32>} : memref<2x128xi32, #tpu.memory_space<vmem>>, vector<16xi32>,
        %get3A_167 = arith.constant 144 : index
        %get3A_168 = tpu.vector_load %arg11[%get3A_167] {strides = array<i32>} : memref<768xi32, #tpu.memory_space<vmem>>, vector<16xi32>,
        %swap3A_169 = arith.constant 0 : i32
        %swap3A_170 = arith.index_cast %swap3A_169 : i32 to index
        %swap3A_171 = arith.constant 16 : index
        %swap3A_172 = tpu.vector_load %arg13[%swap3A_170, %swap3A_171] {strides = array<i32>} : memref<2x128xi32, #tpu.memory_space<vmem>>, vector<16xi32>,
        tpu.vector_store %arg13[%swap3A_170, %swap3A_171], %get3A_168 {strides = array<i32>} : memref<2x128xi32, #tpu.memory_space<vmem>>, vector<16xi32>,
        %get3A_173 = arith.constant 160 : index
        %get3A_174 = tpu.vector_load %arg11[%get3A_173] {strides = array<i32>} : memref<768xi32, #tpu.memory_space<vmem>>, vector<16xi32>,
        %swap3A_175 = arith.constant 0 : i32
        %swap3A_176 = arith.index_cast %swap3A_175 : i32 to index
        %swap3A_177 = arith.constant 32 : index
        %swap3A_178 = tpu.vector_load %arg13[%swap3A_176, %swap3A_177] {strides = array<i32>} : memref<2x128xi32, #tpu.memory_space<vmem>>, vector<16xi32>,
        tpu.vector_store %arg13[%swap3A_176, %swap3A_177], %get3A_174 {strides = array<i32>} : memref<2x128xi32, #tpu.memory_space<vmem>>, vector<16xi32>,
        %get3A_179 = arith.constant 176 : index
        %get3A_180 = tpu.vector_load %arg11[%get3A_179] {strides = array<i32>} : memref<768xi32, #tpu.memory_space<vmem>>, vector<16xi32>,
        %swap3A_181 = arith.constant 0 : i32
        %swap3A_182 = arith.index_cast %swap3A_181 : i32 to index
        %swap3A_183 = arith.constant 48 : index
        %swap3A_184 = tpu.vector_load %arg13[%swap3A_182, %swap3A_183] {strides = array<i32>} : memref<2x128xi32, #tpu.memory_space<vmem>>, vector<16xi32>,
        tpu.vector_store %arg13[%swap3A_182, %swap3A_183], %get3A_180 {strides = array<i32>} : memref<2x128xi32, #tpu.memory_space<vmem>>, vector<16xi32>,
        %get3A_185 = arith.constant 192 : index
        %get3A_186 = tpu.vector_load %arg11[%get3A_185] {strides = array<i32>} : memref<768xi32, #tpu.memory_space<vmem>>, vector<16xi32>,
        %swap3A_187 = arith.constant 0 : i32
        %swap3A_188 = arith.index_cast %swap3A_187 : i32 to index
        %swap3A_189 = arith.constant 64 : index
        %swap3A_190 = tpu.vector_load %arg13[%swap3A_188, %swap3A_189] {strides = array<i32>} : memref<2x128xi32, #tpu.memory_space<vmem>>, vector<16xi32>,
        tpu.vector_store %arg13[%swap3A_188, %swap3A_189], %get3A_186 {strides = array<i32>} : memref<2x128xi32, #tpu.memory_space<vmem>>, vector<16xi32>,
        %get3A_191 = arith.constant 208 : index
        %get3A_192 = tpu.vector_load %arg11[%get3A_191] {strides = array<i32>} : memref<768xi32, #tpu.memory_space<vmem>>, vector<16xi32>,
        %swap3A_193 = arith.constant 0 : i32
        %swap3A_194 = arith.index_cast %swap3A_193 : i32 to index
        %swap3A_195 = arith.constant 80 : index
        %swap3A_196 = tpu.vector_load %arg13[%swap3A_194, %swap3A_195] {strides = array<i32>} : memref<2x128xi32, #tpu.memory_space<vmem>>, vector<16xi32>,
        tpu.vector_store %arg13[%swap3A_194, %swap3A_195], %get3A_192 {strides = array<i32>} : memref<2x128xi32, #tpu.memory_space<vmem>>, vector<16xi32>,
        %get3A_197 = arith.constant 224 : index
        %get3A_198 = tpu.vector_load %arg11[%get3A_197] {strides = array<i32>} : memref<768xi32, #tpu.memory_space<vmem>>, vector<16xi32>,
        %swap3A_199 = arith.constant 0 : i32
        %swap3A_200 = arith.index_cast %swap3A_199 : i32 to index
        %swap3A_201 = arith.constant 96 : index
        %swap3A_202 = tpu.vector_load %arg13[%swap3A_200, %swap3A_201] {strides = array<i32>} : memref<2x128xi32, #tpu.memory_space<vmem>>, vector<16xi32>,
        tpu.vector_store %arg13[%swap3A_200, %swap3A_201], %get3A_198 {strides = array<i32>} : memref<2x128xi32, #tpu.memory_space<vmem>>, vector<16xi32>,
        %get3A_203 = arith.constant 240 : index
        %get3A_204 = tpu.vector_load %arg11[%get3A_203] {strides = array<i32>} : memref<768xi32, #tpu.memory_space<vmem>>, vector<16xi32>,
        %swap3A_205 = arith.constant 0 : i32
        %swap3A_206 = arith.index_cast %swap3A_205 : i32 to index
        %swap3A_207 = arith.constant 112 : index
        %swap3A_208 = tpu.vector_load %arg13[%swap3A_206, %swap3A_207] {strides = array<i32>} : memref<2x128xi32, #tpu.memory_space<vmem>>, vector<16xi32>,
        tpu.vector_store %arg13[%swap3A_206, %swap3A_207], %get3A_204 {strides = array<i32>} : memref<2x128xi32, #tpu.memory_space<vmem>>, vector<16xi32>,
        %get3A_209 = arith.constant 512 : index
        %get3A_210 = tpu.vector_load %arg11[%get3A_209] {strides = array<i32>} : memref<768xi32, #tpu.memory_space<vmem>>, vector<16xi32>,
        %swap3A_211 = arith.constant 1 : i32
        %swap3A_212 = arith.index_cast %swap3A_211 : i32 to index
        %swap3A_213 = arith.constant 0 : index
        %swap3A_214 = tpu.vector_load %arg13[%swap3A_212, %swap3A_213] {strides = array<i32>} : memref<2x128xi32, #tpu.memory_space<vmem>>, vector<16xi32>,
        tpu.vector_store %arg13[%swap3A_212, %swap3A_213], %get3A_210 {strides = array<i32>} : memref<2x128xi32, #tpu.memory_space<vmem>>, vector<16xi32>,
        %get3A_215 = arith.constant 528 : index
        %get3A_216 = tpu.vector_load %arg11[%get3A_215] {strides = array<i32>} : memref<768xi32, #tpu.memory_space<vmem>>, vector<16xi32>,
        %swap3A_217 = arith.constant 1 : i32
        %swap3A_218 = arith.index_cast %swap3A_217 : i32 to index
        %swap3A_219 = arith.constant 16 : index
        %swap3A_220 = tpu.vector_load %arg13[%swap3A_218, %swap3A_219] {strides = array<i32>} : memref<2x128xi32, #tpu.memory_space<vmem>>, vector<16xi32>,
        tpu.vector_store %arg13[%swap3A_218, %swap3A_219], %get3A_216 {strides = array<i32>} : memref<2x128xi32, #tpu.memory_space<vmem>>, vector<16xi32>,
        %get3A_221 = arith.constant 544 : index
        %get3A_222 = tpu.vector_load %arg11[%get3A_221] {strides = array<i32>} : memref<768xi32, #tpu.memory_space<vmem>>, vector<16xi32>,
        %swap3A_223 = arith.constant 1 : i32
        %swap3A_224 = arith.index_cast %swap3A_223 : i32 to index
        %swap3A_225 = arith.constant 32 : index
        %swap3A_226 = tpu.vector_load %arg13[%swap3A_224, %swap3A_225] {strides = array<i32>} : memref<2x128xi32, #tpu.memory_space<vmem>>, vector<16xi32>,
        tpu.vector_store %arg13[%swap3A_224, %swap3A_225], %get3A_222 {strides = array<i32>} : memref<2x128xi32, #tpu.memory_space<vmem>>, vector<16xi32>,
        %get3A_227 = arith.constant 560 : index
        %get3A_228 = tpu.vector_load %arg11[%get3A_227] {strides = array<i32>} : memref<768xi32, #tpu.memory_space<vmem>>, vector<16xi32>,
        %swap3A_229 = arith.constant 1 : i32
        %swap3A_230 = arith.index_cast %swap3A_229 : i32 to index
        %swap3A_231 = arith.constant 48 : index
        %swap3A_232 = tpu.vector_load %arg13[%swap3A_230, %swap3A_231] {strides = array<i32>} : memref<2x128xi32, #tpu.memory_space<vmem>>, vector<16xi32>,
        tpu.vector_store %arg13[%swap3A_230, %swap3A_231], %get3A_228 {strides = array<i32>} : memref<2x128xi32, #tpu.memory_space<vmem>>, vector<16xi32>,
        %get3A_233 = arith.constant 576 : index
        %get3A_234 = tpu.vector_load %arg11[%get3A_233] {strides = array<i32>} : memref<768xi32, #tpu.memory_space<vmem>>, vector<16xi32>,
        %swap3A_235 = arith.constant 1 : i32
        %swap3A_236 = arith.index_cast %swap3A_235 : i32 to index
        %swap3A_237 = arith.constant 64 : index
        %swap3A_238 = tpu.vector_load %arg13[%swap3A_236, %swap3A_237] {strides = array<i32>} : memref<2x128xi32, #tpu.memory_space<vmem>>, vector<16xi32>,
        tpu.vector_store %arg13[%swap3A_236, %swap3A_237], %get3A_234 {strides = array<i32>} : memref<2x128xi32, #tpu.memory_space<vmem>>, vector<16xi32>,
        %get3A_239 = arith.constant 592 : index
        %get3A_240 = tpu.vector_load %arg11[%get3A_239] {strides = array<i32>} : memref<768xi32, #tpu.memory_space<vmem>>, vector<16xi32>,
        %swap3A_241 = arith.constant 1 : i32
        %swap3A_242 = arith.index_cast %swap3A_241 : i32 to index
        %swap3A_243 = arith.constant 80 : index
        %swap3A_244 = tpu.vector_load %arg13[%swap3A_242, %swap3A_243] {strides = array<i32>} : memref<2x128xi32, #tpu.memory_space<vmem>>, vector<16xi32>,
        tpu.vector_store %arg13[%swap3A_242, %swap3A_243], %get3A_240 {strides = array<i32>} : memref<2x128xi32, #tpu.memory_space<vmem>>, vector<16xi32>,
        %get3A_245 = arith.constant 608 : index
        %get3A_246 = tpu.vector_load %arg11[%get3A_245] {strides = array<i32>} : memref<768xi32, #tpu.memory_space<vmem>>, vector<16xi32>,
        %swap3A_247 = arith.constant 1 : i32
        %swap3A_248 = arith.index_cast %swap3A_247 : i32 to index
        %swap3A_249 = arith.constant 96 : index
        %swap3A_250 = tpu.vector_load %arg13[%swap3A_248, %swap3A_249] {strides = array<i32>} : memref<2x128xi32, #tpu.memory_space<vmem>>, vector<16xi32>,
        tpu.vector_store %arg13[%swap3A_248, %swap3A_249], %get3A_246 {strides = array<i32>} : memref<2x128xi32, #tpu.memory_space<vmem>>, vector<16xi32>,
        %get3A_251 = arith.constant 624 : index
        %get3A_252 = tpu.vector_load %arg11[%get3A_251] {strides = array<i32>} : memref<768xi32, #tpu.memory_space<vmem>>, vector<16xi32>,
        %swap3A_253 = arith.constant 1 : i32
        %swap3A_254 = arith.index_cast %swap3A_253 : i32 to index
        %swap3A_255 = arith.constant 112 : index
        %swap3A_256 = tpu.vector_load %arg13[%swap3A_254, %swap3A_255] {strides = array<i32>} : memref<2x128xi32, #tpu.memory_space<vmem>>, vector<16xi32>,
        tpu.vector_store %arg13[%swap3A_254, %swap3A_255], %get3A_252 {strides = array<i32>} : memref<2x128xi32, #tpu.memory_space<vmem>>, vector<16xi32>,
        %scan3A_257 = arith.constant 0 : i32
        %scan3A_258 = arith.constant 0 : i32
        %scan3A_259 = arith.constant 64 : i32
        %scan3A_260 = arith.addi %scan3A_258, %scan3A_259 : i32
        %scan3A_261 = arith.constant 1 : i32
        %scan3A_262 = scf.for %scan3A_296 = %scan3A_258 to %scan3A_260 step %scan3A_261 iter_args(%scan3A_297 = %scan3A_257) -> (i32)  : i32 {
          %mul3A_298 = arith.constant 4 : i32
          %mul3A_299 = arith.muli %scan3A_296, %mul3A_298 : i32
          %add3A_300 = arith.constant 0 : i32
          %add3A_301 = arith.addi %mul3A_299, %add3A_300 : i32
          %shift_right_arithmetic3A = arith.constant 7 : i32
          %shift_right_arithmetic3A_302 = arith.shrsi %add3A_301, %shift_right_arithmetic3A : i32
          %mul3A_303 = arith.constant 384 : i32
          %mul3A_304 = arith.muli %shift_right_arithmetic3A_302, %mul3A_303 : i32
          %add3A_305 = arith.constant 256 : i32
          %add3A_306 = arith.addi %mul3A_304, %add3A_305 : i32
          %and3A = arith.constant 127 : i32
          %and3A_307 = arith.andi %add3A_301, %and3A : i32
          %add3A_308 = arith.addi %add3A_306, %and3A_307 : i32
          %broadcast_in_dim3A = arith.constant 0 : i32
          %broadcast_in_dim3A_309 = vector.broadcast %broadcast_in_dim3A : i32 to vector<16xi32>
          %add3A_310 = vector.broadcast %add3A_308 : i32 to vector<16xi32>
          %add3A_311 = arith.addi %add3A_310, %broadcast_in_dim3A_309 : vector<16xi32>
          %gather3A = tpu.vector_load_idx %arg11[%add3A_311] : memref<768xi32, #tpu.memory_space<vmem>>[vector<16xi32>], vector<16xi32>,
          %bitcast3A = vector.bitcast %gather3A : vector<16xi32> to vector<16xf32>
          %pack3A = tpu.pack_subelements %bitcast3A, %bitcast3A {pack_format = #tpu.pack_format<interleaved>, positions = array<i32: 0, 1>} : vector<16xf32>, vector<16xf32> -> vector<32xbf16>
          %get3A_312 = arith.index_cast %add3A_301 : i32 to index
          %get3A_313 = arith.constant 0 : index
          %get3A_314 = tpu.vector_load %arg7[%get3A_312, %get3A_313] {strides = array<i32>} : memref<256x32xbf16, #tpu.memory_space<vmem>>, vector<32xbf16>,
          %mul3A_315 = arith.mulf %get3A_314, %pack3A : vector<32xbf16>
          %swap3A_316 = arith.index_cast %add3A_301 : i32 to index
          %swap3A_317 = arith.constant 0 : index
          %swap3A_318 = tpu.vector_load %arg9[%swap3A_316, %swap3A_317] {strides = array<i32>} : memref<256x32xbf16, #tpu.memory_space<vmem>>, vector<32xbf16>,
          tpu.vector_store %arg9[%swap3A_316, %swap3A_317], %mul3A_315 {strides = array<i32>} : memref<256x32xbf16, #tpu.memory_space<vmem>>, vector<32xbf16>,
          %mul3A_319 = arith.constant 4 : i32
          %mul3A_320 = arith.muli %scan3A_296, %mul3A_319 : i32
          %add3A_321 = arith.constant 1 : i32
          %add3A_322 = arith.addi %mul3A_320, %add3A_321 : i32
          %shift_right_arithmetic3A_323 = arith.constant 7 : i32
          %shift_right_arithmetic3A_324 = arith.shrsi %add3A_322, %shift_right_arithmetic3A_323 : i32
          %mul3A_325 = arith.constant 384 : i32
          %mul3A_326 = arith.muli %shift_right_arithmetic3A_324, %mul3A_325 : i32
          %add3A_327 = arith.constant 256 : i32
          %add3A_328 = arith.addi %mul3A_326, %add3A_327 : i32
          %and3A_329 = arith.constant 127 : i32
          %and3A_330 = arith.andi %add3A_322, %and3A_329 : i32
          %add3A_331 = arith.addi %add3A_328, %and3A_330 : i32
          %broadcast_in_dim3A_332 = arith.constant 0 : i32
          %broadcast_in_dim3A_333 = vector.broadcast %broadcast_in_dim3A_332 : i32 to vector<16xi32>
          %add3A_334 = vector.broadcast %add3A_331 : i32 to vector<16xi32>
          %add3A_335 = arith.addi %add3A_334, %broadcast_in_dim3A_333 : vector<16xi32>
          %gather3A_336 = tpu.vector_load_idx %arg11[%add3A_335] : memref<768xi32, #tpu.memory_space<vmem>>[vector<16xi32>], vector<16xi32>,
          %bitcast3A_337 = vector.bitcast %gather3A_336 : vector<16xi32> to vector<16xf32>
          %pack3A_338 = tpu.pack_subelements %bitcast3A_337, %bitcast3A_337 {pack_format = #tpu.pack_format<interleaved>, positions = array<i32: 0, 1>} : vector<16xf32>, vector<16xf32> -> vector<32xbf16>
          %get3A_339 = arith.index_cast %add3A_322 : i32 to index
          %get3A_340 = arith.constant 0 : index
          %get3A_341 = tpu.vector_load %arg7[%get3A_339, %get3A_340] {strides = array<i32>} : memref<256x32xbf16, #tpu.memory_space<vmem>>, vector<32xbf16>,
          %mul3A_342 = arith.mulf %get3A_341, %pack3A_338 : vector<32xbf16>
          %swap3A_343 = arith.index_cast %add3A_322 : i32 to index
          %swap3A_344 = arith.constant 0 : index
          %swap3A_345 = tpu.vector_load %arg9[%swap3A_343, %swap3A_344] {strides = array<i32>} : memref<256x32xbf16, #tpu.memory_space<vmem>>, vector<32xbf16>,
          tpu.vector_store %arg9[%swap3A_343, %swap3A_344], %mul3A_342 {strides = array<i32>} : memref<256x32xbf16, #tpu.memory_space<vmem>>, vector<32xbf16>,
          %mul3A_346 = arith.constant 4 : i32
          %mul3A_347 = arith.muli %scan3A_296, %mul3A_346 : i32
          %add3A_348 = arith.constant 2 : i32
          %add3A_349 = arith.addi %mul3A_347, %add3A_348 : i32
          %shift_right_arithmetic3A_350 = arith.constant 7 : i32
          %shift_right_arithmetic3A_351 = arith.shrsi %add3A_349, %shift_right_arithmetic3A_350 : i32
          %mul3A_352 = arith.constant 384 : i32
          %mul3A_353 = arith.muli %shift_right_arithmetic3A_351, %mul3A_352 : i32
          %add3A_354 = arith.constant 256 : i32
          %add3A_355 = arith.addi %mul3A_353, %add3A_354 : i32
          %and3A_356 = arith.constant 127 : i32
          %and3A_357 = arith.andi %add3A_349, %and3A_356 : i32
          %add3A_358 = arith.addi %add3A_355, %and3A_357 : i32
          %broadcast_in_dim3A_359 = arith.constant 0 : i32
          %broadcast_in_dim3A_360 = vector.broadcast %broadcast_in_dim3A_359 : i32 to vector<16xi32>
          %add3A_361 = vector.broadcast %add3A_358 : i32 to vector<16xi32>
          %add3A_362 = arith.addi %add3A_361, %broadcast_in_dim3A_360 : vector<16xi32>
          %gather3A_363 = tpu.vector_load_idx %arg11[%add3A_362] : memref<768xi32, #tpu.memory_space<vmem>>[vector<16xi32>], vector<16xi32>,
          %bitcast3A_364 = vector.bitcast %gather3A_363 : vector<16xi32> to vector<16xf32>
          %pack3A_365 = tpu.pack_subelements %bitcast3A_364, %bitcast3A_364 {pack_format = #tpu.pack_format<interleaved>, positions = array<i32: 0, 1>} : vector<16xf32>, vector<16xf32> -> vector<32xbf16>
          %get3A_366 = arith.index_cast %add3A_349 : i32 to index
          %get3A_367 = arith.constant 0 : index
          %get3A_368 = tpu.vector_load %arg7[%get3A_366, %get3A_367] {strides = array<i32>} : memref<256x32xbf16, #tpu.memory_space<vmem>>, vector<32xbf16>,
          %mul3A_369 = arith.mulf %get3A_368, %pack3A_365 : vector<32xbf16>
          %swap3A_370 = arith.index_cast %add3A_349 : i32 to index
          %swap3A_371 = arith.constant 0 : index
          %swap3A_372 = tpu.vector_load %arg9[%swap3A_370, %swap3A_371] {strides = array<i32>} : memref<256x32xbf16, #tpu.memory_space<vmem>>, vector<32xbf16>,
          tpu.vector_store %arg9[%swap3A_370, %swap3A_371], %mul3A_369 {strides = array<i32>} : memref<256x32xbf16, #tpu.memory_space<vmem>>, vector<32xbf16>,
          %mul3A_373 = arith.constant 4 : i32
          %mul3A_374 = arith.muli %scan3A_296, %mul3A_373 : i32
          %add3A_375 = arith.constant 3 : i32
          %add3A_376 = arith.addi %mul3A_374, %add3A_375 : i32
          %shift_right_arithmetic3A_377 = arith.constant 7 : i32
          %shift_right_arithmetic3A_378 = arith.shrsi %add3A_376, %shift_right_arithmetic3A_377 : i32
          %mul3A_379 = arith.constant 384 : i32
          %mul3A_380 = arith.muli %shift_right_arithmetic3A_378, %mul3A_379 : i32
          %add3A_381 = arith.constant 256 : i32
          %add3A_382 = arith.addi %mul3A_380, %add3A_381 : i32
          %and3A_383 = arith.constant 127 : i32
          %and3A_384 = arith.andi %add3A_376, %and3A_383 : i32
          %add3A_385 = arith.addi %add3A_382, %and3A_384 : i32
          %broadcast_in_dim3A_386 = arith.constant 0 : i32
          %broadcast_in_dim3A_387 = vector.broadcast %broadcast_in_dim3A_386 : i32 to vector<16xi32>
          %add3A_388 = vector.broadcast %add3A_385 : i32 to vector<16xi32>
          %add3A_389 = arith.addi %add3A_388, %broadcast_in_dim3A_387 : vector<16xi32>
          %gather3A_390 = tpu.vector_load_idx %arg11[%add3A_389] : memref<768xi32, #tpu.memory_space<vmem>>[vector<16xi32>], vector<16xi32>,
          %bitcast3A_391 = vector.bitcast %gather3A_390 : vector<16xi32> to vector<16xf32>
          %pack3A_392 = tpu.pack_subelements %bitcast3A_391, %bitcast3A_391 {pack_format = #tpu.pack_format<interleaved>, positions = array<i32: 0, 1>} : vector<16xf32>, vector<16xf32> -> vector<32xbf16>
          %get3A_393 = arith.index_cast %add3A_376 : i32 to index
          %get3A_394 = arith.constant 0 : index
          %get3A_395 = tpu.vector_load %arg7[%get3A_393, %get3A_394] {strides = array<i32>} : memref<256x32xbf16, #tpu.memory_space<vmem>>, vector<32xbf16>,
          %mul3A_396 = arith.mulf %get3A_395, %pack3A_392 : vector<32xbf16>
          %swap3A_397 = arith.index_cast %add3A_376 : i32 to index
          %swap3A_398 = arith.constant 0 : index
          %swap3A_399 = tpu.vector_load %arg9[%swap3A_397, %swap3A_398] {strides = array<i32>} : memref<256x32xbf16, #tpu.memory_space<vmem>>, vector<32xbf16>,
          tpu.vector_store %arg9[%swap3A_397, %swap3A_398], %mul3A_396 {strides = array<i32>} : memref<256x32xbf16, #tpu.memory_space<vmem>>, vector<32xbf16>,
          %scan3A_400 = arith.constant 0 : i32
          scf.yield %scan3A_400 : i32
        }
        %scan3A_263 = arith.constant 64 : i32
        %dma_start3A = arith.constant 0 : i32
        %dma_start3A_264 = arith.constant 0 : i32
        %dma_start3A_265 = arith.constant 0 : i32
        %dma_start3A_266 = tpu.memref_slice %arg9[%dma_start3A_264, %dma_start3A_265] : memref<256x32xbf16, #tpu.memory_space<vmem>> -> memref<128x32xbf16, #tpu.memory_space<vmem>>
        %dma_start3A_267 = arith.constant 0 : i32
        %dma_start3A_268 = tpu.memref_slice %arg13[%dma_start3A, %dma_start3A_267] : memref<2x128xi32, #tpu.memory_space<vmem>> -> memref<1x128xi32, #tpu.memory_space<vmem>>
        %dma_start3A_269 = tpu.memref_squeeze %dma_start3A_268 : memref<1x128xi32, #tpu.memory_space<vmem>> -> memref<128xi32, #tpu.memory_space<vmem>>
        %dma_start3A_270 = arith.constant 0 : i32
        %dma_start3A_271 = arith.constant 0 : i32
        %dma_start3A_272 = tpu.memref_slice %arg5[%dma_start3A_270, %dma_start3A_271] : memref<100000x32xbf16, #tpu.memory_space<vmem_shared>> -> memref<100000x32xbf16, #tpu.memory_space<vmem_shared>>
        tpu.enqueue_indirect_dma source(%dma_start3A_266 : memref<128x32xbf16, #tpu.memory_space<vmem>>) target(%dma_start3A_272 : memref<100000x32xbf16, #tpu.memory_space<vmem_shared>>) offsets(%dma_start3A_269 : memref<128xi32, #tpu.memory_space<vmem>>) semaphore(%arg18 : memref<!tpu.dma_semaphore, #tpu.memory_space<semaphore_mem>>) {add = true}
        %dma_start3A_273 = arith.constant 1 : i32
        %dma_start3A_274 = arith.constant 128 : i32
        %dma_start3A_275 = arith.constant 0 : i32
        %dma_start3A_276 = tpu.memref_slice %arg9[%dma_start3A_274, %dma_start3A_275] : memref<256x32xbf16, #tpu.memory_space<vmem>> -> memref<128x32xbf16, #tpu.memory_space<vmem>>
        %dma_start3A_277 = arith.constant 0 : i32
        %dma_start3A_278 = tpu.memref_slice %arg13[%dma_start3A_273, %dma_start3A_277] : memref<2x128xi32, #tpu.memory_space<vmem>> -> memref<1x128xi32, #tpu.memory_space<vmem>>
        %dma_start3A_279 = tpu.memref_squeeze %dma_start3A_278 : memref<1x128xi32, #tpu.memory_space<vmem>> -> memref<128xi32, #tpu.memory_space<vmem>>
        %dma_start3A_280 = arith.constant 0 : i32
        %dma_start3A_281 = arith.constant 0 : i32
        %dma_start3A_282 = tpu.memref_slice %arg5[%dma_start3A_280, %dma_start3A_281] : memref<100000x32xbf16, #tpu.memory_space<vmem_shared>> -> memref<100000x32xbf16, #tpu.memory_space<vmem_shared>>
        tpu.enqueue_indirect_dma source(%dma_start3A_276 : memref<128x32xbf16, #tpu.memory_space<vmem>>) target(%dma_start3A_282 : memref<100000x32xbf16, #tpu.memory_space<vmem_shared>>) offsets(%dma_start3A_279 : memref<128xi32, #tpu.memory_space<vmem>>) semaphore(%arg18 : memref<!tpu.dma_semaphore, #tpu.memory_space<semaphore_mem>>) {add = true}
        %add3A_283 = arith.constant 2 : i32
        %add3A_284 = arith.addi %add3A_117, %add3A_283 : i32
        %mul3A_285 = arith.constant 2 : i32
        %mul3A_286 = arith.muli %mul3A_285, %arg1 : i32
        %add3A_287 = arith.addi %arg0, %mul3A_286 : i32
        %mul3A_288 = arith.constant 32 : i32
        %mul3A_289 = arith.muli %mul3A_288, %add3A_284 : i32
        %add3A_290 = arith.addi %add3A_287, %mul3A_289 : i32
        %lt3A_291 = arith.constant 6250 : i32
        %lt3A_292 = arith.cmpi slt, %add3A_290, %lt3A_291 : i32
        %convert_element_type3A_293 = arith.extui %lt3A_292 : i1 to i32
        %cond3A_294 = arith.constant 0 : i32
        %cond3A_295 = arith.cmpi ne, %convert_element_type3A_293, %cond3A_294 : i32
        scf.if %cond3A_295 {
          %mul3A_296 = arith.constant 3 : i32
          %mul3A_297 = arith.muli %add3A_290, %mul3A_296 : i32
          %mul3A_298 = arith.constant 256 : i32
          %mul3A_299 = arith.muli %mul3A_297, %mul3A_298 : i32
          %multiple_of3A = tpu.assume_multiple %mul3A_299, 8 : i32
          %dma_start3A_300 = tpu.memref_slice %arg2[%multiple_of3A] : memref<4800000xi32, #tpu.memory_space<hbm>> -> memref<768xi32, #tpu.memory_space<hbm>>
          %dma_start3A_301 = tpu.memref_slice %arg2[%multiple_of3A] : memref<4800000xi32, #tpu.memory_space<hbm>> -> memref<768xi32, #tpu.memory_space<hbm>>
          tpu.enqueue_dma source(%dma_start3A_301 : memref<768xi32, #tpu.memory_space<hbm>>) target(%arg11 : memref<768xi32, #tpu.memory_space<vmem>>) target_semaphore(%arg20 : memref<!tpu.dma_semaphore, #tpu.memory_space<semaphore_mem>>)
        } else {
        }
      } else {
      }
      %scan3A_129 = arith.constant 0 : i32
      scf.yield %scan3A_129 : i32
    }
    %scan3A_53 = arith.constant 98 : i32
    %dma_wait3A = arith.constant 0 : i32
    %dma_wait3A_54 = arith.constant 0 : i32
    %dma_wait3A_55 = arith.constant 0 : i32
    %dma_wait3A_56 = tpu.memref_slice %arg8[%dma_wait3A_54, %dma_wait3A_55] : memref<256x32xbf16, #tpu.memory_space<vmem>> -> memref<128x32xbf16, #tpu.memory_space<vmem>>
    %dma_wait3A_57 = arith.constant 0 : i32
    %dma_wait3A_58 = tpu.memref_slice %arg12[%dma_wait3A, %dma_wait3A_57] : memref<2x128xi32, #tpu.memory_space<vmem>> -> memref<1x128xi32, #tpu.memory_space<vmem>>
    %dma_wait3A_59 = tpu.memref_squeeze %dma_wait3A_58 : memref<1x128xi32, #tpu.memory_space<vmem>> -> memref<128xi32, #tpu.memory_space<vmem>>
    %dma_wait3A_60 = arith.constant 0 : i32
    %dma_wait3A_61 = arith.constant 0 : i32
    %dma_wait3A_62 = tpu.memref_slice %arg5[%dma_wait3A_60, %dma_wait3A_61] : memref<100000x32xbf16, #tpu.memory_space<vmem_shared>> -> memref<100000x32xbf16, #tpu.memory_space<vmem_shared>>
    tpu.wait_indirect_dma semaphore(%arg17 : memref<!tpu.dma_semaphore, #tpu.memory_space<semaphore_mem>>) src(%dma_wait3A_56 : memref<128x32xbf16, #tpu.memory_space<vmem>>) dst(%dma_wait3A_62 : memref<100000x32xbf16, #tpu.memory_space<vmem_shared>>)
    %dma_wait3A_63 = arith.constant 1 : i32
    %dma_wait3A_64 = arith.constant 128 : i32
    %dma_wait3A_65 = arith.constant 0 : i32
    %dma_wait3A_66 = tpu.memref_slice %arg8[%dma_wait3A_64, %dma_wait3A_65] : memref<256x32xbf16, #tpu.memory_space<vmem>> -> memref<128x32xbf16, #tpu.memory_space<vmem>>
    %dma_wait3A_67 = arith.constant 0 : i32
    %dma_wait3A_68 = tpu.memref_slice %arg12[%dma_wait3A_63, %dma_wait3A_67] : memref<2x128xi32, #tpu.memory_space<vmem>> -> memref<1x128xi32, #tpu.memory_space<vmem>>
    %dma_wait3A_69 = tpu.memref_squeeze %dma_wait3A_68 : memref<1x128xi32, #tpu.memory_space<vmem>> -> memref<128xi32, #tpu.memory_space<vmem>>
    %dma_wait3A_70 = arith.constant 0 : i32
    %dma_wait3A_71 = arith.constant 0 : i32
    %dma_wait3A_72 = tpu.memref_slice %arg5[%dma_wait3A_70, %dma_wait3A_71] : memref<100000x32xbf16, #tpu.memory_space<vmem_shared>> -> memref<100000x32xbf16, #tpu.memory_space<vmem_shared>>
    tpu.wait_indirect_dma semaphore(%arg17 : memref<!tpu.dma_semaphore, #tpu.memory_space<semaphore_mem>>) src(%dma_wait3A_66 : memref<128x32xbf16, #tpu.memory_space<vmem>>) dst(%dma_wait3A_72 : memref<100000x32xbf16, #tpu.memory_space<vmem_shared>>)
    %dma_wait3A_73 = arith.constant 0 : i32
    %dma_wait3A_74 = arith.constant 0 : i32
    %dma_wait3A_75 = arith.constant 0 : i32
    %dma_wait3A_76 = tpu.memref_slice %arg9[%dma_wait3A_74, %dma_wait3A_75] : memref<256x32xbf16, #tpu.memory_space<vmem>> -> memref<128x32xbf16, #tpu.memory_space<vmem>>
    %dma_wait3A_77 = arith.constant 0 : i32
    %dma_wait3A_78 = tpu.memref_slice %arg13[%dma_wait3A_73, %dma_wait3A_77] : memref<2x128xi32, #tpu.memory_space<vmem>> -> memref<1x128xi32, #tpu.memory_space<vmem>>
    %dma_wait3A_79 = tpu.memref_squeeze %dma_wait3A_78 : memref<1x128xi32, #tpu.memory_space<vmem>> -> memref<128xi32, #tpu.memory_space<vmem>>
    %dma_wait3A_80 = arith.constant 0 : i32
    %dma_wait3A_81 = arith.constant 0 : i32
    %dma_wait3A_82 = tpu.memref_slice %arg5[%dma_wait3A_80, %dma_wait3A_81] : memref<100000x32xbf16, #tpu.memory_space<vmem_shared>> -> memref<100000x32xbf16, #tpu.memory_space<vmem_shared>>
    tpu.wait_indirect_dma semaphore(%arg18 : memref<!tpu.dma_semaphore, #tpu.memory_space<semaphore_mem>>) src(%dma_wait3A_76 : memref<128x32xbf16, #tpu.memory_space<vmem>>) dst(%dma_wait3A_82 : memref<100000x32xbf16, #tpu.memory_space<vmem_shared>>)
    %dma_wait3A_83 = arith.constant 1 : i32
    %dma_wait3A_84 = arith.constant 128 : i32
    %dma_wait3A_85 = arith.constant 0 : i32
    %dma_wait3A_86 = tpu.memref_slice %arg9[%dma_wait3A_84, %dma_wait3A_85] : memref<256x32xbf16, #tpu.memory_space<vmem>> -> memref<128x32xbf16, #tpu.memory_space<vmem>>
    %dma_wait3A_87 = arith.constant 0 : i32
    %dma_wait3A_88 = tpu.memref_slice %arg13[%dma_wait3A_83, %dma_wait3A_87] : memref<2x128xi32, #tpu.memory_space<vmem>> -> memref<1x128xi32, #tpu.memory_space<vmem>>
    %dma_wait3A_89 = tpu.memref_squeeze %dma_wait3A_88 : memref<1x128xi32, #tpu.memory_space<vmem>> -> memref<128xi32, #tpu.memory_space<vmem>>
    %dma_wait3A_90 = arith.constant 0 : i32
    %dma_wait3A_91 = arith.constant 0 : i32
    %dma_wait3A_92 = tpu.memref_slice %arg5[%dma_wait3A_90, %dma_wait3A_91] : memref<100000x32xbf16, #tpu.memory_space<vmem_shared>> -> memref<100000x32xbf16, #tpu.memory_space<vmem_shared>>
    tpu.wait_indirect_dma semaphore(%arg18 : memref<!tpu.dma_semaphore, #tpu.memory_space<semaphore_mem>>) src(%dma_wait3A_86 : memref<128x32xbf16, #tpu.memory_space<vmem>>) dst(%dma_wait3A_92 : memref<100000x32xbf16, #tpu.memory_space<vmem_shared>>)
    %barrier3A_93 = arith.constant 0 : index
    tpu.barrier barrier_id(%barrier3A_93)
    %mul3A_94 = arith.constant 100000 : i32
    %mul3A_95 = arith.muli %arg0, %mul3A_94 : i32
    %add3A_96 = arith.addi %mul3A_95, %mul3A_22 : i32
    "tpu.region"() ({
      %run_scoped3A = tpu.sem_alloc : memref<!tpu.dma_semaphore, #tpu.memory_space<semaphore_mem>>
      %dma_start3A = arith.constant 0 : i32
      %dma_start3A_97 = tpu.memref_slice %arg4[%add3A_96, %dma_start3A] : memref<200000x32xbf16, #tpu.memory_space<hbm>> -> memref<6250x32xbf16, #tpu.memory_space<hbm>>
      %dma_start3A_98 = arith.constant 0 : i32
      %dma_start3A_99 = tpu.memref_slice %arg5[%mul3A_22, %dma_start3A_98] : memref<100000x32xbf16, #tpu.memory_space<vmem_shared>> -> memref<6250x32xbf16, #tpu.memory_space<vmem_shared>>
      tpu.enqueue_dma source(%dma_start3A_99 : memref<6250x32xbf16, #tpu.memory_space<vmem_shared>>) target(%dma_start3A_97 : memref<6250x32xbf16, #tpu.memory_space<hbm>>) target_semaphore(%run_scoped3A : memref<!tpu.dma_semaphore, #tpu.memory_space<semaphore_mem>>)
      %dma_wait3A_100 = arith.constant 0 : i32
      %dma_wait3A_101 = tpu.memref_slice %arg4[%add3A_96, %dma_wait3A_100] : memref<200000x32xbf16, #tpu.memory_space<hbm>> -> memref<6250x32xbf16, #tpu.memory_space<hbm>>
      %dma_wait3A_102 = arith.constant 0 : i32
      %dma_wait3A_103 = tpu.memref_slice %arg5[%mul3A_22, %dma_wait3A_102] : memref<100000x32xbf16, #tpu.memory_space<vmem_shared>> -> memref<6250x32xbf16, #tpu.memory_space<vmem_shared>>
      tpu.wait_dma2 semaphore(%run_scoped3A : memref<!tpu.dma_semaphore, #tpu.memory_space<semaphore_mem>>) src(%dma_wait3A_103 : memref<6250x32xbf16, #tpu.memory_space<vmem_shared>>) dst(%dma_wait3A_101 : memref<6250x32xbf16, #tpu.memory_space<hbm>>)
      tpu.yield
    }) : () -> ()
    return
  }
}

#map = affine_map<(d0, d1) -> (0)>
#map1 = affine_map<(d0, d1) -> (0, 0)>
module attributes {stable_mosaic.version = 14 : i64} {
  func.func @_phase_b(%arg0: i32, %arg1: i32, %arg2: memref<4800000xi32, #tpu.memory_space<hbm>>, %arg3: memref<100000x32xf32, #tpu.memory_space<hbm>>, %arg4: memref<100000x40xf32, #tpu.memory_space<hbm>>, %arg5: memref<1600000xf32, #tpu.memory_space<hbm>>, %arg6: memref<512x32xf32, #tpu.memory_space<vmem>>, %arg7: memref<512x32xf32, #tpu.memory_space<vmem>>, %arg8: memref<512x40xf32, #tpu.memory_space<vmem>>, %arg9: memref<512x40xf32, #tpu.memory_space<vmem>>, %arg10: memref<1536xi32, #tpu.memory_space<vmem>>, %arg11: memref<1536xi32, #tpu.memory_space<vmem>>, %arg12: memref<512xf32, #tpu.memory_space<vmem>>, %arg13: memref<!tpu.dma_semaphore, #tpu.memory_space<semaphore_mem>>, %arg14: memref<!tpu.dma_semaphore, #tpu.memory_space<semaphore_mem>>) attributes {dimension_semantics = [#tpu.dimension_semantics<core_parallel>, #tpu.dimension_semantics<subcore_parallel>], iteration_bounds = array<i64: 2, 16>, scalar_prefetch = 0 : i64, scratch_operands = 9 : i64, tpu.core_type = #tpu.core_type<sc_vector_subcore>, window_params = [{transform_indices = #map}, {transform_indices = #map1}, {transform_indices = #map1}, {transform_indices = #map}]} {
    %mul3A = arith.constant 2 : i32
    %mul3A_0 = arith.muli %arg1, %mul3A : i32
    %add3A = arith.addi %mul3A_0, %arg0 : i32
    %add3A_1 = arith.constant 0 : i32
    %add3A_2 = arith.addi %add3A, %add3A_1 : i32
    %lt3A = arith.constant 3125 : i32
    %lt3A_3 = arith.cmpi slt, %add3A_2, %lt3A : i32
    %convert_element_type3A = arith.extui %lt3A_3 : i1 to i32
    %cond3A = arith.constant 0 : i32
    %cond3A_4 = arith.cmpi ne, %convert_element_type3A, %cond3A : i32
    scf.if %cond3A_4 {
      %mul3A_11 = arith.constant 3 : i32
      %mul3A_12 = arith.muli %add3A_2, %mul3A_11 : i32
      %mul3A_13 = arith.constant 512 : i32
      %mul3A_14 = arith.muli %mul3A_12, %mul3A_13 : i32
      %multiple_of3A = tpu.assume_multiple %mul3A_14, 8 : i32
      "tpu.region"() ({
        %run_scoped3A = tpu.sem_alloc : memref<!tpu.dma_semaphore, #tpu.memory_space<semaphore_mem>>
        %dma_start3A_78 = tpu.memref_slice %arg2[%multiple_of3A] : memref<4800000xi32, #tpu.memory_space<hbm>> -> memref<1536xi32, #tpu.memory_space<hbm>>
        %dma_start3A_79 = tpu.memref_slice %arg2[%multiple_of3A] : memref<4800000xi32, #tpu.memory_space<hbm>> -> memref<1536xi32, #tpu.memory_space<hbm>>
        tpu.enqueue_dma source(%dma_start3A_79 : memref<1536xi32, #tpu.memory_space<hbm>>) target(%arg10 : memref<1536xi32, #tpu.memory_space<vmem>>) target_semaphore(%run_scoped3A : memref<!tpu.dma_semaphore, #tpu.memory_space<semaphore_mem>>)
        %dma_wait3A = tpu.memref_slice %arg2[%multiple_of3A] : memref<4800000xi32, #tpu.memory_space<hbm>> -> memref<1536xi32, #tpu.memory_space<hbm>>
        %dma_wait3A_80 = tpu.memref_slice %arg2[%multiple_of3A] : memref<4800000xi32, #tpu.memory_space<hbm>> -> memref<1536xi32, #tpu.memory_space<hbm>>
        tpu.wait_dma2 semaphore(%run_scoped3A : memref<!tpu.dma_semaphore, #tpu.memory_space<semaphore_mem>>) src(%dma_wait3A_80 : memref<1536xi32, #tpu.memory_space<hbm>>) dst(%arg10 : memref<1536xi32, #tpu.memory_space<vmem>>)
        tpu.yield
      }) : () -> ()
      %dma_start3A = arith.constant 0 : i32
      %dma_start3A_15 = arith.constant 0 : i32
      %dma_start3A_16 = tpu.memref_slice %arg6[%dma_start3A, %dma_start3A_15] : memref<512x32xf32, #tpu.memory_space<vmem>> -> memref<128x32xf32, #tpu.memory_space<vmem>>
      %dma_start3A_17 = arith.constant 128 : i32
      %dma_start3A_18 = tpu.memref_slice %arg10[%dma_start3A_17] : memref<1536xi32, #tpu.memory_space<vmem>> -> memref<128xi32, #tpu.memory_space<vmem>>
      %dma_start3A_19 = arith.constant 0 : i32
      %dma_start3A_20 = arith.constant 0 : i32
      %dma_start3A_21 = tpu.memref_slice %arg3[%dma_start3A_19, %dma_start3A_20] : memref<100000x32xf32, #tpu.memory_space<hbm>> -> memref<100000x32xf32, #tpu.memory_space<hbm>>
      tpu.enqueue_indirect_dma source(%dma_start3A_21 : memref<100000x32xf32, #tpu.memory_space<hbm>>) target(%dma_start3A_16 : memref<128x32xf32, #tpu.memory_space<vmem>>) offsets(%dma_start3A_18 : memref<128xi32, #tpu.memory_space<vmem>>) semaphore(%arg13 : memref<!tpu.dma_semaphore, #tpu.memory_space<semaphore_mem>>)
      %dma_start3A_22 = arith.constant 0 : i32
      %dma_start3A_23 = arith.constant 0 : i32
      %dma_start3A_24 = tpu.memref_slice %arg8[%dma_start3A_22, %dma_start3A_23] : memref<512x40xf32, #tpu.memory_space<vmem>> -> memref<128x40xf32, #tpu.memory_space<vmem>>
      %dma_start3A_25 = arith.constant 0 : i32
      %dma_start3A_26 = tpu.memref_slice %arg10[%dma_start3A_25] : memref<1536xi32, #tpu.memory_space<vmem>> -> memref<128xi32, #tpu.memory_space<vmem>>
      %dma_start3A_27 = arith.constant 0 : i32
      %dma_start3A_28 = arith.constant 0 : i32
      %dma_start3A_29 = tpu.memref_slice %arg4[%dma_start3A_27, %dma_start3A_28] : memref<100000x40xf32, #tpu.memory_space<hbm>> -> memref<100000x40xf32, #tpu.memory_space<hbm>>
      tpu.enqueue_indirect_dma source(%dma_start3A_29 : memref<100000x40xf32, #tpu.memory_space<hbm>>) target(%dma_start3A_24 : memref<128x40xf32, #tpu.memory_space<vmem>>) offsets(%dma_start3A_26 : memref<128xi32, #tpu.memory_space<vmem>>) semaphore(%arg13 : memref<!tpu.dma_semaphore, #tpu.memory_space<semaphore_mem>>)
      %dma_start3A_30 = arith.constant 128 : i32
      %dma_start3A_31 = arith.constant 0 : i32
      %dma_start3A_32 = tpu.memref_slice %arg6[%dma_start3A_30, %dma_start3A_31] : memref<512x32xf32, #tpu.memory_space<vmem>> -> memref<128x32xf32, #tpu.memory_space<vmem>>
      %dma_start3A_33 = arith.constant 512 : i32
      %dma_start3A_34 = tpu.memref_slice %arg10[%dma_start3A_33] : memref<1536xi32, #tpu.memory_space<vmem>> -> memref<128xi32, #tpu.memory_space<vmem>>
      %dma_start3A_35 = arith.constant 0 : i32
      %dma_start3A_36 = arith.constant 0 : i32
      %dma_start3A_37 = tpu.memref_slice %arg3[%dma_start3A_35, %dma_start3A_36] : memref<100000x32xf32, #tpu.memory_space<hbm>> -> memref<100000x32xf32, #tpu.memory_space<hbm>>
      tpu.enqueue_indirect_dma source(%dma_start3A_37 : memref<100000x32xf32, #tpu.memory_space<hbm>>) target(%dma_start3A_32 : memref<128x32xf32, #tpu.memory_space<vmem>>) offsets(%dma_start3A_34 : memref<128xi32, #tpu.memory_space<vmem>>) semaphore(%arg13 : memref<!tpu.dma_semaphore, #tpu.memory_space<semaphore_mem>>)
      %dma_start3A_38 = arith.constant 128 : i32
      %dma_start3A_39 = arith.constant 0 : i32
      %dma_start3A_40 = tpu.memref_slice %arg8[%dma_start3A_38, %dma_start3A_39] : memref<512x40xf32, #tpu.memory_space<vmem>> -> memref<128x40xf32, #tpu.memory_space<vmem>>
      %dma_start3A_41 = arith.constant 384 : i32
      %dma_start3A_42 = tpu.memref_slice %arg10[%dma_start3A_41] : memref<1536xi32, #tpu.memory_space<vmem>> -> memref<128xi32, #tpu.memory_space<vmem>>
      %dma_start3A_43 = arith.constant 0 : i32
      %dma_start3A_44 = arith.constant 0 : i32
      %dma_start3A_45 = tpu.memref_slice %arg4[%dma_start3A_43, %dma_start3A_44] : memref<100000x40xf32, #tpu.memory_space<hbm>> -> memref<100000x40xf32, #tpu.memory_space<hbm>>
      tpu.enqueue_indirect_dma source(%dma_start3A_45 : memref<100000x40xf32, #tpu.memory_space<hbm>>) target(%dma_start3A_40 : memref<128x40xf32, #tpu.memory_space<vmem>>) offsets(%dma_start3A_42 : memref<128xi32, #tpu.memory_space<vmem>>) semaphore(%arg13 : memref<!tpu.dma_semaphore, #tpu.memory_space<semaphore_mem>>)
      %dma_start3A_46 = arith.constant 256 : i32
      %dma_start3A_47 = arith.constant 0 : i32
      %dma_start3A_48 = tpu.memref_slice %arg6[%dma_start3A_46, %dma_start3A_47] : memref<512x32xf32, #tpu.memory_space<vmem>> -> memref<128x32xf32, #tpu.memory_space<vmem>>
      %dma_start3A_49 = arith.constant 896 : i32
      %dma_start3A_50 = tpu.memref_slice %arg10[%dma_start3A_49] : memref<1536xi32, #tpu.memory_space<vmem>> -> memref<128xi32, #tpu.memory_space<vmem>>
      %dma_start3A_51 = arith.constant 0 : i32
      %dma_start3A_52 = arith.constant 0 : i32
      %dma_start3A_53 = tpu.memref_slice %arg3[%dma_start3A_51, %dma_start3A_52] : memref<100000x32xf32, #tpu.memory_space<hbm>> -> memref<100000x32xf32, #tpu.memory_space<hbm>>
      tpu.enqueue_indirect_dma source(%dma_start3A_53 : memref<100000x32xf32, #tpu.memory_space<hbm>>) target(%dma_start3A_48 : memref<128x32xf32, #tpu.memory_space<vmem>>) offsets(%dma_start3A_50 : memref<128xi32, #tpu.memory_space<vmem>>) semaphore(%arg13 : memref<!tpu.dma_semaphore, #tpu.memory_space<semaphore_mem>>)
      %dma_start3A_54 = arith.constant 256 : i32
      %dma_start3A_55 = arith.constant 0 : i32
      %dma_start3A_56 = tpu.memref_slice %arg8[%dma_start3A_54, %dma_start3A_55] : memref<512x40xf32, #tpu.memory_space<vmem>> -> memref<128x40xf32, #tpu.memory_space<vmem>>
      %dma_start3A_57 = arith.constant 768 : i32
      %dma_start3A_58 = tpu.memref_slice %arg10[%dma_start3A_57] : memref<1536xi32, #tpu.memory_space<vmem>> -> memref<128xi32, #tpu.memory_space<vmem>>
      %dma_start3A_59 = arith.constant 0 : i32
      %dma_start3A_60 = arith.constant 0 : i32
      %dma_start3A_61 = tpu.memref_slice %arg4[%dma_start3A_59, %dma_start3A_60] : memref<100000x40xf32, #tpu.memory_space<hbm>> -> memref<100000x40xf32, #tpu.memory_space<hbm>>
      tpu.enqueue_indirect_dma source(%dma_start3A_61 : memref<100000x40xf32, #tpu.memory_space<hbm>>) target(%dma_start3A_56 : memref<128x40xf32, #tpu.memory_space<vmem>>) offsets(%dma_start3A_58 : memref<128xi32, #tpu.memory_space<vmem>>) semaphore(%arg13 : memref<!tpu.dma_semaphore, #tpu.memory_space<semaphore_mem>>)
      %dma_start3A_62 = arith.constant 384 : i32
      %dma_start3A_63 = arith.constant 0 : i32
      %dma_start3A_64 = tpu.memref_slice %arg6[%dma_start3A_62, %dma_start3A_63] : memref<512x32xf32, #tpu.memory_space<vmem>> -> memref<128x32xf32, #tpu.memory_space<vmem>>
      %dma_start3A_65 = arith.constant 1280 : i32
      %dma_start3A_66 = tpu.memref_slice %arg10[%dma_start3A_65] : memref<1536xi32, #tpu.memory_space<vmem>> -> memref<128xi32, #tpu.memory_space<vmem>>
      %dma_start3A_67 = arith.constant 0 : i32
      %dma_start3A_68 = arith.constant 0 : i32
      %dma_start3A_69 = tpu.memref_slice %arg3[%dma_start3A_67, %dma_start3A_68] : memref<100000x32xf32, #tpu.memory_space<hbm>> -> memref<100000x32xf32, #tpu.memory_space<hbm>>
      tpu.enqueue_indirect_dma source(%dma_start3A_69 : memref<100000x32xf32, #tpu.memory_space<hbm>>) target(%dma_start3A_64 : memref<128x32xf32, #tpu.memory_space<vmem>>) offsets(%dma_start3A_66 : memref<128xi32, #tpu.memory_space<vmem>>) semaphore(%arg13 : memref<!tpu.dma_semaphore, #tpu.memory_space<semaphore_mem>>)
      %dma_start3A_70 = arith.constant 384 : i32
      %dma_start3A_71 = arith.constant 0 : i32
      %dma_start3A_72 = tpu.memref_slice %arg8[%dma_start3A_70, %dma_start3A_71] : memref<512x40xf32, #tpu.memory_space<vmem>> -> memref<128x40xf32, #tpu.memory_space<vmem>>
      %dma_start3A_73 = arith.constant 1152 : i32
      %dma_start3A_74 = tpu.memref_slice %arg10[%dma_start3A_73] : memref<1536xi32, #tpu.memory_space<vmem>> -> memref<128xi32, #tpu.memory_space<vmem>>
      %dma_start3A_75 = arith.constant 0 : i32
      %dma_start3A_76 = arith.constant 0 : i32
      %dma_start3A_77 = tpu.memref_slice %arg4[%dma_start3A_75, %dma_start3A_76] : memref<100000x40xf32, #tpu.memory_space<hbm>> -> memref<100000x40xf32, #tpu.memory_space<hbm>>
      tpu.enqueue_indirect_dma source(%dma_start3A_77 : memref<100000x40xf32, #tpu.memory_space<hbm>>) target(%dma_start3A_72 : memref<128x40xf32, #tpu.memory_space<vmem>>) offsets(%dma_start3A_74 : memref<128xi32, #tpu.memory_space<vmem>>) semaphore(%arg13 : memref<!tpu.dma_semaphore, #tpu.memory_space<semaphore_mem>>)
    } else {
    }
    %scan3A = arith.constant 0 : i32
    %scan3A_5 = arith.constant 0 : i32
    %scan3A_6 = arith.constant 49 : i32
    %scan3A_7 = arith.addi %scan3A_5, %scan3A_6 : i32
    %scan3A_8 = arith.constant 1 : i32
    %scan3A_9 = scf.for %scan3A_11 = %scan3A_5 to %scan3A_7 step %scan3A_8 iter_args(%scan3A_12 = %scan3A) -> (i32)  : i32 {
      %mul3A_13 = arith.constant 2 : i32
      %mul3A_14 = arith.muli %mul3A_13, %scan3A_11 : i32
      %add3A_15 = arith.constant 0 : i32
      %add3A_16 = arith.addi %mul3A_14, %add3A_15 : i32
      %mul3A_17 = arith.constant 32 : i32
      %mul3A_18 = arith.muli %mul3A_17, %add3A_16 : i32
      %add3A_19 = arith.addi %add3A, %mul3A_18 : i32
      %lt3A_20 = arith.constant 3125 : i32
      %lt3A_21 = arith.cmpi slt, %add3A_19, %lt3A_20 : i32
      %convert_element_type3A_22 = arith.extui %lt3A_21 : i1 to i32
      %cond3A_23 = arith.constant 0 : i32
      %cond3A_24 = arith.cmpi ne, %convert_element_type3A_22, %cond3A_23 : i32
      scf.if %cond3A_24 {
        %dma_wait3A = arith.constant 0 : i32
        %dma_wait3A_38 = arith.constant 0 : i32
        %dma_wait3A_39 = tpu.memref_slice %arg3[%dma_wait3A, %dma_wait3A_38] : memref<100000x32xf32, #tpu.memory_space<hbm>> -> memref<512x32xf32, #tpu.memory_space<hbm>>
        %dma_wait3A_40 = arith.constant 0 : i32
        %dma_wait3A_41 = arith.constant 0 : i32
        %dma_wait3A_42 = tpu.memref_slice %arg3[%dma_wait3A_40, %dma_wait3A_41] : memref<100000x32xf32, #tpu.memory_space<hbm>> -> memref<512x32xf32, #tpu.memory_space<hbm>>
        tpu.wait_dma2 semaphore(%arg13 : memref<!tpu.dma_semaphore, #tpu.memory_space<semaphore_mem>>) src(%dma_wait3A_42 : memref<512x32xf32, #tpu.memory_space<hbm>>) dst(%arg6 : memref<512x32xf32, #tpu.memory_space<vmem>>)
        %dma_wait3A_43 = arith.constant 0 : i32
        %dma_wait3A_44 = arith.constant 0 : i32
        %dma_wait3A_45 = tpu.memref_slice %arg4[%dma_wait3A_43, %dma_wait3A_44] : memref<100000x40xf32, #tpu.memory_space<hbm>> -> memref<512x40xf32, #tpu.memory_space<hbm>>
        %dma_wait3A_46 = arith.constant 0 : i32
        %dma_wait3A_47 = arith.constant 0 : i32
        %dma_wait3A_48 = tpu.memref_slice %arg4[%dma_wait3A_46, %dma_wait3A_47] : memref<100000x40xf32, #tpu.memory_space<hbm>> -> memref<512x40xf32, #tpu.memory_space<hbm>>
        tpu.wait_dma2 semaphore(%arg13 : memref<!tpu.dma_semaphore, #tpu.memory_space<semaphore_mem>>) src(%dma_wait3A_48 : memref<512x40xf32, #tpu.memory_space<hbm>>) dst(%arg8 : memref<512x40xf32, #tpu.memory_space<vmem>>)
        %add3A_49 = arith.constant 1 : i32
        %add3A_50 = arith.addi %add3A_16, %add3A_49 : i32
        %mul3A_51 = arith.constant 32 : i32
        %mul3A_52 = arith.muli %mul3A_51, %add3A_50 : i32
        %add3A_53 = arith.addi %add3A, %mul3A_52 : i32
        %lt3A_54 = arith.constant 3125 : i32
        %lt3A_55 = arith.cmpi slt, %add3A_53, %lt3A_54 : i32
        %convert_element_type3A_56 = arith.extui %lt3A_55 : i1 to i32
        %cond3A_57 = arith.constant 0 : i32
        %cond3A_58 = arith.cmpi ne, %convert_element_type3A_56, %cond3A_57 : i32
        scf.if %cond3A_58 {
          %mul3A_68 = arith.constant 3 : i32
          %mul3A_69 = arith.muli %add3A_53, %mul3A_68 : i32
          %mul3A_70 = arith.constant 512 : i32
          %mul3A_71 = arith.muli %mul3A_69, %mul3A_70 : i32
          %multiple_of3A_72 = tpu.assume_multiple %mul3A_71, 8 : i32
          "tpu.region"() ({
            %run_scoped3A = tpu.sem_alloc : memref<!tpu.dma_semaphore, #tpu.memory_space<semaphore_mem>>
            %dma_start3A_136 = tpu.memref_slice %arg2[%multiple_of3A_72] : memref<4800000xi32, #tpu.memory_space<hbm>> -> memref<1536xi32, #tpu.memory_space<hbm>>
            %dma_start3A_137 = tpu.memref_slice %arg2[%multiple_of3A_72] : memref<4800000xi32, #tpu.memory_space<hbm>> -> memref<1536xi32, #tpu.memory_space<hbm>>
            tpu.enqueue_dma source(%dma_start3A_137 : memref<1536xi32, #tpu.memory_space<hbm>>) target(%arg11 : memref<1536xi32, #tpu.memory_space<vmem>>) target_semaphore(%run_scoped3A : memref<!tpu.dma_semaphore, #tpu.memory_space<semaphore_mem>>)
            %dma_wait3A_138 = tpu.memref_slice %arg2[%multiple_of3A_72] : memref<4800000xi32, #tpu.memory_space<hbm>> -> memref<1536xi32, #tpu.memory_space<hbm>>
            %dma_wait3A_139 = tpu.memref_slice %arg2[%multiple_of3A_72] : memref<4800000xi32, #tpu.memory_space<hbm>> -> memref<1536xi32, #tpu.memory_space<hbm>>
            tpu.wait_dma2 semaphore(%run_scoped3A : memref<!tpu.dma_semaphore, #tpu.memory_space<semaphore_mem>>) src(%dma_wait3A_139 : memref<1536xi32, #tpu.memory_space<hbm>>) dst(%arg11 : memref<1536xi32, #tpu.memory_space<vmem>>)
            tpu.yield
          }) : () -> ()
          %dma_start3A = arith.constant 0 : i32
          %dma_start3A_73 = arith.constant 0 : i32
          %dma_start3A_74 = tpu.memref_slice %arg7[%dma_start3A, %dma_start3A_73] : memref<512x32xf32, #tpu.memory_space<vmem>> -> memref<128x32xf32, #tpu.memory_space<vmem>>
          %dma_start3A_75 = arith.constant 128 : i32
          %dma_start3A_76 = tpu.memref_slice %arg11[%dma_start3A_75] : memref<1536xi32, #tpu.memory_space<vmem>> -> memref<128xi32, #tpu.memory_space<vmem>>
          %dma_start3A_77 = arith.constant 0 : i32
          %dma_start3A_78 = arith.constant 0 : i32
          %dma_start3A_79 = tpu.memref_slice %arg3[%dma_start3A_77, %dma_start3A_78] : memref<100000x32xf32, #tpu.memory_space<hbm>> -> memref<100000x32xf32, #tpu.memory_space<hbm>>
          tpu.enqueue_indirect_dma source(%dma_start3A_79 : memref<100000x32xf32, #tpu.memory_space<hbm>>) target(%dma_start3A_74 : memref<128x32xf32, #tpu.memory_space<vmem>>) offsets(%dma_start3A_76 : memref<128xi32, #tpu.memory_space<vmem>>) semaphore(%arg14 : memref<!tpu.dma_semaphore, #tpu.memory_space<semaphore_mem>>)
          %dma_start3A_80 = arith.constant 0 : i32
          %dma_start3A_81 = arith.constant 0 : i32
          %dma_start3A_82 = tpu.memref_slice %arg9[%dma_start3A_80, %dma_start3A_81] : memref<512x40xf32, #tpu.memory_space<vmem>> -> memref<128x40xf32, #tpu.memory_space<vmem>>
          %dma_start3A_83 = arith.constant 0 : i32
          %dma_start3A_84 = tpu.memref_slice %arg11[%dma_start3A_83] : memref<1536xi32, #tpu.memory_space<vmem>> -> memref<128xi32, #tpu.memory_space<vmem>>
          %dma_start3A_85 = arith.constant 0 : i32
          %dma_start3A_86 = arith.constant 0 : i32
          %dma_start3A_87 = tpu.memref_slice %arg4[%dma_start3A_85, %dma_start3A_86] : memref<100000x40xf32, #tpu.memory_space<hbm>> -> memref<100000x40xf32, #tpu.memory_space<hbm>>
          tpu.enqueue_indirect_dma source(%dma_start3A_87 : memref<100000x40xf32, #tpu.memory_space<hbm>>) target(%dma_start3A_82 : memref<128x40xf32, #tpu.memory_space<vmem>>) offsets(%dma_start3A_84 : memref<128xi32, #tpu.memory_space<vmem>>) semaphore(%arg14 : memref<!tpu.dma_semaphore, #tpu.memory_space<semaphore_mem>>)
          %dma_start3A_88 = arith.constant 128 : i32
          %dma_start3A_89 = arith.constant 0 : i32
          %dma_start3A_90 = tpu.memref_slice %arg7[%dma_start3A_88, %dma_start3A_89] : memref<512x32xf32, #tpu.memory_space<vmem>> -> memref<128x32xf32, #tpu.memory_space<vmem>>
          %dma_start3A_91 = arith.constant 512 : i32
          %dma_start3A_92 = tpu.memref_slice %arg11[%dma_start3A_91] : memref<1536xi32, #tpu.memory_space<vmem>> -> memref<128xi32, #tpu.memory_space<vmem>>
          %dma_start3A_93 = arith.constant 0 : i32
          %dma_start3A_94 = arith.constant 0 : i32
          %dma_start3A_95 = tpu.memref_slice %arg3[%dma_start3A_93, %dma_start3A_94] : memref<100000x32xf32, #tpu.memory_space<hbm>> -> memref<100000x32xf32, #tpu.memory_space<hbm>>
          tpu.enqueue_indirect_dma source(%dma_start3A_95 : memref<100000x32xf32, #tpu.memory_space<hbm>>) target(%dma_start3A_90 : memref<128x32xf32, #tpu.memory_space<vmem>>) offsets(%dma_start3A_92 : memref<128xi32, #tpu.memory_space<vmem>>) semaphore(%arg14 : memref<!tpu.dma_semaphore, #tpu.memory_space<semaphore_mem>>)
          %dma_start3A_96 = arith.constant 128 : i32
          %dma_start3A_97 = arith.constant 0 : i32
          %dma_start3A_98 = tpu.memref_slice %arg9[%dma_start3A_96, %dma_start3A_97] : memref<512x40xf32, #tpu.memory_space<vmem>> -> memref<128x40xf32, #tpu.memory_space<vmem>>
          %dma_start3A_99 = arith.constant 384 : i32
          %dma_start3A_100 = tpu.memref_slice %arg11[%dma_start3A_99] : memref<1536xi32, #tpu.memory_space<vmem>> -> memref<128xi32, #tpu.memory_space<vmem>>
          %dma_start3A_101 = arith.constant 0 : i32
          %dma_start3A_102 = arith.constant 0 : i32
          %dma_start3A_103 = tpu.memref_slice %arg4[%dma_start3A_101, %dma_start3A_102] : memref<100000x40xf32, #tpu.memory_space<hbm>> -> memref<100000x40xf32, #tpu.memory_space<hbm>>
          tpu.enqueue_indirect_dma source(%dma_start3A_103 : memref<100000x40xf32, #tpu.memory_space<hbm>>) target(%dma_start3A_98 : memref<128x40xf32, #tpu.memory_space<vmem>>) offsets(%dma_start3A_100 : memref<128xi32, #tpu.memory_space<vmem>>) semaphore(%arg14 : memref<!tpu.dma_semaphore, #tpu.memory_space<semaphore_mem>>)
          %dma_start3A_104 = arith.constant 256 : i32
          %dma_start3A_105 = arith.constant 0 : i32
          %dma_start3A_106 = tpu.memref_slice %arg7[%dma_start3A_104, %dma_start3A_105] : memref<512x32xf32, #tpu.memory_space<vmem>> -> memref<128x32xf32, #tpu.memory_space<vmem>>
          %dma_start3A_107 = arith.constant 896 : i32
          %dma_start3A_108 = tpu.memref_slice %arg11[%dma_start3A_107] : memref<1536xi32, #tpu.memory_space<vmem>> -> memref<128xi32, #tpu.memory_space<vmem>>
          %dma_start3A_109 = arith.constant 0 : i32
          %dma_start3A_110 = arith.constant 0 : i32
          %dma_start3A_111 = tpu.memref_slice %arg3[%dma_start3A_109, %dma_start3A_110] : memref<100000x32xf32, #tpu.memory_space<hbm>> -> memref<100000x32xf32, #tpu.memory_space<hbm>>
          tpu.enqueue_indirect_dma source(%dma_start3A_111 : memref<100000x32xf32, #tpu.memory_space<hbm>>) target(%dma_start3A_106 : memref<128x32xf32, #tpu.memory_space<vmem>>) offsets(%dma_start3A_108 : memref<128xi32, #tpu.memory_space<vmem>>) semaphore(%arg14 : memref<!tpu.dma_semaphore, #tpu.memory_space<semaphore_mem>>)
          %dma_start3A_112 = arith.constant 256 : i32
          %dma_start3A_113 = arith.constant 0 : i32
          %dma_start3A_114 = tpu.memref_slice %arg9[%dma_start3A_112, %dma_start3A_113] : memref<512x40xf32, #tpu.memory_space<vmem>> -> memref<128x40xf32, #tpu.memory_space<vmem>>
          %dma_start3A_115 = arith.constant 768 : i32
          %dma_start3A_116 = tpu.memref_slice %arg11[%dma_start3A_115] : memref<1536xi32, #tpu.memory_space<vmem>> -> memref<128xi32, #tpu.memory_space<vmem>>
          %dma_start3A_117 = arith.constant 0 : i32
          %dma_start3A_118 = arith.constant 0 : i32
          %dma_start3A_119 = tpu.memref_slice %arg4[%dma_start3A_117, %dma_start3A_118] : memref<100000x40xf32, #tpu.memory_space<hbm>> -> memref<100000x40xf32, #tpu.memory_space<hbm>>
          tpu.enqueue_indirect_dma source(%dma_start3A_119 : memref<100000x40xf32, #tpu.memory_space<hbm>>) target(%dma_start3A_114 : memref<128x40xf32, #tpu.memory_space<vmem>>) offsets(%dma_start3A_116 : memref<128xi32, #tpu.memory_space<vmem>>) semaphore(%arg14 : memref<!tpu.dma_semaphore, #tpu.memory_space<semaphore_mem>>)
          %dma_start3A_120 = arith.constant 384 : i32
          %dma_start3A_121 = arith.constant 0 : i32
          %dma_start3A_122 = tpu.memref_slice %arg7[%dma_start3A_120, %dma_start3A_121] : memref<512x32xf32, #tpu.memory_space<vmem>> -> memref<128x32xf32, #tpu.memory_space<vmem>>
          %dma_start3A_123 = arith.constant 1280 : i32
          %dma_start3A_124 = tpu.memref_slice %arg11[%dma_start3A_123] : memref<1536xi32, #tpu.memory_space<vmem>> -> memref<128xi32, #tpu.memory_space<vmem>>
          %dma_start3A_125 = arith.constant 0 : i32
          %dma_start3A_126 = arith.constant 0 : i32
          %dma_start3A_127 = tpu.memref_slice %arg3[%dma_start3A_125, %dma_start3A_126] : memref<100000x32xf32, #tpu.memory_space<hbm>> -> memref<100000x32xf32, #tpu.memory_space<hbm>>
          tpu.enqueue_indirect_dma source(%dma_start3A_127 : memref<100000x32xf32, #tpu.memory_space<hbm>>) target(%dma_start3A_122 : memref<128x32xf32, #tpu.memory_space<vmem>>) offsets(%dma_start3A_124 : memref<128xi32, #tpu.memory_space<vmem>>) semaphore(%arg14 : memref<!tpu.dma_semaphore, #tpu.memory_space<semaphore_mem>>)
          %dma_start3A_128 = arith.constant 384 : i32
          %dma_start3A_129 = arith.constant 0 : i32
          %dma_start3A_130 = tpu.memref_slice %arg9[%dma_start3A_128, %dma_start3A_129] : memref<512x40xf32, #tpu.memory_space<vmem>> -> memref<128x40xf32, #tpu.memory_space<vmem>>
          %dma_start3A_131 = arith.constant 1152 : i32
          %dma_start3A_132 = tpu.memref_slice %arg11[%dma_start3A_131] : memref<1536xi32, #tpu.memory_space<vmem>> -> memref<128xi32, #tpu.memory_space<vmem>>
          %dma_start3A_133 = arith.constant 0 : i32
          %dma_start3A_134 = arith.constant 0 : i32
          %dma_start3A_135 = tpu.memref_slice %arg4[%dma_start3A_133, %dma_start3A_134] : memref<100000x40xf32, #tpu.memory_space<hbm>> -> memref<100000x40xf32, #tpu.memory_space<hbm>>
          tpu.enqueue_indirect_dma source(%dma_start3A_135 : memref<100000x40xf32, #tpu.memory_space<hbm>>) target(%dma_start3A_130 : memref<128x40xf32, #tpu.memory_space<vmem>>) offsets(%dma_start3A_132 : memref<128xi32, #tpu.memory_space<vmem>>) semaphore(%arg14 : memref<!tpu.dma_semaphore, #tpu.memory_space<semaphore_mem>>)
        } else {
        }
        %scan3A_59 = arith.constant 0 : i32
        %scan3A_60 = arith.constant 0 : i32
        %scan3A_61 = arith.constant 32 : i32
        %scan3A_62 = arith.addi %scan3A_60, %scan3A_61 : i32
        %scan3A_63 = arith.constant 1 : i32
        %scan3A_64 = scf.for %scan3A_68 = %scan3A_60 to %scan3A_62 step %scan3A_63 iter_args(%scan3A_69 = %scan3A_59) -> (i32)  : i32 {
          %mul3A_70 = arith.constant 16 : i32
          %mul3A_71 = arith.muli %scan3A_68, %mul3A_70 : i32
          %iota3A = tpu.iota {dimensions = array<i32: 0>} : vector<16xi32>
          %add3A_72 = vector.broadcast %mul3A_71 : i32 to vector<16xi32>
          %add3A_73 = arith.addi %add3A_72, %iota3A : vector<16xi32>
          %broadcast_in_dim3A = arith.constant 32 : i32
          %broadcast_in_dim3A_74 = vector.broadcast %broadcast_in_dim3A : i32 to vector<16xi32>
          %gather3A = tpu.vector_load_idx %arg8[%add3A_73, %broadcast_in_dim3A_74] : memref<512x40xf32, #tpu.memory_space<vmem>>[vector<16xi32>, vector<16xi32>], vector<16xf32>,
          %broadcast_in_dim3A_75 = arith.constant 0 : i32
          %broadcast_in_dim3A_76 = vector.broadcast %broadcast_in_dim3A_75 : i32 to vector<16xi32>
          %gather3A_77 = tpu.vector_load_idx %arg6[%add3A_73, %broadcast_in_dim3A_76] : memref<512x32xf32, #tpu.memory_space<vmem>>[vector<16xi32>, vector<16xi32>], vector<16xf32>,
          %gather3A_78 = tpu.vector_load_idx %arg8[%add3A_73, %broadcast_in_dim3A_76] : memref<512x40xf32, #tpu.memory_space<vmem>>[vector<16xi32>, vector<16xi32>], vector<16xf32>,
          %mul3A_79 = arith.mulf %gather3A_77, %gather3A_78 : vector<16xf32>
          %add3A_80 = arith.addf %gather3A, %mul3A_79 : vector<16xf32>
          %broadcast_in_dim3A_81 = arith.constant 1 : i32
          %broadcast_in_dim3A_82 = vector.broadcast %broadcast_in_dim3A_81 : i32 to vector<16xi32>
          %gather3A_83 = tpu.vector_load_idx %arg6[%add3A_73, %broadcast_in_dim3A_82] : memref<512x32xf32, #tpu.memory_space<vmem>>[vector<16xi32>, vector<16xi32>], vector<16xf32>,
          %gather3A_84 = tpu.vector_load_idx %arg8[%add3A_73, %broadcast_in_dim3A_82] : memref<512x40xf32, #tpu.memory_space<vmem>>[vector<16xi32>, vector<16xi32>], vector<16xf32>,
          %mul3A_85 = arith.mulf %gather3A_83, %gather3A_84 : vector<16xf32>
          %add3A_86 = arith.addf %add3A_80, %mul3A_85 : vector<16xf32>
          %broadcast_in_dim3A_87 = arith.constant 2 : i32
          %broadcast_in_dim3A_88 = vector.broadcast %broadcast_in_dim3A_87 : i32 to vector<16xi32>
          %gather3A_89 = tpu.vector_load_idx %arg6[%add3A_73, %broadcast_in_dim3A_88] : memref<512x32xf32, #tpu.memory_space<vmem>>[vector<16xi32>, vector<16xi32>], vector<16xf32>,
          %gather3A_90 = tpu.vector_load_idx %arg8[%add3A_73, %broadcast_in_dim3A_88] : memref<512x40xf32, #tpu.memory_space<vmem>>[vector<16xi32>, vector<16xi32>], vector<16xf32>,
          %mul3A_91 = arith.mulf %gather3A_89, %gather3A_90 : vector<16xf32>
          %add3A_92 = arith.addf %add3A_86, %mul3A_91 : vector<16xf32>
          %broadcast_in_dim3A_93 = arith.constant 3 : i32
          %broadcast_in_dim3A_94 = vector.broadcast %broadcast_in_dim3A_93 : i32 to vector<16xi32>
          %gather3A_95 = tpu.vector_load_idx %arg6[%add3A_73, %broadcast_in_dim3A_94] : memref<512x32xf32, #tpu.memory_space<vmem>>[vector<16xi32>, vector<16xi32>], vector<16xf32>,
          %gather3A_96 = tpu.vector_load_idx %arg8[%add3A_73, %broadcast_in_dim3A_94] : memref<512x40xf32, #tpu.memory_space<vmem>>[vector<16xi32>, vector<16xi32>], vector<16xf32>,
          %mul3A_97 = arith.mulf %gather3A_95, %gather3A_96 : vector<16xf32>
          %add3A_98 = arith.addf %add3A_92, %mul3A_97 : vector<16xf32>
          %broadcast_in_dim3A_99 = arith.constant 4 : i32
          %broadcast_in_dim3A_100 = vector.broadcast %broadcast_in_dim3A_99 : i32 to vector<16xi32>
          %gather3A_101 = tpu.vector_load_idx %arg6[%add3A_73, %broadcast_in_dim3A_100] : memref<512x32xf32, #tpu.memory_space<vmem>>[vector<16xi32>, vector<16xi32>], vector<16xf32>,
          %gather3A_102 = tpu.vector_load_idx %arg8[%add3A_73, %broadcast_in_dim3A_100] : memref<512x40xf32, #tpu.memory_space<vmem>>[vector<16xi32>, vector<16xi32>], vector<16xf32>,
          %mul3A_103 = arith.mulf %gather3A_101, %gather3A_102 : vector<16xf32>
          %add3A_104 = arith.addf %add3A_98, %mul3A_103 : vector<16xf32>
          %broadcast_in_dim3A_105 = arith.constant 5 : i32
          %broadcast_in_dim3A_106 = vector.broadcast %broadcast_in_dim3A_105 : i32 to vector<16xi32>
          %gather3A_107 = tpu.vector_load_idx %arg6[%add3A_73, %broadcast_in_dim3A_106] : memref<512x32xf32, #tpu.memory_space<vmem>>[vector<16xi32>, vector<16xi32>], vector<16xf32>,
          %gather3A_108 = tpu.vector_load_idx %arg8[%add3A_73, %broadcast_in_dim3A_106] : memref<512x40xf32, #tpu.memory_space<vmem>>[vector<16xi32>, vector<16xi32>], vector<16xf32>,
          %mul3A_109 = arith.mulf %gather3A_107, %gather3A_108 : vector<16xf32>
          %add3A_110 = arith.addf %add3A_104, %mul3A_109 : vector<16xf32>
          %broadcast_in_dim3A_111 = arith.constant 6 : i32
          %broadcast_in_dim3A_112 = vector.broadcast %broadcast_in_dim3A_111 : i32 to vector<16xi32>
          %gather3A_113 = tpu.vector_load_idx %arg6[%add3A_73, %broadcast_in_dim3A_112] : memref<512x32xf32, #tpu.memory_space<vmem>>[vector<16xi32>, vector<16xi32>], vector<16xf32>,
          %gather3A_114 = tpu.vector_load_idx %arg8[%add3A_73, %broadcast_in_dim3A_112] : memref<512x40xf32, #tpu.memory_space<vmem>>[vector<16xi32>, vector<16xi32>], vector<16xf32>,
          %mul3A_115 = arith.mulf %gather3A_113, %gather3A_114 : vector<16xf32>
          %add3A_116 = arith.addf %add3A_110, %mul3A_115 : vector<16xf32>
          %broadcast_in_dim3A_117 = arith.constant 7 : i32
          %broadcast_in_dim3A_118 = vector.broadcast %broadcast_in_dim3A_117 : i32 to vector<16xi32>
          %gather3A_119 = tpu.vector_load_idx %arg6[%add3A_73, %broadcast_in_dim3A_118] : memref<512x32xf32, #tpu.memory_space<vmem>>[vector<16xi32>, vector<16xi32>], vector<16xf32>,
          %gather3A_120 = tpu.vector_load_idx %arg8[%add3A_73, %broadcast_in_dim3A_118] : memref<512x40xf32, #tpu.memory_space<vmem>>[vector<16xi32>, vector<16xi32>], vector<16xf32>,
          %mul3A_121 = arith.mulf %gather3A_119, %gather3A_120 : vector<16xf32>
          %add3A_122 = arith.addf %add3A_116, %mul3A_121 : vector<16xf32>
          %broadcast_in_dim3A_123 = arith.constant 8 : i32
          %broadcast_in_dim3A_124 = vector.broadcast %broadcast_in_dim3A_123 : i32 to vector<16xi32>
          %gather3A_125 = tpu.vector_load_idx %arg6[%add3A_73, %broadcast_in_dim3A_124] : memref<512x32xf32, #tpu.memory_space<vmem>>[vector<16xi32>, vector<16xi32>], vector<16xf32>,
          %gather3A_126 = tpu.vector_load_idx %arg8[%add3A_73, %broadcast_in_dim3A_124] : memref<512x40xf32, #tpu.memory_space<vmem>>[vector<16xi32>, vector<16xi32>], vector<16xf32>,
          %mul3A_127 = arith.mulf %gather3A_125, %gather3A_126 : vector<16xf32>
          %add3A_128 = arith.addf %add3A_122, %mul3A_127 : vector<16xf32>
          %broadcast_in_dim3A_129 = arith.constant 9 : i32
          %broadcast_in_dim3A_130 = vector.broadcast %broadcast_in_dim3A_129 : i32 to vector<16xi32>
          %gather3A_131 = tpu.vector_load_idx %arg6[%add3A_73, %broadcast_in_dim3A_130] : memref<512x32xf32, #tpu.memory_space<vmem>>[vector<16xi32>, vector<16xi32>], vector<16xf32>,
          %gather3A_132 = tpu.vector_load_idx %arg8[%add3A_73, %broadcast_in_dim3A_130] : memref<512x40xf32, #tpu.memory_space<vmem>>[vector<16xi32>, vector<16xi32>], vector<16xf32>,
          %mul3A_133 = arith.mulf %gather3A_131, %gather3A_132 : vector<16xf32>
          %add3A_134 = arith.addf %add3A_128, %mul3A_133 : vector<16xf32>
          %broadcast_in_dim3A_135 = arith.constant 10 : i32
          %broadcast_in_dim3A_136 = vector.broadcast %broadcast_in_dim3A_135 : i32 to vector<16xi32>
          %gather3A_137 = tpu.vector_load_idx %arg6[%add3A_73, %broadcast_in_dim3A_136] : memref<512x32xf32, #tpu.memory_space<vmem>>[vector<16xi32>, vector<16xi32>], vector<16xf32>,
          %gather3A_138 = tpu.vector_load_idx %arg8[%add3A_73, %broadcast_in_dim3A_136] : memref<512x40xf32, #tpu.memory_space<vmem>>[vector<16xi32>, vector<16xi32>], vector<16xf32>,
          %mul3A_139 = arith.mulf %gather3A_137, %gather3A_138 : vector<16xf32>
          %add3A_140 = arith.addf %add3A_134, %mul3A_139 : vector<16xf32>
          %broadcast_in_dim3A_141 = arith.constant 11 : i32
          %broadcast_in_dim3A_142 = vector.broadcast %broadcast_in_dim3A_141 : i32 to vector<16xi32>
          %gather3A_143 = tpu.vector_load_idx %arg6[%add3A_73, %broadcast_in_dim3A_142] : memref<512x32xf32, #tpu.memory_space<vmem>>[vector<16xi32>, vector<16xi32>], vector<16xf32>,
          %gather3A_144 = tpu.vector_load_idx %arg8[%add3A_73, %broadcast_in_dim3A_142] : memref<512x40xf32, #tpu.memory_space<vmem>>[vector<16xi32>, vector<16xi32>], vector<16xf32>,
          %mul3A_145 = arith.mulf %gather3A_143, %gather3A_144 : vector<16xf32>
          %add3A_146 = arith.addf %add3A_140, %mul3A_145 : vector<16xf32>
          %broadcast_in_dim3A_147 = arith.constant 12 : i32
          %broadcast_in_dim3A_148 = vector.broadcast %broadcast_in_dim3A_147 : i32 to vector<16xi32>
          %gather3A_149 = tpu.vector_load_idx %arg6[%add3A_73, %broadcast_in_dim3A_148] : memref<512x32xf32, #tpu.memory_space<vmem>>[vector<16xi32>, vector<16xi32>], vector<16xf32>,
          %gather3A_150 = tpu.vector_load_idx %arg8[%add3A_73, %broadcast_in_dim3A_148] : memref<512x40xf32, #tpu.memory_space<vmem>>[vector<16xi32>, vector<16xi32>], vector<16xf32>,
          %mul3A_151 = arith.mulf %gather3A_149, %gather3A_150 : vector<16xf32>
          %add3A_152 = arith.addf %add3A_146, %mul3A_151 : vector<16xf32>
          %broadcast_in_dim3A_153 = arith.constant 13 : i32
          %broadcast_in_dim3A_154 = vector.broadcast %broadcast_in_dim3A_153 : i32 to vector<16xi32>
          %gather3A_155 = tpu.vector_load_idx %arg6[%add3A_73, %broadcast_in_dim3A_154] : memref<512x32xf32, #tpu.memory_space<vmem>>[vector<16xi32>, vector<16xi32>], vector<16xf32>,
          %gather3A_156 = tpu.vector_load_idx %arg8[%add3A_73, %broadcast_in_dim3A_154] : memref<512x40xf32, #tpu.memory_space<vmem>>[vector<16xi32>, vector<16xi32>], vector<16xf32>,
          %mul3A_157 = arith.mulf %gather3A_155, %gather3A_156 : vector<16xf32>
          %add3A_158 = arith.addf %add3A_152, %mul3A_157 : vector<16xf32>
          %broadcast_in_dim3A_159 = arith.constant 14 : i32
          %broadcast_in_dim3A_160 = vector.broadcast %broadcast_in_dim3A_159 : i32 to vector<16xi32>
          %gather3A_161 = tpu.vector_load_idx %arg6[%add3A_73, %broadcast_in_dim3A_160] : memref<512x32xf32, #tpu.memory_space<vmem>>[vector<16xi32>, vector<16xi32>], vector<16xf32>,
          %gather3A_162 = tpu.vector_load_idx %arg8[%add3A_73, %broadcast_in_dim3A_160] : memref<512x40xf32, #tpu.memory_space<vmem>>[vector<16xi32>, vector<16xi32>], vector<16xf32>,
          %mul3A_163 = arith.mulf %gather3A_161, %gather3A_162 : vector<16xf32>
          %add3A_164 = arith.addf %add3A_158, %mul3A_163 : vector<16xf32>
          %broadcast_in_dim3A_165 = arith.constant 15 : i32
          %broadcast_in_dim3A_166 = vector.broadcast %broadcast_in_dim3A_165 : i32 to vector<16xi32>
          %gather3A_167 = tpu.vector_load_idx %arg6[%add3A_73, %broadcast_in_dim3A_166] : memref<512x32xf32, #tpu.memory_space<vmem>>[vector<16xi32>, vector<16xi32>], vector<16xf32>,
          %gather3A_168 = tpu.vector_load_idx %arg8[%add3A_73, %broadcast_in_dim3A_166] : memref<512x40xf32, #tpu.memory_space<vmem>>[vector<16xi32>, vector<16xi32>], vector<16xf32>,
          %mul3A_169 = arith.mulf %gather3A_167, %gather3A_168 : vector<16xf32>
          %add3A_170 = arith.addf %add3A_164, %mul3A_169 : vector<16xf32>
          %broadcast_in_dim3A_171 = arith.constant 16 : i32
          %broadcast_in_dim3A_172 = vector.broadcast %broadcast_in_dim3A_171 : i32 to vector<16xi32>
          %gather3A_173 = tpu.vector_load_idx %arg6[%add3A_73, %broadcast_in_dim3A_172] : memref<512x32xf32, #tpu.memory_space<vmem>>[vector<16xi32>, vector<16xi32>], vector<16xf32>,
          %gather3A_174 = tpu.vector_load_idx %arg8[%add3A_73, %broadcast_in_dim3A_172] : memref<512x40xf32, #tpu.memory_space<vmem>>[vector<16xi32>, vector<16xi32>], vector<16xf32>,
          %mul3A_175 = arith.mulf %gather3A_173, %gather3A_174 : vector<16xf32>
          %add3A_176 = arith.addf %add3A_170, %mul3A_175 : vector<16xf32>
          %broadcast_in_dim3A_177 = arith.constant 17 : i32
          %broadcast_in_dim3A_178 = vector.broadcast %broadcast_in_dim3A_177 : i32 to vector<16xi32>
          %gather3A_179 = tpu.vector_load_idx %arg6[%add3A_73, %broadcast_in_dim3A_178] : memref<512x32xf32, #tpu.memory_space<vmem>>[vector<16xi32>, vector<16xi32>], vector<16xf32>,
          %gather3A_180 = tpu.vector_load_idx %arg8[%add3A_73, %broadcast_in_dim3A_178] : memref<512x40xf32, #tpu.memory_space<vmem>>[vector<16xi32>, vector<16xi32>], vector<16xf32>,
          %mul3A_181 = arith.mulf %gather3A_179, %gather3A_180 : vector<16xf32>
          %add3A_182 = arith.addf %add3A_176, %mul3A_181 : vector<16xf32>
          %broadcast_in_dim3A_183 = arith.constant 18 : i32
          %broadcast_in_dim3A_184 = vector.broadcast %broadcast_in_dim3A_183 : i32 to vector<16xi32>
          %gather3A_185 = tpu.vector_load_idx %arg6[%add3A_73, %broadcast_in_dim3A_184] : memref<512x32xf32, #tpu.memory_space<vmem>>[vector<16xi32>, vector<16xi32>], vector<16xf32>,
          %gather3A_186 = tpu.vector_load_idx %arg8[%add3A_73, %broadcast_in_dim3A_184] : memref<512x40xf32, #tpu.memory_space<vmem>>[vector<16xi32>, vector<16xi32>], vector<16xf32>,
          %mul3A_187 = arith.mulf %gather3A_185, %gather3A_186 : vector<16xf32>
          %add3A_188 = arith.addf %add3A_182, %mul3A_187 : vector<16xf32>
          %broadcast_in_dim3A_189 = arith.constant 19 : i32
          %broadcast_in_dim3A_190 = vector.broadcast %broadcast_in_dim3A_189 : i32 to vector<16xi32>
          %gather3A_191 = tpu.vector_load_idx %arg6[%add3A_73, %broadcast_in_dim3A_190] : memref<512x32xf32, #tpu.memory_space<vmem>>[vector<16xi32>, vector<16xi32>], vector<16xf32>,
          %gather3A_192 = tpu.vector_load_idx %arg8[%add3A_73, %broadcast_in_dim3A_190] : memref<512x40xf32, #tpu.memory_space<vmem>>[vector<16xi32>, vector<16xi32>], vector<16xf32>,
          %mul3A_193 = arith.mulf %gather3A_191, %gather3A_192 : vector<16xf32>
          %add3A_194 = arith.addf %add3A_188, %mul3A_193 : vector<16xf32>
          %broadcast_in_dim3A_195 = arith.constant 20 : i32
          %broadcast_in_dim3A_196 = vector.broadcast %broadcast_in_dim3A_195 : i32 to vector<16xi32>
          %gather3A_197 = tpu.vector_load_idx %arg6[%add3A_73, %broadcast_in_dim3A_196] : memref<512x32xf32, #tpu.memory_space<vmem>>[vector<16xi32>, vector<16xi32>], vector<16xf32>,
          %gather3A_198 = tpu.vector_load_idx %arg8[%add3A_73, %broadcast_in_dim3A_196] : memref<512x40xf32, #tpu.memory_space<vmem>>[vector<16xi32>, vector<16xi32>], vector<16xf32>,
          %mul3A_199 = arith.mulf %gather3A_197, %gather3A_198 : vector<16xf32>
          %add3A_200 = arith.addf %add3A_194, %mul3A_199 : vector<16xf32>
          %broadcast_in_dim3A_201 = arith.constant 21 : i32
          %broadcast_in_dim3A_202 = vector.broadcast %broadcast_in_dim3A_201 : i32 to vector<16xi32>
          %gather3A_203 = tpu.vector_load_idx %arg6[%add3A_73, %broadcast_in_dim3A_202] : memref<512x32xf32, #tpu.memory_space<vmem>>[vector<16xi32>, vector<16xi32>], vector<16xf32>,
          %gather3A_204 = tpu.vector_load_idx %arg8[%add3A_73, %broadcast_in_dim3A_202] : memref<512x40xf32, #tpu.memory_space<vmem>>[vector<16xi32>, vector<16xi32>], vector<16xf32>,
          %mul3A_205 = arith.mulf %gather3A_203, %gather3A_204 : vector<16xf32>
          %add3A_206 = arith.addf %add3A_200, %mul3A_205 : vector<16xf32>
          %broadcast_in_dim3A_207 = arith.constant 22 : i32
          %broadcast_in_dim3A_208 = vector.broadcast %broadcast_in_dim3A_207 : i32 to vector<16xi32>
          %gather3A_209 = tpu.vector_load_idx %arg6[%add3A_73, %broadcast_in_dim3A_208] : memref<512x32xf32, #tpu.memory_space<vmem>>[vector<16xi32>, vector<16xi32>], vector<16xf32>,
          %gather3A_210 = tpu.vector_load_idx %arg8[%add3A_73, %broadcast_in_dim3A_208] : memref<512x40xf32, #tpu.memory_space<vmem>>[vector<16xi32>, vector<16xi32>], vector<16xf32>,
          %mul3A_211 = arith.mulf %gather3A_209, %gather3A_210 : vector<16xf32>
          %add3A_212 = arith.addf %add3A_206, %mul3A_211 : vector<16xf32>
          %broadcast_in_dim3A_213 = arith.constant 23 : i32
          %broadcast_in_dim3A_214 = vector.broadcast %broadcast_in_dim3A_213 : i32 to vector<16xi32>
          %gather3A_215 = tpu.vector_load_idx %arg6[%add3A_73, %broadcast_in_dim3A_214] : memref<512x32xf32, #tpu.memory_space<vmem>>[vector<16xi32>, vector<16xi32>], vector<16xf32>,
          %gather3A_216 = tpu.vector_load_idx %arg8[%add3A_73, %broadcast_in_dim3A_214] : memref<512x40xf32, #tpu.memory_space<vmem>>[vector<16xi32>, vector<16xi32>], vector<16xf32>,
          %mul3A_217 = arith.mulf %gather3A_215, %gather3A_216 : vector<16xf32>
          %add3A_218 = arith.addf %add3A_212, %mul3A_217 : vector<16xf32>
          %broadcast_in_dim3A_219 = arith.constant 24 : i32
          %broadcast_in_dim3A_220 = vector.broadcast %broadcast_in_dim3A_219 : i32 to vector<16xi32>
          %gather3A_221 = tpu.vector_load_idx %arg6[%add3A_73, %broadcast_in_dim3A_220] : memref<512x32xf32, #tpu.memory_space<vmem>>[vector<16xi32>, vector<16xi32>], vector<16xf32>,
          %gather3A_222 = tpu.vector_load_idx %arg8[%add3A_73, %broadcast_in_dim3A_220] : memref<512x40xf32, #tpu.memory_space<vmem>>[vector<16xi32>, vector<16xi32>], vector<16xf32>,
          %mul3A_223 = arith.mulf %gather3A_221, %gather3A_222 : vector<16xf32>
          %add3A_224 = arith.addf %add3A_218, %mul3A_223 : vector<16xf32>
          %broadcast_in_dim3A_225 = arith.constant 25 : i32
          %broadcast_in_dim3A_226 = vector.broadcast %broadcast_in_dim3A_225 : i32 to vector<16xi32>
          %gather3A_227 = tpu.vector_load_idx %arg6[%add3A_73, %broadcast_in_dim3A_226] : memref<512x32xf32, #tpu.memory_space<vmem>>[vector<16xi32>, vector<16xi32>], vector<16xf32>,
          %gather3A_228 = tpu.vector_load_idx %arg8[%add3A_73, %broadcast_in_dim3A_226] : memref<512x40xf32, #tpu.memory_space<vmem>>[vector<16xi32>, vector<16xi32>], vector<16xf32>,
          %mul3A_229 = arith.mulf %gather3A_227, %gather3A_228 : vector<16xf32>
          %add3A_230 = arith.addf %add3A_224, %mul3A_229 : vector<16xf32>
          %broadcast_in_dim3A_231 = arith.constant 26 : i32
          %broadcast_in_dim3A_232 = vector.broadcast %broadcast_in_dim3A_231 : i32 to vector<16xi32>
          %gather3A_233 = tpu.vector_load_idx %arg6[%add3A_73, %broadcast_in_dim3A_232] : memref<512x32xf32, #tpu.memory_space<vmem>>[vector<16xi32>, vector<16xi32>], vector<16xf32>,
          %gather3A_234 = tpu.vector_load_idx %arg8[%add3A_73, %broadcast_in_dim3A_232] : memref<512x40xf32, #tpu.memory_space<vmem>>[vector<16xi32>, vector<16xi32>], vector<16xf32>,
          %mul3A_235 = arith.mulf %gather3A_233, %gather3A_234 : vector<16xf32>
          %add3A_236 = arith.addf %add3A_230, %mul3A_235 : vector<16xf32>
          %broadcast_in_dim3A_237 = arith.constant 27 : i32
          %broadcast_in_dim3A_238 = vector.broadcast %broadcast_in_dim3A_237 : i32 to vector<16xi32>
          %gather3A_239 = tpu.vector_load_idx %arg6[%add3A_73, %broadcast_in_dim3A_238] : memref<512x32xf32, #tpu.memory_space<vmem>>[vector<16xi32>, vector<16xi32>], vector<16xf32>,
          %gather3A_240 = tpu.vector_load_idx %arg8[%add3A_73, %broadcast_in_dim3A_238] : memref<512x40xf32, #tpu.memory_space<vmem>>[vector<16xi32>, vector<16xi32>], vector<16xf32>,
          %mul3A_241 = arith.mulf %gather3A_239, %gather3A_240 : vector<16xf32>
          %add3A_242 = arith.addf %add3A_236, %mul3A_241 : vector<16xf32>
          %broadcast_in_dim3A_243 = arith.constant 28 : i32
          %broadcast_in_dim3A_244 = vector.broadcast %broadcast_in_dim3A_243 : i32 to vector<16xi32>
          %gather3A_245 = tpu.vector_load_idx %arg6[%add3A_73, %broadcast_in_dim3A_244] : memref<512x32xf32, #tpu.memory_space<vmem>>[vector<16xi32>, vector<16xi32>], vector<16xf32>,
          %gather3A_246 = tpu.vector_load_idx %arg8[%add3A_73, %broadcast_in_dim3A_244] : memref<512x40xf32, #tpu.memory_space<vmem>>[vector<16xi32>, vector<16xi32>], vector<16xf32>,
          %mul3A_247 = arith.mulf %gather3A_245, %gather3A_246 : vector<16xf32>
          %add3A_248 = arith.addf %add3A_242, %mul3A_247 : vector<16xf32>
          %broadcast_in_dim3A_249 = arith.constant 29 : i32
          %broadcast_in_dim3A_250 = vector.broadcast %broadcast_in_dim3A_249 : i32 to vector<16xi32>
          %gather3A_251 = tpu.vector_load_idx %arg6[%add3A_73, %broadcast_in_dim3A_250] : memref<512x32xf32, #tpu.memory_space<vmem>>[vector<16xi32>, vector<16xi32>], vector<16xf32>,
          %gather3A_252 = tpu.vector_load_idx %arg8[%add3A_73, %broadcast_in_dim3A_250] : memref<512x40xf32, #tpu.memory_space<vmem>>[vector<16xi32>, vector<16xi32>], vector<16xf32>,
          %mul3A_253 = arith.mulf %gather3A_251, %gather3A_252 : vector<16xf32>
          %add3A_254 = arith.addf %add3A_248, %mul3A_253 : vector<16xf32>
          %broadcast_in_dim3A_255 = arith.constant 30 : i32
          %broadcast_in_dim3A_256 = vector.broadcast %broadcast_in_dim3A_255 : i32 to vector<16xi32>
          %gather3A_257 = tpu.vector_load_idx %arg6[%add3A_73, %broadcast_in_dim3A_256] : memref<512x32xf32, #tpu.memory_space<vmem>>[vector<16xi32>, vector<16xi32>], vector<16xf32>,
          %gather3A_258 = tpu.vector_load_idx %arg8[%add3A_73, %broadcast_in_dim3A_256] : memref<512x40xf32, #tpu.memory_space<vmem>>[vector<16xi32>, vector<16xi32>], vector<16xf32>,
          %mul3A_259 = arith.mulf %gather3A_257, %gather3A_258 : vector<16xf32>
          %add3A_260 = arith.addf %add3A_254, %mul3A_259 : vector<16xf32>
          %broadcast_in_dim3A_261 = arith.constant 31 : i32
          %broadcast_in_dim3A_262 = vector.broadcast %broadcast_in_dim3A_261 : i32 to vector<16xi32>
          %gather3A_263 = tpu.vector_load_idx %arg6[%add3A_73, %broadcast_in_dim3A_262] : memref<512x32xf32, #tpu.memory_space<vmem>>[vector<16xi32>, vector<16xi32>], vector<16xf32>,
          %gather3A_264 = tpu.vector_load_idx %arg8[%add3A_73, %broadcast_in_dim3A_262] : memref<512x40xf32, #tpu.memory_space<vmem>>[vector<16xi32>, vector<16xi32>], vector<16xf32>,
          %mul3A_265 = arith.mulf %gather3A_263, %gather3A_264 : vector<16xf32>
          %add3A_266 = arith.addf %add3A_260, %mul3A_265 : vector<16xf32>
          %mul3A_267 = arith.constant 16 : i32
          %mul3A_268 = arith.muli %scan3A_68, %mul3A_267 : i32
          %swap3A = arith.index_cast %mul3A_268 : i32 to index
          %swap3A_269 = tpu.vector_load %arg12[%swap3A] {strides = array<i32>} : memref<512xf32, #tpu.memory_space<vmem>>, vector<16xf32>,
          tpu.vector_store %arg12[%swap3A], %add3A_266 {strides = array<i32>} : memref<512xf32, #tpu.memory_space<vmem>>, vector<16xf32>,
          %scan3A_270 = arith.constant 0 : i32
          scf.yield %scan3A_270 : i32
        }
        %scan3A_65 = arith.constant 32 : i32
        %mul3A_66 = arith.constant 512 : i32
        %mul3A_67 = arith.muli %add3A_19, %mul3A_66 : i32
        %multiple_of3A = tpu.assume_multiple %mul3A_67, 8 : i32
        "tpu.region"() ({
          %run_scoped3A = tpu.sem_alloc : memref<!tpu.dma_semaphore, #tpu.memory_space<semaphore_mem>>
          %dma_start3A = tpu.memref_slice %arg5[%multiple_of3A] : memref<1600000xf32, #tpu.memory_space<hbm>> -> memref<512xf32, #tpu.memory_space<hbm>>
          %dma_start3A_68 = tpu.memref_slice %arg5[%multiple_of3A] : memref<1600000xf32, #tpu.memory_space<hbm>> -> memref<512xf32, #tpu.memory_space<hbm>>
          tpu.enqueue_dma source(%arg12 : memref<512xf32, #tpu.memory_space<vmem>>) target(%dma_start3A_68 : memref<512xf32, #tpu.memory_space<hbm>>) target_semaphore(%run_scoped3A : memref<!tpu.dma_semaphore, #tpu.memory_space<semaphore_mem>>)
          %dma_wait3A_69 = tpu.memref_slice %arg5[%multiple_of3A] : memref<1600000xf32, #tpu.memory_space<hbm>> -> memref<512xf32, #tpu.memory_space<hbm>>
          %dma_wait3A_70 = tpu.memref_slice %arg5[%multiple_of3A] : memref<1600000xf32, #tpu.memory_space<hbm>> -> memref<512xf32, #tpu.memory_space<hbm>>
          tpu.wait_dma2 semaphore(%run_scoped3A : memref<!tpu.dma_semaphore, #tpu.memory_space<semaphore_mem>>) src(%arg12 : memref<512xf32, #tpu.memory_space<vmem>>) dst(%dma_wait3A_70 : memref<512xf32, #tpu.memory_space<hbm>>)
          tpu.yield
        }) : () -> ()
      } else {
      }
      %mul3A_25 = arith.constant 2 : i32
      %mul3A_26 = arith.muli %mul3A_25, %scan3A_11 : i32
      %add3A_27 = arith.constant 1 : i32
      %add3A_28 = arith.addi %mul3A_26, %add3A_27 : i32
      %mul3A_29 = arith.constant 32 : i32
      %mul3A_30 = arith.muli %mul3A_29, %add3A_28 : i32
      %add3A_31 = arith.addi %add3A, %mul3A_30 : i32
      %lt3A_32 = arith.constant 3125 : i32
      %lt3A_33 = arith.cmpi slt, %add3A_31, %lt3A_32 : i32
      %convert_element_type3A_34 = arith.extui %lt3A_33 : i1 to i32
      %cond3A_35 = arith.constant 0 : i32
      %cond3A_36 = arith.cmpi ne, %convert_element_type3A_34, %cond3A_35 : i32
      scf.if %cond3A_36 {
        %dma_wait3A = arith.constant 0 : i32
        %dma_wait3A_38 = arith.constant 0 : i32
        %dma_wait3A_39 = tpu.memref_slice %arg3[%dma_wait3A, %dma_wait3A_38] : memref<100000x32xf32, #tpu.memory_space<hbm>> -> memref<512x32xf32, #tpu.memory_space<hbm>>
        %dma_wait3A_40 = arith.constant 0 : i32
        %dma_wait3A_41 = arith.constant 0 : i32
        %dma_wait3A_42 = tpu.memref_slice %arg3[%dma_wait3A_40, %dma_wait3A_41] : memref<100000x32xf32, #tpu.memory_space<hbm>> -> memref<512x32xf32, #tpu.memory_space<hbm>>
        tpu.wait_dma2 semaphore(%arg14 : memref<!tpu.dma_semaphore, #tpu.memory_space<semaphore_mem>>) src(%dma_wait3A_42 : memref<512x32xf32, #tpu.memory_space<hbm>>) dst(%arg7 : memref<512x32xf32, #tpu.memory_space<vmem>>)
        %dma_wait3A_43 = arith.constant 0 : i32
        %dma_wait3A_44 = arith.constant 0 : i32
        %dma_wait3A_45 = tpu.memref_slice %arg4[%dma_wait3A_43, %dma_wait3A_44] : memref<100000x40xf32, #tpu.memory_space<hbm>> -> memref<512x40xf32, #tpu.memory_space<hbm>>
        %dma_wait3A_46 = arith.constant 0 : i32
        %dma_wait3A_47 = arith.constant 0 : i32
        %dma_wait3A_48 = tpu.memref_slice %arg4[%dma_wait3A_46, %dma_wait3A_47] : memref<100000x40xf32, #tpu.memory_space<hbm>> -> memref<512x40xf32, #tpu.memory_space<hbm>>
        tpu.wait_dma2 semaphore(%arg14 : memref<!tpu.dma_semaphore, #tpu.memory_space<semaphore_mem>>) src(%dma_wait3A_48 : memref<512x40xf32, #tpu.memory_space<hbm>>) dst(%arg9 : memref<512x40xf32, #tpu.memory_space<vmem>>)
        %add3A_49 = arith.constant 1 : i32
        %add3A_50 = arith.addi %add3A_28, %add3A_49 : i32
        %mul3A_51 = arith.constant 32 : i32
        %mul3A_52 = arith.muli %mul3A_51, %add3A_50 : i32
        %add3A_53 = arith.addi %add3A, %mul3A_52 : i32
        %lt3A_54 = arith.constant 3125 : i32
        %lt3A_55 = arith.cmpi slt, %add3A_53, %lt3A_54 : i32
        %convert_element_type3A_56 = arith.extui %lt3A_55 : i1 to i32
        %cond3A_57 = arith.constant 0 : i32
        %cond3A_58 = arith.cmpi ne, %convert_element_type3A_56, %cond3A_57 : i32
        scf.if %cond3A_58 {
          %mul3A_68 = arith.constant 3 : i32
          %mul3A_69 = arith.muli %add3A_53, %mul3A_68 : i32
          %mul3A_70 = arith.constant 512 : i32
          %mul3A_71 = arith.muli %mul3A_69, %mul3A_70 : i32
          %multiple_of3A_72 = tpu.assume_multiple %mul3A_71, 8 : i32
          "tpu.region"() ({
            %run_scoped3A = tpu.sem_alloc : memref<!tpu.dma_semaphore, #tpu.memory_space<semaphore_mem>>
            %dma_start3A_136 = tpu.memref_slice %arg2[%multiple_of3A_72] : memref<4800000xi32, #tpu.memory_space<hbm>> -> memref<1536xi32, #tpu.memory_space<hbm>>
            %dma_start3A_137 = tpu.memref_slice %arg2[%multiple_of3A_72] : memref<4800000xi32, #tpu.memory_space<hbm>> -> memref<1536xi32, #tpu.memory_space<hbm>>
            tpu.enqueue_dma source(%dma_start3A_137 : memref<1536xi32, #tpu.memory_space<hbm>>) target(%arg10 : memref<1536xi32, #tpu.memory_space<vmem>>) target_semaphore(%run_scoped3A : memref<!tpu.dma_semaphore, #tpu.memory_space<semaphore_mem>>)
            %dma_wait3A_138 = tpu.memref_slice %arg2[%multiple_of3A_72] : memref<4800000xi32, #tpu.memory_space<hbm>> -> memref<1536xi32, #tpu.memory_space<hbm>>
            %dma_wait3A_139 = tpu.memref_slice %arg2[%multiple_of3A_72] : memref<4800000xi32, #tpu.memory_space<hbm>> -> memref<1536xi32, #tpu.memory_space<hbm>>
            tpu.wait_dma2 semaphore(%run_scoped3A : memref<!tpu.dma_semaphore, #tpu.memory_space<semaphore_mem>>) src(%dma_wait3A_139 : memref<1536xi32, #tpu.memory_space<hbm>>) dst(%arg10 : memref<1536xi32, #tpu.memory_space<vmem>>)
            tpu.yield
          }) : () -> ()
          %dma_start3A = arith.constant 0 : i32
          %dma_start3A_73 = arith.constant 0 : i32
          %dma_start3A_74 = tpu.memref_slice %arg6[%dma_start3A, %dma_start3A_73] : memref<512x32xf32, #tpu.memory_space<vmem>> -> memref<128x32xf32, #tpu.memory_space<vmem>>
          %dma_start3A_75 = arith.constant 128 : i32
          %dma_start3A_76 = tpu.memref_slice %arg10[%dma_start3A_75] : memref<1536xi32, #tpu.memory_space<vmem>> -> memref<128xi32, #tpu.memory_space<vmem>>
          %dma_start3A_77 = arith.constant 0 : i32
          %dma_start3A_78 = arith.constant 0 : i32
          %dma_start3A_79 = tpu.memref_slice %arg3[%dma_start3A_77, %dma_start3A_78] : memref<100000x32xf32, #tpu.memory_space<hbm>> -> memref<100000x32xf32, #tpu.memory_space<hbm>>
          tpu.enqueue_indirect_dma source(%dma_start3A_79 : memref<100000x32xf32, #tpu.memory_space<hbm>>) target(%dma_start3A_74 : memref<128x32xf32, #tpu.memory_space<vmem>>) offsets(%dma_start3A_76 : memref<128xi32, #tpu.memory_space<vmem>>) semaphore(%arg13 : memref<!tpu.dma_semaphore, #tpu.memory_space<semaphore_mem>>)
          %dma_start3A_80 = arith.constant 0 : i32
          %dma_start3A_81 = arith.constant 0 : i32
          %dma_start3A_82 = tpu.memref_slice %arg8[%dma_start3A_80, %dma_start3A_81] : memref<512x40xf32, #tpu.memory_space<vmem>> -> memref<128x40xf32, #tpu.memory_space<vmem>>
          %dma_start3A_83 = arith.constant 0 : i32
          %dma_start3A_84 = tpu.memref_slice %arg10[%dma_start3A_83] : memref<1536xi32, #tpu.memory_space<vmem>> -> memref<128xi32, #tpu.memory_space<vmem>>
          %dma_start3A_85 = arith.constant 0 : i32
          %dma_start3A_86 = arith.constant 0 : i32
          %dma_start3A_87 = tpu.memref_slice %arg4[%dma_start3A_85, %dma_start3A_86] : memref<100000x40xf32, #tpu.memory_space<hbm>> -> memref<100000x40xf32, #tpu.memory_space<hbm>>
          tpu.enqueue_indirect_dma source(%dma_start3A_87 : memref<100000x40xf32, #tpu.memory_space<hbm>>) target(%dma_start3A_82 : memref<128x40xf32, #tpu.memory_space<vmem>>) offsets(%dma_start3A_84 : memref<128xi32, #tpu.memory_space<vmem>>) semaphore(%arg13 : memref<!tpu.dma_semaphore, #tpu.memory_space<semaphore_mem>>)
          %dma_start3A_88 = arith.constant 128 : i32
          %dma_start3A_89 = arith.constant 0 : i32
          %dma_start3A_90 = tpu.memref_slice %arg6[%dma_start3A_88, %dma_start3A_89] : memref<512x32xf32, #tpu.memory_space<vmem>> -> memref<128x32xf32, #tpu.memory_space<vmem>>
          %dma_start3A_91 = arith.constant 512 : i32
          %dma_start3A_92 = tpu.memref_slice %arg10[%dma_start3A_91] : memref<1536xi32, #tpu.memory_space<vmem>> -> memref<128xi32, #tpu.memory_space<vmem>>
          %dma_start3A_93 = arith.constant 0 : i32
          %dma_start3A_94 = arith.constant 0 : i32
          %dma_start3A_95 = tpu.memref_slice %arg3[%dma_start3A_93, %dma_start3A_94] : memref<100000x32xf32, #tpu.memory_space<hbm>> -> memref<100000x32xf32, #tpu.memory_space<hbm>>
          tpu.enqueue_indirect_dma source(%dma_start3A_95 : memref<100000x32xf32, #tpu.memory_space<hbm>>) target(%dma_start3A_90 : memref<128x32xf32, #tpu.memory_space<vmem>>) offsets(%dma_start3A_92 : memref<128xi32, #tpu.memory_space<vmem>>) semaphore(%arg13 : memref<!tpu.dma_semaphore, #tpu.memory_space<semaphore_mem>>)
          %dma_start3A_96 = arith.constant 128 : i32
          %dma_start3A_97 = arith.constant 0 : i32
          %dma_start3A_98 = tpu.memref_slice %arg8[%dma_start3A_96, %dma_start3A_97] : memref<512x40xf32, #tpu.memory_space<vmem>> -> memref<128x40xf32, #tpu.memory_space<vmem>>
          %dma_start3A_99 = arith.constant 384 : i32
          %dma_start3A_100 = tpu.memref_slice %arg10[%dma_start3A_99] : memref<1536xi32, #tpu.memory_space<vmem>> -> memref<128xi32, #tpu.memory_space<vmem>>
          %dma_start3A_101 = arith.constant 0 : i32
          %dma_start3A_102 = arith.constant 0 : i32
          %dma_start3A_103 = tpu.memref_slice %arg4[%dma_start3A_101, %dma_start3A_102] : memref<100000x40xf32, #tpu.memory_space<hbm>> -> memref<100000x40xf32, #tpu.memory_space<hbm>>
          tpu.enqueue_indirect_dma source(%dma_start3A_103 : memref<100000x40xf32, #tpu.memory_space<hbm>>) target(%dma_start3A_98 : memref<128x40xf32, #tpu.memory_space<vmem>>) offsets(%dma_start3A_100 : memref<128xi32, #tpu.memory_space<vmem>>) semaphore(%arg13 : memref<!tpu.dma_semaphore, #tpu.memory_space<semaphore_mem>>)
          %dma_start3A_104 = arith.constant 256 : i32
          %dma_start3A_105 = arith.constant 0 : i32
          %dma_start3A_106 = tpu.memref_slice %arg6[%dma_start3A_104, %dma_start3A_105] : memref<512x32xf32, #tpu.memory_space<vmem>> -> memref<128x32xf32, #tpu.memory_space<vmem>>
          %dma_start3A_107 = arith.constant 896 : i32
          %dma_start3A_108 = tpu.memref_slice %arg10[%dma_start3A_107] : memref<1536xi32, #tpu.memory_space<vmem>> -> memref<128xi32, #tpu.memory_space<vmem>>
          %dma_start3A_109 = arith.constant 0 : i32
          %dma_start3A_110 = arith.constant 0 : i32
          %dma_start3A_111 = tpu.memref_slice %arg3[%dma_start3A_109, %dma_start3A_110] : memref<100000x32xf32, #tpu.memory_space<hbm>> -> memref<100000x32xf32, #tpu.memory_space<hbm>>
          tpu.enqueue_indirect_dma source(%dma_start3A_111 : memref<100000x32xf32, #tpu.memory_space<hbm>>) target(%dma_start3A_106 : memref<128x32xf32, #tpu.memory_space<vmem>>) offsets(%dma_start3A_108 : memref<128xi32, #tpu.memory_space<vmem>>) semaphore(%arg13 : memref<!tpu.dma_semaphore, #tpu.memory_space<semaphore_mem>>)
          %dma_start3A_112 = arith.constant 256 : i32
          %dma_start3A_113 = arith.constant 0 : i32
          %dma_start3A_114 = tpu.memref_slice %arg8[%dma_start3A_112, %dma_start3A_113] : memref<512x40xf32, #tpu.memory_space<vmem>> -> memref<128x40xf32, #tpu.memory_space<vmem>>
          %dma_start3A_115 = arith.constant 768 : i32
          %dma_start3A_116 = tpu.memref_slice %arg10[%dma_start3A_115] : memref<1536xi32, #tpu.memory_space<vmem>> -> memref<128xi32, #tpu.memory_space<vmem>>
          %dma_start3A_117 = arith.constant 0 : i32
          %dma_start3A_118 = arith.constant 0 : i32
          %dma_start3A_119 = tpu.memref_slice %arg4[%dma_start3A_117, %dma_start3A_118] : memref<100000x40xf32, #tpu.memory_space<hbm>> -> memref<100000x40xf32, #tpu.memory_space<hbm>>
          tpu.enqueue_indirect_dma source(%dma_start3A_119 : memref<100000x40xf32, #tpu.memory_space<hbm>>) target(%dma_start3A_114 : memref<128x40xf32, #tpu.memory_space<vmem>>) offsets(%dma_start3A_116 : memref<128xi32, #tpu.memory_space<vmem>>) semaphore(%arg13 : memref<!tpu.dma_semaphore, #tpu.memory_space<semaphore_mem>>)
          %dma_start3A_120 = arith.constant 384 : i32
          %dma_start3A_121 = arith.constant 0 : i32
          %dma_start3A_122 = tpu.memref_slice %arg6[%dma_start3A_120, %dma_start3A_121] : memref<512x32xf32, #tpu.memory_space<vmem>> -> memref<128x32xf32, #tpu.memory_space<vmem>>
          %dma_start3A_123 = arith.constant 1280 : i32
          %dma_start3A_124 = tpu.memref_slice %arg10[%dma_start3A_123] : memref<1536xi32, #tpu.memory_space<vmem>> -> memref<128xi32, #tpu.memory_space<vmem>>
          %dma_start3A_125 = arith.constant 0 : i32
          %dma_start3A_126 = arith.constant 0 : i32
          %dma_start3A_127 = tpu.memref_slice %arg3[%dma_start3A_125, %dma_start3A_126] : memref<100000x32xf32, #tpu.memory_space<hbm>> -> memref<100000x32xf32, #tpu.memory_space<hbm>>
          tpu.enqueue_indirect_dma source(%dma_start3A_127 : memref<100000x32xf32, #tpu.memory_space<hbm>>) target(%dma_start3A_122 : memref<128x32xf32, #tpu.memory_space<vmem>>) offsets(%dma_start3A_124 : memref<128xi32, #tpu.memory_space<vmem>>) semaphore(%arg13 : memref<!tpu.dma_semaphore, #tpu.memory_space<semaphore_mem>>)
          %dma_start3A_128 = arith.constant 384 : i32
          %dma_start3A_129 = arith.constant 0 : i32
          %dma_start3A_130 = tpu.memref_slice %arg8[%dma_start3A_128, %dma_start3A_129] : memref<512x40xf32, #tpu.memory_space<vmem>> -> memref<128x40xf32, #tpu.memory_space<vmem>>
          %dma_start3A_131 = arith.constant 1152 : i32
          %dma_start3A_132 = tpu.memref_slice %arg10[%dma_start3A_131] : memref<1536xi32, #tpu.memory_space<vmem>> -> memref<128xi32, #tpu.memory_space<vmem>>
          %dma_start3A_133 = arith.constant 0 : i32
          %dma_start3A_134 = arith.constant 0 : i32
          %dma_start3A_135 = tpu.memref_slice %arg4[%dma_start3A_133, %dma_start3A_134] : memref<100000x40xf32, #tpu.memory_space<hbm>> -> memref<100000x40xf32, #tpu.memory_space<hbm>>
          tpu.enqueue_indirect_dma source(%dma_start3A_135 : memref<100000x40xf32, #tpu.memory_space<hbm>>) target(%dma_start3A_130 : memref<128x40xf32, #tpu.memory_space<vmem>>) offsets(%dma_start3A_132 : memref<128xi32, #tpu.memory_space<vmem>>) semaphore(%arg13 : memref<!tpu.dma_semaphore, #tpu.memory_space<semaphore_mem>>)
        } else {
        }
        %scan3A_59 = arith.constant 0 : i32
        %scan3A_60 = arith.constant 0 : i32
        %scan3A_61 = arith.constant 32 : i32
        %scan3A_62 = arith.addi %scan3A_60, %scan3A_61 : i32
        %scan3A_63 = arith.constant 1 : i32
        %scan3A_64 = scf.for %scan3A_68 = %scan3A_60 to %scan3A_62 step %scan3A_63 iter_args(%scan3A_69 = %scan3A_59) -> (i32)  : i32 {
          %mul3A_70 = arith.constant 16 : i32
          %mul3A_71 = arith.muli %scan3A_68, %mul3A_70 : i32
          %iota3A = tpu.iota {dimensions = array<i32: 0>} : vector<16xi32>
          %add3A_72 = vector.broadcast %mul3A_71 : i32 to vector<16xi32>
          %add3A_73 = arith.addi %add3A_72, %iota3A : vector<16xi32>
          %broadcast_in_dim3A = arith.constant 32 : i32
          %broadcast_in_dim3A_74 = vector.broadcast %broadcast_in_dim3A : i32 to vector<16xi32>
          %gather3A = tpu.vector_load_idx %arg9[%add3A_73, %broadcast_in_dim3A_74] : memref<512x40xf32, #tpu.memory_space<vmem>>[vector<16xi32>, vector<16xi32>], vector<16xf32>,
          %broadcast_in_dim3A_75 = arith.constant 0 : i32
          %broadcast_in_dim3A_76 = vector.broadcast %broadcast_in_dim3A_75 : i32 to vector<16xi32>
          %gather3A_77 = tpu.vector_load_idx %arg7[%add3A_73, %broadcast_in_dim3A_76] : memref<512x32xf32, #tpu.memory_space<vmem>>[vector<16xi32>, vector<16xi32>], vector<16xf32>,
          %gather3A_78 = tpu.vector_load_idx %arg9[%add3A_73, %broadcast_in_dim3A_76] : memref<512x40xf32, #tpu.memory_space<vmem>>[vector<16xi32>, vector<16xi32>], vector<16xf32>,
          %mul3A_79 = arith.mulf %gather3A_77, %gather3A_78 : vector<16xf32>
          %add3A_80 = arith.addf %gather3A, %mul3A_79 : vector<16xf32>
          %broadcast_in_dim3A_81 = arith.constant 1 : i32
          %broadcast_in_dim3A_82 = vector.broadcast %broadcast_in_dim3A_81 : i32 to vector<16xi32>
          %gather3A_83 = tpu.vector_load_idx %arg7[%add3A_73, %broadcast_in_dim3A_82] : memref<512x32xf32, #tpu.memory_space<vmem>>[vector<16xi32>, vector<16xi32>], vector<16xf32>,
          %gather3A_84 = tpu.vector_load_idx %arg9[%add3A_73, %broadcast_in_dim3A_82] : memref<512x40xf32, #tpu.memory_space<vmem>>[vector<16xi32>, vector<16xi32>], vector<16xf32>,
          %mul3A_85 = arith.mulf %gather3A_83, %gather3A_84 : vector<16xf32>
          %add3A_86 = arith.addf %add3A_80, %mul3A_85 : vector<16xf32>
          %broadcast_in_dim3A_87 = arith.constant 2 : i32
          %broadcast_in_dim3A_88 = vector.broadcast %broadcast_in_dim3A_87 : i32 to vector<16xi32>
          %gather3A_89 = tpu.vector_load_idx %arg7[%add3A_73, %broadcast_in_dim3A_88] : memref<512x32xf32, #tpu.memory_space<vmem>>[vector<16xi32>, vector<16xi32>], vector<16xf32>,
          %gather3A_90 = tpu.vector_load_idx %arg9[%add3A_73, %broadcast_in_dim3A_88] : memref<512x40xf32, #tpu.memory_space<vmem>>[vector<16xi32>, vector<16xi32>], vector<16xf32>,
          %mul3A_91 = arith.mulf %gather3A_89, %gather3A_90 : vector<16xf32>
          %add3A_92 = arith.addf %add3A_86, %mul3A_91 : vector<16xf32>
          %broadcast_in_dim3A_93 = arith.constant 3 : i32
          %broadcast_in_dim3A_94 = vector.broadcast %broadcast_in_dim3A_93 : i32 to vector<16xi32>
          %gather3A_95 = tpu.vector_load_idx %arg7[%add3A_73, %broadcast_in_dim3A_94] : memref<512x32xf32, #tpu.memory_space<vmem>>[vector<16xi32>, vector<16xi32>], vector<16xf32>,
          %gather3A_96 = tpu.vector_load_idx %arg9[%add3A_73, %broadcast_in_dim3A_94] : memref<512x40xf32, #tpu.memory_space<vmem>>[vector<16xi32>, vector<16xi32>], vector<16xf32>,
          %mul3A_97 = arith.mulf %gather3A_95, %gather3A_96 : vector<16xf32>
          %add3A_98 = arith.addf %add3A_92, %mul3A_97 : vector<16xf32>
          %broadcast_in_dim3A_99 = arith.constant 4 : i32
          %broadcast_in_dim3A_100 = vector.broadcast %broadcast_in_dim3A_99 : i32 to vector<16xi32>
          %gather3A_101 = tpu.vector_load_idx %arg7[%add3A_73, %broadcast_in_dim3A_100] : memref<512x32xf32, #tpu.memory_space<vmem>>[vector<16xi32>, vector<16xi32>], vector<16xf32>,
          %gather3A_102 = tpu.vector_load_idx %arg9[%add3A_73, %broadcast_in_dim3A_100] : memref<512x40xf32, #tpu.memory_space<vmem>>[vector<16xi32>, vector<16xi32>], vector<16xf32>,
          %mul3A_103 = arith.mulf %gather3A_101, %gather3A_102 : vector<16xf32>
          %add3A_104 = arith.addf %add3A_98, %mul3A_103 : vector<16xf32>
          %broadcast_in_dim3A_105 = arith.constant 5 : i32
          %broadcast_in_dim3A_106 = vector.broadcast %broadcast_in_dim3A_105 : i32 to vector<16xi32>
          %gather3A_107 = tpu.vector_load_idx %arg7[%add3A_73, %broadcast_in_dim3A_106] : memref<512x32xf32, #tpu.memory_space<vmem>>[vector<16xi32>, vector<16xi32>], vector<16xf32>,
          %gather3A_108 = tpu.vector_load_idx %arg9[%add3A_73, %broadcast_in_dim3A_106] : memref<512x40xf32, #tpu.memory_space<vmem>>[vector<16xi32>, vector<16xi32>], vector<16xf32>,
          %mul3A_109 = arith.mulf %gather3A_107, %gather3A_108 : vector<16xf32>
          %add3A_110 = arith.addf %add3A_104, %mul3A_109 : vector<16xf32>
          %broadcast_in_dim3A_111 = arith.constant 6 : i32
          %broadcast_in_dim3A_112 = vector.broadcast %broadcast_in_dim3A_111 : i32 to vector<16xi32>
          %gather3A_113 = tpu.vector_load_idx %arg7[%add3A_73, %broadcast_in_dim3A_112] : memref<512x32xf32, #tpu.memory_space<vmem>>[vector<16xi32>, vector<16xi32>], vector<16xf32>,
          %gather3A_114 = tpu.vector_load_idx %arg9[%add3A_73, %broadcast_in_dim3A_112] : memref<512x40xf32, #tpu.memory_space<vmem>>[vector<16xi32>, vector<16xi32>], vector<16xf32>,
          %mul3A_115 = arith.mulf %gather3A_113, %gather3A_114 : vector<16xf32>
          %add3A_116 = arith.addf %add3A_110, %mul3A_115 : vector<16xf32>
          %broadcast_in_dim3A_117 = arith.constant 7 : i32
          %broadcast_in_dim3A_118 = vector.broadcast %broadcast_in_dim3A_117 : i32 to vector<16xi32>
          %gather3A_119 = tpu.vector_load_idx %arg7[%add3A_73, %broadcast_in_dim3A_118] : memref<512x32xf32, #tpu.memory_space<vmem>>[vector<16xi32>, vector<16xi32>], vector<16xf32>,
          %gather3A_120 = tpu.vector_load_idx %arg9[%add3A_73, %broadcast_in_dim3A_118] : memref<512x40xf32, #tpu.memory_space<vmem>>[vector<16xi32>, vector<16xi32>], vector<16xf32>,
          %mul3A_121 = arith.mulf %gather3A_119, %gather3A_120 : vector<16xf32>
          %add3A_122 = arith.addf %add3A_116, %mul3A_121 : vector<16xf32>
          %broadcast_in_dim3A_123 = arith.constant 8 : i32
          %broadcast_in_dim3A_124 = vector.broadcast %broadcast_in_dim3A_123 : i32 to vector<16xi32>
          %gather3A_125 = tpu.vector_load_idx %arg7[%add3A_73, %broadcast_in_dim3A_124] : memref<512x32xf32, #tpu.memory_space<vmem>>[vector<16xi32>, vector<16xi32>], vector<16xf32>,
          %gather3A_126 = tpu.vector_load_idx %arg9[%add3A_73, %broadcast_in_dim3A_124] : memref<512x40xf32, #tpu.memory_space<vmem>>[vector<16xi32>, vector<16xi32>], vector<16xf32>,
          %mul3A_127 = arith.mulf %gather3A_125, %gather3A_126 : vector<16xf32>
          %add3A_128 = arith.addf %add3A_122, %mul3A_127 : vector<16xf32>
          %broadcast_in_dim3A_129 = arith.constant 9 : i32
          %broadcast_in_dim3A_130 = vector.broadcast %broadcast_in_dim3A_129 : i32 to vector<16xi32>
          %gather3A_131 = tpu.vector_load_idx %arg7[%add3A_73, %broadcast_in_dim3A_130] : memref<512x32xf32, #tpu.memory_space<vmem>>[vector<16xi32>, vector<16xi32>], vector<16xf32>,
          %gather3A_132 = tpu.vector_load_idx %arg9[%add3A_73, %broadcast_in_dim3A_130] : memref<512x40xf32, #tpu.memory_space<vmem>>[vector<16xi32>, vector<16xi32>], vector<16xf32>,
          %mul3A_133 = arith.mulf %gather3A_131, %gather3A_132 : vector<16xf32>
          %add3A_134 = arith.addf %add3A_128, %mul3A_133 : vector<16xf32>
          %broadcast_in_dim3A_135 = arith.constant 10 : i32
          %broadcast_in_dim3A_136 = vector.broadcast %broadcast_in_dim3A_135 : i32 to vector<16xi32>
          %gather3A_137 = tpu.vector_load_idx %arg7[%add3A_73, %broadcast_in_dim3A_136] : memref<512x32xf32, #tpu.memory_space<vmem>>[vector<16xi32>, vector<16xi32>], vector<16xf32>,
          %gather3A_138 = tpu.vector_load_idx %arg9[%add3A_73, %broadcast_in_dim3A_136] : memref<512x40xf32, #tpu.memory_space<vmem>>[vector<16xi32>, vector<16xi32>], vector<16xf32>,
          %mul3A_139 = arith.mulf %gather3A_137, %gather3A_138 : vector<16xf32>
          %add3A_140 = arith.addf %add3A_134, %mul3A_139 : vector<16xf32>
          %broadcast_in_dim3A_141 = arith.constant 11 : i32
          %broadcast_in_dim3A_142 = vector.broadcast %broadcast_in_dim3A_141 : i32 to vector<16xi32>
          %gather3A_143 = tpu.vector_load_idx %arg7[%add3A_73, %broadcast_in_dim3A_142] : memref<512x32xf32, #tpu.memory_space<vmem>>[vector<16xi32>, vector<16xi32>], vector<16xf32>,
          %gather3A_144 = tpu.vector_load_idx %arg9[%add3A_73, %broadcast_in_dim3A_142] : memref<512x40xf32, #tpu.memory_space<vmem>>[vector<16xi32>, vector<16xi32>], vector<16xf32>,
          %mul3A_145 = arith.mulf %gather3A_143, %gather3A_144 : vector<16xf32>
          %add3A_146 = arith.addf %add3A_140, %mul3A_145 : vector<16xf32>
          %broadcast_in_dim3A_147 = arith.constant 12 : i32
          %broadcast_in_dim3A_148 = vector.broadcast %broadcast_in_dim3A_147 : i32 to vector<16xi32>
          %gather3A_149 = tpu.vector_load_idx %arg7[%add3A_73, %broadcast_in_dim3A_148] : memref<512x32xf32, #tpu.memory_space<vmem>>[vector<16xi32>, vector<16xi32>], vector<16xf32>,
          %gather3A_150 = tpu.vector_load_idx %arg9[%add3A_73, %broadcast_in_dim3A_148] : memref<512x40xf32, #tpu.memory_space<vmem>>[vector<16xi32>, vector<16xi32>], vector<16xf32>,
          %mul3A_151 = arith.mulf %gather3A_149, %gather3A_150 : vector<16xf32>
          %add3A_152 = arith.addf %add3A_146, %mul3A_151 : vector<16xf32>
          %broadcast_in_dim3A_153 = arith.constant 13 : i32
          %broadcast_in_dim3A_154 = vector.broadcast %broadcast_in_dim3A_153 : i32 to vector<16xi32>
          %gather3A_155 = tpu.vector_load_idx %arg7[%add3A_73, %broadcast_in_dim3A_154] : memref<512x32xf32, #tpu.memory_space<vmem>>[vector<16xi32>, vector<16xi32>], vector<16xf32>,
          %gather3A_156 = tpu.vector_load_idx %arg9[%add3A_73, %broadcast_in_dim3A_154] : memref<512x40xf32, #tpu.memory_space<vmem>>[vector<16xi32>, vector<16xi32>], vector<16xf32>,
          %mul3A_157 = arith.mulf %gather3A_155, %gather3A_156 : vector<16xf32>
          %add3A_158 = arith.addf %add3A_152, %mul3A_157 : vector<16xf32>
          %broadcast_in_dim3A_159 = arith.constant 14 : i32
          %broadcast_in_dim3A_160 = vector.broadcast %broadcast_in_dim3A_159 : i32 to vector<16xi32>
          %gather3A_161 = tpu.vector_load_idx %arg7[%add3A_73, %broadcast_in_dim3A_160] : memref<512x32xf32, #tpu.memory_space<vmem>>[vector<16xi32>, vector<16xi32>], vector<16xf32>,
          %gather3A_162 = tpu.vector_load_idx %arg9[%add3A_73, %broadcast_in_dim3A_160] : memref<512x40xf32, #tpu.memory_space<vmem>>[vector<16xi32>, vector<16xi32>], vector<16xf32>,
          %mul3A_163 = arith.mulf %gather3A_161, %gather3A_162 : vector<16xf32>
          %add3A_164 = arith.addf %add3A_158, %mul3A_163 : vector<16xf32>
          %broadcast_in_dim3A_165 = arith.constant 15 : i32
          %broadcast_in_dim3A_166 = vector.broadcast %broadcast_in_dim3A_165 : i32 to vector<16xi32>
          %gather3A_167 = tpu.vector_load_idx %arg7[%add3A_73, %broadcast_in_dim3A_166] : memref<512x32xf32, #tpu.memory_space<vmem>>[vector<16xi32>, vector<16xi32>], vector<16xf32>,
          %gather3A_168 = tpu.vector_load_idx %arg9[%add3A_73, %broadcast_in_dim3A_166] : memref<512x40xf32, #tpu.memory_space<vmem>>[vector<16xi32>, vector<16xi32>], vector<16xf32>,
          %mul3A_169 = arith.mulf %gather3A_167, %gather3A_168 : vector<16xf32>
          %add3A_170 = arith.addf %add3A_164, %mul3A_169 : vector<16xf32>
          %broadcast_in_dim3A_171 = arith.constant 16 : i32
          %broadcast_in_dim3A_172 = vector.broadcast %broadcast_in_dim3A_171 : i32 to vector<16xi32>
          %gather3A_173 = tpu.vector_load_idx %arg7[%add3A_73, %broadcast_in_dim3A_172] : memref<512x32xf32, #tpu.memory_space<vmem>>[vector<16xi32>, vector<16xi32>], vector<16xf32>,
          %gather3A_174 = tpu.vector_load_idx %arg9[%add3A_73, %broadcast_in_dim3A_172] : memref<512x40xf32, #tpu.memory_space<vmem>>[vector<16xi32>, vector<16xi32>], vector<16xf32>,
          %mul3A_175 = arith.mulf %gather3A_173, %gather3A_174 : vector<16xf32>
          %add3A_176 = arith.addf %add3A_170, %mul3A_175 : vector<16xf32>
          %broadcast_in_dim3A_177 = arith.constant 17 : i32
          %broadcast_in_dim3A_178 = vector.broadcast %broadcast_in_dim3A_177 : i32 to vector<16xi32>
          %gather3A_179 = tpu.vector_load_idx %arg7[%add3A_73, %broadcast_in_dim3A_178] : memref<512x32xf32, #tpu.memory_space<vmem>>[vector<16xi32>, vector<16xi32>], vector<16xf32>,
          %gather3A_180 = tpu.vector_load_idx %arg9[%add3A_73, %broadcast_in_dim3A_178] : memref<512x40xf32, #tpu.memory_space<vmem>>[vector<16xi32>, vector<16xi32>], vector<16xf32>,
          %mul3A_181 = arith.mulf %gather3A_179, %gather3A_180 : vector<16xf32>
          %add3A_182 = arith.addf %add3A_176, %mul3A_181 : vector<16xf32>
          %broadcast_in_dim3A_183 = arith.constant 18 : i32
          %broadcast_in_dim3A_184 = vector.broadcast %broadcast_in_dim3A_183 : i32 to vector<16xi32>
          %gather3A_185 = tpu.vector_load_idx %arg7[%add3A_73, %broadcast_in_dim3A_184] : memref<512x32xf32, #tpu.memory_space<vmem>>[vector<16xi32>, vector<16xi32>], vector<16xf32>,
          %gather3A_186 = tpu.vector_load_idx %arg9[%add3A_73, %broadcast_in_dim3A_184] : memref<512x40xf32, #tpu.memory_space<vmem>>[vector<16xi32>, vector<16xi32>], vector<16xf32>,
          %mul3A_187 = arith.mulf %gather3A_185, %gather3A_186 : vector<16xf32>
          %add3A_188 = arith.addf %add3A_182, %mul3A_187 : vector<16xf32>
          %broadcast_in_dim3A_189 = arith.constant 19 : i32
          %broadcast_in_dim3A_190 = vector.broadcast %broadcast_in_dim3A_189 : i32 to vector<16xi32>
          %gather3A_191 = tpu.vector_load_idx %arg7[%add3A_73, %broadcast_in_dim3A_190] : memref<512x32xf32, #tpu.memory_space<vmem>>[vector<16xi32>, vector<16xi32>], vector<16xf32>,
          %gather3A_192 = tpu.vector_load_idx %arg9[%add3A_73, %broadcast_in_dim3A_190] : memref<512x40xf32, #tpu.memory_space<vmem>>[vector<16xi32>, vector<16xi32>], vector<16xf32>,
          %mul3A_193 = arith.mulf %gather3A_191, %gather3A_192 : vector<16xf32>
          %add3A_194 = arith.addf %add3A_188, %mul3A_193 : vector<16xf32>
          %broadcast_in_dim3A_195 = arith.constant 20 : i32
          %broadcast_in_dim3A_196 = vector.broadcast %broadcast_in_dim3A_195 : i32 to vector<16xi32>
          %gather3A_197 = tpu.vector_load_idx %arg7[%add3A_73, %broadcast_in_dim3A_196] : memref<512x32xf32, #tpu.memory_space<vmem>>[vector<16xi32>, vector<16xi32>], vector<16xf32>,
          %gather3A_198 = tpu.vector_load_idx %arg9[%add3A_73, %broadcast_in_dim3A_196] : memref<512x40xf32, #tpu.memory_space<vmem>>[vector<16xi32>, vector<16xi32>], vector<16xf32>,
          %mul3A_199 = arith.mulf %gather3A_197, %gather3A_198 : vector<16xf32>
          %add3A_200 = arith.addf %add3A_194, %mul3A_199 : vector<16xf32>
          %broadcast_in_dim3A_201 = arith.constant 21 : i32
          %broadcast_in_dim3A_202 = vector.broadcast %broadcast_in_dim3A_201 : i32 to vector<16xi32>
          %gather3A_203 = tpu.vector_load_idx %arg7[%add3A_73, %broadcast_in_dim3A_202] : memref<512x32xf32, #tpu.memory_space<vmem>>[vector<16xi32>, vector<16xi32>], vector<16xf32>,
          %gather3A_204 = tpu.vector_load_idx %arg9[%add3A_73, %broadcast_in_dim3A_202] : memref<512x40xf32, #tpu.memory_space<vmem>>[vector<16xi32>, vector<16xi32>], vector<16xf32>,
          %mul3A_205 = arith.mulf %gather3A_203, %gather3A_204 : vector<16xf32>
          %add3A_206 = arith.addf %add3A_200, %mul3A_205 : vector<16xf32>
          %broadcast_in_dim3A_207 = arith.constant 22 : i32
          %broadcast_in_dim3A_208 = vector.broadcast %broadcast_in_dim3A_207 : i32 to vector<16xi32>
          %gather3A_209 = tpu.vector_load_idx %arg7[%add3A_73, %broadcast_in_dim3A_208] : memref<512x32xf32, #tpu.memory_space<vmem>>[vector<16xi32>, vector<16xi32>], vector<16xf32>,
          %gather3A_210 = tpu.vector_load_idx %arg9[%add3A_73, %broadcast_in_dim3A_208] : memref<512x40xf32, #tpu.memory_space<vmem>>[vector<16xi32>, vector<16xi32>], vector<16xf32>,
          %mul3A_211 = arith.mulf %gather3A_209, %gather3A_210 : vector<16xf32>
          %add3A_212 = arith.addf %add3A_206, %mul3A_211 : vector<16xf32>
          %broadcast_in_dim3A_213 = arith.constant 23 : i32
          %broadcast_in_dim3A_214 = vector.broadcast %broadcast_in_dim3A_213 : i32 to vector<16xi32>
          %gather3A_215 = tpu.vector_load_idx %arg7[%add3A_73, %broadcast_in_dim3A_214] : memref<512x32xf32, #tpu.memory_space<vmem>>[vector<16xi32>, vector<16xi32>], vector<16xf32>,
          %gather3A_216 = tpu.vector_load_idx %arg9[%add3A_73, %broadcast_in_dim3A_214] : memref<512x40xf32, #tpu.memory_space<vmem>>[vector<16xi32>, vector<16xi32>], vector<16xf32>,
          %mul3A_217 = arith.mulf %gather3A_215, %gather3A_216 : vector<16xf32>
          %add3A_218 = arith.addf %add3A_212, %mul3A_217 : vector<16xf32>
          %broadcast_in_dim3A_219 = arith.constant 24 : i32
          %broadcast_in_dim3A_220 = vector.broadcast %broadcast_in_dim3A_219 : i32 to vector<16xi32>
          %gather3A_221 = tpu.vector_load_idx %arg7[%add3A_73, %broadcast_in_dim3A_220] : memref<512x32xf32, #tpu.memory_space<vmem>>[vector<16xi32>, vector<16xi32>], vector<16xf32>,
          %gather3A_222 = tpu.vector_load_idx %arg9[%add3A_73, %broadcast_in_dim3A_220] : memref<512x40xf32, #tpu.memory_space<vmem>>[vector<16xi32>, vector<16xi32>], vector<16xf32>,
          %mul3A_223 = arith.mulf %gather3A_221, %gather3A_222 : vector<16xf32>
          %add3A_224 = arith.addf %add3A_218, %mul3A_223 : vector<16xf32>
          %broadcast_in_dim3A_225 = arith.constant 25 : i32
          %broadcast_in_dim3A_226 = vector.broadcast %broadcast_in_dim3A_225 : i32 to vector<16xi32>
          %gather3A_227 = tpu.vector_load_idx %arg7[%add3A_73, %broadcast_in_dim3A_226] : memref<512x32xf32, #tpu.memory_space<vmem>>[vector<16xi32>, vector<16xi32>], vector<16xf32>,
          %gather3A_228 = tpu.vector_load_idx %arg9[%add3A_73, %broadcast_in_dim3A_226] : memref<512x40xf32, #tpu.memory_space<vmem>>[vector<16xi32>, vector<16xi32>], vector<16xf32>,
          %mul3A_229 = arith.mulf %gather3A_227, %gather3A_228 : vector<16xf32>
          %add3A_230 = arith.addf %add3A_224, %mul3A_229 : vector<16xf32>
          %broadcast_in_dim3A_231 = arith.constant 26 : i32
          %broadcast_in_dim3A_232 = vector.broadcast %broadcast_in_dim3A_231 : i32 to vector<16xi32>
          %gather3A_233 = tpu.vector_load_idx %arg7[%add3A_73, %broadcast_in_dim3A_232] : memref<512x32xf32, #tpu.memory_space<vmem>>[vector<16xi32>, vector<16xi32>], vector<16xf32>,
          %gather3A_234 = tpu.vector_load_idx %arg9[%add3A_73, %broadcast_in_dim3A_232] : memref<512x40xf32, #tpu.memory_space<vmem>>[vector<16xi32>, vector<16xi32>], vector<16xf32>,
          %mul3A_235 = arith.mulf %gather3A_233, %gather3A_234 : vector<16xf32>
          %add3A_236 = arith.addf %add3A_230, %mul3A_235 : vector<16xf32>
          %broadcast_in_dim3A_237 = arith.constant 27 : i32
          %broadcast_in_dim3A_238 = vector.broadcast %broadcast_in_dim3A_237 : i32 to vector<16xi32>
          %gather3A_239 = tpu.vector_load_idx %arg7[%add3A_73, %broadcast_in_dim3A_238] : memref<512x32xf32, #tpu.memory_space<vmem>>[vector<16xi32>, vector<16xi32>], vector<16xf32>,
          %gather3A_240 = tpu.vector_load_idx %arg9[%add3A_73, %broadcast_in_dim3A_238] : memref<512x40xf32, #tpu.memory_space<vmem>>[vector<16xi32>, vector<16xi32>], vector<16xf32>,
          %mul3A_241 = arith.mulf %gather3A_239, %gather3A_240 : vector<16xf32>
          %add3A_242 = arith.addf %add3A_236, %mul3A_241 : vector<16xf32>
          %broadcast_in_dim3A_243 = arith.constant 28 : i32
          %broadcast_in_dim3A_244 = vector.broadcast %broadcast_in_dim3A_243 : i32 to vector<16xi32>
          %gather3A_245 = tpu.vector_load_idx %arg7[%add3A_73, %broadcast_in_dim3A_244] : memref<512x32xf32, #tpu.memory_space<vmem>>[vector<16xi32>, vector<16xi32>], vector<16xf32>,
          %gather3A_246 = tpu.vector_load_idx %arg9[%add3A_73, %broadcast_in_dim3A_244] : memref<512x40xf32, #tpu.memory_space<vmem>>[vector<16xi32>, vector<16xi32>], vector<16xf32>,
          %mul3A_247 = arith.mulf %gather3A_245, %gather3A_246 : vector<16xf32>
          %add3A_248 = arith.addf %add3A_242, %mul3A_247 : vector<16xf32>
          %broadcast_in_dim3A_249 = arith.constant 29 : i32
          %broadcast_in_dim3A_250 = vector.broadcast %broadcast_in_dim3A_249 : i32 to vector<16xi32>
          %gather3A_251 = tpu.vector_load_idx %arg7[%add3A_73, %broadcast_in_dim3A_250] : memref<512x32xf32, #tpu.memory_space<vmem>>[vector<16xi32>, vector<16xi32>], vector<16xf32>,
          %gather3A_252 = tpu.vector_load_idx %arg9[%add3A_73, %broadcast_in_dim3A_250] : memref<512x40xf32, #tpu.memory_space<vmem>>[vector<16xi32>, vector<16xi32>], vector<16xf32>,
          %mul3A_253 = arith.mulf %gather3A_251, %gather3A_252 : vector<16xf32>
          %add3A_254 = arith.addf %add3A_248, %mul3A_253 : vector<16xf32>
          %broadcast_in_dim3A_255 = arith.constant 30 : i32
          %broadcast_in_dim3A_256 = vector.broadcast %broadcast_in_dim3A_255 : i32 to vector<16xi32>
          %gather3A_257 = tpu.vector_load_idx %arg7[%add3A_73, %broadcast_in_dim3A_256] : memref<512x32xf32, #tpu.memory_space<vmem>>[vector<16xi32>, vector<16xi32>], vector<16xf32>,
          %gather3A_258 = tpu.vector_load_idx %arg9[%add3A_73, %broadcast_in_dim3A_256] : memref<512x40xf32, #tpu.memory_space<vmem>>[vector<16xi32>, vector<16xi32>], vector<16xf32>,
          %mul3A_259 = arith.mulf %gather3A_257, %gather3A_258 : vector<16xf32>
          %add3A_260 = arith.addf %add3A_254, %mul3A_259 : vector<16xf32>
          %broadcast_in_dim3A_261 = arith.constant 31 : i32
          %broadcast_in_dim3A_262 = vector.broadcast %broadcast_in_dim3A_261 : i32 to vector<16xi32>
          %gather3A_263 = tpu.vector_load_idx %arg7[%add3A_73, %broadcast_in_dim3A_262] : memref<512x32xf32, #tpu.memory_space<vmem>>[vector<16xi32>, vector<16xi32>], vector<16xf32>,
          %gather3A_264 = tpu.vector_load_idx %arg9[%add3A_73, %broadcast_in_dim3A_262] : memref<512x40xf32, #tpu.memory_space<vmem>>[vector<16xi32>, vector<16xi32>], vector<16xf32>,
          %mul3A_265 = arith.mulf %gather3A_263, %gather3A_264 : vector<16xf32>
          %add3A_266 = arith.addf %add3A_260, %mul3A_265 : vector<16xf32>
          %mul3A_267 = arith.constant 16 : i32
          %mul3A_268 = arith.muli %scan3A_68, %mul3A_267 : i32
          %swap3A = arith.index_cast %mul3A_268 : i32 to index
          %swap3A_269 = tpu.vector_load %arg12[%swap3A] {strides = array<i32>} : memref<512xf32, #tpu.memory_space<vmem>>, vector<16xf32>,
          tpu.vector_store %arg12[%swap3A], %add3A_266 {strides = array<i32>} : memref<512xf32, #tpu.memory_space<vmem>>, vector<16xf32>,
          %scan3A_270 = arith.constant 0 : i32
          scf.yield %scan3A_270 : i32
        }
        %scan3A_65 = arith.constant 32 : i32
        %mul3A_66 = arith.constant 512 : i32
        %mul3A_67 = arith.muli %add3A_31, %mul3A_66 : i32
        %multiple_of3A = tpu.assume_multiple %mul3A_67, 8 : i32
        "tpu.region"() ({
          %run_scoped3A = tpu.sem_alloc : memref<!tpu.dma_semaphore, #tpu.memory_space<semaphore_mem>>
          %dma_start3A = tpu.memref_slice %arg5[%multiple_of3A] : memref<1600000xf32, #tpu.memory_space<hbm>> -> memref<512xf32, #tpu.memory_space<hbm>>
          %dma_start3A_68 = tpu.memref_slice %arg5[%multiple_of3A] : memref<1600000xf32, #tpu.memory_space<hbm>> -> memref<512xf32, #tpu.memory_space<hbm>>
          tpu.enqueue_dma source(%arg12 : memref<512xf32, #tpu.memory_space<vmem>>) target(%dma_start3A_68 : memref<512xf32, #tpu.memory_space<hbm>>) target_semaphore(%run_scoped3A : memref<!tpu.dma_semaphore, #tpu.memory_space<semaphore_mem>>)
          %dma_wait3A_69 = tpu.memref_slice %arg5[%multiple_of3A] : memref<1600000xf32, #tpu.memory_space<hbm>> -> memref<512xf32, #tpu.memory_space<hbm>>
          %dma_wait3A_70 = tpu.memref_slice %arg5[%multiple_of3A] : memref<1600000xf32, #tpu.memory_space<hbm>> -> memref<512xf32, #tpu.memory_space<hbm>>
          tpu.wait_dma2 semaphore(%run_scoped3A : memref<!tpu.dma_semaphore, #tpu.memory_space<semaphore_mem>>) src(%arg12 : memref<512xf32, #tpu.memory_space<vmem>>) dst(%dma_wait3A_70 : memref<512xf32, #tpu.memory_space<hbm>>)
          tpu.yield
        }) : () -> ()
      } else {
      }
      %scan3A_37 = arith.constant 0 : i32
      scf.yield %scan3A_37 : i32
    }
    %scan3A_10 = arith.constant 49 : i32
    return
  }
}

module attributes {stable_mosaic.version = 14 : i64} {
  func.func @_combine(%arg0: i32, %arg1: memref<4000x32xbf16, #tpu.memory_space<vmem>>, %arg2: memref<4000x32xbf16, #tpu.memory_space<vmem>>, %arg3: memref<1x32xf32, #tpu.memory_space<vmem>>, %arg4: memref<4000x32xf32, #tpu.memory_space<vmem>>) attributes {dimension_semantics = [#tpu.dimension_semantics<arbitrary>], iteration_bounds = array<i64: 25>, scalar_prefetch = 0 : i64, scratch_operands = 0 : i64, tpu.core_type = #tpu.core_type<tc>, window_params = [{transform_indices = @transform_0, window_bounds = array<i64: 4000, 32>}, {transform_indices = @transform_1, window_bounds = array<i64: 4000, 32>}, {pipeline_mode = #tpu.pipeline_mode<synchronous>, transform_indices = @transform_2, window_bounds = array<i64: 1, 32>}, {transform_indices = @transform_3, window_bounds = array<i64: 4000, 32>}]} {
    %get3A = arith.constant 0 : index
    %get3A_0 = arith.constant 0 : index
    %get3A_1 = vector.load %arg1[%get3A, %get3A_0] : memref<4000x32xbf16, #tpu.memory_space<vmem>>, vector<4000x32xbf16>
    %convert_element_type3A = arith.extf %get3A_1 : vector<4000x32xbf16> to vector<4000x32xf32>
    %get3A_2 = arith.constant 0 : index
    %get3A_3 = arith.constant 0 : index
    %get3A_4 = vector.load %arg2[%get3A_2, %get3A_3] : memref<4000x32xbf16, #tpu.memory_space<vmem>>, vector<4000x32xbf16>
    %convert_element_type3A_5 = arith.extf %get3A_4 : vector<4000x32xbf16> to vector<4000x32xf32>
    %add3A = arith.addf %convert_element_type3A, %convert_element_type3A_5 : vector<4000x32xf32>
    %get3A_6 = arith.constant 0 : index
    %get3A_7 = arith.constant 0 : index
    %get3A_8 = vector.load %arg3[%get3A_6, %get3A_7] : memref<1x32xf32, #tpu.memory_space<vmem>>, vector<1x32xf32>
    %add3A_9 = vector.broadcast %get3A_8 : vector<1x32xf32> to vector<4000x32xf32>
    %add3A_10 = arith.addf %add3A, %add3A_9 : vector<4000x32xf32>
    %neg3A = arith.constant 0.000000e+00 : f32
    %neg3A_11 = vector.broadcast %neg3A : f32 to vector<4000x32xf32>
    %neg3A_12 = arith.subf %neg3A_11, %add3A_10 : vector<4000x32xf32>
    %exp3A = math.exp %neg3A_12 : vector<4000x32xf32>
    %add3A_13 = arith.constant 1.000000e+00 : f32
    %add3A_14 = vector.broadcast %add3A_13 : f32 to vector<4000x32xf32>
    %add3A_15 = arith.addf %add3A_14, %exp3A : vector<4000x32xf32>
    %div3A = arith.constant 1.000000e+00 : f32
    %div3A_16 = vector.broadcast %div3A : f32 to vector<4000x32xf32>
    %div3A_17 = arith.divf %div3A_16, %add3A_15 : vector<4000x32xf32>
    %swap3A = arith.constant 0 : index
    %swap3A_18 = arith.constant 0 : index
    %swap3A_19 = vector.load %arg4[%swap3A, %swap3A_18] : memref<4000x32xf32, #tpu.memory_space<vmem>>, vector<4000x32xf32>
    tpu.vector_store %arg4[%swap3A, %swap3A_18], %div3A_17 {strides = array<i32>} : memref<4000x32xf32, #tpu.memory_space<vmem>>, vector<4000x32xf32>,
    return
  }
  func.func @transform_0(%arg0: i32) -> (i32, i32) {
    %c0_i32 = arith.constant 0 : i32
    %c0_i32_0 = arith.constant 0 : i32
    return %arg0, %c0_i32 : i32, i32
  }
  func.func @transform_1(%arg0: i32) -> (i32, i32) {
    %add3A = arith.constant 25 : i32
    %add3A_0 = arith.addi %arg0, %add3A : i32
    %c0_i32 = arith.constant 0 : i32
    %c0_i32_1 = arith.constant 0 : i32
    return %add3A_0, %c0_i32 : i32, i32
  }
  func.func @transform_2(%arg0: i32) -> (i32, i32) {
    %c0_i32 = arith.constant 0 : i32
    %c0_i32_0 = arith.constant 0 : i32
    %c0_i32_1 = arith.constant 0 : i32
    return %c0_i32, %c0_i32_0 : i32, i32
  }
  func.func @transform_3(%arg0: i32) -> (i32, i32) {
    %c0_i32 = arith.constant 0 : i32
    %c0_i32_0 = arith.constant 0 : i32
    return %arg0, %c0_i32 : i32, i32
  }
}

</mosaic_0001>

<sc_bundles>
// kernel: kernel.5.cloned.1.call-start
scs
__scs_entry_jumppad:
0x0: {  	(pc) =	sbr.rel $0x88, $3  }
0x1: {  	(tag) =	ssettag $0x0;
	lr =	simm.s32 $0x1  }
0x2: {  	[smem:$0x3F9A] =	sst lr;
	_ =	strace $0xD0000000  }
0x3: {  	_ = 	snop  }
0x4: {  	_ = 	snop  }
0x5: {  	_ = 	snop  }
0x6: {  	_ = 	snop  }
0x7: {  	_ = 	snop  }
__scs_overlays_trampoline_lowered:
0x8: {  	[smem:$0x3FA9] =	sst s0  }
0x9: {  	[smem:$0x3FAA] =	sst s1  }
0xa: {  	[smem:$0x3FAB] =	sst s2  }
0xb: {  	[smem:$0x3FAC] =	sst s3  }
0xc: {  	[smem:$0x3FAD] =	sst s4  }
0xd: {  	[smem:$0x3FAE] =	sst s5  }
0xe: {  	[smem:$0x3FAF] =	sst s6  }
0xf: {  	[smem:$0x3FB0] =	sst s7  }
0x10: {  	[smem:$0x3FB1] =	sst s8  }
0x11: {  	[smem:$0x3FB2] =	sst s9;
	s0 =	simm.s32 @!p0 $0x0  }
0x12: {  	s1 =	sld [smem:$0x3F98];
	s0 =	simm.s32 @p0 $0x1  }
0x13: {  	[smem:$0x3FB3] =	sst s0;
	s0 =	simm.s32 @!p1 $0x0  }
0x14: {  	s2 =	sld [smem:$0x3F97];
	s0 =	simm.s32 @p1 $0x1  }
0x15: {  	[smem:$0x3FB4] =	sst s0;
	s0 =	simm.s32 @!p2 $0x0  }
0x16: {  	s3 =	sld [smem:$0x3FDB];
	s0 =	simm.s32 @p2 $0x1  }
0x17: {  	s4 =	simm.s32 $0x1BF5;
	[smem:$0x3FB6] =	sst s0  }
0x18: {  	s0 =	sld [smem:$0x3F99];
	_ =	swait.ge [sflag:s4], $0x0  }
0x19: {  	s7 =	sld [smem:$0x3F9A]  }
0x1a: {  	s8 =	sadd.s32 $0xFFFFE003, lr  }
0x1b: {  	s9 =	sadd.s32 $0xFFFFFEF7, lr;
	s5 =	simm.s32 $0xFFFFFFFF;
	p2 =	slt.u32 s8, $0xFFFFF086  }
0x1c: {  	p1 =	slt.u32 s9, $0xF7A;
	s5 =	simm.s32 @!p2 $0x0  }
0x1d: {  	s5 =	simm.s32 @p1 $0x1;
	p0 =	seq.s32 s7, s2  }
0x1e: {  	s7 =	smul.u32 @!p0 $0xF7A, s2;
	p2 =	seq.s32 @!p0 s5, $0x0  }
0x1f: {  	s9 =	smul.u32 $0xF7A, s1;
	s8 =	simm.s32 @!p0 $0x1BF5;
	p2 =	por !p2, p0  }
0x20: {  	[sflag:s8] =	ssyncset.s32 @!p0 $0xFFFFF086;
	s6 =	sadd.s32 @!p0 s3, s7;
	s7 =	simm.s32 @!p0 $0x108  }
0x21: {  	s3 =	sadd.s32 s3, s9;
	s6 =	sadd.s32 @!p0 $0x88, s6;
	s7 =	simm.s32 @p2 $0x1082  }
0x22: {  	[simem:s7], [sflag:s8] =	dma.local @!p0 [hbm:s6], $0xF7A  }
0x23: {  	s9 =	sor.u32 $0xD0000000, s2;
	s6 =	simm.s32 $0x108;
	_ =	swait.ge @!p0 [sflag:s8], $0x0  }
0x24: {  	s3 =	sadd.s32 $0x88, s3;
	s6 =	simm.s32 @!p1 $0x1082;
	[sflag:s4] =	ssyncset.s32 $0xFFFFF086  }
0x25: {  	[simem:s6], [sflag:s4] =	dma.local [hbm:s3], $0xF7A  }
0x26: {  	[smem:$0x3F9A] =	sst s1;
	(tag) =	ssettag s2;
	_ =	strace s9  }
0x27: {  	s1 =	sld [smem:$0x3FAA]  }
0x28: {  	s2 =	sld [smem:$0x3FAB]  }
0x29: {  	s4 =	sld [smem:$0x3FAD]  }
0x2a: {  	p0 =	seq.s32 s5, $0x0;
	s5 =	sld [smem:$0x3FAE]  }
0x2b: {  	s6 =	sld [smem:$0x3FAF]  }
0x2c: {  	s7 =	sld [smem:$0x3FB0]  }
0x2d: {  	s3 =	simm.s32 $0x108;
	s8 =	sld [smem:$0x3FB1]  }
0x2e: {  	s3 =	simm.s32 @!p0 $0x1082;
	s9 =	sld [smem:$0x3FB2]  }
0x2f: {  	lr =	sadd.s32 s0, s3;
	s0 =	sld [smem:$0x3FA9]  }
0x30: {  	s3 =	sld [smem:$0x3FAC]  }
0x31: {  	[smem:$0x3FB5] =	sst s10  }
0x32: {  	s10 =	sld [smem:$0x3FB3];
	_ =	sdelay $0x3  }
0x33: {  	p0 =	seq.s32 s10, $0x1;
	s10 =	sld [smem:$0x3FB5];
	_ =	sdelay $0x3  }
0x34: {  	[smem:$0x3FB5] =	sst s10  }
0x35: {  	s10 =	sld [smem:$0x3FB4];
	_ =	sdelay $0x3  }
0x36: {  	p1 =	seq.s32 s10, $0x1;
	s10 =	sld [smem:$0x3FB5];
	_ =	sdelay $0x3  }
0x37: {  	[smem:$0x3FB5] =	sst s10  }
0x38: {  	s10 =	sld [smem:$0x3FB6]  }
0x39: {  	_ = 	snop;
	(pc) =	sbr.ind lr, $3  }
0x3a: {  	_ = 	snop  }
0x3b: {  	_ = 	snop  }
0x3c: {  	p2 =	seq.s32 s10, $0x1;
	s10 =	sld [smem:$0x3FB5]  }
0x3d: {  	_ =	shalt  }
0x3e: {  	_ =	shalt  }
0x3f: {  	_ =	shalt  }
0x40: {  	_ =	shalt  }
0x41: {  	_ =	shalt  }
0x42: {  	_ =	shalt  }
0x43: {  	_ =	shalt  }
0x44: {  	_ =	shalt  }
0x45: {  	_ =	shalt  }
0x46: {  	_ =	shalt  }
0x47: {  	_ =	shalt  }
0x48: {  	_ =	shalt  }
0x49: {  	_ =	shalt  }
0x4a: {  	_ =	shalt  }
0x4b: {  	_ =	shalt  }
0x4c: {  	_ =	shalt  }
0x4d: {  	_ =	shalt  }
0x4e: {  	_ =	shalt  }
0x4f: {  	_ =	shalt  }
0x50: {  	_ =	shalt  }
0x51: {  	_ =	shalt  }
0x52: {  	_ =	shalt  }
0x53: {  	_ =	shalt  }
0x54: {  	_ =	shalt  }
0x55: {  	_ =	shalt  }
0x56: {  	_ =	shalt  }
0x57: {  	_ =	shalt  }
0x58: {  	_ =	shalt  }
0x59: {  	_ =	shalt  }
0x5a: {  	_ =	shalt  }
0x5b: {  	_ =	shalt  }
0x5c: {  	_ =	shalt  }
0x5d: {  	_ =	shalt  }
0x5e: {  	_ =	shalt  }
0x5f: {  	_ =	shalt  }
0x60: {  	_ =	shalt  }
0x61: {  	_ =	shalt  }
0x62: {  	_ =	shalt  }
0x63: {  	_ =	shalt  }
0x64: {  	_ =	shalt  }
0x65: {  	_ =	shalt  }
0x66: {  	_ =	shalt  }
0x67: {  	_ =	shalt  }
0x68: {  	_ =	shalt  }
0x69: {  	_ =	shalt  }
0x6a: {  	_ =	shalt  }
0x6b: {  	_ =	shalt  }
0x6c: {  	_ =	shalt  }
0x6d: {  	_ =	shalt  }
0x6e: {  	_ =	shalt  }
0x6f: {  	_ =	shalt  }
0x70: {  	_ =	shalt  }
0x71: {  	_ =	shalt  }
0x72: {  	_ =	shalt  }
0x73: {  	_ =	shalt  }
0x74: {  	_ =	shalt  }
0x75: {  	_ =	shalt  }
0x76: {  	_ =	shalt  }
0x77: {  	_ =	shalt  }
0x78: {  	_ =	shalt  }
0x79: {  	_ =	shalt  }
0x7a: {  	_ =	shalt  }
0x7b: {  	_ =	shalt  }
0x7c: {  	_ =	shalt  }
0x7d: {  	_ =	shalt  }
0x7e: {  	_ =	shalt  }
0x7f: {  	_ =	shalt  }
0x80: {  	_ =	shalt  }
0x81: {  	_ =	shalt  }
0x82: {  	_ =	shalt  }
0x83: {  	_ =	shalt  }
0x84: {  	_ =	shalt  }
0x85: {  	_ =	shalt  }
0x86: {  	_ =	shalt  }
0x87: {  	_ =	shalt  }
.Lfunc_end0:
.L_simem_size_0:
called_computation_lowered:
.L_overlay_start_0:
0x88: {  	s2 =	sld [smem:$0x3FD9]  }
0x89: {  	s3 =	sld [smem:$0x3FFE];
	_ =	sdelay $0x1  }
0x8a: {  	s1 =	srdreg.scid  }
0x8b: {  	s0 =	sand.u32 $0x1, s1  }
0x8c: {  	s17 =	sshll.u32 s0, $0xA;
	s2 =	sadd.s32 s3, s2  }
0x8d: {  	s2 =	sadd.s32 s2, s17  }
0x8e: {  	[smem:$0x3FC1] =	sst s2  }
0x8f: {  	_ = 	snop  }
0x90: {  	s2 =	sld [smem:$0x3FD0];
	(tm) =	ssettm $0x1  }
0x91: {  	s18 =	sld [smem:$0x3FFB];
	_ =	sdelay $0x3  }
0x92: {  	_ =	strace s18  }
0x93: {  	s3 =	sld [smem:$0x3FFC];
	_ =	sdelay $0x3  }
0x94: {  	_ =	strace s3  }
0x95: {  	s3 =	sld [smem:$0x3FFD];
	_ =	sdelay $0x3  }
0x96: {  	_ =	strace s3  }
0x97: {  	_ =	strace $0x8FFFFFFF  }
0x98: {  	s19 =	sld [smem:$0x3FDB];
	_ =	sdelay $0x1  }
0x99: {  	s4 =	simm.s32 $_scs_section_size  }
0x9a: {  	s5 =	simm.s32 $_size__tile_overlayer_lowered;
	s6 =	simm.s32 $_tile_overlayer_lowered  }
0x9b: {  	s22 =	simm.s32 $0x1BFF;
	s21 =	sshll.u32 s6, $0x1;
	s3 =	sadd.s32 s4, s19  }
0x9c: {  	s7 =	simm.s32 $0x0;
	s20 =	sshll.u32 s5, $0x1;
	s5 =	sadd.s32 s21, s3  }
0x9d: {  	[timem:s7], [sflag:s22] =	dma.local [hbm:s5], s20  }
0x9e: {  	_ =	swait.ge [sflag:s22], s20  }
0x9f: {  	s4 =	ssub.s32 $0x0, s20;
	[sflag:s22] =	ssyncset.done $0x0  }
0xa0: {  	[sflag:s22] =	ssyncadd.s32 s4;
	_ =	sdelay $0x1  }
0xa1: {  	s23 =	simm.s32 $0x1B8B  }
0xa2: {  	_ =	swait.ge [sflag:s23], $0x1  }
0xa3: {  	[sflag:s23] =	ssyncset.done $0x0  }
0xa4: {  	s25 =	simm.s32 $0x1B8E;
	s24 =	sld [smem:$0x3FFE];
	[sflag:s23] =	ssyncadd.s32 $0xFFFFFFFF  }
0xa5: {  	s26 =	simm.s32 $execute0_lowered;
	[smem:$0x3FD2] =	sst s25  }
0xa6: {  	s5 =	sshll.u32 s26, $0x1;
	_ =	strace $0x80000046;
	[dreg:$0x1] =	wrdreg $0xFFFFFFFF  }
0xa7: {  	s28 =	simm.s32 $_size_execute0_lowered;
	s3 =	sadd.s32 s3, s5;
	[dreg:$0x0] =	wrdreg $0x0  }
0xa8: {  	s5 =	sshll.u32 s28, $0x1;
	[dreg:$0x2] =	wrdreg s3  }
0xa9: {  	[dreg:$0x3] =	wrdreg s5  }
0xaa: {  	[dreg:$0x4] =	wrdreg $0xC0  }
0xab: {  	_ =	task [dreg:s7], $0x5FFFF  }
0xac: {  	[dreg:$0x1] =	wrdreg $0xFFFFFFFF  }
0xad: {  	[dreg:$0x0] =	wrdreg $0x60  }
0xae: {  	[dreg:$0x2] =	wrdreg s24  }
0xaf: {  	[dreg:$0x3] =	wrdreg s2  }
0xb0: {  	[dreg:$0x4] =	wrdreg $0x0  }
0xb1: {  	[dreg:$0x5] =	wrdreg $0x9  }
0xb2: {  	_ =	task.clear_ibuf [dreg:s7], $0x6FFFF;
	_ =	strace $0x90000046  }
0xb3: {  	s29 =	simm.s32 $0x9;
	_ =	strace $0x80000048  }
0xb4: {  	_ =	swait.ge [sflag:s29], $0x1  }
0xb5: {  	[sflag:s29] =	ssyncadd.s32 $0xFFFFFFFF  }
0xb6: {  	_ =	strace $0x90000048  }
0xb7: {  	_ =	sfence  }
0xb8: {  	s30 =	sld [smem:$0x0];
	_ =	sdelay $0x2  }
0xb9: {  	s31 =	sshll.u32 s1, $0xD;
	s1 =	sshrl.u32 s1, $0x2  }
0xba: {  	s3 =	sand.u32 $0x4000, s31;
	s1 =	sadd.s32 s1, s30  }
0xbb: {  	s0 =	sor.u32 s3, s0;
	s1 =	sshll.u32 s1, $0x11  }
0xbc: {  	s0 =	sor.u32 s1, s0  }
0xbd: {  	s0 =	sadd.s32 $0x8F2B, s0  }
0xbe: {  	[sflag:s0] =	ssyncadd.remote.s32 $0x1  }
0xbf: {  	_ =	sfence.sel $0xFFFF  }
0xc0: {  	[dreg:$0x0] =	wrdreg $0xFFFFFFFF;
	(pc) =	sbr.abs _section_cstart, $3  }
0xc1: {  	[dreg:$0x1] =	wrdreg $0xFFFFFFFF  }
0xc2: {  	_ =	task.clear_ibuf [dreg:s7], $0x2FFFF;
	_ =	strace $0x9FFFFFFF  }
0xc3: {  	(tm) =	ssettm $0x7FFFFFFF  }
tec
execute0_lowered:
.L_overlay_start_1:
0x0: {  	(tag) =	ssettag $0x1  }
0x1: {  	s0 =	rddreg [dreg:$0x0]  }
0x2: {  	s2 =	rddreg [dreg:$0x1]  }
0x3: {  	s3 =	rddreg [dreg:$0x2];
	s1 =	srdreg.scid  }
0x4: {  	s11 =	stileid.u32;
	s7 =	simm.s32 $0x0;
	s15 =	simm.s32 $0x1C6A0  }
0x5: {  	s16 =	simm.s32 $0x1C9A0;
	s17 =	simm.s32 $0x1CEA0;
	s18 =	simm.s32 $0x3  }
0x6: {  	s20 =	simm.s32 $0x80;
	s28 =	simm.s32 $0x1CD20;
	s29 =	simm.s32 $0x1AEA0  }
0x7: {  	s30 =	simm.s32 $0x2;
	s21 =	simm.s32 $0x1CE20;
	s4 =	smul.u32 $0x186A, s11  }
0x8: {  	s1 =	sand.u32 $0x1, s1;
	s6 =	sshll.u32 s11, $0x1;
	s25 =	smul.u32 $0x61A80, s11  }
0x9: {  	[smem:$0x7FF] =	sst s7;
	s5 =	smul.u32 $0x186A0, s1;
	s22 =	sor.u32 s1, s6  }
0xa: {  	_ =	strace $0x80000047;
	s1 =	ssub.s32 $0x2, s1;
	s8 =	smul.u32 $0x300, s22  }
0xb: {  	s11 =	ssub.s32 $0x184A, s6;
	s9 =	sshrl.u32 s1, $0x1;
	s10 =	smul.u32 $0x60, s22  }
0xc: {  	s26 =	sshrl.u32 s25, $0x2;
	s25 =	simm.s32 $0x1CCA0;
	s4 =	sadd.s32 s4, s5  }
0xd: {  	s5 =	sadd.s32 $0x2C00, s0;
	s1 =	ssub.s32 s1, s9;
	s9 =	ssub.s32 $0x182A, s6  }
0xe: {  	s13 =	sadd.s32 s26, s3;
	s26 =	simm.s32 $0x1A6A0;
	s6 =	simm.s32 $0x0  }
0xf: {  	s4 =	sshll.u32 s4, $0x1;
	s8 =	sshrl.u32 s8, $0x3;
	s24 =	sadd.s32 s5, s10  }
.Ltmp0:
0x10: {  	s10 =	sor.u32 $0x60, s22;
	s31 =	smax.u32 s1, $0x1;
	(pc) =	sbr.rel .LBB2_1-.Ltmp0, $4  }
0x11: {  	s0 =	sadd.s32 s4, s0;
	s23 =	sadd.s32 s5, s8;
	[dreg:$0x4] =	wrdreg s24  }
0x12: {  	s8 =	sor.u32 $0x40, s22;
	[dreg:$0x7] =	wrdreg s31;
	s4 =	sadd.s32 $0xC00, s23  }
0x13: {  	s24 =	simm.s32 $0x1;
	s0 =	sadd.s32 $0x95400, s0;
	[dreg:$0x5] =	wrdreg s4  }
0x14: {  	v0 =	vimm.bf16 $0.0e+00;
	s22 =	simm.s32 $0x1BEA0;
	[dreg:$0x6] =	wrdreg s0;
	s0 =	simm.s32 $0x1B6A0  }
.LBB2_15:
0x15: {  	_ =	swait.ge [sflag:s18], $0x800  }
0x16: {  	[sflag:s18] =	ssyncset.done $0x0  }
0x17: {  	[sflag:s18] =	ssyncadd.s32 $0xFFFFF800  }
0x18: {  	_ =	swait.ge [sflag:s18], $0x800  }
0x19: {  	[sflag:s18] =	ssyncset.done $0x0  }
0x1a: {  	s1 =	simm.s32 $0x4;
	[sflag:s18] =	ssyncadd.s32 $0xFFFFF800  }
0x1b: {  	_ =	swait.ge [sflag:s1], $0x800  }
0x1c: {  	[sflag:s1] =	ssyncset.done $0x0  }
0x1d: {  	[sflag:s1] =	ssyncadd.s32 $0xFFFFF800  }
0x1e: {  	_ =	swait.ge [sflag:s1], $0x800  }
0x1f: {  	[sflag:s1] =	ssyncset.done $0x0  }
0x20: {  	s14 =	stileid.u32;
	[sflag:s1] =	ssyncadd.s32 $0xFFFFF800  }
0x21: {  	s4 =	sshrl.u32 s13, $0x3;
	s1 =	sshll.u32 s14, $0x6;
	[bflag:$0x0] =	sbarrier.arrive $0xFFFF  }
0x22: {  	s19 =	simm.s32 $0x7;
	s1 =	sor.u32 $0x1C07, s1;
	s6 =	rddreg [dreg:$0x6]  }
0x23: {  	[hbm:s6], [sflag:s1] =	dma.local [spmem:s4], $0x30D4  }
0x24: {  	_ =	swait.ge [sflag:s19], $0x30D4  }
0x25: {  	s23 =	rddreg [dreg:$0x8]  }
0x26: {  	s31 =	rddreg [dreg:$0x7];
	s6 =	sadd.s32 $0x1, s23  }
0x27: {  	p0 =	sne.s32 s6, s31  }
.Ltmp1:
0x28: {  	_ = 	snop;
	(pc) =	sbr.rel @!p0 .LBB2_16-.Ltmp1, $3  }
0x29: {  	_ =	sdelay $0x1  }
0x2a: {  	[sflag:s19] =	ssyncset.done $0x0  }
0x2b: {  	[sflag:s19] =	ssyncadd.s32 $0xFFFFCF2C  }
.LBB2_1:
0x2c: {  	s1 =	simm.s32 $0x0;
	s4 =	rddreg [dreg:$0x4]  }
0x2d: {  	[tilespmem:s15], [sflag:$0x5] =	stream.linear.gather [hbm4b:s4+s1], $0x300, $0x38;
	[tilespmem:$0x1D1C0] =	vst v63  }
0x2e: {  	s31 =	rddreg [dreg:$0x5]  }
0x2f: {  	[tilespmem:s16], [sflag:$0x6] =	stream.linear.gather [hbm4b:s31+s1], $0x300, $0x38;
	[tilespmem:$0x1D1C0] =	vst v63  }
0x30: {  	s1 =	simm.s32 $0x0  }
.LBB2_2:
0x31: {  	p0 =	sne.s32 s1, $0xC40  }
.Ltmp2:
0x32: {  	_ = 	snop;
	(pc) =	sbr.rel @p0 .LBB2_2-.Ltmp2, $3  }
0x33: {  	_ =	sdelay $0x1  }
0x34: {  	s4 =	sshra.s32 s1, $0x2  }
0x35: {  	s1 =	sadd.s32 $0x40, s1;
	[tilespmem:s4+$0x1CEA0] =	vst v0  }
0x36: {  	s1 =	simm.s32 $0x0  }
.LBB2_4:
0x37: {  	p0 =	sne.s32 s1, $0x60E00  }
.Ltmp3:
0x38: {  	_ = 	snop;
	(pc) =	sbr.rel @p0 .LBB2_4-.Ltmp3, $4  }
0x39: {  	_ = 	snop  }
0x3a: {  	s4 =	sshra.s32 s1, $0x2  }
0x3b: {  	s1 =	sadd.s32 $0xC80, s1;
	s4 =	sadd.s32 s4, s13  }
0x3c: {  	[spmem:s4] =	stream.linear.scatter [tilespmem:s17], [sflag:$0x3], $0x320, $0x38;
	[tilespmem:$0x1D1C0] =	vst v63  }
0x3d: {  	[dreg:$0x8] =	wrdreg s6  }
0x3e: {  	_ =	swait.ge [sflag:s18], $0x320  }
0x3f: {  	s1 =	simm.s32 $0x7C;
	[sflag:s18] =	ssyncset.done $0x0  }
.LBB2_6:
0x40: {  	p0 =	sne.s32 s1, $0x1;
	s1 =	sadd.s32 $0xFFFFFFFF, s1;
	[sflag:s18] =	ssyncadd.s32 $0xFFFFFCE0  }
.Ltmp4:
0x41: {  	(pc) =	sbr.rel @p0 .LBB2_6-.Ltmp4, $3  }
0x42: {  	_ =	sdelay $0x1  }
0x43: {  	_ =	swait.ge [sflag:s18], $0x320  }
0x44: {  	[sflag:s18] =	ssyncset.done $0x0  }
0x45: {  	[sflag:s18] =	ssyncadd.s32 $0xFFFFFCE0;
	s1 =	simm.s32 $0x5  }
0x46: {  	_ =	swait.ge [sflag:s1], $0x300  }
0x47: {  	[sflag:s1] =	ssyncset.done $0x0  }
0x48: {  	s23 =	simm.s32 $0x186A0;
	[sflag:s1] =	ssyncadd.s32 $0xFFFFFD00  }
0x49: {  	[tilespmem:s23], [sflag:$0x1] =	stream.indirect.gather [hbm4b:s2+s20], $0x10, s15, s20, $0xb8;
	[tilespmem:$0x1D1C0] =	vst v63  }
.Ltmp5:
0x4a: {  	_ = 	snop;
	(pc) =	sbr.rel .LBB2_8-.Ltmp5, $4  }
0x4b: {  	s31 =	simm.s32 $0x1C820;
	s4 =	simm.s32 $0x18EA0  }
0x4c: {  	[tilespmem:s4], [sflag:$0x1] =	stream.indirect.gather [hbm4b:s2+s20], $0x10, s31, s20, $0xb8;
	[tilespmem:$0x1D1C0] =	vst v63  }
0x4d: {  	[bflag:$0x0] =	sbarrier.arrive $0xFFFF  }
0x4e: {  	s6 =	simm.s32 $0x0;
	s7 =	simm.s32 $0x0  }
.LBB2_14:
0x4f: {  	s7 =	sadd.s32 $0x1, s7  }
0x50: {  	p0 =	sne.s32 s7, $0x62  }
.Ltmp6:
0x51: {  	_ = 	snop;
	(pc) =	sbr.rel @!p0 .LBB2_15-.Ltmp6, $1  }
0x52: {  	_ =	sdelay $0x3  }
.LBB2_8:
0x53: {  	_ =	swait.ge [sflag:s24], $0x800  }
0x54: {  	[sflag:s24] =	ssyncset.done $0x0  }
0x55: {  	[sflag:s24] =	ssyncadd.s32 $0xFFFFF800  }
0x56: {  	s12 =	sshll.u32 s7, $0x6;
	_ =	swait.ge [sflag:s24], $0x800  }
0x57: {  	p1 =	sge.u32 s12, s11;
	[sflag:s24] =	ssyncset.done $0x0  }
0x58: {  	s1 =	simm.s32 @!p1 $0x6;
	[sflag:s24] =	ssyncadd.s32 $0xFFFFF800  }
0x59: {  	_ =	swait.ge @!p1 [sflag:s1], $0x300  }
0x5a: {  	s4 =	simm.s32 @!p1 $0x1C9A0;
	[sflag:s1] =	ssyncset.done @!p1 $0x0  }
0x5b: {  	s14 =	simm.s32 @!p1 $0x196A0;
	[sflag:s1] =	ssyncadd.s32 @!p1 $0xFFFFFD00;
	s1 =	simm.s32 @!p1 $0x80  }
0x5c: {  	[tilespmem:s14], [sflag:$0x2] =	stream.indirect.gather @!p1 [hbm4b:s2+s1], $0x10, s4, s1, $0xb8;
	[tilespmem:$0x1D1C0] =	vst v63  }
0x5d: {  	p0 =	seq.s32 s7, $0x0;
	s4 =	simm.s32 @!p1 $0x1CB20;
	s14 =	simm.s32 @!p1 $0x19EA0  }
0x5e: {  	[tilespmem:s14], [sflag:$0x2] =	stream.indirect.gather @!p1 [hbm4b:s2+s1], $0x10, s4, s1, $0xb8;
	[tilespmem:$0x1D1C0] =	vst v63  }
0x5f: {  	s1 =	simm.s32 @!p0 $0x3  }
0x60: {  	_ =	swait.ge @!p0 [sflag:s1], $0x800  }
0x61: {  	[sflag:s1] =	ssyncset.done @!p0 $0x0  }
0x62: {  	[sflag:s1] =	ssyncadd.s32 @!p0 $0xFFFFF800  }
0x63: {  	_ =	swait.ge @!p0 [sflag:s1], $0x800  }
0x64: {  	[sflag:s1] =	ssyncset.done @!p0 $0x0  }
0x65: {  	[sflag:s1] =	ssyncadd.s32 @!p0 $0xFFFFF800  }
0x66: {  	v1 =	vld [tilespmem:$0x1C720]  }
0x67: {  	v2 =	vld [tilespmem:$0x1C730]  }
0x68: {  	v3 =	vld [tilespmem:$0x1C740]  }
0x69: {  	v4 =	vld [tilespmem:$0x1C750]  }
0x6a: {  	v5 =	vld [tilespmem:$0x1C760]  }
0x6b: {  	[tilespmem:$0x1CCA0] =	vst v1;
	v1 =	vld [tilespmem:$0x1C770]  }
0x6c: {  	v60 =	vld [tilespmem:$0x1C8A0];
	[tilespmem:$0x1CCB0] =	vst v2  }
0x6d: {  	v61 =	vld [tilespmem:$0x1C8B0];
	[tilespmem:$0x1CCC0] =	vst v3  }
0x6e: {  	v2 =	vld [tilespmem:$0x1C780];
	[tilespmem:$0x1CCD0] =	vst v4  }
0x6f: {  	s4 =	simm.s32 $0x0;
	v3 =	vld [tilespmem:$0x1C790];
	[tilespmem:$0x1CCE0] =	vst v5  }
0x70: {  	s1 =	smul.u32 $0x180, s4;
	[tilespmem:$0x1CCF0] =	vst v1;
	v1 =	vld [tilespmem:$0x1C8C0]  }
0x71: {  	v62 =	vld [tilespmem:$0x1C8F0];
	[tilespmem:$0x1CD20] =	vst v60  }
0x72: {  	s14 =	sand.u32 $0x7C, s6;
	v63 =	vld [tilespmem:$0x1C900];
	s1 =	sadd.s32 $0x100, s1;
	[tilespmem:$0x1CD30] =	vst v61  }
0x73: {  	s4 =	sor.u32 s14, s1;
	[tilespmem:$0x1CD00] =	vst v2;
	v2 =	vld [tilespmem:$0x1C8D0]  }
0x74: {  	v6 =	vmov s4;
	[tilespmem:$0x1CD10] =	vst v3;
	v3 =	vld [tilespmem:$0x1C8E0]  }
0x75: {  	v6 =	vbroadcast v6, $0x0;
	[tilespmem:$0x1CD40] =	vst v1;
	v1 =	vld [tilespmem:$0x1C910]  }
0x76: {  	[tilespmem:$0x1CD70] =	vst v62  }
0x77: {  	[tilespmem:$0x1CD80] =	vst v63  }
0x78: {  	[tilespmem:$0x1CD50] =	vst v2  }
0x79: {  	[tilespmem:$0x1CD60] =	vst v3  }
0x7a: {  	s19 =	simm.s32 $0x1;
	[tilespmem:$0x1CD90] =	vst v1  }
0x7b: {  	s14 =	simm.s32 $0x186C0;
	s4 =	sand.u32 $0x7D, s19;
	v1 =	vld.idx.msk [tilespmem:v6+s15+$0x0], $0xffff  }
0x7c: {  	s4 =	sor.u32 s4, s1;
	v2 =	vld [tilespmem:s14+$0xFFFFFFE0]  }
0x7d: {  	v3 =	vmov s4  }
0x7e: {  	v3 =	vbroadcast v3, $0x0;
	_ =	sdelay $0x1  }
0x7f: {  	v1 =	vpack.i.f32.bf16 v1, v1  }
0x80: {  	v1 =	vmul.bf16 v2, v1  }
0x81: {  	s19 =	simm.s32 $0x1A6C0  }
0x82: {  	s23 =	simm.s32 $0x2;
	[tilespmem:s19+$0xFFFFFFE0] =	vst v1  }
0x83: {  	s4 =	sand.u32 $0x7E, s23;
	v1 =	vld.idx.msk [tilespmem:v3+s15+$0x0], $0xffff  }
0x84: {  	s4 =	sor.u32 s4, s1;
	v2 =	vld [tilespmem:s14+$0xFFFFFFF0]  }
0x85: {  	v3 =	vmov s4  }
0x86: {  	v3 =	vbroadcast v3, $0x0;
	_ =	sdelay $0x1  }
0x87: {  	v1 =	vpack.i.f32.bf16 v1, v1  }
0x88: {  	v1 =	vmul.bf16 v2, v1;
	_ =	sdelay $0x1  }
0x89: {  	[tilespmem:s19+$0xFFFFFFF0] =	vst v1  }
0x8a: {  	v1 =	vld.idx.msk [tilespmem:v3+s15+$0x0], $0xffff;
	_ =	sdelay $0x1  }
0x8b: {  	s31 =	simm.s32 $0x3;
	v2 =	vld [tilespmem:s14+$0x0]  }
0x8c: {  	s4 =	sand.u32 $0x7F, s31  }
0x8d: {  	s1 =	sor.u32 s4, s1  }
0x8e: {  	v3 =	vpack.i.f32.bf16 v1, v1;
	v1 =	vmov s1;
	_ =	sdelay $0x1  }
0x8f: {  	v2 =	vmul.bf16 v2, v3  }
0x90: {  	s23 =	simm.s32 $0x2;
	s4 =	simm.s32 $0x0;
	s1 =	simm.s32 $0x0  }
.LBB2_9:
0x91: {  	p2 =	sne.s32 s23, $0x3F;
	s4 =	smul.u32 $0x180, s4;
	[tilespmem:s19+$0x0] =	vst v2  }
0x92: {  	s1 =	sadd.s32 $0x4, s1;
	v1 =	vld.idx.msk [tilespmem:v1+s15+$0x0], $0xffff  }
0x93: {  	s31 =	sand.u32 $0x7C, s1;
	s4 =	sadd.s32 $0x100, s4;
	v2 =	vld [tilespmem:s14+$0x10]  }
0x94: {  	s31 =	sor.u32 s31, s4  }
0x95: {  	v3 =	vmov s31  }
0x96: {  	v3 =	vbroadcast v3, $0x0;
	_ =	sdelay $0x1  }
0x97: {  	v1 =	vpack.i.f32.bf16 v1, v1  }
0x98: {  	v1 =	vmul.bf16 v2, v1;
	_ =	sdelay $0x1  }
0x99: {  	[tilespmem:s19+$0x10] =	vst v1  }
0x9a: {  	s14 =	sadd.s32 $0x40, s14;
	s31 =	sadd.s32 $0x1, s1;
	v1 =	vld.idx.msk [tilespmem:v3+s15+$0x0], $0xffff  }
0x9b: {  	s31 =	sand.u32 $0x7D, s31;
	v2 =	vld [tilespmem:s14+$0xFFFFFFE0]  }
0x9c: {  	s31 =	sor.u32 s31, s4  }
0x9d: {  	v3 =	vmov s31  }
0x9e: {  	v3 =	vbroadcast v3, $0x0;
	_ =	sdelay $0x1  }
0x9f: {  	v1 =	vpack.i.f32.bf16 v1, v1  }
0xa0: {  	v1 =	vmul.bf16 v2, v1  }
0xa1: {  	s19 =	sadd.s32 $0x40, s19  }
0xa2: {  	[tilespmem:s19+$0xFFFFFFE0] =	vst v1  }
0xa3: {  	s31 =	sadd.s32 $0x2, s1;
	v1 =	vld.idx.msk [tilespmem:v3+s15+$0x0], $0xffff  }
0xa4: {  	s31 =	sand.u32 $0x7E, s31  }
0xa5: {  	s31 =	sor.u32 s31, s4;
	v2 =	vld [tilespmem:s14+$0xFFFFFFF0]  }
0xa6: {  	v3 =	vmov s31  }
0xa7: {  	v3 =	vbroadcast v3, $0x0;
	_ =	sdelay $0x1  }
0xa8: {  	v1 =	vpack.i.f32.bf16 v1, v1  }
0xa9: {  	v1 =	vmul.bf16 v2, v1;
	_ =	sdelay $0x1  }
0xaa: {  	[tilespmem:s19+$0xFFFFFFF0] =	vst v1  }
0xab: {  	v2 =	vld.idx.msk [tilespmem:v3+s15+$0x0], $0xffff;
	_ =	sdelay $0x1  }
0xac: {  	s31 =	sadd.s32 $0x3, s1;
	v3 =	vld [tilespmem:s14+$0x0]  }
0xad: {  	s31 =	sand.u32 $0x7F, s31  }
.Ltmp7:
0xae: {  	s4 =	sor.u32 s31, s4;
	(pc) =	sbr.rel @p2 .LBB2_9-.Ltmp7, $4  }
0xaf: {  	v1 =	vmov s4  }
0xb0: {  	v2 =	vpack.i.f32.bf16 v2, v2  }
0xb1: {  	v2 =	vmul.bf16 v3, v2  }
0xb2: {  	s4 =	sshrl.u32 s23, $0x5;
	s23 =	sadd.s32 $0x1, s23  }
0xb3: {  	_ =	sdelay $0x1  }
0xb4: {  	s4 =	smul.u32 $0x180, s4  }
0xb5: {  	[tilespmem:s19+$0x0] =	vst v2;
	s1 =	sadd.s32 $0x4, s1  }
0xb6: {  	v1 =	vld.idx.msk [tilespmem:v1+s15+$0x0], $0xffff;
	s23 =	sand.u32 $0x7C, s1;
	s4 =	sadd.s32 $0x100, s4  }
0xb7: {  	v2 =	vld [tilespmem:s14+$0x10];
	s23 =	sor.u32 s23, s4  }
0xb8: {  	v3 =	vmov s23  }
0xb9: {  	v3 =	vbroadcast v3, $0x0;
	_ =	sdelay $0x1  }
0xba: {  	v1 =	vpack.i.f32.bf16 v1, v1  }
0xbb: {  	v1 =	vmul.bf16 v2, v1;
	_ =	sdelay $0x1  }
0xbc: {  	s31 =	sadd.s32 $0x1, s1;
	[tilespmem:s19+$0x10] =	vst v1  }
0xbd: {  	s14 =	sadd.s32 $0x40, s14;
	s23 =	sand.u32 $0x7D, s31;
	v1 =	vld.idx.msk [tilespmem:v3+s15+$0x0], $0xffff  }
0xbe: {  	s23 =	sor.u32 s23, s4;
	v2 =	vld [tilespmem:s14+$0xFFFFFFE0]  }
0xbf: {  	v3 =	vmov s23  }
0xc0: {  	v3 =	vbroadcast v3, $0x0;
	_ =	sdelay $0x1  }
0xc1: {  	v1 =	vpack.i.f32.bf16 v1, v1  }
0xc2: {  	v1 =	vmul.bf16 v2, v1  }
0xc3: {  	s19 =	sadd.s32 $0x40, s19  }
0xc4: {  	s31 =	sadd.s32 $0x2, s1;
	[tilespmem:s19+$0xFFFFFFE0] =	vst v1  }
0xc5: {  	s23 =	sand.u32 $0x7E, s31;
	v1 =	vld.idx.msk [tilespmem:v3+s15+$0x0], $0xffff  }
0xc6: {  	s23 =	sor.u32 s23, s4;
	v2 =	vld [tilespmem:s14+$0xFFFFFFF0]  }
0xc7: {  	v3 =	vmov s23  }
0xc8: {  	v3 =	vbroadcast v3, $0x0;
	_ =	sdelay $0x1  }
0xc9: {  	v1 =	vpack.i.f32.bf16 v1, v1  }
0xca: {  	v1 =	vmul.bf16 v2, v1;
	_ =	sdelay $0x1  }
0xcb: {  	[tilespmem:s19+$0xFFFFFFF0] =	vst v1  }
0xcc: {  	v1 =	vld.idx.msk [tilespmem:v3+s15+$0x0], $0xffff  }
0xcd: {  	s1 =	sadd.s32 $0x3, s1;
	v2 =	vld [tilespmem:s14+$0x0]  }
0xce: {  	s1 =	sand.u32 $0x7F, s1  }
0xcf: {  	s1 =	sor.u32 s1, s4  }
0xd0: {  	v3 =	vmov s1  }
0xd1: {  	v1 =	vpack.i.f32.bf16 v1, v1  }
0xd2: {  	v1 =	vmul.bf16 v2, v1;
	_ =	sdelay $0x1  }
0xd3: {  	[tilespmem:s19+$0x0] =	vst v1  }
0xd4: {  	v1 =	vld.idx.msk [tilespmem:v3+s15+$0x0], $0xffff  }
0xd5: {  	v2 =	vld [tilespmem:s14+$0x10];
	_ =	sdelay $0x3  }
0xd6: {  	v1 =	vpack.i.f32.bf16 v1, v1  }
0xd7: {  	v1 =	vmul.bf16 v2, v1;
	_ =	sdelay $0x1  }
0xd8: {  	s1 =	sadd.s32 s8, s12;
	[tilespmem:s19+$0x10] =	vst v1  }
0xd9: {  	[spmem:s3] =	stream.indirect.scatter.add.bf16 [tilespmem:s26], [sflag:$0x3], $0x10, s25, s20, $0xb8;
	[tilespmem:$0x1D1C0] =	vst v63  }
.Ltmp8:
0xda: {  	p2 =	sgt.u32 s1, $0x1869;
	(pc) =	sbr.rel @p1 .LBB2_14-.Ltmp8, $4  }
0xdb: {  	s1 =	smul.u32 @!p2 $0x60, s1  }
0xdc: {  	[spmem:s3] =	stream.indirect.scatter.add.bf16 [tilespmem:s29], [sflag:$0x3], $0x10, s28, s20, $0xb8;
	[tilespmem:$0x1D1C0] =	vst v63  }
0xdd: {  	s4 =	simm.s32 @!p2 $0x0;
	s1 =	sadd.s32 @!p2 s5, s1;
	s14 =	simm.s32 @!p2 $0x1C6A0  }
0xde: {  	[tilespmem:s14], [sflag:$0x5] =	stream.linear.gather @!p2 [hbm4b:s1+s4], $0x300, $0x38;
	[tilespmem:$0x1D1C0] =	vst v63  }
0xdf: {  	_ =	swait.ge [sflag:s30], $0x800  }
0xe0: {  	[sflag:s30] =	ssyncset.done $0x0  }
0xe1: {  	[sflag:s30] =	ssyncadd.s32 $0xFFFFF800  }
0xe2: {  	_ =	swait.ge [sflag:s30], $0x800  }
0xe3: {  	p1 =	sge.u32 s12, s9;
	[sflag:s30] =	ssyncset.done $0x0  }
0xe4: {  	s1 =	simm.s32 @!p1 $0x5;
	[sflag:s30] =	ssyncadd.s32 $0xFFFFF800  }
0xe5: {  	_ =	swait.ge @!p1 [sflag:s1], $0x300  }
0xe6: {  	s4 =	simm.s32 @!p1 $0x1C6A0;
	[sflag:s1] =	ssyncset.done @!p1 $0x0  }
0xe7: {  	s14 =	simm.s32 @!p1 $0x186A0;
	[sflag:s1] =	ssyncadd.s32 @!p1 $0xFFFFFD00;
	s1 =	simm.s32 @!p1 $0x80  }
0xe8: {  	[tilespmem:s14], [sflag:$0x1] =	stream.indirect.gather @!p1 [hbm4b:s2+s1], $0x10, s4, s1, $0xb8;
	[tilespmem:$0x1D1C0] =	vst v63  }
0xe9: {  	s4 =	simm.s32 @!p1 $0x1C820;
	s14 =	simm.s32 @!p1 $0x18EA0  }
0xea: {  	[tilespmem:s14], [sflag:$0x1] =	stream.indirect.gather @!p1 [hbm4b:s2+s1], $0x10, s4, s1, $0xb8;
	[tilespmem:$0x1D1C0] =	vst v63  }
0xeb: {  	s1 =	simm.s32 @!p0 $0x4  }
0xec: {  	_ =	swait.ge @!p0 [sflag:s1], $0x800  }
0xed: {  	[sflag:s1] =	ssyncset.done @!p0 $0x0  }
0xee: {  	[sflag:s1] =	ssyncadd.s32 @!p0 $0xFFFFF800  }
0xef: {  	_ =	swait.ge @!p0 [sflag:s1], $0x800  }
0xf0: {  	[sflag:s1] =	ssyncset.done @!p0 $0x0  }
0xf1: {  	[sflag:s1] =	ssyncadd.s32 @!p0 $0xFFFFF800  }
0xf2: {  	v1 =	vld [tilespmem:$0x1CA20]  }
0xf3: {  	v2 =	vld [tilespmem:$0x1CA30]  }
0xf4: {  	v3 =	vld [tilespmem:$0x1CA40]  }
0xf5: {  	v4 =	vld [tilespmem:$0x1CA50]  }
0xf6: {  	v5 =	vld [tilespmem:$0x1CA60]  }
0xf7: {  	[tilespmem:$0x1CDA0] =	vst v1;
	v1 =	vld [tilespmem:$0x1CA70]  }
0xf8: {  	v60 =	vld [tilespmem:$0x1CBA0];
	[tilespmem:$0x1CDB0] =	vst v2  }
0xf9: {  	v61 =	vld [tilespmem:$0x1CBB0];
	[tilespmem:$0x1CDC0] =	vst v3  }
0xfa: {  	v2 =	vld [tilespmem:$0x1CA80];
	[tilespmem:$0x1CDD0] =	vst v4  }
0xfb: {  	s14 =	simm.s32 $0x0;
	v3 =	vld [tilespmem:$0x1CA90];
	[tilespmem:$0x1CDE0] =	vst v5  }
0xfc: {  	s1 =	smul.u32 $0x180, s14;
	[tilespmem:$0x1CDF0] =	vst v1;
	v1 =	vld [tilespmem:$0x1CBC0]  }
0xfd: {  	s14 =	simm.s32 $0x0;
	v62 =	vld [tilespmem:$0x1CBF0];
	[tilespmem:$0x1CE20] =	vst v60  }
0xfe: {  	s19 =	sand.u32 $0x7C, s14;
	v63 =	vld [tilespmem:$0x1CC00];
	s4 =	sadd.s32 $0x100, s1;
	[tilespmem:$0x1CE30] =	vst v61  }
0xff: {  	s1 =	sor.u32 s19, s4;
	[tilespmem:$0x1CE00] =	vst v2;
	v2 =	vld [tilespmem:$0x1CBD0]  }
0x100: {  	v6 =	vmov s1;
	[tilespmem:$0x1CE10] =	vst v3;
	v3 =	vld [tilespmem:$0x1CBE0]  }
0x101: {  	v6 =	vbroadcast v6, $0x0;
	[tilespmem:$0x1CE40] =	vst v1;
	v1 =	vld [tilespmem:$0x1CC10]  }
0x102: {  	[tilespmem:$0x1CE70] =	vst v62  }
0x103: {  	[tilespmem:$0x1CE80] =	vst v63  }
0x104: {  	[tilespmem:$0x1CE50] =	vst v2  }
0x105: {  	[tilespmem:$0x1CE60] =	vst v3  }
0x106: {  	s23 =	simm.s32 $0x1;
	[tilespmem:$0x1CE90] =	vst v1  }
0x107: {  	s19 =	simm.s32 $0x196C0;
	s1 =	sand.u32 $0x7D, s23;
	v1 =	vld.idx.msk [tilespmem:v6+s16+$0x0], $0xffff  }
0x108: {  	s1 =	sor.u32 s1, s4;
	v2 =	vld [tilespmem:s19+$0xFFFFFFE0]  }
0x109: {  	v3 =	vmov s1  }
0x10a: {  	v3 =	vbroadcast v3, $0x0;
	_ =	sdelay $0x1  }
0x10b: {  	v1 =	vpack.i.f32.bf16 v1, v1  }
0x10c: {  	v1 =	vmul.bf16 v2, v1  }
0x10d: {  	s1 =	simm.s32 $0x1B6C0  }
0x10e: {  	s23 =	simm.s32 $0x2;
	[tilespmem:s1+$0xFFFFFFE0] =	vst v1  }
0x10f: {  	s23 =	sand.u32 $0x7E, s23;
	v1 =	vld.idx.msk [tilespmem:v3+s16+$0x0], $0xffff  }
0x110: {  	s23 =	sor.u32 s23, s4;
	v2 =	vld [tilespmem:s19+$0xFFFFFFF0]  }
0x111: {  	v3 =	vmov s23  }
0x112: {  	v3 =	vbroadcast v3, $0x0;
	_ =	sdelay $0x1  }
0x113: {  	v1 =	vpack.i.f32.bf16 v1, v1  }
0x114: {  	v1 =	vmul.bf16 v2, v1;
	_ =	sdelay $0x1  }
0x115: {  	[tilespmem:s1+$0xFFFFFFF0] =	vst v1  }
0x116: {  	v1 =	vld.idx.msk [tilespmem:v3+s16+$0x0], $0xffff;
	_ =	sdelay $0x1  }
0x117: {  	s31 =	simm.s32 $0x3;
	v2 =	vld [tilespmem:s19+$0x0]  }
0x118: {  	s23 =	sand.u32 $0x7F, s31  }
0x119: {  	s4 =	sor.u32 s23, s4  }
0x11a: {  	v3 =	vpack.i.f32.bf16 v1, v1;
	v1 =	vmov s4;
	_ =	sdelay $0x1  }
0x11b: {  	v2 =	vmul.bf16 v2, v3  }
0x11c: {  	s23 =	simm.s32 $0x2;
	s4 =	simm.s32 $0x0  }
.LBB2_12:
0x11d: {  	p0 =	sne.s32 s23, $0x3F;
	s4 =	smul.u32 $0x180, s4;
	[tilespmem:s1+$0x0] =	vst v2  }
0x11e: {  	s14 =	sadd.s32 $0x4, s14;
	v1 =	vld.idx.msk [tilespmem:v1+s16+$0x0], $0xffff  }
0x11f: {  	s31 =	sand.u32 $0x7C, s14;
	s4 =	sadd.s32 $0x100, s4;
	v2 =	vld [tilespmem:s19+$0x10]  }
0x120: {  	s31 =	sor.u32 s31, s4  }
0x121: {  	v3 =	vmov s31  }
0x122: {  	v3 =	vbroadcast v3, $0x0;
	_ =	sdelay $0x1  }
0x123: {  	v1 =	vpack.i.f32.bf16 v1, v1  }
0x124: {  	v1 =	vmul.bf16 v2, v1;
	_ =	sdelay $0x1  }
0x125: {  	[tilespmem:s1+$0x10] =	vst v1  }
0x126: {  	s19 =	sadd.s32 $0x40, s19;
	s31 =	sadd.s32 $0x1, s14;
	v1 =	vld.idx.msk [tilespmem:v3+s16+$0x0], $0xffff  }
0x127: {  	s31 =	sand.u32 $0x7D, s31;
	v2 =	vld [tilespmem:s19+$0xFFFFFFE0]  }
0x128: {  	s31 =	sor.u32 s31, s4  }
0x129: {  	v3 =	vmov s31  }
0x12a: {  	v3 =	vbroadcast v3, $0x0;
	_ =	sdelay $0x1  }
0x12b: {  	v1 =	vpack.i.f32.bf16 v1, v1  }
0x12c: {  	v1 =	vmul.bf16 v2, v1  }
0x12d: {  	s1 =	sadd.s32 $0x40, s1  }
0x12e: {  	[tilespmem:s1+$0xFFFFFFE0] =	vst v1  }
0x12f: {  	s31 =	sadd.s32 $0x2, s14;
	v1 =	vld.idx.msk [tilespmem:v3+s16+$0x0], $0xffff  }
0x130: {  	s31 =	sand.u32 $0x7E, s31  }
0x131: {  	s31 =	sor.u32 s31, s4;
	v2 =	vld [tilespmem:s19+$0xFFFFFFF0]  }
0x132: {  	v3 =	vmov s31  }
0x133: {  	v3 =	vbroadcast v3, $0x0;
	_ =	sdelay $0x1  }
0x134: {  	v1 =	vpack.i.f32.bf16 v1, v1  }
0x135: {  	v1 =	vmul.bf16 v2, v1;
	_ =	sdelay $0x1  }
0x136: {  	[tilespmem:s1+$0xFFFFFFF0] =	vst v1  }
0x137: {  	v2 =	vld.idx.msk [tilespmem:v3+s16+$0x0], $0xffff;
	_ =	sdelay $0x1  }
0x138: {  	s31 =	sadd.s32 $0x3, s14;
	v3 =	vld [tilespmem:s19+$0x0]  }
0x139: {  	s31 =	sand.u32 $0x7F, s31  }
.Ltmp9:
0x13a: {  	s4 =	sor.u32 s31, s4;
	(pc) =	sbr.rel @p0 .LBB2_12-.Ltmp9, $4  }
0x13b: {  	v1 =	vmov s4  }
0x13c: {  	v2 =	vpack.i.f32.bf16 v2, v2  }
0x13d: {  	v2 =	vmul.bf16 v3, v2  }
0x13e: {  	s4 =	sshrl.u32 s23, $0x5;
	s23 =	sadd.s32 $0x1, s23  }
0x13f: {  	_ =	sdelay $0x1  }
0x140: {  	s4 =	smul.u32 $0x180, s4  }
0x141: {  	[tilespmem:s1+$0x0] =	vst v2;
	s14 =	sadd.s32 $0x4, s14  }
0x142: {  	v1 =	vld.idx.msk [tilespmem:v1+s16+$0x0], $0xffff;
	s23 =	sand.u32 $0x7C, s14;
	s4 =	sadd.s32 $0x100, s4  }
0x143: {  	v2 =	vld [tilespmem:s19+$0x10];
	s23 =	sor.u32 s23, s4  }
0x144: {  	v3 =	vmov s23  }
0x145: {  	v3 =	vbroadcast v3, $0x0;
	_ =	sdelay $0x1  }
0x146: {  	v1 =	vpack.i.f32.bf16 v1, v1  }
0x147: {  	v1 =	vmul.bf16 v2, v1;
	_ =	sdelay $0x1  }
0x148: {  	s31 =	sadd.s32 $0x1, s14;
	[tilespmem:s1+$0x10] =	vst v1  }
0x149: {  	s19 =	sadd.s32 $0x40, s19;
	s23 =	sand.u32 $0x7D, s31;
	v1 =	vld.idx.msk [tilespmem:v3+s16+$0x0], $0xffff  }
0x14a: {  	s23 =	sor.u32 s23, s4;
	v2 =	vld [tilespmem:s19+$0xFFFFFFE0]  }
0x14b: {  	v3 =	vmov s23  }
0x14c: {  	v3 =	vbroadcast v3, $0x0;
	_ =	sdelay $0x1  }
0x14d: {  	v1 =	vpack.i.f32.bf16 v1, v1  }
0x14e: {  	v1 =	vmul.bf16 v2, v1  }
0x14f: {  	s1 =	sadd.s32 $0x40, s1  }
0x150: {  	s31 =	sadd.s32 $0x2, s14;
	[tilespmem:s1+$0xFFFFFFE0] =	vst v1  }
0x151: {  	s23 =	sand.u32 $0x7E, s31;
	v1 =	vld.idx.msk [tilespmem:v3+s16+$0x0], $0xffff  }
0x152: {  	s23 =	sor.u32 s23, s4;
	v2 =	vld [tilespmem:s19+$0xFFFFFFF0]  }
0x153: {  	v3 =	vmov s23  }
0x154: {  	v3 =	vbroadcast v3, $0x0;
	_ =	sdelay $0x1  }
0x155: {  	v1 =	vpack.i.f32.bf16 v1, v1  }
0x156: {  	v1 =	vmul.bf16 v2, v1;
	_ =	sdelay $0x1  }
0x157: {  	[tilespmem:s1+$0xFFFFFFF0] =	vst v1  }
0x158: {  	v1 =	vld.idx.msk [tilespmem:v3+s16+$0x0], $0xffff  }
0x159: {  	s14 =	sadd.s32 $0x3, s14;
	v2 =	vld [tilespmem:s19+$0x0]  }
0x15a: {  	s14 =	sand.u32 $0x7F, s14  }
0x15b: {  	s4 =	sor.u32 s14, s4  }
0x15c: {  	v3 =	vmov s4  }
0x15d: {  	v1 =	vpack.i.f32.bf16 v1, v1  }
0x15e: {  	v1 =	vmul.bf16 v2, v1;
	_ =	sdelay $0x1  }
0x15f: {  	[tilespmem:s1+$0x0] =	vst v1  }
0x160: {  	v1 =	vld.idx.msk [tilespmem:v3+s16+$0x0], $0xffff  }
0x161: {  	v2 =	vld [tilespmem:s19+$0x10];
	_ =	sdelay $0x3  }
0x162: {  	v1 =	vpack.i.f32.bf16 v1, v1  }
0x163: {  	v1 =	vmul.bf16 v2, v1;
	_ =	sdelay $0x1  }
0x164: {  	s31 =	simm.s32 $0x1CDA0;
	[tilespmem:s1+$0x10] =	vst v1;
	s1 =	sadd.s32 s10, s12  }
0x165: {  	[spmem:s3] =	stream.indirect.scatter.add.bf16 [tilespmem:s0], [sflag:$0x4], $0x10, s31, s20, $0xb8;
	[tilespmem:$0x1D1C0] =	vst v63  }
.Ltmp10:
0x166: {  	p0 =	sgt.u32 s1, $0x1869;
	(pc) =	sbr.rel .LBB2_14-.Ltmp10, $4  }
0x167: {  	s1 =	smul.u32 @!p0 $0x60, s1  }
0x168: {  	[spmem:s3] =	stream.indirect.scatter.add.bf16 [tilespmem:s22], [sflag:$0x4], $0x10, s21, s20, $0xb8;
	[tilespmem:$0x1D1C0] =	vst v63  }
0x169: {  	s4 =	simm.s32 @!p0 $0x0;
	s12 =	simm.s32 @!p0 $0x1C9A0;
	s1 =	sadd.s32 @!p0 s5, s1  }
0x16a: {  	[tilespmem:s12], [sflag:$0x6] =	stream.linear.gather @!p0 [hbm4b:s1+s4], $0x300, $0x38;
	[tilespmem:$0x1D1C0] =	vst v63  }
.LBB2_16:
0x16b: {  	_ =	sfence.sel $0x180000  }
0x16c: {  	[bflag:$0x0] =	sbarrier.arrive $0xFFFF  }
0x16d: {  	_ =	strace $0x90000047  }
0x16e: {  	s0 =	stileid.u32;
	[bflag:$0x2] =	sbarrier.arrive $0xFFFF  }
0x16f: {  	p0 =	sne.s32 s0, $0x0;
	s0 =	rddreg [dreg:$0x3]  }
0x170: {  	s0 =	sadd.s32 @!p0 $0x100000, s0  }
0x171: {  	[sflag:s0] =	ssyncadd.tile.s32 @!p0 $0x1;
	_ =	shalt  }
.Lfunc_end2:
_tile_overlayer_lowered:
.L_overlay_start_2:
0x172: {  	(tag) =	ssettag $0x2  }
0x173: {  	s0 =	rddreg [dreg:$0x0];
	s2 =	stileid.u32  }
0x174: {  	s1 =	rddreg [dreg:$0x1];
	p0 =	sne.s32 s2, $0x0  }
0x175: {  	s3 =	rddreg [dreg:$0x2];
	[bflag:$0x3] =	sbarrier.arrive $0xFFFF;
	s2 =	simm.s32 @!p0 $0x1C07  }
0x176: {  	[timem:s3], [sflag:s2] =	dma.local @!p0 [hbm:s0], s1  }
0x177: {  	s0 =	simm.s32 @!p0 $0x7  }
0x178: {  	_ =	swait.ge @!p0 [sflag:s0], s1  }
0x179: {  	s1 =	ssub.s32 @!p0 $0x0, s1;
	[sflag:s0] =	ssyncset.done @!p0 $0x0  }
0x17a: {  	[sflag:s0] =	ssyncadd.s32 @!p0 s1  }
0x17b: {  	[bflag:$0x3] =	sbarrier.arrive $0xFFFF  }
0x17c: {  	_ =	shalt  }

// kernel: kernel.8.cloned.1.call-start
scs
__scs_entry_jumppad:
0x0: {  	(pc) =	sbr.rel $0x88, $3  }
0x1: {  	(tag) =	ssettag $0x0;
	lr =	simm.s32 $0x1  }
0x2: {  	[smem:$0x3F9A] =	sst lr;
	_ =	strace $0xD0000000  }
0x3: {  	_ = 	snop  }
0x4: {  	_ = 	snop  }
0x5: {  	_ = 	snop  }
0x6: {  	_ = 	snop  }
0x7: {  	_ = 	snop  }
__scs_overlays_trampoline_lowered:
0x8: {  	[smem:$0x3FA9] =	sst s0  }
0x9: {  	[smem:$0x3FAA] =	sst s1  }
0xa: {  	[smem:$0x3FAB] =	sst s2  }
0xb: {  	[smem:$0x3FAC] =	sst s3  }
0xc: {  	[smem:$0x3FAD] =	sst s4  }
0xd: {  	[smem:$0x3FAE] =	sst s5  }
0xe: {  	[smem:$0x3FAF] =	sst s6  }
0xf: {  	[smem:$0x3FB0] =	sst s7  }
0x10: {  	[smem:$0x3FB1] =	sst s8  }
0x11: {  	[smem:$0x3FB2] =	sst s9;
	s0 =	simm.s32 @!p0 $0x0  }
0x12: {  	s1 =	sld [smem:$0x3F98];
	s0 =	simm.s32 @p0 $0x1  }
0x13: {  	[smem:$0x3FB3] =	sst s0;
	s0 =	simm.s32 @!p1 $0x0  }
0x14: {  	s2 =	sld [smem:$0x3F97];
	s0 =	simm.s32 @p1 $0x1  }
0x15: {  	[smem:$0x3FB4] =	sst s0;
	s0 =	simm.s32 @!p2 $0x0  }
0x16: {  	s3 =	sld [smem:$0x3FDB];
	s0 =	simm.s32 @p2 $0x1  }
0x17: {  	s4 =	simm.s32 $0x1BF5;
	[smem:$0x3FB6] =	sst s0  }
0x18: {  	s0 =	sld [smem:$0x3F99];
	_ =	swait.ge [sflag:s4], $0x0  }
0x19: {  	s7 =	sld [smem:$0x3F9A]  }
0x1a: {  	s8 =	sadd.s32 $0xFFFFE003, lr  }
0x1b: {  	s9 =	sadd.s32 $0xFFFFFEF7, lr;
	s5 =	simm.s32 $0xFFFFFFFF;
	p2 =	slt.u32 s8, $0xFFFFF086  }
0x1c: {  	p1 =	slt.u32 s9, $0xF7A;
	s5 =	simm.s32 @!p2 $0x0  }
0x1d: {  	s5 =	simm.s32 @p1 $0x1;
	p0 =	seq.s32 s7, s2  }
0x1e: {  	s7 =	smul.u32 @!p0 $0xF7A, s2;
	p2 =	seq.s32 @!p0 s5, $0x0  }
0x1f: {  	s9 =	smul.u32 $0xF7A, s1;
	s8 =	simm.s32 @!p0 $0x1BF5;
	p2 =	por !p2, p0  }
0x20: {  	[sflag:s8] =	ssyncset.s32 @!p0 $0xFFFFF086;
	s6 =	sadd.s32 @!p0 s3, s7;
	s7 =	simm.s32 @!p0 $0x108  }
0x21: {  	s3 =	sadd.s32 s3, s9;
	s6 =	sadd.s32 @!p0 $0x88, s6;
	s7 =	simm.s32 @p2 $0x1082  }
0x22: {  	[simem:s7], [sflag:s8] =	dma.local @!p0 [hbm:s6], $0xF7A  }
0x23: {  	s9 =	sor.u32 $0xD0000000, s2;
	s6 =	simm.s32 $0x108;
	_ =	swait.ge @!p0 [sflag:s8], $0x0  }
0x24: {  	s3 =	sadd.s32 $0x88, s3;
	s6 =	simm.s32 @!p1 $0x1082;
	[sflag:s4] =	ssyncset.s32 $0xFFFFF086  }
0x25: {  	[simem:s6], [sflag:s4] =	dma.local [hbm:s3], $0xF7A  }
0x26: {  	[smem:$0x3F9A] =	sst s1;
	(tag) =	ssettag s2;
	_ =	strace s9  }
0x27: {  	s1 =	sld [smem:$0x3FAA]  }
0x28: {  	s2 =	sld [smem:$0x3FAB]  }
0x29: {  	s4 =	sld [smem:$0x3FAD]  }
0x2a: {  	p0 =	seq.s32 s5, $0x0;
	s5 =	sld [smem:$0x3FAE]  }
0x2b: {  	s6 =	sld [smem:$0x3FAF]  }
0x2c: {  	s7 =	sld [smem:$0x3FB0]  }
0x2d: {  	s3 =	simm.s32 $0x108;
	s8 =	sld [smem:$0x3FB1]  }
0x2e: {  	s3 =	simm.s32 @!p0 $0x1082;
	s9 =	sld [smem:$0x3FB2]  }
0x2f: {  	lr =	sadd.s32 s0, s3;
	s0 =	sld [smem:$0x3FA9]  }
0x30: {  	s3 =	sld [smem:$0x3FAC]  }
0x31: {  	[smem:$0x3FB5] =	sst s10  }
0x32: {  	s10 =	sld [smem:$0x3FB3];
	_ =	sdelay $0x3  }
0x33: {  	p0 =	seq.s32 s10, $0x1;
	s10 =	sld [smem:$0x3FB5];
	_ =	sdelay $0x3  }
0x34: {  	[smem:$0x3FB5] =	sst s10  }
0x35: {  	s10 =	sld [smem:$0x3FB4];
	_ =	sdelay $0x3  }
0x36: {  	p1 =	seq.s32 s10, $0x1;
	s10 =	sld [smem:$0x3FB5];
	_ =	sdelay $0x3  }
0x37: {  	[smem:$0x3FB5] =	sst s10  }
0x38: {  	s10 =	sld [smem:$0x3FB6]  }
0x39: {  	_ = 	snop;
	(pc) =	sbr.ind lr, $3  }
0x3a: {  	_ = 	snop  }
0x3b: {  	_ = 	snop  }
0x3c: {  	p2 =	seq.s32 s10, $0x1;
	s10 =	sld [smem:$0x3FB5]  }
0x3d: {  	_ =	shalt  }
0x3e: {  	_ =	shalt  }
0x3f: {  	_ =	shalt  }
0x40: {  	_ =	shalt  }
0x41: {  	_ =	shalt  }
0x42: {  	_ =	shalt  }
0x43: {  	_ =	shalt  }
0x44: {  	_ =	shalt  }
0x45: {  	_ =	shalt  }
0x46: {  	_ =	shalt  }
0x47: {  	_ =	shalt  }
0x48: {  	_ =	shalt  }
0x49: {  	_ =	shalt  }
0x4a: {  	_ =	shalt  }
0x4b: {  	_ =	shalt  }
0x4c: {  	_ =	shalt  }
0x4d: {  	_ =	shalt  }
0x4e: {  	_ =	shalt  }
0x4f: {  	_ =	shalt  }
0x50: {  	_ =	shalt  }
0x51: {  	_ =	shalt  }
0x52: {  	_ =	shalt  }
0x53: {  	_ =	shalt  }
0x54: {  	_ =	shalt  }
0x55: {  	_ =	shalt  }
0x56: {  	_ =	shalt  }
0x57: {  	_ =	shalt  }
0x58: {  	_ =	shalt  }
0x59: {  	_ =	shalt  }
0x5a: {  	_ =	shalt  }
0x5b: {  	_ =	shalt  }
0x5c: {  	_ =	shalt  }
0x5d: {  	_ =	shalt  }
0x5e: {  	_ =	shalt  }
0x5f: {  	_ =	shalt  }
0x60: {  	_ =	shalt  }
0x61: {  	_ =	shalt  }
0x62: {  	_ =	shalt  }
0x63: {  	_ =	shalt  }
0x64: {  	_ =	shalt  }
0x65: {  	_ =	shalt  }
0x66: {  	_ =	shalt  }
0x67: {  	_ =	shalt  }
0x68: {  	_ =	shalt  }
0x69: {  	_ =	shalt  }
0x6a: {  	_ =	shalt  }
0x6b: {  	_ =	shalt  }
0x6c: {  	_ =	shalt  }
0x6d: {  	_ =	shalt  }
0x6e: {  	_ =	shalt  }
0x6f: {  	_ =	shalt  }
0x70: {  	_ =	shalt  }
0x71: {  	_ =	shalt  }
0x72: {  	_ =	shalt  }
0x73: {  	_ =	shalt  }
0x74: {  	_ =	shalt  }
0x75: {  	_ =	shalt  }
0x76: {  	_ =	shalt  }
0x77: {  	_ =	shalt  }
0x78: {  	_ =	shalt  }
0x79: {  	_ =	shalt  }
0x7a: {  	_ =	shalt  }
0x7b: {  	_ =	shalt  }
0x7c: {  	_ =	shalt  }
0x7d: {  	_ =	shalt  }
0x7e: {  	_ =	shalt  }
0x7f: {  	_ =	shalt  }
0x80: {  	_ =	shalt  }
0x81: {  	_ =	shalt  }
0x82: {  	_ =	shalt  }
0x83: {  	_ =	shalt  }
0x84: {  	_ =	shalt  }
0x85: {  	_ =	shalt  }
0x86: {  	_ =	shalt  }
0x87: {  	_ =	shalt  }
.Lfunc_end0:
.L_simem_size_0:
called_computation.1_lowered:
.L_overlay_start_0:
0x88: {  	s2 =	sld [smem:$0x3FD9]  }
0x89: {  	s3 =	sld [smem:$0x3FFE];
	_ =	sdelay $0x1  }
0x8a: {  	s1 =	srdreg.scid  }
0x8b: {  	s0 =	sand.u32 $0x1, s1  }
0x8c: {  	s17 =	sshll.u32 s0, $0xA;
	s2 =	sadd.s32 s3, s2  }
0x8d: {  	s2 =	sadd.s32 s2, s17  }
0x8e: {  	[smem:$0x3FC1] =	sst s2  }
0x8f: {  	_ = 	snop  }
0x90: {  	s2 =	sld [smem:$0x3FD0];
	(tm) =	ssettm $0x1  }
0x91: {  	s18 =	sld [smem:$0x3FFB];
	_ =	sdelay $0x3  }
0x92: {  	_ =	strace s18  }
0x93: {  	s3 =	sld [smem:$0x3FFC];
	_ =	sdelay $0x3  }
0x94: {  	_ =	strace s3  }
0x95: {  	s3 =	sld [smem:$0x3FFD];
	_ =	sdelay $0x3  }
0x96: {  	_ =	strace s3  }
0x97: {  	_ =	strace $0x8FFFFFFF  }
0x98: {  	s19 =	sld [smem:$0x3FDB];
	_ =	sdelay $0x1  }
0x99: {  	s4 =	simm.s32 $_scs_section_size  }
0x9a: {  	s5 =	simm.s32 $_size__tile_overlayer_lowered;
	s6 =	simm.s32 $_tile_overlayer_lowered  }
0x9b: {  	s22 =	simm.s32 $0x1BFF;
	s21 =	sshll.u32 s6, $0x1;
	s3 =	sadd.s32 s4, s19  }
0x9c: {  	s7 =	simm.s32 $0x0;
	s20 =	sshll.u32 s5, $0x1;
	s5 =	sadd.s32 s21, s3  }
0x9d: {  	[timem:s7], [sflag:s22] =	dma.local [hbm:s5], s20  }
0x9e: {  	_ =	swait.ge [sflag:s22], s20  }
0x9f: {  	s4 =	ssub.s32 $0x0, s20;
	[sflag:s22] =	ssyncset.done $0x0  }
0xa0: {  	[sflag:s22] =	ssyncadd.s32 s4;
	_ =	sdelay $0x1  }
0xa1: {  	s23 =	simm.s32 $0x1B8B  }
0xa2: {  	_ =	swait.ge [sflag:s23], $0x1  }
0xa3: {  	[sflag:s23] =	ssyncset.done $0x0  }
0xa4: {  	s25 =	simm.s32 $0x1B8E;
	s24 =	sld [smem:$0x3FFE];
	[sflag:s23] =	ssyncadd.s32 $0xFFFFFFFF  }
0xa5: {  	s26 =	simm.s32 $execute0_lowered;
	[smem:$0x3FD2] =	sst s25  }
0xa6: {  	s5 =	sshll.u32 s26, $0x1;
	_ =	strace $0x80000049;
	[dreg:$0x1] =	wrdreg $0xFFFFFFFF  }
0xa7: {  	s28 =	simm.s32 $_size_execute0_lowered;
	s3 =	sadd.s32 s3, s5;
	[dreg:$0x0] =	wrdreg $0x0  }
0xa8: {  	s5 =	sshll.u32 s28, $0x1;
	[dreg:$0x2] =	wrdreg s3  }
0xa9: {  	[dreg:$0x3] =	wrdreg s5  }
0xaa: {  	[dreg:$0x4] =	wrdreg $0xC0  }
0xab: {  	_ =	task [dreg:s7], $0x5FFFF  }
0xac: {  	[dreg:$0x1] =	wrdreg $0xFFFFFFFF  }
0xad: {  	[dreg:$0x0] =	wrdreg $0x60  }
0xae: {  	[dreg:$0x2] =	wrdreg s24  }
0xaf: {  	[dreg:$0x3] =	wrdreg s2  }
0xb0: {  	[dreg:$0x4] =	wrdreg $0x9  }
0xb1: {  	_ =	task.clear_ibuf [dreg:s7], $0x5FFFF;
	_ =	strace $0x90000049  }
0xb2: {  	s29 =	simm.s32 $0x9;
	_ =	strace $0x8000004B  }
0xb3: {  	_ =	swait.ge [sflag:s29], $0x1  }
0xb4: {  	[sflag:s29] =	ssyncadd.s32 $0xFFFFFFFF  }
0xb5: {  	_ =	strace $0x9000004B  }
0xb6: {  	_ =	sfence  }
0xb7: {  	s30 =	sld [smem:$0x0];
	_ =	sdelay $0x2  }
0xb8: {  	s31 =	sshll.u32 s1, $0xD;
	s1 =	sshrl.u32 s1, $0x2  }
0xb9: {  	s3 =	sand.u32 $0x4000, s31;
	s1 =	sadd.s32 s1, s30  }
0xba: {  	s0 =	sor.u32 s3, s0;
	s1 =	sshll.u32 s1, $0x11  }
0xbb: {  	s0 =	sor.u32 s1, s0  }
0xbc: {  	s0 =	sadd.s32 $0x8F2B, s0  }
0xbd: {  	[sflag:s0] =	ssyncadd.remote.s32 $0x1  }
0xbe: {  	_ =	sfence.sel $0xFFFF  }
0xbf: {  	[dreg:$0x0] =	wrdreg $0xFFFFFFFF;
	(pc) =	sbr.abs _section_cstart, $3  }
0xc0: {  	[dreg:$0x1] =	wrdreg $0xFFFFFFFF  }
0xc1: {  	_ =	task.clear_ibuf [dreg:s7], $0x2FFFF;
	_ =	strace $0x9FFFFFFF  }
0xc2: {  	(tm) =	ssettm $0x7FFFFFFF  }
0xc3: {  	_ =	shalt  }
tec
execute0_lowered:
.L_overlay_start_1:
0x0: {  	(tag) =	ssettag $0x1  }
0x1: {  	s0 =	rddreg [dreg:$0x0]  }
0x2: {  	s2 =	rddreg [dreg:$0x1]  }
0x3: {  	s3 =	simm.s32 $0x0;
	s1 =	srdreg.scid;
	s4 =	stileid.u32  }
0x4: {  	s11 =	simm.s32 $0x12000;
	s12 =	simm.s32 $0x3;
	s13 =	simm.s32 $0x80  }
0x5: {  	s15 =	simm.s32 $0x8000;
	s28 =	simm.s32 $0xBC00;
	s29 =	simm.s32 $0x1  }
0x6: {  	s30 =	simm.s32 $0x12C00;
	s31 =	simm.s32 $0x4;
	s14 =	simm.s32 $0x4000  }
0x7: {  	s16 =	simm.s32 $0x0;
	[smem:$0x7FF] =	sst s3;
	s1 =	sand.u32 $0x1, s1  }
0x8: {  	s4 =	sshll.u32 s4, $0x1;
	s5 =	sadd.s32 $0x2C00, s0;
	s6 =	sadd.s32 $0x95400, s0  }
.Ltmp0:
0x9: {  	s7 =	sadd.s32 $0x27DA00, s0;
	s4 =	sor.u32 s1, s4;
	(pc) =	sbr.rel .LBB2_1-.Ltmp0, $4  }
0xa: {  	s0 =	simm.s32 $0x2;
	s8 =	ssub.s32 $0x2, s1;
	s9 =	smul.u32 $0xC0, s4  }
0xb: {  	_ =	strace $0x8000004A;
	s1 =	simm.s32 $0xD000;
	s25 =	sshrl.u32 s8, $0x1  }
0xc: {  	s26 =	ssub.s32 s8, s25;
	s25 =	simm.s32 $0x3000;
	s8 =	sadd.s32 s5, s9  }
0xd: {  	v0 =	vlaneseq.u32;
	s9 =	sor.u32 $0x40, s4;
	s10 =	smax.u32 s26, $0x1;
	s26 =	simm.s32 $0x12480  }
.LBB2_9:
0xe: {  	s16 =	sadd.s32 $0x1, s16  }
0xf: {  	p0 =	sne.s32 s16, s10  }
.Ltmp1:
0x10: {  	_ = 	snop;
	(pc) =	sbr.rel @!p0 .LBB2_10-.Ltmp1, $1  }
0x11: {  	_ =	sdelay $0x3  }
.LBB2_1:
0x12: {  	[tilespmem:s11], [sflag:$0x3] =	stream.linear.gather [hbm4b:s8+s3], $0x600, $0x38;
	[tilespmem:$0x12E00] =	vst v63  }
0x13: {  	_ =	swait.ge [sflag:s12], $0x600  }
0x14: {  	[sflag:s12] =	ssyncset.done $0x0  }
0x15: {  	s17 =	simm.s32 $0x12080;
	[sflag:s12] =	ssyncadd.s32 $0xFFFFFA00  }
0x16: {  	[tilespmem:s3], [sflag:$0x1] =	stream.indirect.gather [hbm4b:s6+s13], $0x20, s17, s13, $0xb8;
	[tilespmem:$0x12E00] =	vst v63  }
0x17: {  	_ = 	snop  }
0x18: {  	[tilespmem:s15], [sflag:$0x1] =	stream.indirect.gather [hbm4b:s7+s13], $0x28, s11, s13, $0xb8;
	[tilespmem:$0x12E00] =	vst v63  }
0x19: {  	s24 =	simm.s32 $0x12200;
	s18 =	simm.s32 $0x1000  }
0x1a: {  	[tilespmem:s18], [sflag:$0x1] =	stream.indirect.gather [hbm4b:s6+s13], $0x20, s24, s13, $0xb8;
	[tilespmem:$0x12E00] =	vst v63  }
0x1b: {  	s19 =	simm.s32 $0x9400;
	s18 =	simm.s32 $0x12180  }
0x1c: {  	[tilespmem:s19], [sflag:$0x1] =	stream.indirect.gather [hbm4b:s7+s13], $0x28, s18, s13, $0xb8;
	[tilespmem:$0x12E00] =	vst v63  }
0x1d: {  	s20 =	simm.s32 $0x12380;
	s21 =	simm.s32 $0x2000  }
0x1e: {  	[tilespmem:s21], [sflag:$0x1] =	stream.indirect.gather [hbm4b:s6+s13], $0x20, s20, s13, $0xb8;
	[tilespmem:$0x12E00] =	vst v63  }
0x1f: {  	s22 =	simm.s32 $0x12300;
	s23 =	simm.s32 $0xA800  }
0x20: {  	[tilespmem:s23], [sflag:$0x1] =	stream.indirect.gather [hbm4b:s7+s13], $0x28, s22, s13, $0xb8;
	[tilespmem:$0x12E00] =	vst v63  }
.Ltmp2:
0x21: {  	_ = 	snop;
	(pc) =	sbr.rel .LBB2_2-.Ltmp2, $4  }
0x22: {  	s24 =	simm.s32 $0x12500  }
0x23: {  	[tilespmem:s25], [sflag:$0x1] =	stream.indirect.gather [hbm4b:s6+s13], $0x20, s24, s13, $0xb8;
	[tilespmem:$0x12E00] =	vst v63  }
0x24: {  	s17 =	simm.s32 $0x0  }
0x25: {  	[tilespmem:s28], [sflag:$0x1] =	stream.indirect.gather [hbm4b:s7+s13], $0x28, s26, s13, $0xb8;
	[tilespmem:$0x12E00] =	vst v63  }
.LBB2_8:
0x26: {  	s17 =	sadd.s32 $0x1, s17  }
0x27: {  	p0 =	sne.s32 s17, $0x31  }
.Ltmp3:
0x28: {  	_ = 	snop;
	(pc) =	sbr.rel @!p0 .LBB2_9-.Ltmp3, $1  }
0x29: {  	_ =	sdelay $0x3  }
.LBB2_2:
0x2a: {  	s19 =	sshll.u32 s17, $0x6  }
0x2b: {  	_ =	swait.ge [sflag:s29], $0x4000;
	s20 =	sor.u32 s4, s19  }
0x2c: {  	[sflag:s29] =	ssyncset.done $0x0;
	s18 =	sor.u32 $0x20, s20  }
0x2d: {  	[sflag:s29] =	ssyncadd.s32 $0xFFFFC000;
	p0 =	sgt.u32 s18, $0xC34  }
0x2e: {  	_ =	swait.ge [sflag:s29], $0x5000;
	s21 =	smul.u32 @!p0 $0xC0, s18  }
0x2f: {  	[sflag:s29] =	ssyncset.done $0x0;
	s22 =	simm.s32 @!p0 $0x0  }
0x30: {  	s23 =	simm.s32 @!p0 $0x12600;
	[sflag:s29] =	ssyncadd.s32 $0xFFFFB000;
	s21 =	sadd.s32 @!p0 s5, s21  }
0x31: {  	[tilespmem:s23], [sflag:$0x4] =	stream.linear.gather @!p0 [hbm4b:s21+s22], $0x600, $0x38;
	[tilespmem:$0x12E00] =	vst v63  }
0x32: {  	s21 =	simm.s32 @!p0 $0x4  }
0x33: {  	_ =	swait.ge @!p0 [sflag:s21], $0x600  }
0x34: {  	s24 =	simm.s32 @!p0 $0x4000;
	[sflag:s21] =	ssyncset.done @!p0 $0x0  }
0x35: {  	s22 =	simm.s32 @!p0 $0x12680;
	[sflag:s21] =	ssyncadd.s32 @!p0 $0xFFFFFA00;
	s21 =	simm.s32 @!p0 $0x80  }
0x36: {  	[tilespmem:s24], [sflag:$0x2] =	stream.indirect.gather @!p0 [hbm4b:s6+s21], $0x20, s22, s21, $0xb8;
	[tilespmem:$0x12E00] =	vst v63  }
0x37: {  	s22 =	simm.s32 @!p0 $0xD000  }
0x38: {  	[tilespmem:s22], [sflag:$0x2] =	stream.indirect.gather @!p0 [hbm4b:s7+s21], $0x28, s23, s21, $0xb8;
	[tilespmem:$0x12E00] =	vst v63  }
0x39: {  	s22 =	simm.s32 @!p0 $0x12800;
	s23 =	simm.s32 @!p0 $0x5000  }
0x3a: {  	[tilespmem:s23], [sflag:$0x2] =	stream.indirect.gather @!p0 [hbm4b:s6+s21], $0x20, s22, s21, $0xb8;
	[tilespmem:$0x12E00] =	vst v63  }
0x3b: {  	s22 =	simm.s32 @!p0 $0x12780;
	s23 =	simm.s32 @!p0 $0xE400  }
0x3c: {  	[tilespmem:s23], [sflag:$0x2] =	stream.indirect.gather @!p0 [hbm4b:s7+s21], $0x28, s22, s21, $0xb8;
	[tilespmem:$0x12E00] =	vst v63  }
0x3d: {  	s22 =	simm.s32 $0x0  }
0x3e: {  	s24 =	simm.s32 @!p0 $0x6000;
	s23 =	simm.s32 @!p0 $0x12980;
	v2 =	vor.u32 s22, v0  }
0x3f: {  	[tilespmem:s24], [sflag:$0x2] =	stream.indirect.gather @!p0 [hbm4b:s6+s21], $0x20, s23, s21, $0xb8;
	v1 =	vmul.u32 $0x28, v2;
	[tilespmem:$0x12E00] =	vst v63  }
0x40: {  	s22 =	simm.s32 @!p0 $0x12900;
	s23 =	simm.s32 @!p0 $0xF800  }
0x41: {  	[tilespmem:s23], [sflag:$0x2] =	stream.indirect.gather @!p0 [hbm4b:s7+s21], $0x28, s22, s21, $0xb8;
	v3 =	vadd.s32 $0x20, v1;
	[tilespmem:$0x12E00] =	vst v63  }
0x42: {  	v2 =	vshll.u32 v2, $0x5;
	s22 =	simm.s32 @!p0 $0x12B00;
	s23 =	simm.s32 @!p0 $0x7000  }
0x43: {  	[tilespmem:s23], [sflag:$0x2] =	stream.indirect.gather @!p0 [hbm4b:s6+s21], $0x20, s22, s21, $0xb8;
	[tilespmem:$0x12E00] =	vst v63  }
0x44: {  	v4 =	vor.u32 $0x1, v2;
	s22 =	simm.s32 @!p0 $0x12A80;
	s23 =	simm.s32 @!p0 $0x10C00  }
0x45: {  	v5 =	vor.u32 $0x1, v1;
	[tilespmem:s23], [sflag:$0x2] =	stream.indirect.gather @!p0 [hbm4b:s7+s21], $0x28, s22, s21, $0xb8;
	[tilespmem:$0x12E00] =	vst v63  }
0x46: {  	v6 =	vor.u32 $0x2, v2;
	v3 =	vld.idx.msk [tilespmem:v3+s15+$0x0], $0xffff  }
0x47: {  	v8 =	vor.u32 $0x2, v1;
	v7 =	vld.idx.msk [tilespmem:v2+s3+$0x0], $0xffff  }
0x48: {  	v10 =	vor.u32 $0x3, v2;
	v9 =	vld.idx.msk [tilespmem:v1+s15+$0x0], $0xffff  }
0x49: {  	v11 =	vor.u32 $0x3, v1;
	v4 =	vld.idx.msk [tilespmem:v4+s3+$0x0], $0xffff  }
0x4a: {  	v12 =	vor.u32 $0x4, v2;
	v5 =	vld.idx.msk [tilespmem:v5+s15+$0x0], $0xffff  }
0x4b: {  	v13 =	vor.u32 $0x4, v1;
	v6 =	vld.idx.msk [tilespmem:v6+s3+$0x0], $0xffff  }
0x4c: {  	v14 =	vor.u32 $0x5, v2;
	v8 =	vld.idx.msk [tilespmem:v8+s15+$0x0], $0xffff  }
0x4d: {  	v15 =	vor.u32 $0x5, v1;
	v10 =	vld.idx.msk [tilespmem:v10+s3+$0x0], $0xffff;
	v7 =	vmul.f32 v9, v7  }
0x4e: {  	v30 =	vor.u32 $0x6, v2;
	v29 =	vld.idx.msk [tilespmem:v11+s15+$0x0], $0xffff  }
0x4f: {  	v16 =	vor.u32 $0x6, v1;
	v12 =	vld.idx.msk [tilespmem:v12+s3+$0x0], $0xffff;
	v4 =	vmul.f32 v5, v4;
	v3 =	vadd.f32 v7, v3  }
0x50: {  	v5 =	vld.idx.msk [tilespmem:v13+s15+$0x0], $0xffff;
	v7 =	vor.u32 $0x7, v2  }
0x51: {  	v32 =	vor.u32 $0x7, v1;
	v31 =	vld.idx.msk [tilespmem:v14+s3+$0x0], $0xffff;
	v3 =	vadd.f32 v4, v3;
	v4 =	vmul.f32 v8, v6  }
0x52: {  	v33 =	vor.u32 $0x8, v2;
	v6 =	vld.idx.msk [tilespmem:v15+s15+$0x0], $0xffff  }
0x53: {  	v34 =	vadd.s32 $0x8, v1;
	v11 =	vld.idx.msk [tilespmem:v30+s3+$0x0], $0xffff;
	v3 =	vadd.f32 v4, v3;
	v4 =	vmul.f32 v29, v10  }
0x54: {  	v37 =	vadd.s32 $0x9, v1;
	v35 =	vld.idx.msk [tilespmem:v16+s15+$0x0], $0xffff  }
0x55: {  	v36 =	vor.u32 $0x9, v2;
	v7 =	vld.idx.msk [tilespmem:v7+s3+$0x0], $0xffff;
	v3 =	vadd.f32 v4, v3;
	v4 =	vmul.f32 v5, v12  }
0x56: {  	v38 =	vor.u32 $0xA, v2;
	v5 =	vld.idx.msk [tilespmem:v32+s15+$0x0], $0xffff  }
0x57: {  	v39 =	vadd.s32 $0xA, v1;
	v8 =	vld.idx.msk [tilespmem:v33+s3+$0x0], $0xffff;
	v3 =	vadd.f32 v4, v3;
	v4 =	vmul.f32 v6, v31  }
0x58: {  	v40 =	vor.u32 $0xB, v2;
	v6 =	vld.idx.msk [tilespmem:v34+s15+$0x0], $0xffff  }
0x59: {  	v41 =	vadd.s32 $0xB, v1;
	v42 =	vld.idx.msk [tilespmem:v37+s15+$0x0], $0xffff;
	v3 =	vadd.f32 v4, v3;
	v4 =	vmul.f32 v35, v11  }
0x5a: {  	v44 =	vadd.s32 $0xC, v1;
	v10 =	vld.idx.msk [tilespmem:v36+s3+$0x0], $0xffff  }
0x5b: {  	v43 =	vor.u32 $0xC, v2;
	v12 =	vld.idx.msk [tilespmem:v38+s3+$0x0], $0xffff;
	v3 =	vadd.f32 v4, v3;
	v4 =	vmul.f32 v5, v7  }
0x5c: {  	v5 =	vld.idx.msk [tilespmem:v39+s15+$0x0], $0xffff;
	v7 =	vor.u32 $0xD, v2  }
0x5d: {  	v45 =	vadd.s32 $0xD, v1;
	v13 =	vld.idx.msk [tilespmem:v40+s3+$0x0], $0xffff;
	v3 =	vadd.f32 v4, v3;
	v4 =	vmul.f32 v6, v8  }
0x5e: {  	v46 =	vor.u32 $0xE, v2;
	v6 =	vld.idx.msk [tilespmem:v41+s15+$0x0], $0xffff  }
0x5f: {  	v47 =	vadd.s32 $0xE, v1;
	v48 =	vld.idx.msk [tilespmem:v44+s15+$0x0], $0xffff;
	v3 =	vadd.f32 v4, v3;
	v4 =	vmul.f32 v42, v10  }
0x60: {  	v50 =	vadd.s32 $0xF, v1;
	v11 =	vld.idx.msk [tilespmem:v43+s3+$0x0], $0xffff  }
0x61: {  	v49 =	vor.u32 $0xF, v2;
	v7 =	vld.idx.msk [tilespmem:v7+s3+$0x0], $0xffff;
	v3 =	vadd.f32 v4, v3;
	v4 =	vmul.f32 v5, v12  }
0x62: {  	v51 =	vor.u32 $0x10, v2;
	v5 =	vld.idx.msk [tilespmem:v45+s15+$0x0], $0xffff  }
0x63: {  	v52 =	vadd.s32 $0x10, v1;
	v8 =	vld.idx.msk [tilespmem:v46+s3+$0x0], $0xffff;
	v3 =	vadd.f32 v4, v3;
	v4 =	vmul.f32 v6, v13  }
0x64: {  	v53 =	vor.u32 $0x11, v2;
	v6 =	vld.idx.msk [tilespmem:v47+s15+$0x0], $0xffff  }
0x65: {  	v54 =	vadd.s32 $0x11, v1;
	v55 =	vld.idx.msk [tilespmem:v50+s15+$0x0], $0xffff;
	v3 =	vadd.f32 v4, v3;
	v4 =	vmul.f32 v48, v11  }
0x66: {  	v57 =	vadd.s32 $0x12, v1;
	v10 =	vld.idx.msk [tilespmem:v49+s3+$0x0], $0xffff  }
0x67: {  	v56 =	vor.u32 $0x12, v2;
	v12 =	vld.idx.msk [tilespmem:v51+s3+$0x0], $0xffff;
	v3 =	vadd.f32 v4, v3;
	v4 =	vmul.f32 v5, v7  }
0x68: {  	v5 =	vld.idx.msk [tilespmem:v52+s15+$0x0], $0xffff;
	v7 =	vor.u32 $0x13, v2  }
0x69: {  	v58 =	vadd.s32 $0x13, v1;
	v13 =	vld.idx.msk [tilespmem:v53+s3+$0x0], $0xffff;
	v3 =	vadd.f32 v4, v3;
	v4 =	vmul.f32 v6, v8  }
0x6a: {  	v59 =	vor.u32 $0x14, v2;
	v6 =	vld.idx.msk [tilespmem:v54+s15+$0x0], $0xffff  }
0x6b: {  	v60 =	vadd.s32 $0x14, v1;
	v61 =	vld.idx.msk [tilespmem:v57+s15+$0x0], $0xffff;
	v3 =	vadd.f32 v4, v3;
	v4 =	vmul.f32 v55, v10  }
0x6c: {  	v63 =	vadd.s32 $0x15, v1;
	v11 =	vld.idx.msk [tilespmem:v56+s3+$0x0], $0xffff  }
0x6d: {  	v62 =	vor.u32 $0x15, v2;
	v7 =	vld.idx.msk [tilespmem:v7+s3+$0x0], $0xffff;
	v3 =	vadd.f32 v4, v3;
	v4 =	vmul.f32 v5, v12  }
0x6e: {  	v19 =	vor.u32 $0x16, v2;
	v5 =	vld.idx.msk [tilespmem:v58+s15+$0x0], $0xffff  }
0x6f: {  	v20 =	vadd.s32 $0x16, v1;
	v8 =	vld.idx.msk [tilespmem:v59+s3+$0x0], $0xffff;
	v3 =	vadd.f32 v4, v3;
	v4 =	vmul.f32 v6, v13  }
0x70: {  	v21 =	vor.u32 $0x17, v2;
	v6 =	vld.idx.msk [tilespmem:v60+s15+$0x0], $0xffff  }
0x71: {  	v22 =	vadd.s32 $0x17, v1;
	v23 =	vld.idx.msk [tilespmem:v63+s15+$0x0], $0xffff;
	v3 =	vadd.f32 v4, v3;
	v4 =	vmul.f32 v61, v11  }
0x72: {  	v25 =	vadd.s32 $0x18, v1;
	v10 =	vld.idx.msk [tilespmem:v62+s3+$0x0], $0xffff  }
0x73: {  	v24 =	vor.u32 $0x18, v2;
	v12 =	vld.idx.msk [tilespmem:v19+s3+$0x0], $0xffff;
	v3 =	vadd.f32 v4, v3;
	v4 =	vmul.f32 v5, v7  }
0x74: {  	v5 =	vld.idx.msk [tilespmem:v20+s15+$0x0], $0xffff;
	v7 =	vor.u32 $0x19, v2  }
0x75: {  	v26 =	vadd.s32 $0x19, v1;
	v13 =	vld.idx.msk [tilespmem:v21+s3+$0x0], $0xffff;
	v3 =	vadd.f32 v4, v3;
	v4 =	vmul.f32 v6, v8  }
0x76: {  	v27 =	vor.u32 $0x1A, v2;
	v6 =	vld.idx.msk [tilespmem:v22+s15+$0x0], $0xffff  }
0x77: {  	v28 =	vadd.s32 $0x1A, v1;
	v29 =	vld.idx.msk [tilespmem:v25+s15+$0x0], $0xffff;
	v3 =	vadd.f32 v4, v3;
	v4 =	vmul.f32 v23, v10  }
0x78: {  	v31 =	vadd.s32 $0x1B, v1;
	v11 =	vld.idx.msk [tilespmem:v24+s3+$0x0], $0xffff  }
0x79: {  	v30 =	vor.u32 $0x1B, v2;
	v7 =	vld.idx.msk [tilespmem:v7+s3+$0x0], $0xffff;
	v3 =	vadd.f32 v4, v3;
	v4 =	vmul.f32 v5, v12  }
0x7a: {  	v32 =	vor.u32 $0x1C, v2;
	v5 =	vld.idx.msk [tilespmem:v26+s15+$0x0], $0xffff  }
0x7b: {  	v33 =	vadd.s32 $0x1C, v1;
	v8 =	vld.idx.msk [tilespmem:v27+s3+$0x0], $0xffff;
	v3 =	vadd.f32 v4, v3;
	v4 =	vmul.f32 v6, v13  }
0x7c: {  	v34 =	vor.u32 $0x1D, v2;
	v6 =	vld.idx.msk [tilespmem:v28+s15+$0x0], $0xffff  }
0x7d: {  	v35 =	vadd.s32 $0x1D, v1;
	v36 =	vld.idx.msk [tilespmem:v31+s15+$0x0], $0xffff;
	v3 =	vadd.f32 v4, v3;
	v4 =	vmul.f32 v29, v11  }
0x7e: {  	v38 =	vadd.s32 $0x1E, v1;
	v10 =	vld.idx.msk [tilespmem:v30+s3+$0x0], $0xffff  }
0x7f: {  	v37 =	vor.u32 $0x1E, v2;
	v12 =	vld.idx.msk [tilespmem:v32+s3+$0x0], $0xffff;
	v3 =	vadd.f32 v4, v3;
	v4 =	vmul.f32 v5, v7  }
0x80: {  	v2 =	vor.u32 $0x1F, v2;
	v5 =	vld.idx.msk [tilespmem:v33+s15+$0x0], $0xffff  }
0x81: {  	v1 =	vadd.s32 $0x1F, v1;
	v7 =	vld.idx.msk [tilespmem:v34+s3+$0x0], $0xffff;
	v3 =	vadd.f32 v4, v3;
	v4 =	vmul.f32 v6, v8  }
0x82: {  	v6 =	vld.idx.msk [tilespmem:v35+s15+$0x0], $0xffff  }
0x83: {  	v40 =	vld.idx.msk [tilespmem:v38+s15+$0x0], $0xffff;
	v3 =	vadd.f32 v4, v3;
	v4 =	vmul.f32 v36, v10  }
0x84: {  	v39 =	vld.idx.msk [tilespmem:v37+s3+$0x0], $0xffff  }
0x85: {  	v2 =	vld.idx.msk [tilespmem:v2+s3+$0x0], $0xffff;
	v3 =	vadd.f32 v4, v3;
	v4 =	vmul.f32 v5, v12  }
0x86: {  	v5 =	vld.idx.msk [tilespmem:v1+s15+$0x0], $0xffff  }
0x87: {  	s23 =	simm.s32 $0x10;
	v3 =	vadd.f32 v4, v3;
	v4 =	vmul.f32 v6, v7  }
0x88: {  	v6 =	vor.u32 s23, v0  }
0x89: {  	v1 =	vmul.u32 $0x28, v6;
	v3 =	vadd.f32 v4, v3;
	v4 =	vmul.f32 v40, v39;
	_ =	sdelay $0x1  }
0x8a: {  	v7 =	vadd.s32 $0x20, v1;
	v3 =	vadd.f32 v4, v3;
	v4 =	vmul.f32 v5, v2  }
0x8b: {  	v2 =	vshll.u32 v6, $0x5  }
0x8c: {  	v3 =	vadd.f32 v4, v3  }
0x8d: {  	s21 =	simm.s32 $0x12C00;
	v5 =	vor.u32 $0x1, v1  }
0x8e: {  	v4 =	vor.u32 $0x1, v2;
	[tilespmem:s21+$0x0] =	vst v3  }
0x8f: {  	v41 =	vor.u32 $0x2, v1;
	v3 =	vld.idx.msk [tilespmem:v7+s15+$0x0], $0xffff  }
0x90: {  	v6 =	vor.u32 $0x2, v2;
	v7 =	vld.idx.msk [tilespmem:v2+s3+$0x0], $0xffff  }
0x91: {  	v44 =	vor.u32 $0x3, v1;
	v42 =	vld.idx.msk [tilespmem:v1+s15+$0x0], $0xffff  }
0x92: {  	v43 =	vor.u32 $0x3, v2;
	v5 =	vld.idx.msk [tilespmem:v5+s15+$0x0], $0xffff  }
0x93: {  	v45 =	vor.u32 $0x4, v2;
	v4 =	vld.idx.msk [tilespmem:v4+s3+$0x0], $0xffff  }
0x94: {  	v46 =	vor.u32 $0x4, v1;
	v8 =	vld.idx.msk [tilespmem:v41+s15+$0x0], $0xffff  }
0x95: {  	v47 =	vor.u32 $0x5, v2;
	v6 =	vld.idx.msk [tilespmem:v6+s3+$0x0], $0xffff  }
0x96: {  	v48 =	vor.u32 $0x5, v1;
	v49 =	vld.idx.msk [tilespmem:v44+s15+$0x0], $0xffff;
	v7 =	vmul.f32 v42, v7  }
0x97: {  	v51 =	vor.u32 $0x6, v1;
	v10 =	vld.idx.msk [tilespmem:v43+s3+$0x0], $0xffff  }
0x98: {  	v50 =	vor.u32 $0x6, v2;
	v12 =	vld.idx.msk [tilespmem:v45+s3+$0x0], $0xffff;
	v3 =	vadd.f32 v7, v3;
	v4 =	vmul.f32 v5, v4  }
0x99: {  	v5 =	vld.idx.msk [tilespmem:v46+s15+$0x0], $0xffff;
	v7 =	vor.u32 $0x7, v2  }
0x9a: {  	v53 =	vor.u32 $0x7, v1;
	v52 =	vld.idx.msk [tilespmem:v47+s3+$0x0], $0xffff;
	v3 =	vadd.f32 v4, v3;
	v4 =	vmul.f32 v8, v6  }
0x9b: {  	v54 =	vor.u32 $0x8, v2;
	v6 =	vld.idx.msk [tilespmem:v48+s15+$0x0], $0xffff  }
0x9c: {  	v55 =	vadd.s32 $0x8, v1;
	v56 =	vld.idx.msk [tilespmem:v51+s15+$0x0], $0xffff;
	v3 =	vadd.f32 v4, v3;
	v4 =	vmul.f32 v49, v10  }
0x9d: {  	v58 =	vadd.s32 $0x9, v1;
	v11 =	vld.idx.msk [tilespmem:v50+s3+$0x0], $0xffff  }
0x9e: {  	v57 =	vor.u32 $0x9, v2;
	v7 =	vld.idx.msk [tilespmem:v7+s3+$0x0], $0xffff;
	v3 =	vadd.f32 v4, v3;
	v4 =	vmul.f32 v5, v12  }
0x9f: {  	v59 =	vor.u32 $0xA, v2;
	v5 =	vld.idx.msk [tilespmem:v53+s15+$0x0], $0xffff  }
0xa0: {  	v60 =	vadd.s32 $0xA, v1;
	v8 =	vld.idx.msk [tilespmem:v54+s3+$0x0], $0xffff;
	v3 =	vadd.f32 v4, v3;
	v4 =	vmul.f32 v6, v52  }
0xa1: {  	v61 =	vor.u32 $0xB, v2;
	v6 =	vld.idx.msk [tilespmem:v55+s15+$0x0], $0xffff  }
0xa2: {  	v62 =	vadd.s32 $0xB, v1;
	v63 =	vld.idx.msk [tilespmem:v58+s15+$0x0], $0xffff;
	v3 =	vadd.f32 v4, v3;
	v4 =	vmul.f32 v56, v11  }
0xa3: {  	v21 =	vadd.s32 $0xC, v1;
	v10 =	vld.idx.msk [tilespmem:v57+s3+$0x0], $0xffff  }
0xa4: {  	v20 =	vor.u32 $0xC, v2;
	v12 =	vld.idx.msk [tilespmem:v59+s3+$0x0], $0xffff;
	v3 =	vadd.f32 v4, v3;
	v4 =	vmul.f32 v5, v7  }
0xa5: {  	v5 =	vld.idx.msk [tilespmem:v60+s15+$0x0], $0xffff;
	v7 =	vor.u32 $0xD, v2  }
0xa6: {  	v22 =	vadd.s32 $0xD, v1;
	v13 =	vld.idx.msk [tilespmem:v61+s3+$0x0], $0xffff;
	v3 =	vadd.f32 v4, v3;
	v4 =	vmul.f32 v6, v8  }
0xa7: {  	v23 =	vor.u32 $0xE, v2;
	v6 =	vld.idx.msk [tilespmem:v62+s15+$0x0], $0xffff  }
0xa8: {  	v24 =	vadd.s32 $0xE, v1;
	v25 =	vld.idx.msk [tilespmem:v21+s15+$0x0], $0xffff;
	v3 =	vadd.f32 v4, v3;
	v4 =	vmul.f32 v63, v10  }
0xa9: {  	v27 =	vadd.s32 $0xF, v1;
	v11 =	vld.idx.msk [tilespmem:v20+s3+$0x0], $0xffff  }
0xaa: {  	v26 =	vor.u32 $0xF, v2;
	v7 =	vld.idx.msk [tilespmem:v7+s3+$0x0], $0xffff;
	v3 =	vadd.f32 v4, v3;
	v4 =	vmul.f32 v5, v12  }
0xab: {  	v28 =	vor.u32 $0x10, v2;
	v5 =	vld.idx.msk [tilespmem:v22+s15+$0x0], $0xffff  }
0xac: {  	v29 =	vadd.s32 $0x10, v1;
	v8 =	vld.idx.msk [tilespmem:v23+s3+$0x0], $0xffff;
	v3 =	vadd.f32 v4, v3;
	v4 =	vmul.f32 v6, v13  }
0xad: {  	v30 =	vor.u32 $0x11, v2;
	v6 =	vld.idx.msk [tilespmem:v24+s15+$0x0], $0xffff  }
0xae: {  	v31 =	vadd.s32 $0x11, v1;
	v32 =	vld.idx.msk [tilespmem:v27+s15+$0x0], $0xffff;
	v3 =	vadd.f32 v4, v3;
	v4 =	vmul.f32 v25, v11  }
0xaf: {  	v34 =	vadd.s32 $0x12, v1;
	v10 =	vld.idx.msk [tilespmem:v26+s3+$0x0], $0xffff  }
0xb0: {  	v33 =	vor.u32 $0x12, v2;
	v12 =	vld.idx.msk [tilespmem:v28+s3+$0x0], $0xffff;
	v3 =	vadd.f32 v4, v3;
	v4 =	vmul.f32 v5, v7  }
0xb1: {  	v5 =	vld.idx.msk [tilespmem:v29+s15+$0x0], $0xffff;
	v7 =	vor.u32 $0x13, v2  }
0xb2: {  	v35 =	vadd.s32 $0x13, v1;
	v13 =	vld.idx.msk [tilespmem:v30+s3+$0x0], $0xffff;
	v3 =	vadd.f32 v4, v3;
	v4 =	vmul.f32 v6, v8  }
0xb3: {  	v36 =	vor.u32 $0x14, v2;
	v6 =	vld.idx.msk [tilespmem:v31+s15+$0x0], $0xffff  }
0xb4: {  	v37 =	vadd.s32 $0x14, v1;
	v38 =	vld.idx.msk [tilespmem:v34+s15+$0x0], $0xffff;
	v3 =	vadd.f32 v4, v3;
	v4 =	vmul.f32 v32, v10  }
0xb5: {  	v40 =	vadd.s32 $0x15, v1;
	v11 =	vld.idx.msk [tilespmem:v33+s3+$0x0], $0xffff  }
0xb6: {  	v39 =	vor.u32 $0x15, v2;
	v7 =	vld.idx.msk [tilespmem:v7+s3+$0x0], $0xffff;
	v3 =	vadd.f32 v4, v3;
	v4 =	vmul.f32 v5, v12  }
0xb7: {  	v41 =	vor.u32 $0x16, v2;
	v5 =	vld.idx.msk [tilespmem:v35+s15+$0x0], $0xffff  }
0xb8: {  	v42 =	vadd.s32 $0x16, v1;
	v8 =	vld.idx.msk [tilespmem:v36+s3+$0x0], $0xffff;
	v3 =	vadd.f32 v4, v3;
	v4 =	vmul.f32 v6, v13  }
0xb9: {  	v43 =	vor.u32 $0x17, v2;
	v6 =	vld.idx.msk [tilespmem:v37+s15+$0x0], $0xffff  }
0xba: {  	v44 =	vadd.s32 $0x17, v1;
	v45 =	vld.idx.msk [tilespmem:v40+s15+$0x0], $0xffff;
	v3 =	vadd.f32 v4, v3;
	v4 =	vmul.f32 v38, v11  }
0xbb: {  	v47 =	vadd.s32 $0x18, v1;
	v10 =	vld.idx.msk [tilespmem:v39+s3+$0x0], $0xffff  }
0xbc: {  	v46 =	vor.u32 $0x18, v2;
	v12 =	vld.idx.msk [tilespmem:v41+s3+$0x0], $0xffff;
	v3 =	vadd.f32 v4, v3;
	v4 =	vmul.f32 v5, v7  }
0xbd: {  	v5 =	vld.idx.msk [tilespmem:v42+s15+$0x0], $0xffff;
	v7 =	vor.u32 $0x19, v2  }
0xbe: {  	v48 =	vadd.s32 $0x19, v1;
	v13 =	vld.idx.msk [tilespmem:v43+s3+$0x0], $0xffff;
	v3 =	vadd.f32 v4, v3;
	v4 =	vmul.f32 v6, v8  }
0xbf: {  	v49 =	vor.u32 $0x1A, v2;
	v6 =	vld.idx.msk [tilespmem:v44+s15+$0x0], $0xffff  }
0xc0: {  	v50 =	vadd.s32 $0x1A, v1;
	v51 =	vld.idx.msk [tilespmem:v47+s15+$0x0], $0xffff;
	v3 =	vadd.f32 v4, v3;
	v4 =	vmul.f32 v45, v10  }
0xc1: {  	v53 =	vadd.s32 $0x1B, v1;
	v11 =	vld.idx.msk [tilespmem:v46+s3+$0x0], $0xffff  }
0xc2: {  	v52 =	vor.u32 $0x1B, v2;
	v7 =	vld.idx.msk [tilespmem:v7+s3+$0x0], $0xffff;
	v3 =	vadd.f32 v4, v3;
	v4 =	vmul.f32 v5, v12  }
0xc3: {  	v54 =	vor.u32 $0x1C, v2;
	v5 =	vld.idx.msk [tilespmem:v48+s15+$0x0], $0xffff  }
0xc4: {  	v55 =	vadd.s32 $0x1C, v1;
	v8 =	vld.idx.msk [tilespmem:v49+s3+$0x0], $0xffff;
	v3 =	vadd.f32 v4, v3;
	v4 =	vmul.f32 v6, v13  }
0xc5: {  	v56 =	vor.u32 $0x1D, v2;
	v6 =	vld.idx.msk [tilespmem:v50+s15+$0x0], $0xffff  }
0xc6: {  	v57 =	vadd.s32 $0x1D, v1;
	v58 =	vld.idx.msk [tilespmem:v53+s15+$0x0], $0xffff;
	v3 =	vadd.f32 v4, v3;
	v4 =	vmul.f32 v51, v11  }
0xc7: {  	v59 =	vor.u32 $0x1E, v2;
	v10 =	vld.idx.msk [tilespmem:v52+s3+$0x0], $0xffff  }
0xc8: {  	v60 =	vadd.s32 $0x1E, v1;
	v12 =	vld.idx.msk [tilespmem:v54+s3+$0x0], $0xffff;
	v3 =	vadd.f32 v4, v3;
	v4 =	vmul.f32 v5, v7  }
0xc9: {  	v2 =	vor.u32 $0x1F, v2;
	v5 =	vld.idx.msk [tilespmem:v55+s15+$0x0], $0xffff  }
0xca: {  	v1 =	vadd.s32 $0x1F, v1;
	v7 =	vld.idx.msk [tilespmem:v56+s3+$0x0], $0xffff;
	v3 =	vadd.f32 v4, v3;
	v4 =	vmul.f32 v6, v8  }
0xcb: {  	v6 =	vld.idx.msk [tilespmem:v57+s15+$0x0], $0xffff  }
0xcc: {  	v61 =	vld.idx.msk [tilespmem:v59+s3+$0x0], $0xffff;
	v3 =	vadd.f32 v4, v3;
	v4 =	vmul.f32 v58, v10  }
0xcd: {  	v62 =	vld.idx.msk [tilespmem:v60+s15+$0x0], $0xffff  }
0xce: {  	v63 =	vld.idx.msk [tilespmem:v2+s3+$0x0], $0xffff;
	v2 =	vadd.f32 v4, v3;
	v3 =	vmul.f32 v5, v12  }
0xcf: {  	v5 =	vld.idx.msk [tilespmem:v1+s15+$0x0], $0xffff  }
0xd0: {  	s24 =	simm.s32 $0x20;
	v4 =	vmul.f32 v6, v7;
	v3 =	vadd.f32 v3, v2  }
0xd1: {  	v2 =	vor.u32 s24, v0  }
0xd2: {  	v6 =	vmul.f32 v62, v61;
	v1 =	vmul.u32 $0x28, v2;
	v4 =	vadd.f32 v4, v3;
	_ =	sdelay $0x1  }
0xd3: {  	s22 =	simm.s32 $0x30;
	v3 =	vadd.s32 $0x20, v1;
	v5 =	vmul.f32 v5, v63;
	v4 =	vadd.f32 v6, v4  }
.LBB2_3:
0xd4: {  	p1 =	sne.s32 s22, $0x1F0;
	v2 =	vshll.u32 v2, $0x5  }
0xd5: {  	v4 =	vadd.f32 v5, v4  }
0xd6: {  	s21 =	sadd.s32 $0x10, s21;
	v5 =	vor.u32 $0x1, v2  }
0xd7: {  	v6 =	vor.u32 $0x1, v1;
	[tilespmem:s21+$0x0] =	vst v4  }
0xd8: {  	v4 =	vor.u32 $0x2, v2;
	v3 =	vld.idx.msk [tilespmem:v3+s15+$0x0], $0xffff  }
0xd9: {  	v8 =	vor.u32 $0x2, v1;
	v7 =	vld.idx.msk [tilespmem:v2+s3+$0x0], $0xffff  }
0xda: {  	v10 =	vor.u32 $0x3, v2;
	v9 =	vld.idx.msk [tilespmem:v1+s15+$0x0], $0xffff  }
0xdb: {  	v11 =	vor.u32 $0x3, v1;
	v5 =	vld.idx.msk [tilespmem:v5+s3+$0x0], $0xffff  }
0xdc: {  	v12 =	vor.u32 $0x4, v2;
	v6 =	vld.idx.msk [tilespmem:v6+s15+$0x0], $0xffff  }
0xdd: {  	v13 =	vor.u32 $0x4, v1;
	v4 =	vld.idx.msk [tilespmem:v4+s3+$0x0], $0xffff  }
0xde: {  	v14 =	vor.u32 $0x5, v2;
	v8 =	vld.idx.msk [tilespmem:v8+s15+$0x0], $0xffff  }
0xdf: {  	v15 =	vor.u32 $0x5, v1;
	v10 =	vld.idx.msk [tilespmem:v10+s3+$0x0], $0xffff  }
0xe0: {  	v7 =	vmul.f32 v9, v7;
	v9 =	vld.idx.msk [tilespmem:v11+s15+$0x0], $0xffff;
	v11 =	vor.u32 $0x6, v2  }
0xe1: {  	v16 =	vor.u32 $0x6, v1;
	v12 =	vld.idx.msk [tilespmem:v12+s3+$0x0], $0xffff  }
0xe2: {  	v3 =	vadd.f32 v7, v3;
	v5 =	vmul.f32 v6, v5;
	v7 =	vor.u32 $0x7, v2;
	v6 =	vld.idx.msk [tilespmem:v13+s15+$0x0], $0xffff  }
0xe3: {  	v13 =	vld.idx.msk [tilespmem:v14+s3+$0x0], $0xffff;
	v14 =	vor.u32 $0x7, v1  }
0xe4: {  	v3 =	vadd.f32 v5, v3;
	v4 =	vmul.f32 v8, v4;
	v8 =	vor.u32 $0x8, v2;
	v5 =	vld.idx.msk [tilespmem:v15+s15+$0x0], $0xffff  }
0xe5: {  	v15 =	vadd.s32 $0x8, v1;
	v11 =	vld.idx.msk [tilespmem:v11+s3+$0x0], $0xffff  }
0xe6: {  	v3 =	vadd.f32 v4, v3;
	v4 =	vmul.f32 v9, v10;
	v10 =	vor.u32 $0x9, v2;
	v9 =	vld.idx.msk [tilespmem:v16+s15+$0x0], $0xffff  }
0xe7: {  	v16 =	vadd.s32 $0x9, v1;
	v7 =	vld.idx.msk [tilespmem:v7+s3+$0x0], $0xffff  }
0xe8: {  	v3 =	vadd.f32 v4, v3;
	v4 =	vmul.f32 v6, v12;
	v12 =	vor.u32 $0xA, v2;
	v6 =	vld.idx.msk [tilespmem:v14+s15+$0x0], $0xffff  }
0xe9: {  	v14 =	vadd.s32 $0xA, v1;
	v8 =	vld.idx.msk [tilespmem:v8+s3+$0x0], $0xffff  }
0xea: {  	v3 =	vadd.f32 v4, v3;
	v4 =	vmul.f32 v5, v13;
	v13 =	vor.u32 $0xB, v2;
	v5 =	vld.idx.msk [tilespmem:v15+s15+$0x0], $0xffff  }
0xeb: {  	v15 =	vadd.s32 $0xB, v1;
	v10 =	vld.idx.msk [tilespmem:v10+s3+$0x0], $0xffff  }
0xec: {  	v3 =	vadd.f32 v4, v3;
	v4 =	vmul.f32 v9, v11;
	v11 =	vor.u32 $0xC, v2;
	v9 =	vld.idx.msk [tilespmem:v16+s15+$0x0], $0xffff  }
0xed: {  	v16 =	vadd.s32 $0xC, v1;
	v12 =	vld.idx.msk [tilespmem:v12+s3+$0x0], $0xffff  }
0xee: {  	v3 =	vadd.f32 v4, v3;
	v4 =	vmul.f32 v6, v7;
	v7 =	vor.u32 $0xD, v2;
	v6 =	vld.idx.msk [tilespmem:v14+s15+$0x0], $0xffff  }
0xef: {  	v14 =	vadd.s32 $0xD, v1;
	v13 =	vld.idx.msk [tilespmem:v13+s3+$0x0], $0xffff  }
0xf0: {  	v3 =	vadd.f32 v4, v3;
	v4 =	vmul.f32 v5, v8;
	v8 =	vor.u32 $0xE, v2;
	v5 =	vld.idx.msk [tilespmem:v15+s15+$0x0], $0xffff  }
0xf1: {  	v15 =	vadd.s32 $0xE, v1;
	v11 =	vld.idx.msk [tilespmem:v11+s3+$0x0], $0xffff  }
0xf2: {  	v3 =	vadd.f32 v4, v3;
	v4 =	vmul.f32 v9, v10;
	v10 =	vor.u32 $0xF, v2;
	v9 =	vld.idx.msk [tilespmem:v16+s15+$0x0], $0xffff  }
0xf3: {  	v16 =	vadd.s32 $0xF, v1;
	v7 =	vld.idx.msk [tilespmem:v7+s3+$0x0], $0xffff  }
0xf4: {  	v3 =	vadd.f32 v4, v3;
	v4 =	vmul.f32 v6, v12;
	v12 =	vor.u32 $0x10, v2;
	v6 =	vld.idx.msk [tilespmem:v14+s15+$0x0], $0xffff  }
0xf5: {  	v14 =	vadd.s32 $0x10, v1;
	v8 =	vld.idx.msk [tilespmem:v8+s3+$0x0], $0xffff  }
0xf6: {  	v3 =	vadd.f32 v4, v3;
	v4 =	vmul.f32 v5, v13;
	v13 =	vor.u32 $0x11, v2;
	v5 =	vld.idx.msk [tilespmem:v15+s15+$0x0], $0xffff  }
0xf7: {  	v15 =	vadd.s32 $0x11, v1;
	v10 =	vld.idx.msk [tilespmem:v10+s3+$0x0], $0xffff  }
0xf8: {  	v3 =	vadd.f32 v4, v3;
	v4 =	vmul.f32 v9, v11;
	v11 =	vor.u32 $0x12, v2;
	v9 =	vld.idx.msk [tilespmem:v16+s15+$0x0], $0xffff  }
0xf9: {  	v16 =	vadd.s32 $0x12, v1;
	v12 =	vld.idx.msk [tilespmem:v12+s3+$0x0], $0xffff  }
0xfa: {  	v3 =	vadd.f32 v4, v3;
	v4 =	vmul.f32 v6, v7;
	v7 =	vor.u32 $0x13, v2;
	v6 =	vld.idx.msk [tilespmem:v14+s15+$0x0], $0xffff  }
0xfb: {  	v14 =	vadd.s32 $0x13, v1;
	v13 =	vld.idx.msk [tilespmem:v13+s3+$0x0], $0xffff  }
0xfc: {  	v3 =	vadd.f32 v4, v3;
	v4 =	vmul.f32 v5, v8;
	v8 =	vor.u32 $0x14, v2;
	v5 =	vld.idx.msk [tilespmem:v15+s15+$0x0], $0xffff  }
0xfd: {  	v15 =	vadd.s32 $0x14, v1;
	v11 =	vld.idx.msk [tilespmem:v11+s3+$0x0], $0xffff  }
0xfe: {  	v3 =	vadd.f32 v4, v3;
	v4 =	vmul.f32 v9, v10;
	v10 =	vor.u32 $0x15, v2;
	v9 =	vld.idx.msk [tilespmem:v16+s15+$0x0], $0xffff  }
0xff: {  	v16 =	vadd.s32 $0x15, v1;
	v7 =	vld.idx.msk [tilespmem:v7+s3+$0x0], $0xffff  }
0x100: {  	v3 =	vadd.f32 v4, v3;
	v4 =	vmul.f32 v6, v12;
	v12 =	vor.u32 $0x16, v2;
	v6 =	vld.idx.msk [tilespmem:v14+s15+$0x0], $0xffff  }
0x101: {  	v14 =	vadd.s32 $0x16, v1;
	v8 =	vld.idx.msk [tilespmem:v8+s3+$0x0], $0xffff  }
0x102: {  	v3 =	vadd.f32 v4, v3;
	v4 =	vmul.f32 v5, v13;
	v13 =	vor.u32 $0x17, v2;
	v5 =	vld.idx.msk [tilespmem:v15+s15+$0x0], $0xffff  }
0x103: {  	v15 =	vadd.s32 $0x17, v1;
	v10 =	vld.idx.msk [tilespmem:v10+s3+$0x0], $0xffff  }
0x104: {  	v3 =	vadd.f32 v4, v3;
	v4 =	vmul.f32 v9, v11;
	v11 =	vor.u32 $0x18, v2;
	v9 =	vld.idx.msk [tilespmem:v16+s15+$0x0], $0xffff  }
0x105: {  	v16 =	vadd.s32 $0x18, v1;
	v12 =	vld.idx.msk [tilespmem:v12+s3+$0x0], $0xffff  }
0x106: {  	v3 =	vadd.f32 v4, v3;
	v4 =	vmul.f32 v6, v7;
	v7 =	vor.u32 $0x19, v2;
	v6 =	vld.idx.msk [tilespmem:v14+s15+$0x0], $0xffff  }
0x107: {  	v14 =	vadd.s32 $0x19, v1;
	v13 =	vld.idx.msk [tilespmem:v13+s3+$0x0], $0xffff  }
0x108: {  	v3 =	vadd.f32 v4, v3;
	v4 =	vmul.f32 v5, v8;
	v8 =	vor.u32 $0x1A, v2;
	v5 =	vld.idx.msk [tilespmem:v15+s15+$0x0], $0xffff  }
0x109: {  	v15 =	vadd.s32 $0x1A, v1;
	v11 =	vld.idx.msk [tilespmem:v11+s3+$0x0], $0xffff  }
0x10a: {  	v3 =	vadd.f32 v4, v3;
	v4 =	vmul.f32 v9, v10;
	v10 =	vor.u32 $0x1B, v2;
	v9 =	vld.idx.msk [tilespmem:v16+s15+$0x0], $0xffff  }
0x10b: {  	v16 =	vadd.s32 $0x1B, v1;
	v7 =	vld.idx.msk [tilespmem:v7+s3+$0x0], $0xffff  }
0x10c: {  	v3 =	vadd.f32 v4, v3;
	v4 =	vmul.f32 v6, v12;
	v12 =	vor.u32 $0x1C, v2;
	v6 =	vld.idx.msk [tilespmem:v14+s15+$0x0], $0xffff  }
0x10d: {  	v14 =	vadd.s32 $0x1C, v1;
	v8 =	vld.idx.msk [tilespmem:v8+s3+$0x0], $0xffff  }
0x10e: {  	v3 =	vadd.f32 v4, v3;
	v4 =	vmul.f32 v5, v13;
	v13 =	vor.u32 $0x1D, v2;
	v5 =	vld.idx.msk [tilespmem:v15+s15+$0x0], $0xffff  }
0x10f: {  	v15 =	vadd.s32 $0x1D, v1;
	v10 =	vld.idx.msk [tilespmem:v10+s3+$0x0], $0xffff  }
0x110: {  	v3 =	vadd.f32 v4, v3;
	v4 =	vmul.f32 v9, v11;
	v11 =	vor.u32 $0x1E, v2;
	v9 =	vld.idx.msk [tilespmem:v16+s15+$0x0], $0xffff  }
0x111: {  	v16 =	vadd.s32 $0x1E, v1;
	v12 =	vld.idx.msk [tilespmem:v12+s3+$0x0], $0xffff  }
0x112: {  	v2 =	vor.u32 $0x1F, v2;
	v3 =	vadd.f32 v4, v3;
	v4 =	vmul.f32 v6, v7;
	v6 =	vld.idx.msk [tilespmem:v14+s15+$0x0], $0xffff  }
0x113: {  	v1 =	vadd.s32 $0x1F, v1;
	v7 =	vld.idx.msk [tilespmem:v13+s3+$0x0], $0xffff  }
0x114: {  	v3 =	vadd.f32 v4, v3;
	v4 =	vmul.f32 v5, v8;
	v5 =	vld.idx.msk [tilespmem:v15+s15+$0x0], $0xffff  }
0x115: {  	v8 =	vld.idx.msk [tilespmem:v11+s3+$0x0], $0xffff  }
0x116: {  	v3 =	vadd.f32 v4, v3;
	v4 =	vmul.f32 v9, v10;
	v9 =	vld.idx.msk [tilespmem:v16+s15+$0x0], $0xffff  }
0x117: {  	v10 =	vld.idx.msk [tilespmem:v2+s3+$0x0], $0xffff  }
0x118: {  	v2 =	vadd.f32 v4, v3;
	v3 =	vmul.f32 v6, v12;
	v6 =	vld.idx.msk [tilespmem:v1+s15+$0x0], $0xffff;
	_ =	sdelay $0x1  }
.Ltmp4:
0x119: {  	v3 =	vadd.f32 v3, v2;
	v4 =	vmul.f32 v5, v7;
	(pc) =	sbr.rel @p1 .LBB2_3-.Ltmp4, $3  }
0x11a: {  	v2 =	vor.u32 s22, v0  }
0x11b: {  	v1 =	vmul.u32 $0x28, v2;
	v4 =	vadd.f32 v4, v3;
	v5 =	vmul.f32 v9, v8;
	_ =	sdelay $0x1  }
0x11c: {  	s22 =	sadd.s32 $0x10, s22;
	v3 =	vadd.s32 $0x20, v1;
	v4 =	vadd.f32 v5, v4;
	v5 =	vmul.f32 v6, v10  }
0x11d: {  	_ = 	snop  }
0x11e: {  	v2 =	vshll.u32 v2, $0x5;
	v4 =	vadd.f32 v5, v4  }
0x11f: {  	s21 =	sadd.s32 $0x10, s21;
	v6 =	vor.u32 $0x1, v1  }
0x120: {  	v43 =	vor.u32 $0x1, v2;
	[tilespmem:s21+$0x0] =	vst v4  }
0x121: {  	v8 =	vor.u32 $0x2, v1;
	v3 =	vld.idx.msk [tilespmem:v3+s15+$0x0], $0xffff  }
0x122: {  	v44 =	vor.u32 $0x2, v2;
	v9 =	vld.idx.msk [tilespmem:v1+s15+$0x0], $0xffff  }
0x123: {  	v11 =	vor.u32 $0x3, v1;
	v7 =	vld.idx.msk [tilespmem:v2+s3+$0x0], $0xffff  }
0x124: {  	v10 =	vor.u32 $0x3, v2;
	v6 =	vld.idx.msk [tilespmem:v6+s15+$0x0], $0xffff  }
0x125: {  	v13 =	vor.u32 $0x4, v1;
	v5 =	vld.idx.msk [tilespmem:v43+s3+$0x0], $0xffff  }
0x126: {  	v12 =	vor.u32 $0x4, v2;
	v8 =	vld.idx.msk [tilespmem:v8+s15+$0x0], $0xffff  }
0x127: {  	v15 =	vor.u32 $0x5, v1;
	v4 =	vld.idx.msk [tilespmem:v44+s3+$0x0], $0xffff  }
0x128: {  	v14 =	vor.u32 $0x5, v2;
	v45 =	vld.idx.msk [tilespmem:v11+s15+$0x0], $0xffff;
	v7 =	vmul.f32 v9, v7  }
0x129: {  	v16 =	vor.u32 $0x6, v1;
	v10 =	vld.idx.msk [tilespmem:v10+s3+$0x0], $0xffff  }
0x12a: {  	v46 =	vor.u32 $0x6, v2;
	v47 =	vld.idx.msk [tilespmem:v13+s15+$0x0], $0xffff;
	v5 =	vmul.f32 v6, v5;
	v3 =	vadd.f32 v7, v3  }
0x12b: {  	v50 =	vor.u32 $0x7, v1;
	v12 =	vld.idx.msk [tilespmem:v12+s3+$0x0], $0xffff  }
0x12c: {  	v48 =	vor.u32 $0x7, v2;
	v51 =	vld.idx.msk [tilespmem:v15+s15+$0x0], $0xffff;
	v4 =	vmul.f32 v8, v4;
	v3 =	vadd.f32 v5, v3  }
0x12d: {  	v53 =	vadd.s32 $0x8, v1;
	v49 =	vld.idx.msk [tilespmem:v14+s3+$0x0], $0xffff  }
0x12e: {  	v52 =	vor.u32 $0x8, v2;
	v55 =	vld.idx.msk [tilespmem:v16+s15+$0x0], $0xffff;
	v54 =	vmul.f32 v45, v10;
	v3 =	vadd.f32 v4, v3  }
0x12f: {  	v57 =	vadd.s32 $0x9, v1;
	v11 =	vld.idx.msk [tilespmem:v46+s3+$0x0], $0xffff  }
0x130: {  	v56 =	vor.u32 $0x9, v2;
	v59 =	vld.idx.msk [tilespmem:v50+s15+$0x0], $0xffff;
	v58 =	vmul.f32 v47, v12;
	v3 =	vadd.f32 v54, v3  }
0x131: {  	v61 =	vadd.s32 $0xA, v1;
	v7 =	vld.idx.msk [tilespmem:v48+s3+$0x0], $0xffff  }
0x132: {  	v60 =	vor.u32 $0xA, v2;
	v63 =	vld.idx.msk [tilespmem:v53+s15+$0x0], $0xffff;
	v62 =	vmul.f32 v51, v49;
	v3 =	vadd.f32 v58, v3  }
0x133: {  	v21 =	vadd.s32 $0xB, v1;
	v8 =	vld.idx.msk [tilespmem:v52+s3+$0x0], $0xffff  }
0x134: {  	v20 =	vor.u32 $0xB, v2;
	v23 =	vld.idx.msk [tilespmem:v57+s15+$0x0], $0xffff;
	v22 =	vmul.f32 v55, v11;
	v3 =	vadd.f32 v62, v3  }
0x135: {  	v25 =	vadd.s32 $0xC, v1;
	v10 =	vld.idx.msk [tilespmem:v56+s3+$0x0], $0xffff  }
0x136: {  	v24 =	vor.u32 $0xC, v2;
	v27 =	vld.idx.msk [tilespmem:v61+s15+$0x0], $0xffff;
	v26 =	vmul.f32 v59, v7;
	v3 =	vadd.f32 v22, v3  }
0x137: {  	v29 =	vadd.s32 $0xD, v1;
	v12 =	vld.idx.msk [tilespmem:v60+s3+$0x0], $0xffff  }
0x138: {  	v28 =	vor.u32 $0xD, v2;
	v31 =	vld.idx.msk [tilespmem:v21+s15+$0x0], $0xffff;
	v30 =	vmul.f32 v63, v8;
	v3 =	vadd.f32 v26, v3  }
0x139: {  	v33 =	vadd.s32 $0xE, v1;
	v13 =	vld.idx.msk [tilespmem:v20+s3+$0x0], $0xffff  }
0x13a: {  	v32 =	vor.u32 $0xE, v2;
	v35 =	vld.idx.msk [tilespmem:v25+s15+$0x0], $0xffff;
	v34 =	vmul.f32 v23, v10;
	v3 =	vadd.f32 v30, v3  }
0x13b: {  	v37 =	vadd.s32 $0xF, v1;
	v11 =	vld.idx.msk [tilespmem:v24+s3+$0x0], $0xffff  }
0x13c: {  	v36 =	vor.u32 $0xF, v2;
	v39 =	vld.idx.msk [tilespmem:v29+s15+$0x0], $0xffff;
	v38 =	vmul.f32 v27, v12;
	v3 =	vadd.f32 v34, v3  }
0x13d: {  	v41 =	vadd.s32 $0x10, v1;
	v7 =	vld.idx.msk [tilespmem:v28+s3+$0x0], $0xffff  }
0x13e: {  	v40 =	vor.u32 $0x10, v2;
	v43 =	vld.idx.msk [tilespmem:v33+s15+$0x0], $0xffff;
	v42 =	vmul.f32 v31, v13;
	v3 =	vadd.f32 v38, v3  }
0x13f: {  	v44 =	vor.u32 $0x11, v2;
	v8 =	vld.idx.msk [tilespmem:v32+s3+$0x0], $0xffff  }
0x140: {  	v45 =	vadd.s32 $0x11, v1;
	v47 =	vld.idx.msk [tilespmem:v37+s15+$0x0], $0xffff;
	v46 =	vmul.f32 v35, v11;
	v3 =	vadd.f32 v42, v3  }
0x141: {  	v48 =	vor.u32 $0x12, v2;
	v10 =	vld.idx.msk [tilespmem:v36+s3+$0x0], $0xffff  }
0x142: {  	v49 =	vadd.s32 $0x12, v1;
	v51 =	vld.idx.msk [tilespmem:v41+s15+$0x0], $0xffff;
	v50 =	vmul.f32 v39, v7;
	v3 =	vadd.f32 v46, v3  }
0x143: {  	v53 =	vadd.s32 $0x13, v1;
	v12 =	vld.idx.msk [tilespmem:v40+s3+$0x0], $0xffff  }
0x144: {  	v52 =	vor.u32 $0x13, v2;
	v13 =	vld.idx.msk [tilespmem:v44+s3+$0x0], $0xffff;
	v54 =	vmul.f32 v43, v8;
	v3 =	vadd.f32 v50, v3  }
0x145: {  	v56 =	vor.u32 $0x14, v2;
	v55 =	vld.idx.msk [tilespmem:v45+s15+$0x0], $0xffff  }
0x146: {  	v57 =	vadd.s32 $0x14, v1;
	v11 =	vld.idx.msk [tilespmem:v48+s3+$0x0], $0xffff;
	v58 =	vmul.f32 v47, v10;
	v3 =	vadd.f32 v54, v3  }
0x147: {  	v60 =	vor.u32 $0x15, v2;
	v59 =	vld.idx.msk [tilespmem:v49+s15+$0x0], $0xffff  }
0x148: {  	v61 =	vadd.s32 $0x15, v1;
	v63 =	vld.idx.msk [tilespmem:v53+s15+$0x0], $0xffff;
	v62 =	vmul.f32 v51, v12;
	v3 =	vadd.f32 v58, v3  }
0x149: {  	v19 =	vor.u32 $0x16, v2;
	v7 =	vld.idx.msk [tilespmem:v52+s3+$0x0], $0xffff  }
0x14a: {  	v20 =	vadd.s32 $0x16, v1;
	v8 =	vld.idx.msk [tilespmem:v56+s3+$0x0], $0xffff;
	v21 =	vmul.f32 v55, v13;
	v3 =	vadd.f32 v62, v3  }
0x14b: {  	v23 =	vor.u32 $0x17, v2;
	v22 =	vld.idx.msk [tilespmem:v57+s15+$0x0], $0xffff  }
0x14c: {  	v24 =	vadd.s32 $0x17, v1;
	v10 =	vld.idx.msk [tilespmem:v60+s3+$0x0], $0xffff;
	v25 =	vmul.f32 v59, v11;
	v3 =	vadd.f32 v21, v3  }
0x14d: {  	v27 =	vor.u32 $0x18, v2;
	v26 =	vld.idx.msk [tilespmem:v61+s15+$0x0], $0xffff  }
0x14e: {  	v28 =	vadd.s32 $0x18, v1;
	v12 =	vld.idx.msk [tilespmem:v19+s3+$0x0], $0xffff;
	v29 =	vmul.f32 v63, v7;
	v3 =	vadd.f32 v25, v3  }
0x14f: {  	v31 =	vor.u32 $0x19, v2;
	v30 =	vld.idx.msk [tilespmem:v20+s15+$0x0], $0xffff  }
0x150: {  	v32 =	vadd.s32 $0x19, v1;
	v13 =	vld.idx.msk [tilespmem:v23+s3+$0x0], $0xffff;
	v33 =	vmul.f32 v22, v8;
	v3 =	vadd.f32 v29, v3  }
0x151: {  	v35 =	vor.u32 $0x1A, v2;
	v34 =	vld.idx.msk [tilespmem:v24+s15+$0x0], $0xffff  }
0x152: {  	v36 =	vadd.s32 $0x1A, v1;
	v11 =	vld.idx.msk [tilespmem:v27+s3+$0x0], $0xffff;
	v37 =	vmul.f32 v26, v10;
	v3 =	vadd.f32 v33, v3  }
0x153: {  	v39 =	vor.u32 $0x1B, v2;
	v38 =	vld.idx.msk [tilespmem:v28+s15+$0x0], $0xffff  }
0x154: {  	v40 =	vadd.s32 $0x1B, v1;
	v7 =	vld.idx.msk [tilespmem:v31+s3+$0x0], $0xffff;
	v41 =	vmul.f32 v30, v12;
	v3 =	vadd.f32 v37, v3  }
0x155: {  	v43 =	vor.u32 $0x1C, v2;
	v42 =	vld.idx.msk [tilespmem:v32+s15+$0x0], $0xffff  }
0x156: {  	v44 =	vadd.s32 $0x1C, v1;
	v8 =	vld.idx.msk [tilespmem:v35+s3+$0x0], $0xffff;
	v45 =	vmul.f32 v34, v13;
	v3 =	vadd.f32 v41, v3  }
0x157: {  	v48 =	vadd.s32 $0x1D, v1;
	v46 =	vld.idx.msk [tilespmem:v36+s15+$0x0], $0xffff  }
0x158: {  	v47 =	vor.u32 $0x1D, v2;
	v10 =	vld.idx.msk [tilespmem:v39+s3+$0x0], $0xffff;
	v49 =	vmul.f32 v38, v11;
	v3 =	vadd.f32 v45, v3  }
0x159: {  	v52 =	vadd.s32 $0x1E, v1;
	v50 =	vld.idx.msk [tilespmem:v40+s15+$0x0], $0xffff  }
0x15a: {  	v51 =	vor.u32 $0x1E, v2;
	v12 =	vld.idx.msk [tilespmem:v43+s3+$0x0], $0xffff;
	v53 =	vmul.f32 v42, v7;
	v3 =	vadd.f32 v49, v3  }
0x15b: {  	v2 =	vor.u32 $0x1F, v2;
	v54 =	vld.idx.msk [tilespmem:v44+s15+$0x0], $0xffff  }
0x15c: {  	v1 =	vadd.s32 $0x1F, v1;
	v57 =	vld.idx.msk [tilespmem:v48+s15+$0x0], $0xffff;
	v56 =	vmul.f32 v46, v8;
	v3 =	vadd.f32 v53, v3  }
0x15d: {  	v55 =	vld.idx.msk [tilespmem:v47+s3+$0x0], $0xffff  }
0x15e: {  	v60 =	vld.idx.msk [tilespmem:v52+s15+$0x0], $0xffff;
	v59 =	vmul.f32 v50, v10;
	v3 =	vadd.f32 v56, v3  }
0x15f: {  	v58 =	vld.idx.msk [tilespmem:v51+s3+$0x0], $0xffff  }
0x160: {  	v2 =	vld.idx.msk [tilespmem:v2+s3+$0x0], $0xffff;
	v61 =	vmul.f32 v54, v12;
	v3 =	vadd.f32 v59, v3  }
0x161: {  	v1 =	vld.idx.msk [tilespmem:v1+s15+$0x0], $0xffff  }
0x162: {  	v62 =	vmul.f32 v57, v55;
	v3 =	vadd.f32 v61, v3;
	_ =	sdelay $0x1  }
0x163: {  	v63 =	vmul.f32 v60, v58;
	v3 =	vadd.f32 v62, v3;
	_ =	sdelay $0x1  }
0x164: {  	v1 =	vmul.f32 v1, v2;
	v3 =	vadd.f32 v63, v3;
	_ =	sdelay $0x1  }
0x165: {  	v1 =	vadd.f32 v1, v3  }
0x166: {  	s20 =	sshll.u32 s20, $0x6;
	s21 =	sadd.s32 $0x10, s21  }
.Ltmp5:
0x167: {  	s20 =	sadd.s32 s2, s20;
	[tilespmem:s21+$0x0] =	vst v1;
	(pc) =	sbr.rel @p0 .LBB2_8-.Ltmp5, $4  }
0x168: {  	[hbm4b:s20+s3] =	stream.linear.scatter [tilespmem:s30], [sflag:$0x4], $0x200, $0x38;
	[tilespmem:$0x12E00] =	vst v63  }
0x169: {  	_ =	swait.ge [sflag:s31], $0x200  }
0x16a: {  	[sflag:s31] =	ssyncset.done $0x0  }
0x16b: {  	[sflag:s31] =	ssyncadd.s32 $0xFFFFFE00  }
0x16c: {  	_ =	swait.ge [sflag:s0], $0x4000  }
0x16d: {  	s19 =	sadd.s32 s9, s19;
	[sflag:s0] =	ssyncset.done $0x0  }
0x16e: {  	p0 =	sgt.u32 s19, $0xC34;
	[sflag:s0] =	ssyncadd.s32 $0xFFFFC000  }
0x16f: {  	s19 =	smul.u32 @!p0 $0xC0, s19;
	_ =	swait.ge [sflag:s0], $0x5000  }
0x170: {  	s20 =	simm.s32 @!p0 $0x0;
	[sflag:s0] =	ssyncset.done $0x0  }
0x171: {  	s21 =	simm.s32 @!p0 $0x12000;
	s19 =	sadd.s32 @!p0 s5, s19;
	[sflag:s0] =	ssyncadd.s32 $0xFFFFB000  }
0x172: {  	[tilespmem:s21], [sflag:$0x4] =	stream.linear.gather @!p0 [hbm4b:s19+s20], $0x600, $0x38;
	[tilespmem:$0x12E00] =	vst v63  }
0x173: {  	s19 =	simm.s32 @!p0 $0x4  }
0x174: {  	_ =	swait.ge @!p0 [sflag:s19], $0x600  }
0x175: {  	[sflag:s19] =	ssyncset.done @!p0 $0x0  }
0x176: {  	s22 =	simm.s32 @!p0 $0x12080;
	[sflag:s19] =	ssyncadd.s32 @!p0 $0xFFFFFA00;
	s19 =	simm.s32 @!p0 $0x80  }
0x177: {  	[tilespmem:s20], [sflag:$0x1] =	stream.indirect.gather @!p0 [hbm4b:s6+s19], $0x20, s22, s19, $0xb8;
	[tilespmem:$0x12E00] =	vst v63  }
0x178: {  	s20 =	simm.s32 @!p0 $0x8000  }
0x179: {  	[tilespmem:s20], [sflag:$0x1] =	stream.indirect.gather @!p0 [hbm4b:s7+s19], $0x28, s21, s19, $0xb8;
	[tilespmem:$0x12E00] =	vst v63  }
0x17a: {  	s20 =	simm.s32 @!p0 $0x12200;
	s21 =	simm.s32 @!p0 $0x1000  }
0x17b: {  	[tilespmem:s21], [sflag:$0x1] =	stream.indirect.gather @!p0 [hbm4b:s6+s19], $0x20, s20, s19, $0xb8;
	[tilespmem:$0x12E00] =	vst v63  }
0x17c: {  	s24 =	simm.s32 $0x0;
	s20 =	simm.s32 @!p0 $0x12180;
	s21 =	simm.s32 @!p0 $0x9400  }
0x17d: {  	[tilespmem:s21], [sflag:$0x1] =	stream.indirect.gather @!p0 [hbm4b:s7+s19], $0x28, s20, s19, $0xb8;
	[tilespmem:$0x12E00] =	vst v63  }
0x17e: {  	v2 =	vor.u32 s24, v0;
	s22 =	simm.s32 @!p0 $0x2000;
	s21 =	simm.s32 @!p0 $0x12380  }
0x17f: {  	v1 =	vmul.u32 $0x28, v2;
	[tilespmem:s22], [sflag:$0x1] =	stream.indirect.gather @!p0 [hbm4b:s6+s19], $0x20, s21, s19, $0xb8;
	[tilespmem:$0x12E00] =	vst v63  }
0x180: {  	s20 =	simm.s32 @!p0 $0x12300;
	s21 =	simm.s32 @!p0 $0xA800  }
0x181: {  	v3 =	vadd.s32 $0x20, v1;
	[tilespmem:s21], [sflag:$0x1] =	stream.indirect.gather @!p0 [hbm4b:s7+s19], $0x28, s20, s19, $0xb8;
	[tilespmem:$0x12E00] =	vst v63  }
0x182: {  	v2 =	vshll.u32 v2, $0x5;
	s20 =	simm.s32 @!p0 $0x12500;
	s21 =	simm.s32 @!p0 $0x3000  }
0x183: {  	[tilespmem:s21], [sflag:$0x1] =	stream.indirect.gather @!p0 [hbm4b:s6+s19], $0x20, s20, s19, $0xb8;
	[tilespmem:$0x12E00] =	vst v63  }
0x184: {  	v4 =	vor.u32 $0x1, v2;
	s20 =	simm.s32 @!p0 $0x12480;
	s21 =	simm.s32 @!p0 $0xBC00  }
0x185: {  	v5 =	vor.u32 $0x1, v1;
	[tilespmem:s21], [sflag:$0x1] =	stream.indirect.gather @!p0 [hbm4b:s7+s19], $0x28, s20, s19, $0xb8;
	[tilespmem:$0x12E00] =	vst v63  }
0x186: {  	v6 =	vor.u32 $0x2, v2;
	v3 =	vld.idx.msk [tilespmem:v3+s1+$0x0], $0xffff  }
0x187: {  	v8 =	vor.u32 $0x2, v1;
	v7 =	vld.idx.msk [tilespmem:v2+s14+$0x0], $0xffff  }
0x188: {  	v10 =	vor.u32 $0x3, v2;
	v9 =	vld.idx.msk [tilespmem:v1+s1+$0x0], $0xffff  }
0x189: {  	v11 =	vor.u32 $0x3, v1;
	v4 =	vld.idx.msk [tilespmem:v4+s14+$0x0], $0xffff  }
0x18a: {  	v12 =	vor.u32 $0x4, v2;
	v5 =	vld.idx.msk [tilespmem:v5+s1+$0x0], $0xffff  }
0x18b: {  	v13 =	vor.u32 $0x4, v1;
	v6 =	vld.idx.msk [tilespmem:v6+s14+$0x0], $0xffff  }
0x18c: {  	v14 =	vor.u32 $0x5, v2;
	v8 =	vld.idx.msk [tilespmem:v8+s1+$0x0], $0xffff  }
0x18d: {  	v15 =	vor.u32 $0x5, v1;
	v10 =	vld.idx.msk [tilespmem:v10+s14+$0x0], $0xffff;
	v7 =	vmul.f32 v9, v7  }
0x18e: {  	v30 =	vor.u32 $0x6, v2;
	v29 =	vld.idx.msk [tilespmem:v11+s1+$0x0], $0xffff  }
0x18f: {  	v16 =	vor.u32 $0x6, v1;
	v12 =	vld.idx.msk [tilespmem:v12+s14+$0x0], $0xffff;
	v4 =	vmul.f32 v5, v4;
	v3 =	vadd.f32 v7, v3  }
0x190: {  	v5 =	vld.idx.msk [tilespmem:v13+s1+$0x0], $0xffff;
	v7 =	vor.u32 $0x7, v2  }
0x191: {  	v32 =	vor.u32 $0x7, v1;
	v31 =	vld.idx.msk [tilespmem:v14+s14+$0x0], $0xffff;
	v3 =	vadd.f32 v4, v3;
	v4 =	vmul.f32 v8, v6  }
0x192: {  	v33 =	vor.u32 $0x8, v2;
	v6 =	vld.idx.msk [tilespmem:v15+s1+$0x0], $0xffff  }
0x193: {  	v34 =	vadd.s32 $0x8, v1;
	v11 =	vld.idx.msk [tilespmem:v30+s14+$0x0], $0xffff;
	v3 =	vadd.f32 v4, v3;
	v4 =	vmul.f32 v29, v10  }
0x194: {  	v37 =	vadd.s32 $0x9, v1;
	v35 =	vld.idx.msk [tilespmem:v16+s1+$0x0], $0xffff  }
0x195: {  	v36 =	vor.u32 $0x9, v2;
	v7 =	vld.idx.msk [tilespmem:v7+s14+$0x0], $0xffff;
	v3 =	vadd.f32 v4, v3;
	v4 =	vmul.f32 v5, v12  }
0x196: {  	v38 =	vor.u32 $0xA, v2;
	v5 =	vld.idx.msk [tilespmem:v32+s1+$0x0], $0xffff  }
0x197: {  	v39 =	vadd.s32 $0xA, v1;
	v8 =	vld.idx.msk [tilespmem:v33+s14+$0x0], $0xffff;
	v3 =	vadd.f32 v4, v3;
	v4 =	vmul.f32 v6, v31  }
0x198: {  	v40 =	vor.u32 $0xB, v2;
	v6 =	vld.idx.msk [tilespmem:v34+s1+$0x0], $0xffff  }
0x199: {  	v41 =	vadd.s32 $0xB, v1;
	v42 =	vld.idx.msk [tilespmem:v37+s1+$0x0], $0xffff;
	v3 =	vadd.f32 v4, v3;
	v4 =	vmul.f32 v35, v11  }
0x19a: {  	v44 =	vadd.s32 $0xC, v1;
	v10 =	vld.idx.msk [tilespmem:v36+s14+$0x0], $0xffff  }
0x19b: {  	v43 =	vor.u32 $0xC, v2;
	v12 =	vld.idx.msk [tilespmem:v38+s14+$0x0], $0xffff;
	v3 =	vadd.f32 v4, v3;
	v4 =	vmul.f32 v5, v7  }
0x19c: {  	v5 =	vld.idx.msk [tilespmem:v39+s1+$0x0], $0xffff;
	v7 =	vor.u32 $0xD, v2  }
0x19d: {  	v45 =	vadd.s32 $0xD, v1;
	v13 =	vld.idx.msk [tilespmem:v40+s14+$0x0], $0xffff;
	v3 =	vadd.f32 v4, v3;
	v4 =	vmul.f32 v6, v8  }
0x19e: {  	v46 =	vor.u32 $0xE, v2;
	v6 =	vld.idx.msk [tilespmem:v41+s1+$0x0], $0xffff  }
0x19f: {  	v47 =	vadd.s32 $0xE, v1;
	v48 =	vld.idx.msk [tilespmem:v44+s1+$0x0], $0xffff;
	v3 =	vadd.f32 v4, v3;
	v4 =	vmul.f32 v42, v10  }
0x1a0: {  	v50 =	vadd.s32 $0xF, v1;
	v11 =	vld.idx.msk [tilespmem:v43+s14+$0x0], $0xffff  }
0x1a1: {  	v49 =	vor.u32 $0xF, v2;
	v7 =	vld.idx.msk [tilespmem:v7+s14+$0x0], $0xffff;
	v3 =	vadd.f32 v4, v3;
	v4 =	vmul.f32 v5, v12  }
0x1a2: {  	v51 =	vor.u32 $0x10, v2;
	v5 =	vld.idx.msk [tilespmem:v45+s1+$0x0], $0xffff  }
0x1a3: {  	v52 =	vadd.s32 $0x10, v1;
	v8 =	vld.idx.msk [tilespmem:v46+s14+$0x0], $0xffff;
	v3 =	vadd.f32 v4, v3;
	v4 =	vmul.f32 v6, v13  }
0x1a4: {  	v53 =	vor.u32 $0x11, v2;
	v6 =	vld.idx.msk [tilespmem:v47+s1+$0x0], $0xffff  }
0x1a5: {  	v54 =	vadd.s32 $0x11, v1;
	v55 =	vld.idx.msk [tilespmem:v50+s1+$0x0], $0xffff;
	v3 =	vadd.f32 v4, v3;
	v4 =	vmul.f32 v48, v11  }
0x1a6: {  	v57 =	vadd.s32 $0x12, v1;
	v10 =	vld.idx.msk [tilespmem:v49+s14+$0x0], $0xffff  }
0x1a7: {  	v56 =	vor.u32 $0x12, v2;
	v12 =	vld.idx.msk [tilespmem:v51+s14+$0x0], $0xffff;
	v3 =	vadd.f32 v4, v3;
	v4 =	vmul.f32 v5, v7  }
0x1a8: {  	v5 =	vld.idx.msk [tilespmem:v52+s1+$0x0], $0xffff;
	v7 =	vor.u32 $0x13, v2  }
0x1a9: {  	v58 =	vadd.s32 $0x13, v1;
	v13 =	vld.idx.msk [tilespmem:v53+s14+$0x0], $0xffff;
	v3 =	vadd.f32 v4, v3;
	v4 =	vmul.f32 v6, v8  }
0x1aa: {  	v59 =	vor.u32 $0x14, v2;
	v6 =	vld.idx.msk [tilespmem:v54+s1+$0x0], $0xffff  }
0x1ab: {  	v60 =	vadd.s32 $0x14, v1;
	v61 =	vld.idx.msk [tilespmem:v57+s1+$0x0], $0xffff;
	v3 =	vadd.f32 v4, v3;
	v4 =	vmul.f32 v55, v10  }
0x1ac: {  	v63 =	vadd.s32 $0x15, v1;
	v11 =	vld.idx.msk [tilespmem:v56+s14+$0x0], $0xffff  }
0x1ad: {  	v62 =	vor.u32 $0x15, v2;
	v7 =	vld.idx.msk [tilespmem:v7+s14+$0x0], $0xffff;
	v3 =	vadd.f32 v4, v3;
	v4 =	vmul.f32 v5, v12  }
0x1ae: {  	v19 =	vor.u32 $0x16, v2;
	v5 =	vld.idx.msk [tilespmem:v58+s1+$0x0], $0xffff  }
0x1af: {  	v20 =	vadd.s32 $0x16, v1;
	v8 =	vld.idx.msk [tilespmem:v59+s14+$0x0], $0xffff;
	v3 =	vadd.f32 v4, v3;
	v4 =	vmul.f32 v6, v13  }
0x1b0: {  	v21 =	vor.u32 $0x17, v2;
	v6 =	vld.idx.msk [tilespmem:v60+s1+$0x0], $0xffff  }
0x1b1: {  	v22 =	vadd.s32 $0x17, v1;
	v23 =	vld.idx.msk [tilespmem:v63+s1+$0x0], $0xffff;
	v3 =	vadd.f32 v4, v3;
	v4 =	vmul.f32 v61, v11  }
0x1b2: {  	v25 =	vadd.s32 $0x18, v1;
	v10 =	vld.idx.msk [tilespmem:v62+s14+$0x0], $0xffff  }
0x1b3: {  	v24 =	vor.u32 $0x18, v2;
	v12 =	vld.idx.msk [tilespmem:v19+s14+$0x0], $0xffff;
	v3 =	vadd.f32 v4, v3;
	v4 =	vmul.f32 v5, v7  }
0x1b4: {  	v5 =	vld.idx.msk [tilespmem:v20+s1+$0x0], $0xffff;
	v7 =	vor.u32 $0x19, v2  }
0x1b5: {  	v26 =	vadd.s32 $0x19, v1;
	v13 =	vld.idx.msk [tilespmem:v21+s14+$0x0], $0xffff;
	v3 =	vadd.f32 v4, v3;
	v4 =	vmul.f32 v6, v8  }
0x1b6: {  	v27 =	vor.u32 $0x1A, v2;
	v6 =	vld.idx.msk [tilespmem:v22+s1+$0x0], $0xffff  }
0x1b7: {  	v28 =	vadd.s32 $0x1A, v1;
	v29 =	vld.idx.msk [tilespmem:v25+s1+$0x0], $0xffff;
	v3 =	vadd.f32 v4, v3;
	v4 =	vmul.f32 v23, v10  }
0x1b8: {  	v31 =	vadd.s32 $0x1B, v1;
	v11 =	vld.idx.msk [tilespmem:v24+s14+$0x0], $0xffff  }
0x1b9: {  	v30 =	vor.u32 $0x1B, v2;
	v7 =	vld.idx.msk [tilespmem:v7+s14+$0x0], $0xffff;
	v3 =	vadd.f32 v4, v3;
	v4 =	vmul.f32 v5, v12  }
0x1ba: {  	v32 =	vor.u32 $0x1C, v2;
	v5 =	vld.idx.msk [tilespmem:v26+s1+$0x0], $0xffff  }
0x1bb: {  	v33 =	vadd.s32 $0x1C, v1;
	v8 =	vld.idx.msk [tilespmem:v27+s14+$0x0], $0xffff;
	v3 =	vadd.f32 v4, v3;
	v4 =	vmul.f32 v6, v13  }
0x1bc: {  	v34 =	vor.u32 $0x1D, v2;
	v6 =	vld.idx.msk [tilespmem:v28+s1+$0x0], $0xffff  }
0x1bd: {  	v35 =	vadd.s32 $0x1D, v1;
	v36 =	vld.idx.msk [tilespmem:v31+s1+$0x0], $0xffff;
	v3 =	vadd.f32 v4, v3;
	v4 =	vmul.f32 v29, v11  }
0x1be: {  	v38 =	vadd.s32 $0x1E, v1;
	v10 =	vld.idx.msk [tilespmem:v30+s14+$0x0], $0xffff  }
0x1bf: {  	v37 =	vor.u32 $0x1E, v2;
	v12 =	vld.idx.msk [tilespmem:v32+s14+$0x0], $0xffff;
	v3 =	vadd.f32 v4, v3;
	v4 =	vmul.f32 v5, v7  }
0x1c0: {  	v2 =	vor.u32 $0x1F, v2;
	v5 =	vld.idx.msk [tilespmem:v33+s1+$0x0], $0xffff  }
0x1c1: {  	v1 =	vadd.s32 $0x1F, v1;
	v7 =	vld.idx.msk [tilespmem:v34+s14+$0x0], $0xffff;
	v3 =	vadd.f32 v4, v3;
	v4 =	vmul.f32 v6, v8  }
0x1c2: {  	v6 =	vld.idx.msk [tilespmem:v35+s1+$0x0], $0xffff  }
0x1c3: {  	v40 =	vld.idx.msk [tilespmem:v38+s1+$0x0], $0xffff;
	v3 =	vadd.f32 v4, v3;
	v4 =	vmul.f32 v36, v10  }
0x1c4: {  	v39 =	vld.idx.msk [tilespmem:v37+s14+$0x0], $0xffff  }
0x1c5: {  	v2 =	vld.idx.msk [tilespmem:v2+s14+$0x0], $0xffff;
	v3 =	vadd.f32 v4, v3;
	v4 =	vmul.f32 v5, v12  }
0x1c6: {  	v5 =	vld.idx.msk [tilespmem:v1+s1+$0x0], $0xffff  }
0x1c7: {  	s23 =	simm.s32 $0x10;
	v3 =	vadd.f32 v4, v3;
	v4 =	vmul.f32 v6, v7  }
0x1c8: {  	v6 =	vor.u32 s23, v0  }
0x1c9: {  	v1 =	vmul.u32 $0x28, v6;
	v3 =	vadd.f32 v4, v3;
	v4 =	vmul.f32 v40, v39;
	_ =	sdelay $0x1  }
0x1ca: {  	v7 =	vadd.s32 $0x20, v1;
	v3 =	vadd.f32 v4, v3;
	v4 =	vmul.f32 v5, v2  }
0x1cb: {  	v2 =	vshll.u32 v6, $0x5  }
0x1cc: {  	v3 =	vadd.f32 v4, v3  }
0x1cd: {  	s19 =	simm.s32 $0x12C00;
	v5 =	vor.u32 $0x1, v1  }
0x1ce: {  	v4 =	vor.u32 $0x1, v2;
	[tilespmem:s19+$0x0] =	vst v3  }
0x1cf: {  	v41 =	vor.u32 $0x2, v1;
	v3 =	vld.idx.msk [tilespmem:v7+s1+$0x0], $0xffff  }
0x1d0: {  	v6 =	vor.u32 $0x2, v2;
	v7 =	vld.idx.msk [tilespmem:v2+s14+$0x0], $0xffff  }
0x1d1: {  	v44 =	vor.u32 $0x3, v1;
	v42 =	vld.idx.msk [tilespmem:v1+s1+$0x0], $0xffff  }
0x1d2: {  	v43 =	vor.u32 $0x3, v2;
	v5 =	vld.idx.msk [tilespmem:v5+s1+$0x0], $0xffff  }
0x1d3: {  	v45 =	vor.u32 $0x4, v2;
	v4 =	vld.idx.msk [tilespmem:v4+s14+$0x0], $0xffff  }
0x1d4: {  	v46 =	vor.u32 $0x4, v1;
	v8 =	vld.idx.msk [tilespmem:v41+s1+$0x0], $0xffff  }
0x1d5: {  	v47 =	vor.u32 $0x5, v2;
	v6 =	vld.idx.msk [tilespmem:v6+s14+$0x0], $0xffff  }
0x1d6: {  	v48 =	vor.u32 $0x5, v1;
	v49 =	vld.idx.msk [tilespmem:v44+s1+$0x0], $0xffff;
	v7 =	vmul.f32 v42, v7  }
0x1d7: {  	v51 =	vor.u32 $0x6, v1;
	v10 =	vld.idx.msk [tilespmem:v43+s14+$0x0], $0xffff  }
0x1d8: {  	v50 =	vor.u32 $0x6, v2;
	v12 =	vld.idx.msk [tilespmem:v45+s14+$0x0], $0xffff;
	v3 =	vadd.f32 v7, v3;
	v4 =	vmul.f32 v5, v4  }
0x1d9: {  	v5 =	vld.idx.msk [tilespmem:v46+s1+$0x0], $0xffff;
	v7 =	vor.u32 $0x7, v2  }
0x1da: {  	v53 =	vor.u32 $0x7, v1;
	v52 =	vld.idx.msk [tilespmem:v47+s14+$0x0], $0xffff;
	v3 =	vadd.f32 v4, v3;
	v4 =	vmul.f32 v8, v6  }
0x1db: {  	v54 =	vor.u32 $0x8, v2;
	v6 =	vld.idx.msk [tilespmem:v48+s1+$0x0], $0xffff  }
0x1dc: {  	v55 =	vadd.s32 $0x8, v1;
	v56 =	vld.idx.msk [tilespmem:v51+s1+$0x0], $0xffff;
	v3 =	vadd.f32 v4, v3;
	v4 =	vmul.f32 v49, v10  }
0x1dd: {  	v58 =	vadd.s32 $0x9, v1;
	v11 =	vld.idx.msk [tilespmem:v50+s14+$0x0], $0xffff  }
0x1de: {  	v57 =	vor.u32 $0x9, v2;
	v7 =	vld.idx.msk [tilespmem:v7+s14+$0x0], $0xffff;
	v3 =	vadd.f32 v4, v3;
	v4 =	vmul.f32 v5, v12  }
0x1df: {  	v59 =	vor.u32 $0xA, v2;
	v5 =	vld.idx.msk [tilespmem:v53+s1+$0x0], $0xffff  }
0x1e0: {  	v60 =	vadd.s32 $0xA, v1;
	v8 =	vld.idx.msk [tilespmem:v54+s14+$0x0], $0xffff;
	v3 =	vadd.f32 v4, v3;
	v4 =	vmul.f32 v6, v52  }
0x1e1: {  	v61 =	vor.u32 $0xB, v2;
	v6 =	vld.idx.msk [tilespmem:v55+s1+$0x0], $0xffff  }
0x1e2: {  	v62 =	vadd.s32 $0xB, v1;
	v63 =	vld.idx.msk [tilespmem:v58+s1+$0x0], $0xffff;
	v3 =	vadd.f32 v4, v3;
	v4 =	vmul.f32 v56, v11  }
0x1e3: {  	v21 =	vadd.s32 $0xC, v1;
	v10 =	vld.idx.msk [tilespmem:v57+s14+$0x0], $0xffff  }
0x1e4: {  	v20 =	vor.u32 $0xC, v2;
	v12 =	vld.idx.msk [tilespmem:v59+s14+$0x0], $0xffff;
	v3 =	vadd.f32 v4, v3;
	v4 =	vmul.f32 v5, v7  }
0x1e5: {  	v5 =	vld.idx.msk [tilespmem:v60+s1+$0x0], $0xffff;
	v7 =	vor.u32 $0xD, v2  }
0x1e6: {  	v22 =	vadd.s32 $0xD, v1;
	v13 =	vld.idx.msk [tilespmem:v61+s14+$0x0], $0xffff;
	v3 =	vadd.f32 v4, v3;
	v4 =	vmul.f32 v6, v8  }
0x1e7: {  	v23 =	vor.u32 $0xE, v2;
	v6 =	vld.idx.msk [tilespmem:v62+s1+$0x0], $0xffff  }
0x1e8: {  	v24 =	vadd.s32 $0xE, v1;
	v25 =	vld.idx.msk [tilespmem:v21+s1+$0x0], $0xffff;
	v3 =	vadd.f32 v4, v3;
	v4 =	vmul.f32 v63, v10  }
0x1e9: {  	v27 =	vadd.s32 $0xF, v1;
	v11 =	vld.idx.msk [tilespmem:v20+s14+$0x0], $0xffff  }
0x1ea: {  	v26 =	vor.u32 $0xF, v2;
	v7 =	vld.idx.msk [tilespmem:v7+s14+$0x0], $0xffff;
	v3 =	vadd.f32 v4, v3;
	v4 =	vmul.f32 v5, v12  }
0x1eb: {  	v28 =	vor.u32 $0x10, v2;
	v5 =	vld.idx.msk [tilespmem:v22+s1+$0x0], $0xffff  }
0x1ec: {  	v29 =	vadd.s32 $0x10, v1;
	v8 =	vld.idx.msk [tilespmem:v23+s14+$0x0], $0xffff;
	v3 =	vadd.f32 v4, v3;
	v4 =	vmul.f32 v6, v13  }
0x1ed: {  	v30 =	vor.u32 $0x11, v2;
	v6 =	vld.idx.msk [tilespmem:v24+s1+$0x0], $0xffff  }
0x1ee: {  	v31 =	vadd.s32 $0x11, v1;
	v32 =	vld.idx.msk [tilespmem:v27+s1+$0x0], $0xffff;
	v3 =	vadd.f32 v4, v3;
	v4 =	vmul.f32 v25, v11  }
0x1ef: {  	v34 =	vadd.s32 $0x12, v1;
	v10 =	vld.idx.msk [tilespmem:v26+s14+$0x0], $0xffff  }
0x1f0: {  	v33 =	vor.u32 $0x12, v2;
	v12 =	vld.idx.msk [tilespmem:v28+s14+$0x0], $0xffff;
	v3 =	vadd.f32 v4, v3;
	v4 =	vmul.f32 v5, v7  }
0x1f1: {  	v5 =	vld.idx.msk [tilespmem:v29+s1+$0x0], $0xffff;
	v7 =	vor.u32 $0x13, v2  }
0x1f2: {  	v35 =	vadd.s32 $0x13, v1;
	v13 =	vld.idx.msk [tilespmem:v30+s14+$0x0], $0xffff;
	v3 =	vadd.f32 v4, v3;
	v4 =	vmul.f32 v6, v8  }
0x1f3: {  	v36 =	vor.u32 $0x14, v2;
	v6 =	vld.idx.msk [tilespmem:v31+s1+$0x0], $0xffff  }
0x1f4: {  	v37 =	vadd.s32 $0x14, v1;
	v38 =	vld.idx.msk [tilespmem:v34+s1+$0x0], $0xffff;
	v3 =	vadd.f32 v4, v3;
	v4 =	vmul.f32 v32, v10  }
0x1f5: {  	v40 =	vadd.s32 $0x15, v1;
	v11 =	vld.idx.msk [tilespmem:v33+s14+$0x0], $0xffff  }
0x1f6: {  	v39 =	vor.u32 $0x15, v2;
	v7 =	vld.idx.msk [tilespmem:v7+s14+$0x0], $0xffff;
	v3 =	vadd.f32 v4, v3;
	v4 =	vmul.f32 v5, v12  }
0x1f7: {  	v41 =	vor.u32 $0x16, v2;
	v5 =	vld.idx.msk [tilespmem:v35+s1+$0x0], $0xffff  }
0x1f8: {  	v42 =	vadd.s32 $0x16, v1;
	v8 =	vld.idx.msk [tilespmem:v36+s14+$0x0], $0xffff;
	v3 =	vadd.f32 v4, v3;
	v4 =	vmul.f32 v6, v13  }
0x1f9: {  	v43 =	vor.u32 $0x17, v2;
	v6 =	vld.idx.msk [tilespmem:v37+s1+$0x0], $0xffff  }
0x1fa: {  	v44 =	vadd.s32 $0x17, v1;
	v45 =	vld.idx.msk [tilespmem:v40+s1+$0x0], $0xffff;
	v3 =	vadd.f32 v4, v3;
	v4 =	vmul.f32 v38, v11  }
0x1fb: {  	v47 =	vadd.s32 $0x18, v1;
	v10 =	vld.idx.msk [tilespmem:v39+s14+$0x0], $0xffff  }
0x1fc: {  	v46 =	vor.u32 $0x18, v2;
	v12 =	vld.idx.msk [tilespmem:v41+s14+$0x0], $0xffff;
	v3 =	vadd.f32 v4, v3;
	v4 =	vmul.f32 v5, v7  }
0x1fd: {  	v5 =	vld.idx.msk [tilespmem:v42+s1+$0x0], $0xffff;
	v7 =	vor.u32 $0x19, v2  }
0x1fe: {  	v48 =	vadd.s32 $0x19, v1;
	v13 =	vld.idx.msk [tilespmem:v43+s14+$0x0], $0xffff;
	v3 =	vadd.f32 v4, v3;
	v4 =	vmul.f32 v6, v8  }
0x1ff: {  	v49 =	vor.u32 $0x1A, v2;
	v6 =	vld.idx.msk [tilespmem:v44+s1+$0x0], $0xffff  }
0x200: {  	v50 =	vadd.s32 $0x1A, v1;
	v51 =	vld.idx.msk [tilespmem:v47+s1+$0x0], $0xffff;
	v3 =	vadd.f32 v4, v3;
	v4 =	vmul.f32 v45, v10  }
0x201: {  	v53 =	vadd.s32 $0x1B, v1;
	v11 =	vld.idx.msk [tilespmem:v46+s14+$0x0], $0xffff  }
0x202: {  	v52 =	vor.u32 $0x1B, v2;
	v7 =	vld.idx.msk [tilespmem:v7+s14+$0x0], $0xffff;
	v3 =	vadd.f32 v4, v3;
	v4 =	vmul.f32 v5, v12  }
0x203: {  	v54 =	vor.u32 $0x1C, v2;
	v5 =	vld.idx.msk [tilespmem:v48+s1+$0x0], $0xffff  }
0x204: {  	v55 =	vadd.s32 $0x1C, v1;
	v8 =	vld.idx.msk [tilespmem:v49+s14+$0x0], $0xffff;
	v3 =	vadd.f32 v4, v3;
	v4 =	vmul.f32 v6, v13  }
0x205: {  	v56 =	vor.u32 $0x1D, v2;
	v6 =	vld.idx.msk [tilespmem:v50+s1+$0x0], $0xffff  }
0x206: {  	v57 =	vadd.s32 $0x1D, v1;
	v58 =	vld.idx.msk [tilespmem:v53+s1+$0x0], $0xffff;
	v3 =	vadd.f32 v4, v3;
	v4 =	vmul.f32 v51, v11  }
0x207: {  	v59 =	vor.u32 $0x1E, v2;
	v10 =	vld.idx.msk [tilespmem:v52+s14+$0x0], $0xffff  }
0x208: {  	v60 =	vadd.s32 $0x1E, v1;
	v12 =	vld.idx.msk [tilespmem:v54+s14+$0x0], $0xffff;
	v3 =	vadd.f32 v4, v3;
	v4 =	vmul.f32 v5, v7  }
0x209: {  	v2 =	vor.u32 $0x1F, v2;
	v5 =	vld.idx.msk [tilespmem:v55+s1+$0x0], $0xffff  }
0x20a: {  	v1 =	vadd.s32 $0x1F, v1;
	v7 =	vld.idx.msk [tilespmem:v56+s14+$0x0], $0xffff;
	v3 =	vadd.f32 v4, v3;
	v4 =	vmul.f32 v6, v8  }
0x20b: {  	v6 =	vld.idx.msk [tilespmem:v57+s1+$0x0], $0xffff  }
0x20c: {  	v61 =	vld.idx.msk [tilespmem:v59+s14+$0x0], $0xffff;
	v3 =	vadd.f32 v4, v3;
	v4 =	vmul.f32 v58, v10  }
0x20d: {  	v62 =	vld.idx.msk [tilespmem:v60+s1+$0x0], $0xffff  }
0x20e: {  	v63 =	vld.idx.msk [tilespmem:v2+s14+$0x0], $0xffff;
	v2 =	vadd.f32 v4, v3;
	v3 =	vmul.f32 v5, v12  }
0x20f: {  	v5 =	vld.idx.msk [tilespmem:v1+s1+$0x0], $0xffff  }
0x210: {  	s24 =	simm.s32 $0x20;
	v4 =	vmul.f32 v6, v7;
	v3 =	vadd.f32 v3, v2  }
0x211: {  	v2 =	vor.u32 s24, v0  }
0x212: {  	v6 =	vmul.f32 v62, v61;
	v1 =	vmul.u32 $0x28, v2;
	v4 =	vadd.f32 v4, v3;
	_ =	sdelay $0x1  }
0x213: {  	s20 =	simm.s32 $0x30;
	v3 =	vadd.s32 $0x20, v1;
	v5 =	vmul.f32 v5, v63;
	v4 =	vadd.f32 v6, v4  }
.LBB2_6:
0x214: {  	p0 =	sne.s32 s20, $0x1F0;
	v2 =	vshll.u32 v2, $0x5  }
0x215: {  	v4 =	vadd.f32 v5, v4  }
0x216: {  	s19 =	sadd.s32 $0x10, s19;
	v5 =	vor.u32 $0x1, v2  }
0x217: {  	v6 =	vor.u32 $0x1, v1;
	[tilespmem:s19+$0x0] =	vst v4  }
0x218: {  	v4 =	vor.u32 $0x2, v2;
	v3 =	vld.idx.msk [tilespmem:v3+s1+$0x0], $0xffff  }
0x219: {  	v8 =	vor.u32 $0x2, v1;
	v7 =	vld.idx.msk [tilespmem:v2+s14+$0x0], $0xffff  }
0x21a: {  	v10 =	vor.u32 $0x3, v2;
	v9 =	vld.idx.msk [tilespmem:v1+s1+$0x0], $0xffff  }
0x21b: {  	v11 =	vor.u32 $0x3, v1;
	v5 =	vld.idx.msk [tilespmem:v5+s14+$0x0], $0xffff  }
0x21c: {  	v12 =	vor.u32 $0x4, v2;
	v6 =	vld.idx.msk [tilespmem:v6+s1+$0x0], $0xffff  }
0x21d: {  	v13 =	vor.u32 $0x4, v1;
	v4 =	vld.idx.msk [tilespmem:v4+s14+$0x0], $0xffff  }
0x21e: {  	v14 =	vor.u32 $0x5, v2;
	v8 =	vld.idx.msk [tilespmem:v8+s1+$0x0], $0xffff  }
0x21f: {  	v15 =	vor.u32 $0x5, v1;
	v10 =	vld.idx.msk [tilespmem:v10+s14+$0x0], $0xffff  }
0x220: {  	v7 =	vmul.f32 v9, v7;
	v9 =	vld.idx.msk [tilespmem:v11+s1+$0x0], $0xffff;
	v11 =	vor.u32 $0x6, v2  }
0x221: {  	v16 =	vor.u32 $0x6, v1;
	v12 =	vld.idx.msk [tilespmem:v12+s14+$0x0], $0xffff  }
0x222: {  	v3 =	vadd.f32 v7, v3;
	v5 =	vmul.f32 v6, v5;
	v7 =	vor.u32 $0x7, v2;
	v6 =	vld.idx.msk [tilespmem:v13+s1+$0x0], $0xffff  }
0x223: {  	v13 =	vld.idx.msk [tilespmem:v14+s14+$0x0], $0xffff;
	v14 =	vor.u32 $0x7, v1  }
0x224: {  	v3 =	vadd.f32 v5, v3;
	v4 =	vmul.f32 v8, v4;
	v8 =	vor.u32 $0x8, v2;
	v5 =	vld.idx.msk [tilespmem:v15+s1+$0x0], $0xffff  }
0x225: {  	v15 =	vadd.s32 $0x8, v1;
	v11 =	vld.idx.msk [tilespmem:v11+s14+$0x0], $0xffff  }
0x226: {  	v3 =	vadd.f32 v4, v3;
	v4 =	vmul.f32 v9, v10;
	v10 =	vor.u32 $0x9, v2;
	v9 =	vld.idx.msk [tilespmem:v16+s1+$0x0], $0xffff  }
0x227: {  	v16 =	vadd.s32 $0x9, v1;
	v7 =	vld.idx.msk [tilespmem:v7+s14+$0x0], $0xffff  }
0x228: {  	v3 =	vadd.f32 v4, v3;
	v4 =	vmul.f32 v6, v12;
	v12 =	vor.u32 $0xA, v2;
	v6 =	vld.idx.msk [tilespmem:v14+s1+$0x0], $0xffff  }
0x229: {  	v14 =	vadd.s32 $0xA, v1;
	v8 =	vld.idx.msk [tilespmem:v8+s14+$0x0], $0xffff  }
0x22a: {  	v3 =	vadd.f32 v4, v3;
	v4 =	vmul.f32 v5, v13;
	v13 =	vor.u32 $0xB, v2;
	v5 =	vld.idx.msk [tilespmem:v15+s1+$0x0], $0xffff  }
0x22b: {  	v15 =	vadd.s32 $0xB, v1;
	v10 =	vld.idx.msk [tilespmem:v10+s14+$0x0], $0xffff  }
0x22c: {  	v3 =	vadd.f32 v4, v3;
	v4 =	vmul.f32 v9, v11;
	v11 =	vor.u32 $0xC, v2;
	v9 =	vld.idx.msk [tilespmem:v16+s1+$0x0], $0xffff  }
0x22d: {  	v16 =	vadd.s32 $0xC, v1;
	v12 =	vld.idx.msk [tilespmem:v12+s14+$0x0], $0xffff  }
0x22e: {  	v3 =	vadd.f32 v4, v3;
	v4 =	vmul.f32 v6, v7;
	v7 =	vor.u32 $0xD, v2;
	v6 =	vld.idx.msk [tilespmem:v14+s1+$0x0], $0xffff  }
0x22f: {  	v14 =	vadd.s32 $0xD, v1;
	v13 =	vld.idx.msk [tilespmem:v13+s14+$0x0], $0xffff  }
0x230: {  	v3 =	vadd.f32 v4, v3;
	v4 =	vmul.f32 v5, v8;
	v8 =	vor.u32 $0xE, v2;
	v5 =	vld.idx.msk [tilespmem:v15+s1+$0x0], $0xffff  }
0x231: {  	v15 =	vadd.s32 $0xE, v1;
	v11 =	vld.idx.msk [tilespmem:v11+s14+$0x0], $0xffff  }
0x232: {  	v3 =	vadd.f32 v4, v3;
	v4 =	vmul.f32 v9, v10;
	v10 =	vor.u32 $0xF, v2;
	v9 =	vld.idx.msk [tilespmem:v16+s1+$0x0], $0xffff  }
0x233: {  	v16 =	vadd.s32 $0xF, v1;
	v7 =	vld.idx.msk [tilespmem:v7+s14+$0x0], $0xffff  }
0x234: {  	v3 =	vadd.f32 v4, v3;
	v4 =	vmul.f32 v6, v12;
	v12 =	vor.u32 $0x10, v2;
	v6 =	vld.idx.msk [tilespmem:v14+s1+$0x0], $0xffff  }
0x235: {  	v14 =	vadd.s32 $0x10, v1;
	v8 =	vld.idx.msk [tilespmem:v8+s14+$0x0], $0xffff  }
0x236: {  	v3 =	vadd.f32 v4, v3;
	v4 =	vmul.f32 v5, v13;
	v13 =	vor.u32 $0x11, v2;
	v5 =	vld.idx.msk [tilespmem:v15+s1+$0x0], $0xffff  }
0x237: {  	v15 =	vadd.s32 $0x11, v1;
	v10 =	vld.idx.msk [tilespmem:v10+s14+$0x0], $0xffff  }
0x238: {  	v3 =	vadd.f32 v4, v3;
	v4 =	vmul.f32 v9, v11;
	v11 =	vor.u32 $0x12, v2;
	v9 =	vld.idx.msk [tilespmem:v16+s1+$0x0], $0xffff  }
0x239: {  	v16 =	vadd.s32 $0x12, v1;
	v12 =	vld.idx.msk [tilespmem:v12+s14+$0x0], $0xffff  }
0x23a: {  	v3 =	vadd.f32 v4, v3;
	v4 =	vmul.f32 v6, v7;
	v7 =	vor.u32 $0x13, v2;
	v6 =	vld.idx.msk [tilespmem:v14+s1+$0x0], $0xffff  }
0x23b: {  	v14 =	vadd.s32 $0x13, v1;
	v13 =	vld.idx.msk [tilespmem:v13+s14+$0x0], $0xffff  }
0x23c: {  	v3 =	vadd.f32 v4, v3;
	v4 =	vmul.f32 v5, v8;
	v8 =	vor.u32 $0x14, v2;
	v5 =	vld.idx.msk [tilespmem:v15+s1+$0x0], $0xffff  }
0x23d: {  	v15 =	vadd.s32 $0x14, v1;
	v11 =	vld.idx.msk [tilespmem:v11+s14+$0x0], $0xffff  }
0x23e: {  	v3 =	vadd.f32 v4, v3;
	v4 =	vmul.f32 v9, v10;
	v10 =	vor.u32 $0x15, v2;
	v9 =	vld.idx.msk [tilespmem:v16+s1+$0x0], $0xffff  }
0x23f: {  	v16 =	vadd.s32 $0x15, v1;
	v7 =	vld.idx.msk [tilespmem:v7+s14+$0x0], $0xffff  }
0x240: {  	v3 =	vadd.f32 v4, v3;
	v4 =	vmul.f32 v6, v12;
	v12 =	vor.u32 $0x16, v2;
	v6 =	vld.idx.msk [tilespmem:v14+s1+$0x0], $0xffff  }
0x241: {  	v14 =	vadd.s32 $0x16, v1;
	v8 =	vld.idx.msk [tilespmem:v8+s14+$0x0], $0xffff  }
0x242: {  	v3 =	vadd.f32 v4, v3;
	v4 =	vmul.f32 v5, v13;
	v13 =	vor.u32 $0x17, v2;
	v5 =	vld.idx.msk [tilespmem:v15+s1+$0x0], $0xffff  }
0x243: {  	v15 =	vadd.s32 $0x17, v1;
	v10 =	vld.idx.msk [tilespmem:v10+s14+$0x0], $0xffff  }
0x244: {  	v3 =	vadd.f32 v4, v3;
	v4 =	vmul.f32 v9, v11;
	v11 =	vor.u32 $0x18, v2;
	v9 =	vld.idx.msk [tilespmem:v16+s1+$0x0], $0xffff  }
0x245: {  	v16 =	vadd.s32 $0x18, v1;
	v12 =	vld.idx.msk [tilespmem:v12+s14+$0x0], $0xffff  }
0x246: {  	v3 =	vadd.f32 v4, v3;
	v4 =	vmul.f32 v6, v7;
	v7 =	vor.u32 $0x19, v2;
	v6 =	vld.idx.msk [tilespmem:v14+s1+$0x0], $0xffff  }
0x247: {  	v14 =	vadd.s32 $0x19, v1;
	v13 =	vld.idx.msk [tilespmem:v13+s14+$0x0], $0xffff  }
0x248: {  	v3 =	vadd.f32 v4, v3;
	v4 =	vmul.f32 v5, v8;
	v8 =	vor.u32 $0x1A, v2;
	v5 =	vld.idx.msk [tilespmem:v15+s1+$0x0], $0xffff  }
0x249: {  	v15 =	vadd.s32 $0x1A, v1;
	v11 =	vld.idx.msk [tilespmem:v11+s14+$0x0], $0xffff  }
0x24a: {  	v3 =	vadd.f32 v4, v3;
	v4 =	vmul.f32 v9, v10;
	v10 =	vor.u32 $0x1B, v2;
	v9 =	vld.idx.msk [tilespmem:v16+s1+$0x0], $0xffff  }
0x24b: {  	v16 =	vadd.s32 $0x1B, v1;
	v7 =	vld.idx.msk [tilespmem:v7+s14+$0x0], $0xffff  }
0x24c: {  	v3 =	vadd.f32 v4, v3;
	v4 =	vmul.f32 v6, v12;
	v12 =	vor.u32 $0x1C, v2;
	v6 =	vld.idx.msk [tilespmem:v14+s1+$0x0], $0xffff  }
0x24d: {  	v14 =	vadd.s32 $0x1C, v1;
	v8 =	vld.idx.msk [tilespmem:v8+s14+$0x0], $0xffff  }
0x24e: {  	v3 =	vadd.f32 v4, v3;
	v4 =	vmul.f32 v5, v13;
	v13 =	vor.u32 $0x1D, v2;
	v5 =	vld.idx.msk [tilespmem:v15+s1+$0x0], $0xffff  }
0x24f: {  	v15 =	vadd.s32 $0x1D, v1;
	v10 =	vld.idx.msk [tilespmem:v10+s14+$0x0], $0xffff  }
0x250: {  	v3 =	vadd.f32 v4, v3;
	v4 =	vmul.f32 v9, v11;
	v11 =	vor.u32 $0x1E, v2;
	v9 =	vld.idx.msk [tilespmem:v16+s1+$0x0], $0xffff  }
0x251: {  	v16 =	vadd.s32 $0x1E, v1;
	v12 =	vld.idx.msk [tilespmem:v12+s14+$0x0], $0xffff  }
0x252: {  	v2 =	vor.u32 $0x1F, v2;
	v3 =	vadd.f32 v4, v3;
	v4 =	vmul.f32 v6, v7;
	v6 =	vld.idx.msk [tilespmem:v14+s1+$0x0], $0xffff  }
0x253: {  	v1 =	vadd.s32 $0x1F, v1;
	v7 =	vld.idx.msk [tilespmem:v13+s14+$0x0], $0xffff  }
0x254: {  	v3 =	vadd.f32 v4, v3;
	v4 =	vmul.f32 v5, v8;
	v5 =	vld.idx.msk [tilespmem:v15+s1+$0x0], $0xffff  }
0x255: {  	v8 =	vld.idx.msk [tilespmem:v11+s14+$0x0], $0xffff  }
0x256: {  	v3 =	vadd.f32 v4, v3;
	v4 =	vmul.f32 v9, v10;
	v9 =	vld.idx.msk [tilespmem:v16+s1+$0x0], $0xffff  }
0x257: {  	v10 =	vld.idx.msk [tilespmem:v2+s14+$0x0], $0xffff  }
0x258: {  	v2 =	vadd.f32 v4, v3;
	v3 =	vmul.f32 v6, v12;
	v6 =	vld.idx.msk [tilespmem:v1+s1+$0x0], $0xffff;
	_ =	sdelay $0x1  }
.Ltmp6:
0x259: {  	v3 =	vadd.f32 v3, v2;
	v4 =	vmul.f32 v5, v7;
	(pc) =	sbr.rel @p0 .LBB2_6-.Ltmp6, $3  }
0x25a: {  	v2 =	vor.u32 s20, v0  }
0x25b: {  	v1 =	vmul.u32 $0x28, v2;
	v4 =	vadd.f32 v4, v3;
	v5 =	vmul.f32 v9, v8;
	_ =	sdelay $0x1  }
0x25c: {  	s20 =	sadd.s32 $0x10, s20;
	v3 =	vadd.s32 $0x20, v1;
	v4 =	vadd.f32 v5, v4;
	v5 =	vmul.f32 v6, v10  }
0x25d: {  	_ = 	snop  }
0x25e: {  	v2 =	vshll.u32 v2, $0x5;
	v4 =	vadd.f32 v5, v4  }
0x25f: {  	s19 =	sadd.s32 $0x10, s19;
	v6 =	vor.u32 $0x1, v1  }
0x260: {  	v43 =	vor.u32 $0x1, v2;
	[tilespmem:s19+$0x0] =	vst v4  }
0x261: {  	v8 =	vor.u32 $0x2, v1;
	v3 =	vld.idx.msk [tilespmem:v3+s1+$0x0], $0xffff  }
0x262: {  	v44 =	vor.u32 $0x2, v2;
	v9 =	vld.idx.msk [tilespmem:v1+s1+$0x0], $0xffff  }
0x263: {  	v11 =	vor.u32 $0x3, v1;
	v7 =	vld.idx.msk [tilespmem:v2+s14+$0x0], $0xffff  }
0x264: {  	v10 =	vor.u32 $0x3, v2;
	v6 =	vld.idx.msk [tilespmem:v6+s1+$0x0], $0xffff  }
0x265: {  	v13 =	vor.u32 $0x4, v1;
	v5 =	vld.idx.msk [tilespmem:v43+s14+$0x0], $0xffff  }
0x266: {  	v12 =	vor.u32 $0x4, v2;
	v8 =	vld.idx.msk [tilespmem:v8+s1+$0x0], $0xffff  }
0x267: {  	v15 =	vor.u32 $0x5, v1;
	v4 =	vld.idx.msk [tilespmem:v44+s14+$0x0], $0xffff  }
0x268: {  	v14 =	vor.u32 $0x5, v2;
	v45 =	vld.idx.msk [tilespmem:v11+s1+$0x0], $0xffff;
	v7 =	vmul.f32 v9, v7  }
0x269: {  	v16 =	vor.u32 $0x6, v1;
	v10 =	vld.idx.msk [tilespmem:v10+s14+$0x0], $0xffff  }
0x26a: {  	v46 =	vor.u32 $0x6, v2;
	v47 =	vld.idx.msk [tilespmem:v13+s1+$0x0], $0xffff;
	v5 =	vmul.f32 v6, v5;
	v3 =	vadd.f32 v7, v3  }
0x26b: {  	v50 =	vor.u32 $0x7, v1;
	v12 =	vld.idx.msk [tilespmem:v12+s14+$0x0], $0xffff  }
0x26c: {  	v48 =	vor.u32 $0x7, v2;
	v51 =	vld.idx.msk [tilespmem:v15+s1+$0x0], $0xffff;
	v4 =	vmul.f32 v8, v4;
	v3 =	vadd.f32 v5, v3  }
0x26d: {  	v53 =	vadd.s32 $0x8, v1;
	v49 =	vld.idx.msk [tilespmem:v14+s14+$0x0], $0xffff  }
0x26e: {  	v52 =	vor.u32 $0x8, v2;
	v55 =	vld.idx.msk [tilespmem:v16+s1+$0x0], $0xffff;
	v54 =	vmul.f32 v45, v10;
	v3 =	vadd.f32 v4, v3  }
0x26f: {  	v57 =	vadd.s32 $0x9, v1;
	v11 =	vld.idx.msk [tilespmem:v46+s14+$0x0], $0xffff  }
0x270: {  	v56 =	vor.u32 $0x9, v2;
	v59 =	vld.idx.msk [tilespmem:v50+s1+$0x0], $0xffff;
	v58 =	vmul.f32 v47, v12;
	v3 =	vadd.f32 v54, v3  }
0x271: {  	v61 =	vadd.s32 $0xA, v1;
	v7 =	vld.idx.msk [tilespmem:v48+s14+$0x0], $0xffff  }
0x272: {  	v60 =	vor.u32 $0xA, v2;
	v63 =	vld.idx.msk [tilespmem:v53+s1+$0x0], $0xffff;
	v62 =	vmul.f32 v51, v49;
	v3 =	vadd.f32 v58, v3  }
0x273: {  	v21 =	vadd.s32 $0xB, v1;
	v8 =	vld.idx.msk [tilespmem:v52+s14+$0x0], $0xffff  }
0x274: {  	v20 =	vor.u32 $0xB, v2;
	v23 =	vld.idx.msk [tilespmem:v57+s1+$0x0], $0xffff;
	v22 =	vmul.f32 v55, v11;
	v3 =	vadd.f32 v62, v3  }
0x275: {  	v25 =	vadd.s32 $0xC, v1;
	v10 =	vld.idx.msk [tilespmem:v56+s14+$0x0], $0xffff  }
0x276: {  	v24 =	vor.u32 $0xC, v2;
	v27 =	vld.idx.msk [tilespmem:v61+s1+$0x0], $0xffff;
	v26 =	vmul.f32 v59, v7;
	v3 =	vadd.f32 v22, v3  }
0x277: {  	v29 =	vadd.s32 $0xD, v1;
	v12 =	vld.idx.msk [tilespmem:v60+s14+$0x0], $0xffff  }
0x278: {  	v28 =	vor.u32 $0xD, v2;
	v31 =	vld.idx.msk [tilespmem:v21+s1+$0x0], $0xffff;
	v30 =	vmul.f32 v63, v8;
	v3 =	vadd.f32 v26, v3  }
0x279: {  	v33 =	vadd.s32 $0xE, v1;
	v13 =	vld.idx.msk [tilespmem:v20+s14+$0x0], $0xffff  }
0x27a: {  	v32 =	vor.u32 $0xE, v2;
	v35 =	vld.idx.msk [tilespmem:v25+s1+$0x0], $0xffff;
	v34 =	vmul.f32 v23, v10;
	v3 =	vadd.f32 v30, v3  }
0x27b: {  	v37 =	vadd.s32 $0xF, v1;
	v11 =	vld.idx.msk [tilespmem:v24+s14+$0x0], $0xffff  }
0x27c: {  	v36 =	vor.u32 $0xF, v2;
	v39 =	vld.idx.msk [tilespmem:v29+s1+$0x0], $0xffff;
	v38 =	vmul.f32 v27, v12;
	v3 =	vadd.f32 v34, v3  }
0x27d: {  	v41 =	vadd.s32 $0x10, v1;
	v7 =	vld.idx.msk [tilespmem:v28+s14+$0x0], $0xffff  }
0x27e: {  	v40 =	vor.u32 $0x10, v2;
	v43 =	vld.idx.msk [tilespmem:v33+s1+$0x0], $0xffff;
	v42 =	vmul.f32 v31, v13;
	v3 =	vadd.f32 v38, v3  }
0x27f: {  	v44 =	vor.u32 $0x11, v2;
	v8 =	vld.idx.msk [tilespmem:v32+s14+$0x0], $0xffff  }
0x280: {  	v45 =	vadd.s32 $0x11, v1;
	v47 =	vld.idx.msk [tilespmem:v37+s1+$0x0], $0xffff;
	v46 =	vmul.f32 v35, v11;
	v3 =	vadd.f32 v42, v3  }
0x281: {  	v48 =	vor.u32 $0x12, v2;
	v10 =	vld.idx.msk [tilespmem:v36+s14+$0x0], $0xffff  }
0x282: {  	v49 =	vadd.s32 $0x12, v1;
	v51 =	vld.idx.msk [tilespmem:v41+s1+$0x0], $0xffff;
	v50 =	vmul.f32 v39, v7;
	v3 =	vadd.f32 v46, v3  }
0x283: {  	v53 =	vadd.s32 $0x13, v1;
	v12 =	vld.idx.msk [tilespmem:v40+s14+$0x0], $0xffff  }
0x284: {  	v52 =	vor.u32 $0x13, v2;
	v13 =	vld.idx.msk [tilespmem:v44+s14+$0x0], $0xffff;
	v54 =	vmul.f32 v43, v8;
	v3 =	vadd.f32 v50, v3  }
0x285: {  	v56 =	vor.u32 $0x14, v2;
	v55 =	vld.idx.msk [tilespmem:v45+s1+$0x0], $0xffff  }
0x286: {  	v57 =	vadd.s32 $0x14, v1;
	v11 =	vld.idx.msk [tilespmem:v48+s14+$0x0], $0xffff;
	v58 =	vmul.f32 v47, v10;
	v3 =	vadd.f32 v54, v3  }
0x287: {  	v60 =	vor.u32 $0x15, v2;
	v59 =	vld.idx.msk [tilespmem:v49+s1+$0x0], $0xffff  }
0x288: {  	v61 =	vadd.s32 $0x15, v1;
	v63 =	vld.idx.msk [tilespmem:v53+s1+$0x0], $0xffff;
	v62 =	vmul.f32 v51, v12;
	v3 =	vadd.f32 v58, v3  }
0x289: {  	v19 =	vor.u32 $0x16, v2;
	v7 =	vld.idx.msk [tilespmem:v52+s14+$0x0], $0xffff  }
0x28a: {  	v20 =	vadd.s32 $0x16, v1;
	v8 =	vld.idx.msk [tilespmem:v56+s14+$0x0], $0xffff;
	v21 =	vmul.f32 v55, v13;
	v3 =	vadd.f32 v62, v3  }
0x28b: {  	v23 =	vor.u32 $0x17, v2;
	v22 =	vld.idx.msk [tilespmem:v57+s1+$0x0], $0xffff  }
0x28c: {  	v24 =	vadd.s32 $0x17, v1;
	v10 =	vld.idx.msk [tilespmem:v60+s14+$0x0], $0xffff;
	v25 =	vmul.f32 v59, v11;
	v3 =	vadd.f32 v21, v3  }
0x28d: {  	v27 =	vor.u32 $0x18, v2;
	v26 =	vld.idx.msk [tilespmem:v61+s1+$0x0], $0xffff  }
0x28e: {  	v28 =	vadd.s32 $0x18, v1;
	v12 =	vld.idx.msk [tilespmem:v19+s14+$0x0], $0xffff;
	v29 =	vmul.f32 v63, v7;
	v3 =	vadd.f32 v25, v3  }
0x28f: {  	v31 =	vor.u32 $0x19, v2;
	v30 =	vld.idx.msk [tilespmem:v20+s1+$0x0], $0xffff  }
0x290: {  	v32 =	vadd.s32 $0x19, v1;
	v13 =	vld.idx.msk [tilespmem:v23+s14+$0x0], $0xffff;
	v33 =	vmul.f32 v22, v8;
	v3 =	vadd.f32 v29, v3  }
0x291: {  	v35 =	vor.u32 $0x1A, v2;
	v34 =	vld.idx.msk [tilespmem:v24+s1+$0x0], $0xffff  }
0x292: {  	v36 =	vadd.s32 $0x1A, v1;
	v11 =	vld.idx.msk [tilespmem:v27+s14+$0x0], $0xffff;
	v37 =	vmul.f32 v26, v10;
	v3 =	vadd.f32 v33, v3  }
0x293: {  	v39 =	vor.u32 $0x1B, v2;
	v38 =	vld.idx.msk [tilespmem:v28+s1+$0x0], $0xffff  }
0x294: {  	v40 =	vadd.s32 $0x1B, v1;
	v7 =	vld.idx.msk [tilespmem:v31+s14+$0x0], $0xffff;
	v41 =	vmul.f32 v30, v12;
	v3 =	vadd.f32 v37, v3  }
0x295: {  	v43 =	vor.u32 $0x1C, v2;
	v42 =	vld.idx.msk [tilespmem:v32+s1+$0x0], $0xffff  }
0x296: {  	v44 =	vadd.s32 $0x1C, v1;
	v8 =	vld.idx.msk [tilespmem:v35+s14+$0x0], $0xffff;
	v45 =	vmul.f32 v34, v13;
	v3 =	vadd.f32 v41, v3  }
0x297: {  	v48 =	vadd.s32 $0x1D, v1;
	v46 =	vld.idx.msk [tilespmem:v36+s1+$0x0], $0xffff  }
0x298: {  	v47 =	vor.u32 $0x1D, v2;
	v10 =	vld.idx.msk [tilespmem:v39+s14+$0x0], $0xffff;
	v49 =	vmul.f32 v38, v11;
	v3 =	vadd.f32 v45, v3  }
0x299: {  	v52 =	vadd.s32 $0x1E, v1;
	v50 =	vld.idx.msk [tilespmem:v40+s1+$0x0], $0xffff  }
0x29a: {  	v51 =	vor.u32 $0x1E, v2;
	v12 =	vld.idx.msk [tilespmem:v43+s14+$0x0], $0xffff;
	v53 =	vmul.f32 v42, v7;
	v3 =	vadd.f32 v49, v3  }
0x29b: {  	v2 =	vor.u32 $0x1F, v2;
	v54 =	vld.idx.msk [tilespmem:v44+s1+$0x0], $0xffff  }
0x29c: {  	v1 =	vadd.s32 $0x1F, v1;
	v57 =	vld.idx.msk [tilespmem:v48+s1+$0x0], $0xffff;
	v56 =	vmul.f32 v46, v8;
	v3 =	vadd.f32 v53, v3  }
0x29d: {  	v55 =	vld.idx.msk [tilespmem:v47+s14+$0x0], $0xffff  }
0x29e: {  	v60 =	vld.idx.msk [tilespmem:v52+s1+$0x0], $0xffff;
	v59 =	vmul.f32 v50, v10;
	v3 =	vadd.f32 v56, v3  }
0x29f: {  	v58 =	vld.idx.msk [tilespmem:v51+s14+$0x0], $0xffff  }
0x2a0: {  	v2 =	vld.idx.msk [tilespmem:v2+s14+$0x0], $0xffff;
	v61 =	vmul.f32 v54, v12;
	v3 =	vadd.f32 v59, v3  }
0x2a1: {  	v1 =	vld.idx.msk [tilespmem:v1+s1+$0x0], $0xffff  }
0x2a2: {  	v62 =	vmul.f32 v57, v55;
	v3 =	vadd.f32 v61, v3;
	_ =	sdelay $0x1  }
0x2a3: {  	v63 =	vmul.f32 v60, v58;
	v3 =	vadd.f32 v62, v3;
	_ =	sdelay $0x1  }
0x2a4: {  	v1 =	vmul.f32 v1, v2;
	v3 =	vadd.f32 v63, v3;
	_ =	sdelay $0x1  }
0x2a5: {  	v1 =	vadd.f32 v1, v3  }
0x2a6: {  	s18 =	sshll.u32 s18, $0x6;
	s19 =	sadd.s32 $0x10, s19  }
.Ltmp7:
0x2a7: {  	s18 =	sadd.s32 s2, s18;
	[tilespmem:s19+$0x0] =	vst v1;
	(pc) =	sbr.rel .LBB2_8-.Ltmp7, $4  }
0x2a8: {  	[hbm4b:s18+s3] =	stream.linear.scatter [tilespmem:s30], [sflag:$0x3], $0x200, $0x38;
	[tilespmem:$0x12E00] =	vst v63  }
0x2a9: {  	_ =	swait.ge [sflag:s12], $0x200  }
0x2aa: {  	[sflag:s12] =	ssyncset.done $0x0  }
0x2ab: {  	[sflag:s12] =	ssyncadd.s32 $0xFFFFFE00  }
.LBB2_10:
0x2ac: {  	_ =	sfence.sel $0x180000  }
0x2ad: {  	[bflag:$0x0] =	sbarrier.arrive $0xFFFF  }
0x2ae: {  	_ =	strace $0x9000004A  }
0x2af: {  	s0 =	stileid.u32;
	[bflag:$0x2] =	sbarrier.arrive $0xFFFF  }
0x2b0: {  	p0 =	sne.s32 s0, $0x0;
	s0 =	rddreg [dreg:$0x2]  }
0x2b1: {  	s0 =	sadd.s32 @!p0 $0x100000, s0  }
0x2b2: {  	[sflag:s0] =	ssyncadd.tile.s32 @!p0 $0x1;
	_ =	shalt  }
.Lfunc_end2:
_tile_overlayer_lowered:
.L_overlay_start_2:
0x2b3: {  	(tag) =	ssettag $0x2  }
0x2b4: {  	s0 =	rddreg [dreg:$0x0];
	s2 =	stileid.u32  }
0x2b5: {  	s1 =	rddreg [dreg:$0x1];
	p0 =	sne.s32 s2, $0x0  }
0x2b6: {  	s3 =	rddreg [dreg:$0x2];
	[bflag:$0x3] =	sbarrier.arrive $0xFFFF;
	s2 =	simm.s32 @!p0 $0x1C03  }
0x2b7: {  	[timem:s3], [sflag:s2] =	dma.local @!p0 [hbm:s0], s1  }
0x2b8: {  	s0 =	simm.s32 @!p0 $0x3  }
0x2b9: {  	_ =	swait.ge @!p0 [sflag:s0], s1  }
0x2ba: {  	s1 =	ssub.s32 @!p0 $0x0, s1;
	[sflag:s0] =	ssyncset.done @!p0 $0x0  }
0x2bb: {  	[sflag:s0] =	ssyncadd.s32 @!p0 s1  }
0x2bc: {  	[bflag:$0x3] =	sbarrier.arrive $0xFFFF  }
0x2bd: {  	_ =	shalt  }

</sc_bundles>
